<compile_context>
chip_gen: v7x
topology: tpu7x:2x2x1
jax: 0.10.2.dev20260603
libtpu: 0.0.44.dev20260713+nightly
codegen_flags: <defaults>
</compile_context>

<pallas_src>
import functools

import jax
import jax.numpy as jnp
from jax import lax
from jax.experimental import pallas as pl
from jax.experimental.pallas import tpu as pltpu
from jax.experimental.pallas import tpu_sc as plsc

N = 10000
E = 320000
D = 128
HID = 256
LH = 4
L = 4
EPS = 1e-5
SLOPE = 0.2

NC = 2
NS = 16
NW = NC * NS
CHUNK = 128
CHUNKS = 80
EP = NW * CHUNKS * CHUNK
NPAD = 10112
RPT = NPAD // NS

_mesh = plsc.VectorSubcoreMesh(
    core_axis_name="c", subcore_axis_name="s", num_cores=NC, num_subcores=NS
)


def _worker(c, s):
    return c * NS + s


def _sc_degree_body(dst_hbm, ones_hbm, zeros_hbm, out_hbm, deg_sh, dst_v, ones_v, sem):
    c = lax.axis_index("c")
    s = lax.axis_index("s")
    w = _worker(c, s)
    pltpu.async_copy(dst_hbm.at[pl.ds(w * CHUNKS, CHUNKS)], dst_v, sem).wait()
    pltpu.async_copy(ones_hbm, ones_v, sem).wait()
    pltpu.sync_copy(zeros_hbm.at[pl.ds(s * RPT, RPT)], deg_sh.at[pl.ds(s * RPT, RPT)])
    plsc.subcore_barrier()

    def body(j, carry):
        pltpu.sync_copy(ones_v, deg_sh.at[dst_v.at[j]], add=True)
        return carry

    lax.fori_loop(0, CHUNKS, body, 0)
    plsc.subcore_barrier()
    pltpu.sync_copy(deg_sh.at[pl.ds(s * RPT, RPT)], out_hbm.at[c, pl.ds(s * RPT, RPT)])


_sc_degree = pl.kernel(
    _sc_degree_body,
    out_type=jax.ShapeDtypeStruct((NC, NPAD, 16), jnp.float32),
    mesh=_mesh,
    scratch_types=[
        pltpu.VMEM_SHARED((NPAD, 16), jnp.float32),
        pltpu.VMEM((CHUNKS, CHUNK), jnp.int32),
        pltpu.VMEM((CHUNK, 16), jnp.float32),
        pltpu.SemaphoreType.DMA,
    ],
)


PH = CHUNKS // 2


def _sc_spmm_body(b_hbm, src_hbm, dst_hbm, zeros_hbm, out_hbm,
                  agg_sh, src_v, dst_v, rows_v, sem0, sem1):
    c = lax.axis_index("c")
    s = lax.axis_index("s")
    w = _worker(c, s)
    pltpu.sync_copy(zeros_hbm.at[pl.ds(s * RPT, RPT)], agg_sh.at[pl.ds(s * RPT, RPT)])
    plsc.subcore_barrier()

    for ph in range(CHUNKS // PH):
        base = w * CHUNKS + ph * PH
        pltpu.async_copy(src_hbm.at[pl.ds(base, PH)], src_v, sem0).wait()
        pltpu.async_copy(dst_hbm.at[pl.ds(base, PH)], dst_v, sem1).wait()

        pltpu.async_copy(b_hbm.at[src_v.at[0]], rows_v.at[0], sem0)
        pltpu.async_copy(b_hbm.at[src_v.at[1]], rows_v.at[1], sem1)

        def body(it, carry):
            j0 = it * 2
            j1 = j0 + 1
            pltpu.make_async_copy(b_hbm.at[src_v.at[j0]], rows_v.at[0], sem0).wait()
            pltpu.sync_copy(rows_v.at[0], agg_sh.at[dst_v.at[j0]], add=True)
            pltpu.async_copy(b_hbm.at[src_v.at[j0 + 2]], rows_v.at[0], sem0)
            pltpu.make_async_copy(b_hbm.at[src_v.at[j1]], rows_v.at[1], sem1).wait()
            pltpu.sync_copy(rows_v.at[1], agg_sh.at[dst_v.at[j1]], add=True)
            pltpu.async_copy(b_hbm.at[src_v.at[j1 + 2]], rows_v.at[1], sem1)
            return carry

        lax.fori_loop(0, PH // 2 - 1, body, 0)
        jl = PH - 2
        pltpu.make_async_copy(b_hbm.at[src_v.at[jl]], rows_v.at[0], sem0).wait()
        pltpu.sync_copy(rows_v.at[0], agg_sh.at[dst_v.at[jl]], add=True)
        pltpu.make_async_copy(b_hbm.at[src_v.at[jl + 1]], rows_v.at[1], sem1).wait()
        pltpu.sync_copy(rows_v.at[1], agg_sh.at[dst_v.at[jl + 1]], add=True)

    plsc.subcore_barrier()
    pltpu.sync_copy(agg_sh.at[pl.ds(s * RPT, RPT)], out_hbm.at[c, pl.ds(s * RPT, RPT)])


_sc_spmm = pl.kernel(
    _sc_spmm_body,
    out_type=jax.ShapeDtypeStruct((NC, NPAD, D), jnp.float32),
    mesh=_mesh,
    scratch_types=[
        pltpu.VMEM_SHARED((NPAD, D), jnp.float32),
        pltpu.VMEM((PH, CHUNK), jnp.int32),
        pltpu.VMEM((PH, CHUNK), jnp.int32),
        pltpu.VMEM((2, CHUNK, D), jnp.float32),
        pltpu.SemaphoreType.DMA,
        pltpu.SemaphoreType.DMA,
    ],
)


def _bn(t, g, b):
    mu = jnp.mean(t, axis=0, keepdims=True)
    var = jnp.mean((t - mu) * (t - mu), axis=0, keepdims=True)
    return (t - mu) * lax.rsqrt(var + EPS) * g + b


def _learner(inp, wl1, bl1, wl2, bl2):
    z = jnp.dot(inp, wl1, preferred_element_type=jnp.float32) + bl1
    z = jnp.where(z >= 0.0, z, SLOPE * z)
    u = jnp.dot(z, wl2, preferred_element_type=jnp.float32) + bl2
    return 1.0 / (1.0 + jnp.exp(-u))


def _tc_start_body(x, w0, b0, g0, bt0, w1, b1, wl1, bl1, wl2, bl2, wg0, degp,
                   h_out, dinv_out, invd_out, b_out, hself_out):
    t = jnp.dot(x[...], w0[...], preferred_element_type=jnp.float32) + b0[...]
    t = jnp.maximum(_bn(t, g0[...], bt0[...]), 0.0)
    h = jnp.dot(t, w1[...], preferred_element_type=jnp.float32) + b1[...]
    nw = _learner(h, wl1[...], bl1[...], wl2[...], bl2[...])
    h = h * nw
    h_out[...] = h
    deg = degp[0, :N, 0:1] + degp[1, :N, 0:1] + 1.0
    dinv = lax.rsqrt(deg)
    invd = 1.0 / deg
    dinv_out[...] = dinv
    invd_out[...] = invd
    hw = jnp.dot(h, wg0[...], preferred_element_type=jnp.float32)
    b_out[...] = hw * dinv
    hself_out[...] = hw * invd


_TC_PARAMS = pltpu.CompilerParams(vmem_limit_bytes=100 * 1024 * 1024)

_tc_start = pl.pallas_call(
    _tc_start_body,
    compiler_params=_TC_PARAMS,
    out_shape=[
        jax.ShapeDtypeStruct((N, D), jnp.float32),
        jax.ShapeDtypeStruct((N, 1), jnp.float32),
        jax.ShapeDtypeStruct((N, 1), jnp.float32),
        jax.ShapeDtypeStruct((N, D), jnp.float32),
        jax.ShapeDtypeStruct((N, D), jnp.float32),
    ],
)


def _tc_mid_body(aggp, hself, dinv, invd, fused, bg, g, bt, wl1, bl1, wl2, bl2,
                 wg_next, fused_out, b_out, hself_out):
    dv = dinv[...]
    agg = (aggp[0, :N, :] + aggp[1, :N, :]) * dv + hself[...] + bg[...]
    h = jnp.maximum(_bn(agg, g[...], bt[...]), 0.0)
    f = fused[...]
    nw = _learner(h + f, wl1[...], bl1[...], wl2[...], bl2[...])
    h = h * nw
    f = f + h
    fused_out[...] = f
    hw = jnp.dot(h, wg_next[...], preferred_element_type=jnp.float32)
    b_out[...] = hw * dv
    hself_out[...] = hw * invd[...]


_tc_mid = pl.pallas_call(
    _tc_mid_body,
    compiler_params=_TC_PARAMS,
    out_shape=[
        jax.ShapeDtypeStruct((N, D), jnp.float32),
        jax.ShapeDtypeStruct((N, D), jnp.float32),
        jax.ShapeDtypeStruct((N, D), jnp.float32),
    ],
)


def _tc_final_body(aggp, hself, dinv, fused, bg, g, bt, wl1, bl1, wl2, bl2,
                   wo0, bo0, wo1, bo1, o_out):
    agg = (aggp[0, :N, :] + aggp[1, :N, :]) * dinv[...] + hself[...] + bg[...]
    h = jnp.maximum(_bn(agg, g[...], bt[...]), 0.0)
    f = fused[...]
    nw = _learner(h + f, wl1[...], bl1[...], wl2[...], bl2[...])
    f = f + h * nw
    t = jnp.dot(f, wo0[...], preferred_element_type=jnp.float32) + bo0[...]
    t = jnp.maximum(t, 0.0)
    o_out[...] = jnp.dot(t, wo1[...], preferred_element_type=jnp.float32) + bo1[...]


_tc_final = pl.pallas_call(
    _tc_final_body,
    compiler_params=_TC_PARAMS,
    out_shape=jax.ShapeDtypeStruct((N, D), jnp.float32),
)


def kernel(x, adj, im_W0, im_b0, im_g0, im_bt0, im_W1, im_b1, Wg, bg, gng, gnb,
           Wl1, bl1, Wl2, bl2, Wo0, bo0, Wo1, bo1):
    src = adj[0]
    dst = adj[1]
    pad = EP - E
    srcp = jnp.concatenate([src, jnp.zeros((pad,), jnp.int32)]).reshape(NW * CHUNKS, CHUNK)
    dstp = jnp.concatenate(
        [dst, N + (jnp.arange(pad, dtype=jnp.int32) % 16)]
    ).reshape(NW * CHUNKS, CHUNK)

    ones16 = jnp.ones((CHUNK, 16), jnp.float32)
    zeros_deg = jnp.zeros((NPAD, 16), jnp.float32)
    zeros_feat = jnp.zeros((NPAD, D), jnp.float32)

    degp = _sc_degree(dstp, ones16, zeros_deg)

    r2 = lambda v: v.reshape(1, -1)
    h, dinv, invd, b, hself = _tc_start(
        x, im_W0, r2(im_b0), r2(im_g0), r2(im_bt0), im_W1, r2(im_b1),
        Wl1[0], r2(bl1[0]), Wl2[0], r2(bl2[0]), Wg[0], degp)

    fused = h
    for i in range(L):
        aggp = _sc_spmm(b, srcp, dstp, zeros_feat)
        if i < L - 1:
            fused, b, hself = _tc_mid(
                aggp, hself, dinv, invd, fused, r2(bg[i]), r2(gng[i]), r2(gnb[i]),
                Wl1[i + 1], r2(bl1[i + 1]), Wl2[i + 1], r2(bl2[i + 1]), Wg[i + 1])
        else:
            o = _tc_final(
                aggp, hself, dinv, fused, r2(bg[i]), r2(gng[i]), r2(gnb[i]),
                Wl1[i + 1], r2(bl1[i + 1]), Wl2[i + 1], r2(bl2[i + 1]),
                Wo0, r2(bo0), Wo1, r2(bo1))
    return o

# --- scband reference (transcript-rebuilt; emitter-appended) ---
"""Pipeline reference for scband-no-saf-32280974197073 (READ-ONLY COPY).

The authoritative reference and input builder live on the scoring server;
editing this copy changes nothing except your own understanding.
"""

import jax, jax.numpy as jnp
import numpy as np

N = 10000
E = 320000
D = 128
HID = 256
LH = 4
L = 4
EPS = 1e-5
SLOPE = 0.2


def batchnorm(h, g, b):
    mu = jnp.mean(h, axis=0, keepdims=True)
    var = jnp.var(h, axis=0, keepdims=True)
    return (h - mu) / jnp.sqrt(var + EPS) * g + b


def setup_inputs(seed: int = 0):
    key = jax.random.key(seed)
    ks = jax.random.split(key, 24)
    s = 0.1
    inp = {}
    inp['x'] = jax.random.normal(ks[0], (N, D), dtype=jnp.float32)
    inp['adj'] = jax.random.randint(ks[1], (2, E), 0, N, dtype=jnp.int32)
    # input_map (numlayer=2, batchnorm after first layer)
    inp['im_W0'] = s * jax.random.normal(ks[2], (D, HID), dtype=jnp.float32)
    inp['im_b0'] = jnp.zeros((HID,), dtype=jnp.float32)
    inp['im_g0'] = jnp.ones((HID,), dtype=jnp.float32)
    inp['im_bt0'] = jnp.zeros((HID,), dtype=jnp.float32)
    inp['im_W1'] = s * jax.random.normal(ks[3], (HID, D), dtype=jnp.float32)
    inp['im_b1'] = jnp.zeros((D,), dtype=jnp.float32)
    # GCN backbone (L layers)
    inp['Wg'] = s * jax.random.normal(ks[4], (L, D, D), dtype=jnp.float32)
    inp['bg'] = jnp.zeros((L, D), dtype=jnp.float32)
    inp['gng'] = jnp.ones((L, D), dtype=jnp.float32)
    inp['gnb'] = jnp.zeros((L, D), dtype=jnp.float32)
    # node weight learners (L+1)
    inp['Wl1'] = s * jax.random.normal(ks[5], (L + 1, D, LH), dtype=jnp.float32)
    inp['bl1'] = jnp.zeros((L + 1, LH), dtype=jnp.float32)
    inp['Wl2'] = s * jax.random.normal(ks[6], (L + 1, LH, 1), dtype=jnp.float32)
    inp['bl2'] = jnp.zeros((L + 1, 1), dtype=jnp.float32)
    # output_map (numlayer=2, norm='none')
    inp['Wo0'] = s * jax.random.normal(ks[7], (D, HID), dtype=jnp.float32)
    inp['bo0'] = jnp.zeros((HID,), dtype=jnp.float32)
    inp['Wo1'] = s * jax.random.normal(ks[8], (HID, D), dtype=jnp.float32)
    inp['bo1'] = jnp.zeros((D,), dtype=jnp.float32)
    return inp


def reference(x, adj, im_W0, im_b0, im_g0, im_bt0, im_W1, im_b1, Wg, bg, gng, gnb, Wl1, bl1, Wl2, bl2, Wo0, bo0, Wo1, bo1):
    src = adj[0]
    dst = adj[1]
    loop = jnp.arange(N, dtype=src.dtype)
    src2 = jnp.concatenate([src, loop])
    dst2 = jnp.concatenate([dst, loop])
    deg = jax.ops.segment_sum(jnp.ones((E + N,), dtype=jnp.float32), dst2, num_segments=N)
    dinv = jnp.where(deg > 0, jax.lax.rsqrt(jnp.maximum(deg, 1e-12)), 0.0)
    coef = (dinv[src2] * dinv[dst2])[:, None]

    def learner(h, fused, i):
        inp_ = h if fused is None else h + fused
        z = inp_ @ Wl1[i] + bl1[i]
        z = jnp.where(z >= 0, z, SLOPE * z)
        return jax.nn.sigmoid(z @ Wl2[i] + bl2[i])

    # input map
    h = x @ im_W0 + im_b0
    h = batchnorm(h, im_g0, im_bt0)
    h = jax.nn.relu(h)
    h = h @ im_W1 + im_b1
    # initial node weighting
    nw = learner(h, None, 0)
    h = h * nw
    fused = h
    for i in range(L):
        # GCNConv with self loops + symmetric normalization
        hw = h @ Wg[i]
        agg = jax.ops.segment_sum(hw[src2] * coef, dst2, num_segments=N) + bg[i]
        agg = batchnorm(agg, gng[i], gnb[i])
        h = jax.nn.relu(agg)
        nw = learner(h, fused, i + 1)
        h = h * nw
        fused = fused + h
        # dropout inactive in eval mode
    # output map (norm='none')
    o = fused @ Wo0 + bo0
    o = jax.nn.relu(o)
    o = o @ Wo1 + bo1
    return o

if __name__ == "__main__":
    import jax
    _d = setup_inputs()
    print(jax.jit(kernel)(*tuple(_d.values())))

</pallas_src>

<mosaic_0001>
#map = affine_map<(d0, d1) -> (0, 0)>
#map1 = affine_map<(d0, d1) -> (0, 0, 0)>
module attributes {stable_mosaic.version = 14 : i64} {
  func.func @_sc_spmm_body(%arg0: i32, %arg1: i32, %arg2: memref<10000x128xf32, #tpu.memory_space<hbm>>, %arg3: memref<2560x128xi32, #tpu.memory_space<hbm>>, %arg4: memref<2560x128xi32, #tpu.memory_space<hbm>>, %arg5: memref<10112x128xf32, #tpu.memory_space<hbm>>, %arg6: memref<2x10112x128xf32, #tpu.memory_space<hbm>>, %arg7: memref<10112x128xf32, #tpu.memory_space<vmem_shared>>, %arg8: memref<40x128xi32, #tpu.memory_space<vmem>>, %arg9: memref<40x128xi32, #tpu.memory_space<vmem>>, %arg10: memref<2x128x128xf32, #tpu.memory_space<vmem>>, %arg11: memref<!tpu.dma_semaphore, #tpu.memory_space<semaphore_mem>>, %arg12: memref<!tpu.dma_semaphore, #tpu.memory_space<semaphore_mem>>) attributes {dimension_semantics = [#tpu.dimension_semantics<core_parallel>, #tpu.dimension_semantics<subcore_parallel>], iteration_bounds = array<i64: 2, 16>, scalar_prefetch = 0 : i64, scratch_operands = 6 : i64, tpu.core_type = #tpu.core_type<sc_vector_subcore>, window_params = [{transform_indices = #map}, {transform_indices = #map}, {transform_indices = #map}, {transform_indices = #map}, {transform_indices = #map1}]} {
    %mul3A = arith.constant 16 : i32
    %mul3A_0 = arith.muli %arg0, %mul3A : i32
    %add3A = arith.addi %mul3A_0, %arg1 : i32
    %mul3A_1 = arith.constant 632 : i32
    %mul3A_2 = arith.muli %arg1, %mul3A_1 : i32
    %mul3A_3 = arith.constant 632 : i32
    %mul3A_4 = arith.muli %arg1, %mul3A_3 : i32
    "tpu.region"() ({
      %run_scoped3A_162 = tpu.sem_alloc : memref<!tpu.dma_semaphore, #tpu.memory_space<semaphore_mem>>
      %dma_start3A_163 = arith.constant 0 : i32
      %dma_start3A_164 = tpu.memref_slice %arg7[%mul3A_4, %dma_start3A_163] : memref<10112x128xf32, #tpu.memory_space<vmem_shared>> -> memref<632x128xf32, #tpu.memory_space<vmem_shared>>
      %dma_start3A_165 = arith.constant 0 : i32
      %dma_start3A_166 = tpu.memref_slice %arg5[%mul3A_2, %dma_start3A_165] : memref<10112x128xf32, #tpu.memory_space<hbm>> -> memref<632x128xf32, #tpu.memory_space<hbm>>
      tpu.enqueue_dma source(%dma_start3A_166 : memref<632x128xf32, #tpu.memory_space<hbm>>) target(%dma_start3A_164 : memref<632x128xf32, #tpu.memory_space<vmem_shared>>) target_semaphore(%run_scoped3A_162 : memref<!tpu.dma_semaphore, #tpu.memory_space<semaphore_mem>>)
      %dma_wait3A_167 = arith.constant 0 : i32
      %dma_wait3A_168 = tpu.memref_slice %arg7[%mul3A_4, %dma_wait3A_167] : memref<10112x128xf32, #tpu.memory_space<vmem_shared>> -> memref<632x128xf32, #tpu.memory_space<vmem_shared>>
      %dma_wait3A_169 = arith.constant 0 : i32
      %dma_wait3A_170 = tpu.memref_slice %arg5[%mul3A_2, %dma_wait3A_169] : memref<10112x128xf32, #tpu.memory_space<hbm>> -> memref<632x128xf32, #tpu.memory_space<hbm>>
      tpu.wait_dma2 semaphore(%run_scoped3A_162 : memref<!tpu.dma_semaphore, #tpu.memory_space<semaphore_mem>>) src(%dma_wait3A_170 : memref<632x128xf32, #tpu.memory_space<hbm>>) dst(%dma_wait3A_168 : memref<632x128xf32, #tpu.memory_space<vmem_shared>>)
      tpu.yield
    }) : () -> ()
    %barrier3A = arith.constant 0 : index
    tpu.barrier barrier_id(%barrier3A)
    %mul3A_5 = arith.constant 80 : i32
    %mul3A_6 = arith.muli %add3A, %mul3A_5 : i32
    %add3A_7 = arith.constant 0 : i32
    %add3A_8 = arith.addi %mul3A_6, %add3A_7 : i32
    %dma_start3A = arith.constant 0 : i32
    %dma_start3A_9 = tpu.memref_slice %arg3[%add3A_8, %dma_start3A] : memref<2560x128xi32, #tpu.memory_space<hbm>> -> memref<40x128xi32, #tpu.memory_space<hbm>>
    %dma_start3A_10 = arith.constant 0 : i32
    %dma_start3A_11 = tpu.memref_slice %arg3[%add3A_8, %dma_start3A_10] : memref<2560x128xi32, #tpu.memory_space<hbm>> -> memref<40x128xi32, #tpu.memory_space<hbm>>
    tpu.enqueue_dma source(%dma_start3A_11 : memref<40x128xi32, #tpu.memory_space<hbm>>) target(%arg8 : memref<40x128xi32, #tpu.memory_space<vmem>>) target_semaphore(%arg11 : memref<!tpu.dma_semaphore, #tpu.memory_space<semaphore_mem>>)
    %dma_wait3A = arith.constant 0 : i32
    %dma_wait3A_12 = tpu.memref_slice %arg3[%add3A_8, %dma_wait3A] : memref<2560x128xi32, #tpu.memory_space<hbm>> -> memref<40x128xi32, #tpu.memory_space<hbm>>
    %dma_wait3A_13 = arith.constant 0 : i32
    %dma_wait3A_14 = tpu.memref_slice %arg3[%add3A_8, %dma_wait3A_13] : memref<2560x128xi32, #tpu.memory_space<hbm>> -> memref<40x128xi32, #tpu.memory_space<hbm>>
    tpu.wait_dma2 semaphore(%arg11 : memref<!tpu.dma_semaphore, #tpu.memory_space<semaphore_mem>>) src(%dma_wait3A_14 : memref<40x128xi32, #tpu.memory_space<hbm>>) dst(%arg8 : memref<40x128xi32, #tpu.memory_space<vmem>>)
    %dma_start3A_15 = arith.constant 0 : i32
    %dma_start3A_16 = tpu.memref_slice %arg4[%add3A_8, %dma_start3A_15] : memref<2560x128xi32, #tpu.memory_space<hbm>> -> memref<40x128xi32, #tpu.memory_space<hbm>>
    %dma_start3A_17 = arith.constant 0 : i32
    %dma_start3A_18 = tpu.memref_slice %arg4[%add3A_8, %dma_start3A_17] : memref<2560x128xi32, #tpu.memory_space<hbm>> -> memref<40x128xi32, #tpu.memory_space<hbm>>
    tpu.enqueue_dma source(%dma_start3A_18 : memref<40x128xi32, #tpu.memory_space<hbm>>) target(%arg9 : memref<40x128xi32, #tpu.memory_space<vmem>>) target_semaphore(%arg12 : memref<!tpu.dma_semaphore, #tpu.memory_space<semaphore_mem>>)
    %dma_wait3A_19 = arith.constant 0 : i32
    %dma_wait3A_20 = tpu.memref_slice %arg4[%add3A_8, %dma_wait3A_19] : memref<2560x128xi32, #tpu.memory_space<hbm>> -> memref<40x128xi32, #tpu.memory_space<hbm>>
    %dma_wait3A_21 = arith.constant 0 : i32
    %dma_wait3A_22 = tpu.memref_slice %arg4[%add3A_8, %dma_wait3A_21] : memref<2560x128xi32, #tpu.memory_space<hbm>> -> memref<40x128xi32, #tpu.memory_space<hbm>>
    tpu.wait_dma2 semaphore(%arg12 : memref<!tpu.dma_semaphore, #tpu.memory_space<semaphore_mem>>) src(%dma_wait3A_22 : memref<40x128xi32, #tpu.memory_space<hbm>>) dst(%arg9 : memref<40x128xi32, #tpu.memory_space<vmem>>)
    %dma_start3A_23 = arith.constant 0 : i32
    %dma_start3A_24 = arith.constant 0 : i32
    %dma_start3A_25 = arith.constant 0 : i32
    %dma_start3A_26 = arith.constant 0 : i32
    %dma_start3A_27 = tpu.memref_slice %arg10[%dma_start3A_24, %dma_start3A_25, %dma_start3A_26] : memref<2x128x128xf32, #tpu.memory_space<vmem>> -> memref<1x128x128xf32, #tpu.memory_space<vmem>>
    %dma_start3A_28 = tpu.memref_squeeze %dma_start3A_27 : memref<1x128x128xf32, #tpu.memory_space<vmem>> -> memref<128x128xf32, #tpu.memory_space<vmem>>
    %dma_start3A_29 = arith.constant 0 : i32
    %dma_start3A_30 = tpu.memref_slice %arg8[%dma_start3A_23, %dma_start3A_29] : memref<40x128xi32, #tpu.memory_space<vmem>> -> memref<1x128xi32, #tpu.memory_space<vmem>>
    %dma_start3A_31 = tpu.memref_squeeze %dma_start3A_30 : memref<1x128xi32, #tpu.memory_space<vmem>> -> memref<128xi32, #tpu.memory_space<vmem>>
    %dma_start3A_32 = arith.constant 0 : i32
    %dma_start3A_33 = arith.constant 0 : i32
    %dma_start3A_34 = tpu.memref_slice %arg2[%dma_start3A_32, %dma_start3A_33] : memref<10000x128xf32, #tpu.memory_space<hbm>> -> memref<10000x128xf32, #tpu.memory_space<hbm>>
    tpu.enqueue_indirect_dma source(%dma_start3A_34 : memref<10000x128xf32, #tpu.memory_space<hbm>>) target(%dma_start3A_28 : memref<128x128xf32, #tpu.memory_space<vmem>>) offsets(%dma_start3A_31 : memref<128xi32, #tpu.memory_space<vmem>>) semaphore(%arg11 : memref<!tpu.dma_semaphore, #tpu.memory_space<semaphore_mem>>)
    %dma_start3A_35 = arith.constant 1 : i32
    %dma_start3A_36 = arith.constant 1 : i32
    %dma_start3A_37 = arith.constant 0 : i32
    %dma_start3A_38 = arith.constant 0 : i32
    %dma_start3A_39 = tpu.memref_slice %arg10[%dma_start3A_36, %dma_start3A_37, %dma_start3A_38] : memref<2x128x128xf32, #tpu.memory_space<vmem>> -> memref<1x128x128xf32, #tpu.memory_space<vmem>>
    %dma_start3A_40 = tpu.memref_squeeze %dma_start3A_39 : memref<1x128x128xf32, #tpu.memory_space<vmem>> -> memref<128x128xf32, #tpu.memory_space<vmem>>
    %dma_start3A_41 = arith.constant 0 : i32
    %dma_start3A_42 = tpu.memref_slice %arg8[%dma_start3A_35, %dma_start3A_41] : memref<40x128xi32, #tpu.memory_space<vmem>> -> memref<1x128xi32, #tpu.memory_space<vmem>>
    %dma_start3A_43 = tpu.memref_squeeze %dma_start3A_42 : memref<1x128xi32, #tpu.memory_space<vmem>> -> memref<128xi32, #tpu.memory_space<vmem>>
    %dma_start3A_44 = arith.constant 0 : i32
    %dma_start3A_45 = arith.constant 0 : i32
    %dma_start3A_46 = tpu.memref_slice %arg2[%dma_start3A_44, %dma_start3A_45] : memref<10000x128xf32, #tpu.memory_space<hbm>> -> memref<10000x128xf32, #tpu.memory_space<hbm>>
    tpu.enqueue_indirect_dma source(%dma_start3A_46 : memref<10000x128xf32, #tpu.memory_space<hbm>>) target(%dma_start3A_40 : memref<128x128xf32, #tpu.memory_space<vmem>>) offsets(%dma_start3A_43 : memref<128xi32, #tpu.memory_space<vmem>>) semaphore(%arg12 : memref<!tpu.dma_semaphore, #tpu.memory_space<semaphore_mem>>)
    %scan3A = arith.constant 0 : i32
    %scan3A_47 = arith.constant 0 : i32
    %scan3A_48 = arith.constant 19 : i32
    %scan3A_49 = arith.addi %scan3A_47, %scan3A_48 : i32
    %scan3A_50 = arith.constant 1 : i32
    scf.for %scan3A_162 = %scan3A_47 to %scan3A_49 step %scan3A_50  : i32 {
      %mul3A_163 = arith.constant 2 : i32
      %mul3A_164 = arith.muli %scan3A_162, %mul3A_163 : i32
      %add3A_165 = arith.constant 1 : i32
      %add3A_166 = arith.addi %mul3A_164, %add3A_165 : i32
      %dma_wait3A_167 = arith.constant 0 : i32
      %dma_wait3A_168 = arith.constant 0 : i32
      %dma_wait3A_169 = arith.constant 0 : i32
      %dma_wait3A_170 = tpu.memref_slice %arg10[%dma_wait3A_167, %dma_wait3A_168, %dma_wait3A_169] : memref<2x128x128xf32, #tpu.memory_space<vmem>> -> memref<1x128x128xf32, #tpu.memory_space<vmem>>
      %dma_wait3A_171 = tpu.memref_squeeze %dma_wait3A_170 : memref<1x128x128xf32, #tpu.memory_space<vmem>> -> memref<128x128xf32, #tpu.memory_space<vmem>>
      %dma_wait3A_172 = arith.constant 0 : i32
      %dma_wait3A_173 = tpu.memref_slice %arg8[%mul3A_164, %dma_wait3A_172] : memref<40x128xi32, #tpu.memory_space<vmem>> -> memref<1x128xi32, #tpu.memory_space<vmem>>
      %dma_wait3A_174 = tpu.memref_squeeze %dma_wait3A_173 : memref<1x128xi32, #tpu.memory_space<vmem>> -> memref<128xi32, #tpu.memory_space<vmem>>
      %dma_wait3A_175 = arith.constant 0 : i32
      %dma_wait3A_176 = arith.constant 0 : i32
      %dma_wait3A_177 = tpu.memref_slice %arg2[%dma_wait3A_175, %dma_wait3A_176] : memref<10000x128xf32, #tpu.memory_space<hbm>> -> memref<10000x128xf32, #tpu.memory_space<hbm>>
      tpu.wait_indirect_dma semaphore(%arg11 : memref<!tpu.dma_semaphore, #tpu.memory_space<semaphore_mem>>) src(%dma_wait3A_177 : memref<10000x128xf32, #tpu.memory_space<hbm>>) dst(%dma_wait3A_171 : memref<128x128xf32, #tpu.memory_space<vmem>>)
      %run_scoped3A_178 = arith.constant 0 : i32
      "tpu.region"() ({
        %run_scoped3A_217 = tpu.sem_alloc : memref<!tpu.dma_semaphore, #tpu.memory_space<semaphore_mem>>
        %dma_start3A_218 = arith.constant 0 : i32
        %dma_start3A_219 = arith.constant 0 : i32
        %dma_start3A_220 = tpu.memref_slice %arg10[%run_scoped3A_178, %dma_start3A_218, %dma_start3A_219] : memref<2x128x128xf32, #tpu.memory_space<vmem>> -> memref<1x128x128xf32, #tpu.memory_space<vmem>>
        %dma_start3A_221 = tpu.memref_squeeze %dma_start3A_220 : memref<1x128x128xf32, #tpu.memory_space<vmem>> -> memref<128x128xf32, #tpu.memory_space<vmem>>
        %dma_start3A_222 = arith.constant 0 : i32
        %dma_start3A_223 = tpu.memref_slice %arg9[%mul3A_164, %dma_start3A_222] : memref<40x128xi32, #tpu.memory_space<vmem>> -> memref<1x128xi32, #tpu.memory_space<vmem>>
        %dma_start3A_224 = tpu.memref_squeeze %dma_start3A_223 : memref<1x128xi32, #tpu.memory_space<vmem>> -> memref<128xi32, #tpu.memory_space<vmem>>
        %dma_start3A_225 = arith.constant 0 : i32
        %dma_start3A_226 = arith.constant 0 : i32
        %dma_start3A_227 = tpu.memref_slice %arg7[%dma_start3A_225, %dma_start3A_226] : memref<10112x128xf32, #tpu.memory_space<vmem_shared>> -> memref<10112x128xf32, #tpu.memory_space<vmem_shared>>
        tpu.enqueue_indirect_dma source(%dma_start3A_221 : memref<128x128xf32, #tpu.memory_space<vmem>>) target(%dma_start3A_227 : memref<10112x128xf32, #tpu.memory_space<vmem_shared>>) offsets(%dma_start3A_224 : memref<128xi32, #tpu.memory_space<vmem>>) semaphore(%run_scoped3A_217 : memref<!tpu.dma_semaphore, #tpu.memory_space<semaphore_mem>>) {add = true}
        %dma_wait3A_228 = arith.constant 0 : i32
        %dma_wait3A_229 = arith.constant 0 : i32
        %dma_wait3A_230 = tpu.memref_slice %arg10[%run_scoped3A_178, %dma_wait3A_228, %dma_wait3A_229] : memref<2x128x128xf32, #tpu.memory_space<vmem>> -> memref<1x128x128xf32, #tpu.memory_space<vmem>>
        %dma_wait3A_231 = tpu.memref_squeeze %dma_wait3A_230 : memref<1x128x128xf32, #tpu.memory_space<vmem>> -> memref<128x128xf32, #tpu.memory_space<vmem>>
        %dma_wait3A_232 = arith.constant 0 : i32
        %dma_wait3A_233 = tpu.memref_slice %arg9[%mul3A_164, %dma_wait3A_232] : memref<40x128xi32, #tpu.memory_space<vmem>> -> memref<1x128xi32, #tpu.memory_space<vmem>>
        %dma_wait3A_234 = tpu.memref_squeeze %dma_wait3A_233 : memref<1x128xi32, #tpu.memory_space<vmem>> -> memref<128xi32, #tpu.memory_space<vmem>>
        %dma_wait3A_235 = arith.constant 0 : i32
        %dma_wait3A_236 = arith.constant 0 : i32
        %dma_wait3A_237 = tpu.memref_slice %arg7[%dma_wait3A_235, %dma_wait3A_236] : memref<10112x128xf32, #tpu.memory_space<vmem_shared>> -> memref<10112x128xf32, #tpu.memory_space<vmem_shared>>
        tpu.wait_indirect_dma semaphore(%run_scoped3A_217 : memref<!tpu.dma_semaphore, #tpu.memory_space<semaphore_mem>>) src(%dma_wait3A_231 : memref<128x128xf32, #tpu.memory_space<vmem>>) dst(%dma_wait3A_237 : memref<10112x128xf32, #tpu.memory_space<vmem_shared>>)
        tpu.yield
      }) : () -> ()
      %add3A_179 = arith.constant 2 : i32
      %add3A_180 = arith.addi %mul3A_164, %add3A_179 : i32
      %dma_start3A_181 = arith.constant 0 : i32
      %dma_start3A_182 = arith.constant 0 : i32
      %dma_start3A_183 = arith.constant 0 : i32
      %dma_start3A_184 = tpu.memref_slice %arg10[%dma_start3A_181, %dma_start3A_182, %dma_start3A_183] : memref<2x128x128xf32, #tpu.memory_space<vmem>> -> memref<1x128x128xf32, #tpu.memory_space<vmem>>
      %dma_start3A_185 = tpu.memref_squeeze %dma_start3A_184 : memref<1x128x128xf32, #tpu.memory_space<vmem>> -> memref<128x128xf32, #tpu.memory_space<vmem>>
      %dma_start3A_186 = arith.constant 0 : i32
      %dma_start3A_187 = tpu.memref_slice %arg8[%add3A_180, %dma_start3A_186] : memref<40x128xi32, #tpu.memory_space<vmem>> -> memref<1x128xi32, #tpu.memory_space<vmem>>
      %dma_start3A_188 = tpu.memref_squeeze %dma_start3A_187 : memref<1x128xi32, #tpu.memory_space<vmem>> -> memref<128xi32, #tpu.memory_space<vmem>>
      %dma_start3A_189 = arith.constant 0 : i32
      %dma_start3A_190 = arith.constant 0 : i32
      %dma_start3A_191 = tpu.memref_slice %arg2[%dma_start3A_189, %dma_start3A_190] : memref<10000x128xf32, #tpu.memory_space<hbm>> -> memref<10000x128xf32, #tpu.memory_space<hbm>>
      tpu.enqueue_indirect_dma source(%dma_start3A_191 : memref<10000x128xf32, #tpu.memory_space<hbm>>) target(%dma_start3A_185 : memref<128x128xf32, #tpu.memory_space<vmem>>) offsets(%dma_start3A_188 : memref<128xi32, #tpu.memory_space<vmem>>) semaphore(%arg11 : memref<!tpu.dma_semaphore, #tpu.memory_space<semaphore_mem>>)
      %dma_wait3A_192 = arith.constant 1 : i32
      %dma_wait3A_193 = arith.constant 0 : i32
      %dma_wait3A_194 = arith.constant 0 : i32
      %dma_wait3A_195 = tpu.memref_slice %arg10[%dma_wait3A_192, %dma_wait3A_193, %dma_wait3A_194] : memref<2x128x128xf32, #tpu.memory_space<vmem>> -> memref<1x128x128xf32, #tpu.memory_space<vmem>>
      %dma_wait3A_196 = tpu.memref_squeeze %dma_wait3A_195 : memref<1x128x128xf32, #tpu.memory_space<vmem>> -> memref<128x128xf32, #tpu.memory_space<vmem>>
      %dma_wait3A_197 = arith.constant 0 : i32
      %dma_wait3A_198 = tpu.memref_slice %arg8[%add3A_166, %dma_wait3A_197] : memref<40x128xi32, #tpu.memory_space<vmem>> -> memref<1x128xi32, #tpu.memory_space<vmem>>
      %dma_wait3A_199 = tpu.memref_squeeze %dma_wait3A_198 : memref<1x128xi32, #tpu.memory_space<vmem>> -> memref<128xi32, #tpu.memory_space<vmem>>
      %dma_wait3A_200 = arith.constant 0 : i32
      %dma_wait3A_201 = arith.constant 0 : i32
      %dma_wait3A_202 = tpu.memref_slice %arg2[%dma_wait3A_200, %dma_wait3A_201] : memref<10000x128xf32, #tpu.memory_space<hbm>> -> memref<10000x128xf32, #tpu.memory_space<hbm>>
      tpu.wait_indirect_dma semaphore(%arg12 : memref<!tpu.dma_semaphore, #tpu.memory_space<semaphore_mem>>) src(%dma_wait3A_202 : memref<10000x128xf32, #tpu.memory_space<hbm>>) dst(%dma_wait3A_196 : memref<128x128xf32, #tpu.memory_space<vmem>>)
      %run_scoped3A_203 = arith.constant 1 : i32
      "tpu.region"() ({
        %run_scoped3A_217 = tpu.sem_alloc : memref<!tpu.dma_semaphore, #tpu.memory_space<semaphore_mem>>
        %dma_start3A_218 = arith.constant 0 : i32
        %dma_start3A_219 = arith.constant 0 : i32
        %dma_start3A_220 = tpu.memref_slice %arg10[%run_scoped3A_203, %dma_start3A_218, %dma_start3A_219] : memref<2x128x128xf32, #tpu.memory_space<vmem>> -> memref<1x128x128xf32, #tpu.memory_space<vmem>>
        %dma_start3A_221 = tpu.memref_squeeze %dma_start3A_220 : memref<1x128x128xf32, #tpu.memory_space<vmem>> -> memref<128x128xf32, #tpu.memory_space<vmem>>
        %dma_start3A_222 = arith.constant 0 : i32
        %dma_start3A_223 = tpu.memref_slice %arg9[%add3A_166, %dma_start3A_222] : memref<40x128xi32, #tpu.memory_space<vmem>> -> memref<1x128xi32, #tpu.memory_space<vmem>>
        %dma_start3A_224 = tpu.memref_squeeze %dma_start3A_223 : memref<1x128xi32, #tpu.memory_space<vmem>> -> memref<128xi32, #tpu.memory_space<vmem>>
        %dma_start3A_225 = arith.constant 0 : i32
        %dma_start3A_226 = arith.constant 0 : i32
        %dma_start3A_227 = tpu.memref_slice %arg7[%dma_start3A_225, %dma_start3A_226] : memref<10112x128xf32, #tpu.memory_space<vmem_shared>> -> memref<10112x128xf32, #tpu.memory_space<vmem_shared>>
        tpu.enqueue_indirect_dma source(%dma_start3A_221 : memref<128x128xf32, #tpu.memory_space<vmem>>) target(%dma_start3A_227 : memref<10112x128xf32, #tpu.memory_space<vmem_shared>>) offsets(%dma_start3A_224 : memref<128xi32, #tpu.memory_space<vmem>>) semaphore(%run_scoped3A_217 : memref<!tpu.dma_semaphore, #tpu.memory_space<semaphore_mem>>) {add = true}
        %dma_wait3A_228 = arith.constant 0 : i32
        %dma_wait3A_229 = arith.constant 0 : i32
        %dma_wait3A_230 = tpu.memref_slice %arg10[%run_scoped3A_203, %dma_wait3A_228, %dma_wait3A_229] : memref<2x128x128xf32, #tpu.memory_space<vmem>> -> memref<1x128x128xf32, #tpu.memory_space<vmem>>
        %dma_wait3A_231 = tpu.memref_squeeze %dma_wait3A_230 : memref<1x128x128xf32, #tpu.memory_space<vmem>> -> memref<128x128xf32, #tpu.memory_space<vmem>>
        %dma_wait3A_232 = arith.constant 0 : i32
        %dma_wait3A_233 = tpu.memref_slice %arg9[%add3A_166, %dma_wait3A_232] : memref<40x128xi32, #tpu.memory_space<vmem>> -> memref<1x128xi32, #tpu.memory_space<vmem>>
        %dma_wait3A_234 = tpu.memref_squeeze %dma_wait3A_233 : memref<1x128xi32, #tpu.memory_space<vmem>> -> memref<128xi32, #tpu.memory_space<vmem>>
        %dma_wait3A_235 = arith.constant 0 : i32
        %dma_wait3A_236 = arith.constant 0 : i32
        %dma_wait3A_237 = tpu.memref_slice %arg7[%dma_wait3A_235, %dma_wait3A_236] : memref<10112x128xf32, #tpu.memory_space<vmem_shared>> -> memref<10112x128xf32, #tpu.memory_space<vmem_shared>>
        tpu.wait_indirect_dma semaphore(%run_scoped3A_217 : memref<!tpu.dma_semaphore, #tpu.memory_space<semaphore_mem>>) src(%dma_wait3A_231 : memref<128x128xf32, #tpu.memory_space<vmem>>) dst(%dma_wait3A_237 : memref<10112x128xf32, #tpu.memory_space<vmem_shared>>)
        tpu.yield
      }) : () -> ()
      %add3A_204 = arith.constant 2 : i32
      %add3A_205 = arith.addi %add3A_166, %add3A_204 : i32
      %dma_start3A_206 = arith.constant 1 : i32
      %dma_start3A_207 = arith.constant 0 : i32
      %dma_start3A_208 = arith.constant 0 : i32
      %dma_start3A_209 = tpu.memref_slice %arg10[%dma_start3A_206, %dma_start3A_207, %dma_start3A_208] : memref<2x128x128xf32, #tpu.memory_space<vmem>> -> memref<1x128x128xf32, #tpu.memory_space<vmem>>
      %dma_start3A_210 = tpu.memref_squeeze %dma_start3A_209 : memref<1x128x128xf32, #tpu.memory_space<vmem>> -> memref<128x128xf32, #tpu.memory_space<vmem>>
      %dma_start3A_211 = arith.constant 0 : i32
      %dma_start3A_212 = tpu.memref_slice %arg8[%add3A_205, %dma_start3A_211] : memref<40x128xi32, #tpu.memory_space<vmem>> -> memref<1x128xi32, #tpu.memory_space<vmem>>
      %dma_start3A_213 = tpu.memref_squeeze %dma_start3A_212 : memref<1x128xi32, #tpu.memory_space<vmem>> -> memref<128xi32, #tpu.memory_space<vmem>>
      %dma_start3A_214 = arith.constant 0 : i32
      %dma_start3A_215 = arith.constant 0 : i32
      %dma_start3A_216 = tpu.memref_slice %arg2[%dma_start3A_214, %dma_start3A_215] : memref<10000x128xf32, #tpu.memory_space<hbm>> -> memref<10000x128xf32, #tpu.memory_space<hbm>>
      tpu.enqueue_indirect_dma source(%dma_start3A_216 : memref<10000x128xf32, #tpu.memory_space<hbm>>) target(%dma_start3A_210 : memref<128x128xf32, #tpu.memory_space<vmem>>) offsets(%dma_start3A_213 : memref<128xi32, #tpu.memory_space<vmem>>) semaphore(%arg12 : memref<!tpu.dma_semaphore, #tpu.memory_space<semaphore_mem>>)
    }
    %scan3A_51 = arith.constant 19 : i32
    %dma_wait3A_52 = arith.constant 38 : i32
    %dma_wait3A_53 = arith.constant 0 : i32
    %dma_wait3A_54 = arith.constant 0 : i32
    %dma_wait3A_55 = arith.constant 0 : i32
    %dma_wait3A_56 = tpu.memref_slice %arg10[%dma_wait3A_53, %dma_wait3A_54, %dma_wait3A_55] : memref<2x128x128xf32, #tpu.memory_space<vmem>> -> memref<1x128x128xf32, #tpu.memory_space<vmem>>
    %dma_wait3A_57 = tpu.memref_squeeze %dma_wait3A_56 : memref<1x128x128xf32, #tpu.memory_space<vmem>> -> memref<128x128xf32, #tpu.memory_space<vmem>>
    %dma_wait3A_58 = arith.constant 0 : i32
    %dma_wait3A_59 = tpu.memref_slice %arg8[%dma_wait3A_52, %dma_wait3A_58] : memref<40x128xi32, #tpu.memory_space<vmem>> -> memref<1x128xi32, #tpu.memory_space<vmem>>
    %dma_wait3A_60 = tpu.memref_squeeze %dma_wait3A_59 : memref<1x128xi32, #tpu.memory_space<vmem>> -> memref<128xi32, #tpu.memory_space<vmem>>
    %dma_wait3A_61 = arith.constant 0 : i32
    %dma_wait3A_62 = arith.constant 0 : i32
    %dma_wait3A_63 = tpu.memref_slice %arg2[%dma_wait3A_61, %dma_wait3A_62] : memref<10000x128xf32, #tpu.memory_space<hbm>> -> memref<10000x128xf32, #tpu.memory_space<hbm>>
    tpu.wait_indirect_dma semaphore(%arg11 : memref<!tpu.dma_semaphore, #tpu.memory_space<semaphore_mem>>) src(%dma_wait3A_63 : memref<10000x128xf32, #tpu.memory_space<hbm>>) dst(%dma_wait3A_57 : memref<128x128xf32, #tpu.memory_space<vmem>>)
    %run_scoped3A = arith.constant 0 : i32
    %run_scoped3A_64 = arith.constant 38 : i32
    "tpu.region"() ({
      %run_scoped3A_162 = tpu.sem_alloc : memref<!tpu.dma_semaphore, #tpu.memory_space<semaphore_mem>>
      %dma_start3A_163 = arith.constant 0 : i32
      %dma_start3A_164 = arith.constant 0 : i32
      %dma_start3A_165 = tpu.memref_slice %arg10[%run_scoped3A, %dma_start3A_163, %dma_start3A_164] : memref<2x128x128xf32, #tpu.memory_space<vmem>> -> memref<1x128x128xf32, #tpu.memory_space<vmem>>
      %dma_start3A_166 = tpu.memref_squeeze %dma_start3A_165 : memref<1x128x128xf32, #tpu.memory_space<vmem>> -> memref<128x128xf32, #tpu.memory_space<vmem>>
      %dma_start3A_167 = arith.constant 0 : i32
      %dma_start3A_168 = tpu.memref_slice %arg9[%run_scoped3A_64, %dma_start3A_167] : memref<40x128xi32, #tpu.memory_space<vmem>> -> memref<1x128xi32, #tpu.memory_space<vmem>>
      %dma_start3A_169 = tpu.memref_squeeze %dma_start3A_168 : memref<1x128xi32, #tpu.memory_space<vmem>> -> memref<128xi32, #tpu.memory_space<vmem>>
      %dma_start3A_170 = arith.constant 0 : i32
      %dma_start3A_171 = arith.constant 0 : i32
      %dma_start3A_172 = tpu.memref_slice %arg7[%dma_start3A_170, %dma_start3A_171] : memref<10112x128xf32, #tpu.memory_space<vmem_shared>> -> memref<10112x128xf32, #tpu.memory_space<vmem_shared>>
      tpu.enqueue_indirect_dma source(%dma_start3A_166 : memref<128x128xf32, #tpu.memory_space<vmem>>) target(%dma_start3A_172 : memref<10112x128xf32, #tpu.memory_space<vmem_shared>>) offsets(%dma_start3A_169 : memref<128xi32, #tpu.memory_space<vmem>>) semaphore(%run_scoped3A_162 : memref<!tpu.dma_semaphore, #tpu.memory_space<semaphore_mem>>) {add = true}
      %dma_wait3A_173 = arith.constant 0 : i32
      %dma_wait3A_174 = arith.constant 0 : i32
      %dma_wait3A_175 = tpu.memref_slice %arg10[%run_scoped3A, %dma_wait3A_173, %dma_wait3A_174] : memref<2x128x128xf32, #tpu.memory_space<vmem>> -> memref<1x128x128xf32, #tpu.memory_space<vmem>>
      %dma_wait3A_176 = tpu.memref_squeeze %dma_wait3A_175 : memref<1x128x128xf32, #tpu.memory_space<vmem>> -> memref<128x128xf32, #tpu.memory_space<vmem>>
      %dma_wait3A_177 = arith.constant 0 : i32
      %dma_wait3A_178 = tpu.memref_slice %arg9[%run_scoped3A_64, %dma_wait3A_177] : memref<40x128xi32, #tpu.memory_space<vmem>> -> memref<1x128xi32, #tpu.memory_space<vmem>>
      %dma_wait3A_179 = tpu.memref_squeeze %dma_wait3A_178 : memref<1x128xi32, #tpu.memory_space<vmem>> -> memref<128xi32, #tpu.memory_space<vmem>>
      %dma_wait3A_180 = arith.constant 0 : i32
      %dma_wait3A_181 = arith.constant 0 : i32
      %dma_wait3A_182 = tpu.memref_slice %arg7[%dma_wait3A_180, %dma_wait3A_181] : memref<10112x128xf32, #tpu.memory_space<vmem_shared>> -> memref<10112x128xf32, #tpu.memory_space<vmem_shared>>
      tpu.wait_indirect_dma semaphore(%run_scoped3A_162 : memref<!tpu.dma_semaphore, #tpu.memory_space<semaphore_mem>>) src(%dma_wait3A_176 : memref<128x128xf32, #tpu.memory_space<vmem>>) dst(%dma_wait3A_182 : memref<10112x128xf32, #tpu.memory_space<vmem_shared>>)
      tpu.yield
    }) : () -> ()
    %dma_wait3A_65 = arith.constant 39 : i32
    %dma_wait3A_66 = arith.constant 1 : i32
    %dma_wait3A_67 = arith.constant 0 : i32
    %dma_wait3A_68 = arith.constant 0 : i32
    %dma_wait3A_69 = tpu.memref_slice %arg10[%dma_wait3A_66, %dma_wait3A_67, %dma_wait3A_68] : memref<2x128x128xf32, #tpu.memory_space<vmem>> -> memref<1x128x128xf32, #tpu.memory_space<vmem>>
    %dma_wait3A_70 = tpu.memref_squeeze %dma_wait3A_69 : memref<1x128x128xf32, #tpu.memory_space<vmem>> -> memref<128x128xf32, #tpu.memory_space<vmem>>
    %dma_wait3A_71 = arith.constant 0 : i32
    %dma_wait3A_72 = tpu.memref_slice %arg8[%dma_wait3A_65, %dma_wait3A_71] : memref<40x128xi32, #tpu.memory_space<vmem>> -> memref<1x128xi32, #tpu.memory_space<vmem>>
    %dma_wait3A_73 = tpu.memref_squeeze %dma_wait3A_72 : memref<1x128xi32, #tpu.memory_space<vmem>> -> memref<128xi32, #tpu.memory_space<vmem>>
    %dma_wait3A_74 = arith.constant 0 : i32
    %dma_wait3A_75 = arith.constant 0 : i32
    %dma_wait3A_76 = tpu.memref_slice %arg2[%dma_wait3A_74, %dma_wait3A_75] : memref<10000x128xf32, #tpu.memory_space<hbm>> -> memref<10000x128xf32, #tpu.memory_space<hbm>>
    tpu.wait_indirect_dma semaphore(%arg12 : memref<!tpu.dma_semaphore, #tpu.memory_space<semaphore_mem>>) src(%dma_wait3A_76 : memref<10000x128xf32, #tpu.memory_space<hbm>>) dst(%dma_wait3A_70 : memref<128x128xf32, #tpu.memory_space<vmem>>)
    %run_scoped3A_77 = arith.constant 1 : i32
    %run_scoped3A_78 = arith.constant 39 : i32
    "tpu.region"() ({
      %run_scoped3A_162 = tpu.sem_alloc : memref<!tpu.dma_semaphore, #tpu.memory_space<semaphore_mem>>
      %dma_start3A_163 = arith.constant 0 : i32
      %dma_start3A_164 = arith.constant 0 : i32
      %dma_start3A_165 = tpu.memref_slice %arg10[%run_scoped3A_77, %dma_start3A_163, %dma_start3A_164] : memref<2x128x128xf32, #tpu.memory_space<vmem>> -> memref<1x128x128xf32, #tpu.memory_space<vmem>>
      %dma_start3A_166 = tpu.memref_squeeze %dma_start3A_165 : memref<1x128x128xf32, #tpu.memory_space<vmem>> -> memref<128x128xf32, #tpu.memory_space<vmem>>
      %dma_start3A_167 = arith.constant 0 : i32
      %dma_start3A_168 = tpu.memref_slice %arg9[%run_scoped3A_78, %dma_start3A_167] : memref<40x128xi32, #tpu.memory_space<vmem>> -> memref<1x128xi32, #tpu.memory_space<vmem>>
      %dma_start3A_169 = tpu.memref_squeeze %dma_start3A_168 : memref<1x128xi32, #tpu.memory_space<vmem>> -> memref<128xi32, #tpu.memory_space<vmem>>
      %dma_start3A_170 = arith.constant 0 : i32
      %dma_start3A_171 = arith.constant 0 : i32
      %dma_start3A_172 = tpu.memref_slice %arg7[%dma_start3A_170, %dma_start3A_171] : memref<10112x128xf32, #tpu.memory_space<vmem_shared>> -> memref<10112x128xf32, #tpu.memory_space<vmem_shared>>
      tpu.enqueue_indirect_dma source(%dma_start3A_166 : memref<128x128xf32, #tpu.memory_space<vmem>>) target(%dma_start3A_172 : memref<10112x128xf32, #tpu.memory_space<vmem_shared>>) offsets(%dma_start3A_169 : memref<128xi32, #tpu.memory_space<vmem>>) semaphore(%run_scoped3A_162 : memref<!tpu.dma_semaphore, #tpu.memory_space<semaphore_mem>>) {add = true}
      %dma_wait3A_173 = arith.constant 0 : i32
      %dma_wait3A_174 = arith.constant 0 : i32
      %dma_wait3A_175 = tpu.memref_slice %arg10[%run_scoped3A_77, %dma_wait3A_173, %dma_wait3A_174] : memref<2x128x128xf32, #tpu.memory_space<vmem>> -> memref<1x128x128xf32, #tpu.memory_space<vmem>>
      %dma_wait3A_176 = tpu.memref_squeeze %dma_wait3A_175 : memref<1x128x128xf32, #tpu.memory_space<vmem>> -> memref<128x128xf32, #tpu.memory_space<vmem>>
      %dma_wait3A_177 = arith.constant 0 : i32
      %dma_wait3A_178 = tpu.memref_slice %arg9[%run_scoped3A_78, %dma_wait3A_177] : memref<40x128xi32, #tpu.memory_space<vmem>> -> memref<1x128xi32, #tpu.memory_space<vmem>>
      %dma_wait3A_179 = tpu.memref_squeeze %dma_wait3A_178 : memref<1x128xi32, #tpu.memory_space<vmem>> -> memref<128xi32, #tpu.memory_space<vmem>>
      %dma_wait3A_180 = arith.constant 0 : i32
      %dma_wait3A_181 = arith.constant 0 : i32
      %dma_wait3A_182 = tpu.memref_slice %arg7[%dma_wait3A_180, %dma_wait3A_181] : memref<10112x128xf32, #tpu.memory_space<vmem_shared>> -> memref<10112x128xf32, #tpu.memory_space<vmem_shared>>
      tpu.wait_indirect_dma semaphore(%run_scoped3A_162 : memref<!tpu.dma_semaphore, #tpu.memory_space<semaphore_mem>>) src(%dma_wait3A_176 : memref<128x128xf32, #tpu.memory_space<vmem>>) dst(%dma_wait3A_182 : memref<10112x128xf32, #tpu.memory_space<vmem_shared>>)
      tpu.yield
    }) : () -> ()
    %mul3A_79 = arith.constant 80 : i32
    %mul3A_80 = arith.muli %add3A, %mul3A_79 : i32
    %add3A_81 = arith.constant 40 : i32
    %add3A_82 = arith.addi %mul3A_80, %add3A_81 : i32
    %dma_start3A_83 = arith.constant 0 : i32
    %dma_start3A_84 = tpu.memref_slice %arg3[%add3A_82, %dma_start3A_83] : memref<2560x128xi32, #tpu.memory_space<hbm>> -> memref<40x128xi32, #tpu.memory_space<hbm>>
    %dma_start3A_85 = arith.constant 0 : i32
    %dma_start3A_86 = tpu.memref_slice %arg3[%add3A_82, %dma_start3A_85] : memref<2560x128xi32, #tpu.memory_space<hbm>> -> memref<40x128xi32, #tpu.memory_space<hbm>>
    tpu.enqueue_dma source(%dma_start3A_86 : memref<40x128xi32, #tpu.memory_space<hbm>>) target(%arg8 : memref<40x128xi32, #tpu.memory_space<vmem>>) target_semaphore(%arg11 : memref<!tpu.dma_semaphore, #tpu.memory_space<semaphore_mem>>)
    %dma_wait3A_87 = arith.constant 0 : i32
    %dma_wait3A_88 = tpu.memref_slice %arg3[%add3A_82, %dma_wait3A_87] : memref<2560x128xi32, #tpu.memory_space<hbm>> -> memref<40x128xi32, #tpu.memory_space<hbm>>
    %dma_wait3A_89 = arith.constant 0 : i32
    %dma_wait3A_90 = tpu.memref_slice %arg3[%add3A_82, %dma_wait3A_89] : memref<2560x128xi32, #tpu.memory_space<hbm>> -> memref<40x128xi32, #tpu.memory_space<hbm>>
    tpu.wait_dma2 semaphore(%arg11 : memref<!tpu.dma_semaphore, #tpu.memory_space<semaphore_mem>>) src(%dma_wait3A_90 : memref<40x128xi32, #tpu.memory_space<hbm>>) dst(%arg8 : memref<40x128xi32, #tpu.memory_space<vmem>>)
    %dma_start3A_91 = arith.constant 0 : i32
    %dma_start3A_92 = tpu.memref_slice %arg4[%add3A_82, %dma_start3A_91] : memref<2560x128xi32, #tpu.memory_space<hbm>> -> memref<40x128xi32, #tpu.memory_space<hbm>>
    %dma_start3A_93 = arith.constant 0 : i32
    %dma_start3A_94 = tpu.memref_slice %arg4[%add3A_82, %dma_start3A_93] : memref<2560x128xi32, #tpu.memory_space<hbm>> -> memref<40x128xi32, #tpu.memory_space<hbm>>
    tpu.enqueue_dma source(%dma_start3A_94 : memref<40x128xi32, #tpu.memory_space<hbm>>) target(%arg9 : memref<40x128xi32, #tpu.memory_space<vmem>>) target_semaphore(%arg12 : memref<!tpu.dma_semaphore, #tpu.memory_space<semaphore_mem>>)
    %dma_wait3A_95 = arith.constant 0 : i32
    %dma_wait3A_96 = tpu.memref_slice %arg4[%add3A_82, %dma_wait3A_95] : memref<2560x128xi32, #tpu.memory_space<hbm>> -> memref<40x128xi32, #tpu.memory_space<hbm>>
    %dma_wait3A_97 = arith.constant 0 : i32
    %dma_wait3A_98 = tpu.memref_slice %arg4[%add3A_82, %dma_wait3A_97] : memref<2560x128xi32, #tpu.memory_space<hbm>> -> memref<40x128xi32, #tpu.memory_space<hbm>>
    tpu.wait_dma2 semaphore(%arg12 : memref<!tpu.dma_semaphore, #tpu.memory_space<semaphore_mem>>) src(%dma_wait3A_98 : memref<40x128xi32, #tpu.memory_space<hbm>>) dst(%arg9 : memref<40x128xi32, #tpu.memory_space<vmem>>)
    %dma_start3A_99 = arith.constant 0 : i32
    %dma_start3A_100 = arith.constant 0 : i32
    %dma_start3A_101 = arith.constant 0 : i32
    %dma_start3A_102 = arith.constant 0 : i32
    %dma_start3A_103 = tpu.memref_slice %arg10[%dma_start3A_100, %dma_start3A_101, %dma_start3A_102] : memref<2x128x128xf32, #tpu.memory_space<vmem>> -> memref<1x128x128xf32, #tpu.memory_space<vmem>>
    %dma_start3A_104 = tpu.memref_squeeze %dma_start3A_103 : memref<1x128x128xf32, #tpu.memory_space<vmem>> -> memref<128x128xf32, #tpu.memory_space<vmem>>
    %dma_start3A_105 = arith.constant 0 : i32
    %dma_start3A_106 = tpu.memref_slice %arg8[%dma_start3A_99, %dma_start3A_105] : memref<40x128xi32, #tpu.memory_space<vmem>> -> memref<1x128xi32, #tpu.memory_space<vmem>>
    %dma_start3A_107 = tpu.memref_squeeze %dma_start3A_106 : memref<1x128xi32, #tpu.memory_space<vmem>> -> memref<128xi32, #tpu.memory_space<vmem>>
    %dma_start3A_108 = arith.constant 0 : i32
    %dma_start3A_109 = arith.constant 0 : i32
    %dma_start3A_110 = tpu.memref_slice %arg2[%dma_start3A_108, %dma_start3A_109] : memref<10000x128xf32, #tpu.memory_space<hbm>> -> memref<10000x128xf32, #tpu.memory_space<hbm>>
    tpu.enqueue_indirect_dma source(%dma_start3A_110 : memref<10000x128xf32, #tpu.memory_space<hbm>>) target(%dma_start3A_104 : memref<128x128xf32, #tpu.memory_space<vmem>>) offsets(%dma_start3A_107 : memref<128xi32, #tpu.memory_space<vmem>>) semaphore(%arg11 : memref<!tpu.dma_semaphore, #tpu.memory_space<semaphore_mem>>)
    %dma_start3A_111 = arith.constant 1 : i32
    %dma_start3A_112 = arith.constant 1 : i32
    %dma_start3A_113 = arith.constant 0 : i32
    %dma_start3A_114 = arith.constant 0 : i32
    %dma_start3A_115 = tpu.memref_slice %arg10[%dma_start3A_112, %dma_start3A_113, %dma_start3A_114] : memref<2x128x128xf32, #tpu.memory_space<vmem>> -> memref<1x128x128xf32, #tpu.memory_space<vmem>>
    %dma_start3A_116 = tpu.memref_squeeze %dma_start3A_115 : memref<1x128x128xf32, #tpu.memory_space<vmem>> -> memref<128x128xf32, #tpu.memory_space<vmem>>
    %dma_start3A_117 = arith.constant 0 : i32
    %dma_start3A_118 = tpu.memref_slice %arg8[%dma_start3A_111, %dma_start3A_117] : memref<40x128xi32, #tpu.memory_space<vmem>> -> memref<1x128xi32, #tpu.memory_space<vmem>>
    %dma_start3A_119 = tpu.memref_squeeze %dma_start3A_118 : memref<1x128xi32, #tpu.memory_space<vmem>> -> memref<128xi32, #tpu.memory_space<vmem>>
    %dma_start3A_120 = arith.constant 0 : i32
    %dma_start3A_121 = arith.constant 0 : i32
    %dma_start3A_122 = tpu.memref_slice %arg2[%dma_start3A_120, %dma_start3A_121] : memref<10000x128xf32, #tpu.memory_space<hbm>> -> memref<10000x128xf32, #tpu.memory_space<hbm>>
    tpu.enqueue_indirect_dma source(%dma_start3A_122 : memref<10000x128xf32, #tpu.memory_space<hbm>>) target(%dma_start3A_116 : memref<128x128xf32, #tpu.memory_space<vmem>>) offsets(%dma_start3A_119 : memref<128xi32, #tpu.memory_space<vmem>>) semaphore(%arg12 : memref<!tpu.dma_semaphore, #tpu.memory_space<semaphore_mem>>)
    %scan3A_123 = arith.constant 0 : i32
    %scan3A_124 = arith.constant 0 : i32
    %scan3A_125 = arith.constant 19 : i32
    %scan3A_126 = arith.addi %scan3A_124, %scan3A_125 : i32
    %scan3A_127 = arith.constant 1 : i32
    scf.for %scan3A_162 = %scan3A_124 to %scan3A_126 step %scan3A_127  : i32 {
      %mul3A_163 = arith.constant 2 : i32
      %mul3A_164 = arith.muli %scan3A_162, %mul3A_163 : i32
      %add3A_165 = arith.constant 1 : i32
      %add3A_166 = arith.addi %mul3A_164, %add3A_165 : i32
      %dma_wait3A_167 = arith.constant 0 : i32
      %dma_wait3A_168 = arith.constant 0 : i32
      %dma_wait3A_169 = arith.constant 0 : i32
      %dma_wait3A_170 = tpu.memref_slice %arg10[%dma_wait3A_167, %dma_wait3A_168, %dma_wait3A_169] : memref<2x128x128xf32, #tpu.memory_space<vmem>> -> memref<1x128x128xf32, #tpu.memory_space<vmem>>
      %dma_wait3A_171 = tpu.memref_squeeze %dma_wait3A_170 : memref<1x128x128xf32, #tpu.memory_space<vmem>> -> memref<128x128xf32, #tpu.memory_space<vmem>>
      %dma_wait3A_172 = arith.constant 0 : i32
      %dma_wait3A_173 = tpu.memref_slice %arg8[%mul3A_164, %dma_wait3A_172] : memref<40x128xi32, #tpu.memory_space<vmem>> -> memref<1x128xi32, #tpu.memory_space<vmem>>
      %dma_wait3A_174 = tpu.memref_squeeze %dma_wait3A_173 : memref<1x128xi32, #tpu.memory_space<vmem>> -> memref<128xi32, #tpu.memory_space<vmem>>
      %dma_wait3A_175 = arith.constant 0 : i32
      %dma_wait3A_176 = arith.constant 0 : i32
      %dma_wait3A_177 = tpu.memref_slice %arg2[%dma_wait3A_175, %dma_wait3A_176] : memref<10000x128xf32, #tpu.memory_space<hbm>> -> memref<10000x128xf32, #tpu.memory_space<hbm>>
      tpu.wait_indirect_dma semaphore(%arg11 : memref<!tpu.dma_semaphore, #tpu.memory_space<semaphore_mem>>) src(%dma_wait3A_177 : memref<10000x128xf32, #tpu.memory_space<hbm>>) dst(%dma_wait3A_171 : memref<128x128xf32, #tpu.memory_space<vmem>>)
      %run_scoped3A_178 = arith.constant 0 : i32
      "tpu.region"() ({
        %run_scoped3A_217 = tpu.sem_alloc : memref<!tpu.dma_semaphore, #tpu.memory_space<semaphore_mem>>
        %dma_start3A_218 = arith.constant 0 : i32
        %dma_start3A_219 = arith.constant 0 : i32
        %dma_start3A_220 = tpu.memref_slice %arg10[%run_scoped3A_178, %dma_start3A_218, %dma_start3A_219] : memref<2x128x128xf32, #tpu.memory_space<vmem>> -> memref<1x128x128xf32, #tpu.memory_space<vmem>>
        %dma_start3A_221 = tpu.memref_squeeze %dma_start3A_220 : memref<1x128x128xf32, #tpu.memory_space<vmem>> -> memref<128x128xf32, #tpu.memory_space<vmem>>
        %dma_start3A_222 = arith.constant 0 : i32
        %dma_start3A_223 = tpu.memref_slice %arg9[%mul3A_164, %dma_start3A_222] : memref<40x128xi32, #tpu.memory_space<vmem>> -> memref<1x128xi32, #tpu.memory_space<vmem>>
        %dma_start3A_224 = tpu.memref_squeeze %dma_start3A_223 : memref<1x128xi32, #tpu.memory_space<vmem>> -> memref<128xi32, #tpu.memory_space<vmem>>
        %dma_start3A_225 = arith.constant 0 : i32
        %dma_start3A_226 = arith.constant 0 : i32
        %dma_start3A_227 = tpu.memref_slice %arg7[%dma_start3A_225, %dma_start3A_226] : memref<10112x128xf32, #tpu.memory_space<vmem_shared>> -> memref<10112x128xf32, #tpu.memory_space<vmem_shared>>
        tpu.enqueue_indirect_dma source(%dma_start3A_221 : memref<128x128xf32, #tpu.memory_space<vmem>>) target(%dma_start3A_227 : memref<10112x128xf32, #tpu.memory_space<vmem_shared>>) offsets(%dma_start3A_224 : memref<128xi32, #tpu.memory_space<vmem>>) semaphore(%run_scoped3A_217 : memref<!tpu.dma_semaphore, #tpu.memory_space<semaphore_mem>>) {add = true}
        %dma_wait3A_228 = arith.constant 0 : i32
        %dma_wait3A_229 = arith.constant 0 : i32
        %dma_wait3A_230 = tpu.memref_slice %arg10[%run_scoped3A_178, %dma_wait3A_228, %dma_wait3A_229] : memref<2x128x128xf32, #tpu.memory_space<vmem>> -> memref<1x128x128xf32, #tpu.memory_space<vmem>>
        %dma_wait3A_231 = tpu.memref_squeeze %dma_wait3A_230 : memref<1x128x128xf32, #tpu.memory_space<vmem>> -> memref<128x128xf32, #tpu.memory_space<vmem>>
        %dma_wait3A_232 = arith.constant 0 : i32
        %dma_wait3A_233 = tpu.memref_slice %arg9[%mul3A_164, %dma_wait3A_232] : memref<40x128xi32, #tpu.memory_space<vmem>> -> memref<1x128xi32, #tpu.memory_space<vmem>>
        %dma_wait3A_234 = tpu.memref_squeeze %dma_wait3A_233 : memref<1x128xi32, #tpu.memory_space<vmem>> -> memref<128xi32, #tpu.memory_space<vmem>>
        %dma_wait3A_235 = arith.constant 0 : i32
        %dma_wait3A_236 = arith.constant 0 : i32
        %dma_wait3A_237 = tpu.memref_slice %arg7[%dma_wait3A_235, %dma_wait3A_236] : memref<10112x128xf32, #tpu.memory_space<vmem_shared>> -> memref<10112x128xf32, #tpu.memory_space<vmem_shared>>
        tpu.wait_indirect_dma semaphore(%run_scoped3A_217 : memref<!tpu.dma_semaphore, #tpu.memory_space<semaphore_mem>>) src(%dma_wait3A_231 : memref<128x128xf32, #tpu.memory_space<vmem>>) dst(%dma_wait3A_237 : memref<10112x128xf32, #tpu.memory_space<vmem_shared>>)
        tpu.yield
      }) : () -> ()
      %add3A_179 = arith.constant 2 : i32
      %add3A_180 = arith.addi %mul3A_164, %add3A_179 : i32
      %dma_start3A_181 = arith.constant 0 : i32
      %dma_start3A_182 = arith.constant 0 : i32
      %dma_start3A_183 = arith.constant 0 : i32
      %dma_start3A_184 = tpu.memref_slice %arg10[%dma_start3A_181, %dma_start3A_182, %dma_start3A_183] : memref<2x128x128xf32, #tpu.memory_space<vmem>> -> memref<1x128x128xf32, #tpu.memory_space<vmem>>
      %dma_start3A_185 = tpu.memref_squeeze %dma_start3A_184 : memref<1x128x128xf32, #tpu.memory_space<vmem>> -> memref<128x128xf32, #tpu.memory_space<vmem>>
      %dma_start3A_186 = arith.constant 0 : i32
      %dma_start3A_187 = tpu.memref_slice %arg8[%add3A_180, %dma_start3A_186] : memref<40x128xi32, #tpu.memory_space<vmem>> -> memref<1x128xi32, #tpu.memory_space<vmem>>
      %dma_start3A_188 = tpu.memref_squeeze %dma_start3A_187 : memref<1x128xi32, #tpu.memory_space<vmem>> -> memref<128xi32, #tpu.memory_space<vmem>>
      %dma_start3A_189 = arith.constant 0 : i32
      %dma_start3A_190 = arith.constant 0 : i32
      %dma_start3A_191 = tpu.memref_slice %arg2[%dma_start3A_189, %dma_start3A_190] : memref<10000x128xf32, #tpu.memory_space<hbm>> -> memref<10000x128xf32, #tpu.memory_space<hbm>>
      tpu.enqueue_indirect_dma source(%dma_start3A_191 : memref<10000x128xf32, #tpu.memory_space<hbm>>) target(%dma_start3A_185 : memref<128x128xf32, #tpu.memory_space<vmem>>) offsets(%dma_start3A_188 : memref<128xi32, #tpu.memory_space<vmem>>) semaphore(%arg11 : memref<!tpu.dma_semaphore, #tpu.memory_space<semaphore_mem>>)
      %dma_wait3A_192 = arith.constant 1 : i32
      %dma_wait3A_193 = arith.constant 0 : i32
      %dma_wait3A_194 = arith.constant 0 : i32
      %dma_wait3A_195 = tpu.memref_slice %arg10[%dma_wait3A_192, %dma_wait3A_193, %dma_wait3A_194] : memref<2x128x128xf32, #tpu.memory_space<vmem>> -> memref<1x128x128xf32, #tpu.memory_space<vmem>>
      %dma_wait3A_196 = tpu.memref_squeeze %dma_wait3A_195 : memref<1x128x128xf32, #tpu.memory_space<vmem>> -> memref<128x128xf32, #tpu.memory_space<vmem>>
      %dma_wait3A_197 = arith.constant 0 : i32
      %dma_wait3A_198 = tpu.memref_slice %arg8[%add3A_166, %dma_wait3A_197] : memref<40x128xi32, #tpu.memory_space<vmem>> -> memref<1x128xi32, #tpu.memory_space<vmem>>
      %dma_wait3A_199 = tpu.memref_squeeze %dma_wait3A_198 : memref<1x128xi32, #tpu.memory_space<vmem>> -> memref<128xi32, #tpu.memory_space<vmem>>
      %dma_wait3A_200 = arith.constant 0 : i32
      %dma_wait3A_201 = arith.constant 0 : i32
      %dma_wait3A_202 = tpu.memref_slice %arg2[%dma_wait3A_200, %dma_wait3A_201] : memref<10000x128xf32, #tpu.memory_space<hbm>> -> memref<10000x128xf32, #tpu.memory_space<hbm>>
      tpu.wait_indirect_dma semaphore(%arg12 : memref<!tpu.dma_semaphore, #tpu.memory_space<semaphore_mem>>) src(%dma_wait3A_202 : memref<10000x128xf32, #tpu.memory_space<hbm>>) dst(%dma_wait3A_196 : memref<128x128xf32, #tpu.memory_space<vmem>>)
      %run_scoped3A_203 = arith.constant 1 : i32
      "tpu.region"() ({
        %run_scoped3A_217 = tpu.sem_alloc : memref<!tpu.dma_semaphore, #tpu.memory_space<semaphore_mem>>
        %dma_start3A_218 = arith.constant 0 : i32
        %dma_start3A_219 = arith.constant 0 : i32
        %dma_start3A_220 = tpu.memref_slice %arg10[%run_scoped3A_203, %dma_start3A_218, %dma_start3A_219] : memref<2x128x128xf32, #tpu.memory_space<vmem>> -> memref<1x128x128xf32, #tpu.memory_space<vmem>>
        %dma_start3A_221 = tpu.memref_squeeze %dma_start3A_220 : memref<1x128x128xf32, #tpu.memory_space<vmem>> -> memref<128x128xf32, #tpu.memory_space<vmem>>
        %dma_start3A_222 = arith.constant 0 : i32
        %dma_start3A_223 = tpu.memref_slice %arg9[%add3A_166, %dma_start3A_222] : memref<40x128xi32, #tpu.memory_space<vmem>> -> memref<1x128xi32, #tpu.memory_space<vmem>>
        %dma_start3A_224 = tpu.memref_squeeze %dma_start3A_223 : memref<1x128xi32, #tpu.memory_space<vmem>> -> memref<128xi32, #tpu.memory_space<vmem>>
        %dma_start3A_225 = arith.constant 0 : i32
        %dma_start3A_226 = arith.constant 0 : i32
        %dma_start3A_227 = tpu.memref_slice %arg7[%dma_start3A_225, %dma_start3A_226] : memref<10112x128xf32, #tpu.memory_space<vmem_shared>> -> memref<10112x128xf32, #tpu.memory_space<vmem_shared>>
        tpu.enqueue_indirect_dma source(%dma_start3A_221 : memref<128x128xf32, #tpu.memory_space<vmem>>) target(%dma_start3A_227 : memref<10112x128xf32, #tpu.memory_space<vmem_shared>>) offsets(%dma_start3A_224 : memref<128xi32, #tpu.memory_space<vmem>>) semaphore(%run_scoped3A_217 : memref<!tpu.dma_semaphore, #tpu.memory_space<semaphore_mem>>) {add = true}
        %dma_wait3A_228 = arith.constant 0 : i32
        %dma_wait3A_229 = arith.constant 0 : i32
        %dma_wait3A_230 = tpu.memref_slice %arg10[%run_scoped3A_203, %dma_wait3A_228, %dma_wait3A_229] : memref<2x128x128xf32, #tpu.memory_space<vmem>> -> memref<1x128x128xf32, #tpu.memory_space<vmem>>
        %dma_wait3A_231 = tpu.memref_squeeze %dma_wait3A_230 : memref<1x128x128xf32, #tpu.memory_space<vmem>> -> memref<128x128xf32, #tpu.memory_space<vmem>>
        %dma_wait3A_232 = arith.constant 0 : i32
        %dma_wait3A_233 = tpu.memref_slice %arg9[%add3A_166, %dma_wait3A_232] : memref<40x128xi32, #tpu.memory_space<vmem>> -> memref<1x128xi32, #tpu.memory_space<vmem>>
        %dma_wait3A_234 = tpu.memref_squeeze %dma_wait3A_233 : memref<1x128xi32, #tpu.memory_space<vmem>> -> memref<128xi32, #tpu.memory_space<vmem>>
        %dma_wait3A_235 = arith.constant 0 : i32
        %dma_wait3A_236 = arith.constant 0 : i32
        %dma_wait3A_237 = tpu.memref_slice %arg7[%dma_wait3A_235, %dma_wait3A_236] : memref<10112x128xf32, #tpu.memory_space<vmem_shared>> -> memref<10112x128xf32, #tpu.memory_space<vmem_shared>>
        tpu.wait_indirect_dma semaphore(%run_scoped3A_217 : memref<!tpu.dma_semaphore, #tpu.memory_space<semaphore_mem>>) src(%dma_wait3A_231 : memref<128x128xf32, #tpu.memory_space<vmem>>) dst(%dma_wait3A_237 : memref<10112x128xf32, #tpu.memory_space<vmem_shared>>)
        tpu.yield
      }) : () -> ()
      %add3A_204 = arith.constant 2 : i32
      %add3A_205 = arith.addi %add3A_166, %add3A_204 : i32
      %dma_start3A_206 = arith.constant 1 : i32
      %dma_start3A_207 = arith.constant 0 : i32
      %dma_start3A_208 = arith.constant 0 : i32
      %dma_start3A_209 = tpu.memref_slice %arg10[%dma_start3A_206, %dma_start3A_207, %dma_start3A_208] : memref<2x128x128xf32, #tpu.memory_space<vmem>> -> memref<1x128x128xf32, #tpu.memory_space<vmem>>
      %dma_start3A_210 = tpu.memref_squeeze %dma_start3A_209 : memref<1x128x128xf32, #tpu.memory_space<vmem>> -> memref<128x128xf32, #tpu.memory_space<vmem>>
      %dma_start3A_211 = arith.constant 0 : i32
      %dma_start3A_212 = tpu.memref_slice %arg8[%add3A_205, %dma_start3A_211] : memref<40x128xi32, #tpu.memory_space<vmem>> -> memref<1x128xi32, #tpu.memory_space<vmem>>
      %dma_start3A_213 = tpu.memref_squeeze %dma_start3A_212 : memref<1x128xi32, #tpu.memory_space<vmem>> -> memref<128xi32, #tpu.memory_space<vmem>>
      %dma_start3A_214 = arith.constant 0 : i32
      %dma_start3A_215 = arith.constant 0 : i32
      %dma_start3A_216 = tpu.memref_slice %arg2[%dma_start3A_214, %dma_start3A_215] : memref<10000x128xf32, #tpu.memory_space<hbm>> -> memref<10000x128xf32, #tpu.memory_space<hbm>>
      tpu.enqueue_indirect_dma source(%dma_start3A_216 : memref<10000x128xf32, #tpu.memory_space<hbm>>) target(%dma_start3A_210 : memref<128x128xf32, #tpu.memory_space<vmem>>) offsets(%dma_start3A_213 : memref<128xi32, #tpu.memory_space<vmem>>) semaphore(%arg12 : memref<!tpu.dma_semaphore, #tpu.memory_space<semaphore_mem>>)
    }
    %scan3A_128 = arith.constant 19 : i32
    %dma_wait3A_129 = arith.constant 38 : i32
    %dma_wait3A_130 = arith.constant 0 : i32
    %dma_wait3A_131 = arith.constant 0 : i32
    %dma_wait3A_132 = arith.constant 0 : i32
    %dma_wait3A_133 = tpu.memref_slice %arg10[%dma_wait3A_130, %dma_wait3A_131, %dma_wait3A_132] : memref<2x128x128xf32, #tpu.memory_space<vmem>> -> memref<1x128x128xf32, #tpu.memory_space<vmem>>
    %dma_wait3A_134 = tpu.memref_squeeze %dma_wait3A_133 : memref<1x128x128xf32, #tpu.memory_space<vmem>> -> memref<128x128xf32, #tpu.memory_space<vmem>>
    %dma_wait3A_135 = arith.constant 0 : i32
    %dma_wait3A_136 = tpu.memref_slice %arg8[%dma_wait3A_129, %dma_wait3A_135] : memref<40x128xi32, #tpu.memory_space<vmem>> -> memref<1x128xi32, #tpu.memory_space<vmem>>
    %dma_wait3A_137 = tpu.memref_squeeze %dma_wait3A_136 : memref<1x128xi32, #tpu.memory_space<vmem>> -> memref<128xi32, #tpu.memory_space<vmem>>
    %dma_wait3A_138 = arith.constant 0 : i32
    %dma_wait3A_139 = arith.constant 0 : i32
    %dma_wait3A_140 = tpu.memref_slice %arg2[%dma_wait3A_138, %dma_wait3A_139] : memref<10000x128xf32, #tpu.memory_space<hbm>> -> memref<10000x128xf32, #tpu.memory_space<hbm>>
    tpu.wait_indirect_dma semaphore(%arg11 : memref<!tpu.dma_semaphore, #tpu.memory_space<semaphore_mem>>) src(%dma_wait3A_140 : memref<10000x128xf32, #tpu.memory_space<hbm>>) dst(%dma_wait3A_134 : memref<128x128xf32, #tpu.memory_space<vmem>>)
    %run_scoped3A_141 = arith.constant 0 : i32
    %run_scoped3A_142 = arith.constant 38 : i32
    "tpu.region"() ({
      %run_scoped3A_162 = tpu.sem_alloc : memref<!tpu.dma_semaphore, #tpu.memory_space<semaphore_mem>>
      %dma_start3A_163 = arith.constant 0 : i32
      %dma_start3A_164 = arith.constant 0 : i32
      %dma_start3A_165 = tpu.memref_slice %arg10[%run_scoped3A_141, %dma_start3A_163, %dma_start3A_164] : memref<2x128x128xf32, #tpu.memory_space<vmem>> -> memref<1x128x128xf32, #tpu.memory_space<vmem>>
      %dma_start3A_166 = tpu.memref_squeeze %dma_start3A_165 : memref<1x128x128xf32, #tpu.memory_space<vmem>> -> memref<128x128xf32, #tpu.memory_space<vmem>>
      %dma_start3A_167 = arith.constant 0 : i32
      %dma_start3A_168 = tpu.memref_slice %arg9[%run_scoped3A_142, %dma_start3A_167] : memref<40x128xi32, #tpu.memory_space<vmem>> -> memref<1x128xi32, #tpu.memory_space<vmem>>
      %dma_start3A_169 = tpu.memref_squeeze %dma_start3A_168 : memref<1x128xi32, #tpu.memory_space<vmem>> -> memref<128xi32, #tpu.memory_space<vmem>>
      %dma_start3A_170 = arith.constant 0 : i32
      %dma_start3A_171 = arith.constant 0 : i32
      %dma_start3A_172 = tpu.memref_slice %arg7[%dma_start3A_170, %dma_start3A_171] : memref<10112x128xf32, #tpu.memory_space<vmem_shared>> -> memref<10112x128xf32, #tpu.memory_space<vmem_shared>>
      tpu.enqueue_indirect_dma source(%dma_start3A_166 : memref<128x128xf32, #tpu.memory_space<vmem>>) target(%dma_start3A_172 : memref<10112x128xf32, #tpu.memory_space<vmem_shared>>) offsets(%dma_start3A_169 : memref<128xi32, #tpu.memory_space<vmem>>) semaphore(%run_scoped3A_162 : memref<!tpu.dma_semaphore, #tpu.memory_space<semaphore_mem>>) {add = true}
      %dma_wait3A_173 = arith.constant 0 : i32
      %dma_wait3A_174 = arith.constant 0 : i32
      %dma_wait3A_175 = tpu.memref_slice %arg10[%run_scoped3A_141, %dma_wait3A_173, %dma_wait3A_174] : memref<2x128x128xf32, #tpu.memory_space<vmem>> -> memref<1x128x128xf32, #tpu.memory_space<vmem>>
      %dma_wait3A_176 = tpu.memref_squeeze %dma_wait3A_175 : memref<1x128x128xf32, #tpu.memory_space<vmem>> -> memref<128x128xf32, #tpu.memory_space<vmem>>
      %dma_wait3A_177 = arith.constant 0 : i32
      %dma_wait3A_178 = tpu.memref_slice %arg9[%run_scoped3A_142, %dma_wait3A_177] : memref<40x128xi32, #tpu.memory_space<vmem>> -> memref<1x128xi32, #tpu.memory_space<vmem>>
      %dma_wait3A_179 = tpu.memref_squeeze %dma_wait3A_178 : memref<1x128xi32, #tpu.memory_space<vmem>> -> memref<128xi32, #tpu.memory_space<vmem>>
      %dma_wait3A_180 = arith.constant 0 : i32
      %dma_wait3A_181 = arith.constant 0 : i32
      %dma_wait3A_182 = tpu.memref_slice %arg7[%dma_wait3A_180, %dma_wait3A_181] : memref<10112x128xf32, #tpu.memory_space<vmem_shared>> -> memref<10112x128xf32, #tpu.memory_space<vmem_shared>>
      tpu.wait_indirect_dma semaphore(%run_scoped3A_162 : memref<!tpu.dma_semaphore, #tpu.memory_space<semaphore_mem>>) src(%dma_wait3A_176 : memref<128x128xf32, #tpu.memory_space<vmem>>) dst(%dma_wait3A_182 : memref<10112x128xf32, #tpu.memory_space<vmem_shared>>)
      tpu.yield
    }) : () -> ()
    %dma_wait3A_143 = arith.constant 39 : i32
    %dma_wait3A_144 = arith.constant 1 : i32
    %dma_wait3A_145 = arith.constant 0 : i32
    %dma_wait3A_146 = arith.constant 0 : i32
    %dma_wait3A_147 = tpu.memref_slice %arg10[%dma_wait3A_144, %dma_wait3A_145, %dma_wait3A_146] : memref<2x128x128xf32, #tpu.memory_space<vmem>> -> memref<1x128x128xf32, #tpu.memory_space<vmem>>
    %dma_wait3A_148 = tpu.memref_squeeze %dma_wait3A_147 : memref<1x128x128xf32, #tpu.memory_space<vmem>> -> memref<128x128xf32, #tpu.memory_space<vmem>>
    %dma_wait3A_149 = arith.constant 0 : i32
    %dma_wait3A_150 = tpu.memref_slice %arg8[%dma_wait3A_143, %dma_wait3A_149] : memref<40x128xi32, #tpu.memory_space<vmem>> -> memref<1x128xi32, #tpu.memory_space<vmem>>
    %dma_wait3A_151 = tpu.memref_squeeze %dma_wait3A_150 : memref<1x128xi32, #tpu.memory_space<vmem>> -> memref<128xi32, #tpu.memory_space<vmem>>
    %dma_wait3A_152 = arith.constant 0 : i32
    %dma_wait3A_153 = arith.constant 0 : i32
    %dma_wait3A_154 = tpu.memref_slice %arg2[%dma_wait3A_152, %dma_wait3A_153] : memref<10000x128xf32, #tpu.memory_space<hbm>> -> memref<10000x128xf32, #tpu.memory_space<hbm>>
    tpu.wait_indirect_dma semaphore(%arg12 : memref<!tpu.dma_semaphore, #tpu.memory_space<semaphore_mem>>) src(%dma_wait3A_154 : memref<10000x128xf32, #tpu.memory_space<hbm>>) dst(%dma_wait3A_148 : memref<128x128xf32, #tpu.memory_space<vmem>>)
    %run_scoped3A_155 = arith.constant 1 : i32
    %run_scoped3A_156 = arith.constant 39 : i32
    "tpu.region"() ({
      %run_scoped3A_162 = tpu.sem_alloc : memref<!tpu.dma_semaphore, #tpu.memory_space<semaphore_mem>>
      %dma_start3A_163 = arith.constant 0 : i32
      %dma_start3A_164 = arith.constant 0 : i32
      %dma_start3A_165 = tpu.memref_slice %arg10[%run_scoped3A_155, %dma_start3A_163, %dma_start3A_164] : memref<2x128x128xf32, #tpu.memory_space<vmem>> -> memref<1x128x128xf32, #tpu.memory_space<vmem>>
      %dma_start3A_166 = tpu.memref_squeeze %dma_start3A_165 : memref<1x128x128xf32, #tpu.memory_space<vmem>> -> memref<128x128xf32, #tpu.memory_space<vmem>>
      %dma_start3A_167 = arith.constant 0 : i32
      %dma_start3A_168 = tpu.memref_slice %arg9[%run_scoped3A_156, %dma_start3A_167] : memref<40x128xi32, #tpu.memory_space<vmem>> -> memref<1x128xi32, #tpu.memory_space<vmem>>
      %dma_start3A_169 = tpu.memref_squeeze %dma_start3A_168 : memref<1x128xi32, #tpu.memory_space<vmem>> -> memref<128xi32, #tpu.memory_space<vmem>>
      %dma_start3A_170 = arith.constant 0 : i32
      %dma_start3A_171 = arith.constant 0 : i32
      %dma_start3A_172 = tpu.memref_slice %arg7[%dma_start3A_170, %dma_start3A_171] : memref<10112x128xf32, #tpu.memory_space<vmem_shared>> -> memref<10112x128xf32, #tpu.memory_space<vmem_shared>>
      tpu.enqueue_indirect_dma source(%dma_start3A_166 : memref<128x128xf32, #tpu.memory_space<vmem>>) target(%dma_start3A_172 : memref<10112x128xf32, #tpu.memory_space<vmem_shared>>) offsets(%dma_start3A_169 : memref<128xi32, #tpu.memory_space<vmem>>) semaphore(%run_scoped3A_162 : memref<!tpu.dma_semaphore, #tpu.memory_space<semaphore_mem>>) {add = true}
      %dma_wait3A_173 = arith.constant 0 : i32
      %dma_wait3A_174 = arith.constant 0 : i32
      %dma_wait3A_175 = tpu.memref_slice %arg10[%run_scoped3A_155, %dma_wait3A_173, %dma_wait3A_174] : memref<2x128x128xf32, #tpu.memory_space<vmem>> -> memref<1x128x128xf32, #tpu.memory_space<vmem>>
      %dma_wait3A_176 = tpu.memref_squeeze %dma_wait3A_175 : memref<1x128x128xf32, #tpu.memory_space<vmem>> -> memref<128x128xf32, #tpu.memory_space<vmem>>
      %dma_wait3A_177 = arith.constant 0 : i32
      %dma_wait3A_178 = tpu.memref_slice %arg9[%run_scoped3A_156, %dma_wait3A_177] : memref<40x128xi32, #tpu.memory_space<vmem>> -> memref<1x128xi32, #tpu.memory_space<vmem>>
      %dma_wait3A_179 = tpu.memref_squeeze %dma_wait3A_178 : memref<1x128xi32, #tpu.memory_space<vmem>> -> memref<128xi32, #tpu.memory_space<vmem>>
      %dma_wait3A_180 = arith.constant 0 : i32
      %dma_wait3A_181 = arith.constant 0 : i32
      %dma_wait3A_182 = tpu.memref_slice %arg7[%dma_wait3A_180, %dma_wait3A_181] : memref<10112x128xf32, #tpu.memory_space<vmem_shared>> -> memref<10112x128xf32, #tpu.memory_space<vmem_shared>>
      tpu.wait_indirect_dma semaphore(%run_scoped3A_162 : memref<!tpu.dma_semaphore, #tpu.memory_space<semaphore_mem>>) src(%dma_wait3A_176 : memref<128x128xf32, #tpu.memory_space<vmem>>) dst(%dma_wait3A_182 : memref<10112x128xf32, #tpu.memory_space<vmem_shared>>)
      tpu.yield
    }) : () -> ()
    %barrier3A_157 = arith.constant 0 : index
    tpu.barrier barrier_id(%barrier3A_157)
    %mul3A_158 = arith.constant 632 : i32
    %mul3A_159 = arith.muli %arg1, %mul3A_158 : i32
    %mul3A_160 = arith.constant 632 : i32
    %mul3A_161 = arith.muli %arg1, %mul3A_160 : i32
    "tpu.region"() ({
      %run_scoped3A_162 = tpu.sem_alloc : memref<!tpu.dma_semaphore, #tpu.memory_space<semaphore_mem>>
      %dma_start3A_163 = arith.constant 0 : i32
      %dma_start3A_164 = tpu.memref_slice %arg6[%arg0, %mul3A_161, %dma_start3A_163] : memref<2x10112x128xf32, #tpu.memory_space<hbm>> -> memref<1x632x128xf32, #tpu.memory_space<hbm>>
      %dma_start3A_165 = tpu.memref_squeeze %dma_start3A_164 : memref<1x632x128xf32, #tpu.memory_space<hbm>> -> memref<632x128xf32, #tpu.memory_space<hbm>>
      %dma_start3A_166 = arith.constant 0 : i32
      %dma_start3A_167 = tpu.memref_slice %arg7[%mul3A_159, %dma_start3A_166] : memref<10112x128xf32, #tpu.memory_space<vmem_shared>> -> memref<632x128xf32, #tpu.memory_space<vmem_shared>>
      tpu.enqueue_dma source(%dma_start3A_167 : memref<632x128xf32, #tpu.memory_space<vmem_shared>>) target(%dma_start3A_165 : memref<632x128xf32, #tpu.memory_space<hbm>>) target_semaphore(%run_scoped3A_162 : memref<!tpu.dma_semaphore, #tpu.memory_space<semaphore_mem>>)
      %dma_wait3A_168 = arith.constant 0 : i32
      %dma_wait3A_169 = tpu.memref_slice %arg6[%arg0, %mul3A_161, %dma_wait3A_168] : memref<2x10112x128xf32, #tpu.memory_space<hbm>> -> memref<1x632x128xf32, #tpu.memory_space<hbm>>
      %dma_wait3A_170 = tpu.memref_squeeze %dma_wait3A_169 : memref<1x632x128xf32, #tpu.memory_space<hbm>> -> memref<632x128xf32, #tpu.memory_space<hbm>>
      %dma_wait3A_171 = arith.constant 0 : i32
      %dma_wait3A_172 = tpu.memref_slice %arg7[%mul3A_159, %dma_wait3A_171] : memref<10112x128xf32, #tpu.memory_space<vmem_shared>> -> memref<632x128xf32, #tpu.memory_space<vmem_shared>>
      tpu.wait_dma2 semaphore(%run_scoped3A_162 : memref<!tpu.dma_semaphore, #tpu.memory_space<semaphore_mem>>) src(%dma_wait3A_172 : memref<632x128xf32, #tpu.memory_space<vmem_shared>>) dst(%dma_wait3A_170 : memref<632x128xf32, #tpu.memory_space<hbm>>)
      tpu.yield
    }) : () -> ()
    return
  }
}

#map = affine_map<(d0, d1) -> (0, 0)>
#map1 = affine_map<(d0, d1) -> (0, 0, 0)>
module attributes {stable_mosaic.version = 14 : i64} {
  func.func @_sc_degree_body(%arg0: i32, %arg1: i32, %arg2: memref<2560x128xi32, #tpu.memory_space<hbm>>, %arg3: memref<128x16xf32, #tpu.memory_space<hbm>>, %arg4: memref<10112x16xf32, #tpu.memory_space<hbm>>, %arg5: memref<2x10112x16xf32, #tpu.memory_space<hbm>>, %arg6: memref<10112x16xf32, #tpu.memory_space<vmem_shared>>, %arg7: memref<80x128xi32, #tpu.memory_space<vmem>>, %arg8: memref<128x16xf32, #tpu.memory_space<vmem>>, %arg9: memref<!tpu.dma_semaphore, #tpu.memory_space<semaphore_mem>>) attributes {dimension_semantics = [#tpu.dimension_semantics<core_parallel>, #tpu.dimension_semantics<subcore_parallel>], iteration_bounds = array<i64: 2, 16>, scalar_prefetch = 0 : i64, scratch_operands = 4 : i64, tpu.core_type = #tpu.core_type<sc_vector_subcore>, window_params = [{transform_indices = #map}, {transform_indices = #map}, {transform_indices = #map}, {transform_indices = #map1}]} {
    %mul3A = arith.constant 16 : i32
    %mul3A_0 = arith.muli %arg0, %mul3A : i32
    %add3A = arith.addi %mul3A_0, %arg1 : i32
    %mul3A_1 = arith.constant 80 : i32
    %mul3A_2 = arith.muli %add3A, %mul3A_1 : i32
    %dma_start3A = arith.constant 0 : i32
    %dma_start3A_3 = tpu.memref_slice %arg2[%mul3A_2, %dma_start3A] : memref<2560x128xi32, #tpu.memory_space<hbm>> -> memref<80x128xi32, #tpu.memory_space<hbm>>
    %dma_start3A_4 = arith.constant 0 : i32
    %dma_start3A_5 = tpu.memref_slice %arg2[%mul3A_2, %dma_start3A_4] : memref<2560x128xi32, #tpu.memory_space<hbm>> -> memref<80x128xi32, #tpu.memory_space<hbm>>
    tpu.enqueue_dma source(%dma_start3A_5 : memref<80x128xi32, #tpu.memory_space<hbm>>) target(%arg7 : memref<80x128xi32, #tpu.memory_space<vmem>>) target_semaphore(%arg9 : memref<!tpu.dma_semaphore, #tpu.memory_space<semaphore_mem>>)
    %dma_wait3A = arith.constant 0 : i32
    %dma_wait3A_6 = tpu.memref_slice %arg2[%mul3A_2, %dma_wait3A] : memref<2560x128xi32, #tpu.memory_space<hbm>> -> memref<80x128xi32, #tpu.memory_space<hbm>>
    %dma_wait3A_7 = arith.constant 0 : i32
    %dma_wait3A_8 = tpu.memref_slice %arg2[%mul3A_2, %dma_wait3A_7] : memref<2560x128xi32, #tpu.memory_space<hbm>> -> memref<80x128xi32, #tpu.memory_space<hbm>>
    tpu.wait_dma2 semaphore(%arg9 : memref<!tpu.dma_semaphore, #tpu.memory_space<semaphore_mem>>) src(%dma_wait3A_8 : memref<80x128xi32, #tpu.memory_space<hbm>>) dst(%arg7 : memref<80x128xi32, #tpu.memory_space<vmem>>)
    tpu.enqueue_dma source(%arg3 : memref<128x16xf32, #tpu.memory_space<hbm>>) target(%arg8 : memref<128x16xf32, #tpu.memory_space<vmem>>) target_semaphore(%arg9 : memref<!tpu.dma_semaphore, #tpu.memory_space<semaphore_mem>>)
    tpu.wait_dma2 semaphore(%arg9 : memref<!tpu.dma_semaphore, #tpu.memory_space<semaphore_mem>>) src(%arg3 : memref<128x16xf32, #tpu.memory_space<hbm>>) dst(%arg8 : memref<128x16xf32, #tpu.memory_space<vmem>>)
    %mul3A_9 = arith.constant 632 : i32
    %mul3A_10 = arith.muli %arg1, %mul3A_9 : i32
    %mul3A_11 = arith.constant 632 : i32
    %mul3A_12 = arith.muli %arg1, %mul3A_11 : i32
    "tpu.region"() ({
      %run_scoped3A = tpu.sem_alloc : memref<!tpu.dma_semaphore, #tpu.memory_space<semaphore_mem>>
      %dma_start3A_23 = arith.constant 0 : i32
      %dma_start3A_24 = tpu.memref_slice %arg6[%mul3A_12, %dma_start3A_23] : memref<10112x16xf32, #tpu.memory_space<vmem_shared>> -> memref<632x16xf32, #tpu.memory_space<vmem_shared>>
      %dma_start3A_25 = arith.constant 0 : i32
      %dma_start3A_26 = tpu.memref_slice %arg4[%mul3A_10, %dma_start3A_25] : memref<10112x16xf32, #tpu.memory_space<hbm>> -> memref<632x16xf32, #tpu.memory_space<hbm>>
      tpu.enqueue_dma source(%dma_start3A_26 : memref<632x16xf32, #tpu.memory_space<hbm>>) target(%dma_start3A_24 : memref<632x16xf32, #tpu.memory_space<vmem_shared>>) target_semaphore(%run_scoped3A : memref<!tpu.dma_semaphore, #tpu.memory_space<semaphore_mem>>)
      %dma_wait3A_27 = arith.constant 0 : i32
      %dma_wait3A_28 = tpu.memref_slice %arg6[%mul3A_12, %dma_wait3A_27] : memref<10112x16xf32, #tpu.memory_space<vmem_shared>> -> memref<632x16xf32, #tpu.memory_space<vmem_shared>>
      %dma_wait3A_29 = arith.constant 0 : i32
      %dma_wait3A_30 = tpu.memref_slice %arg4[%mul3A_10, %dma_wait3A_29] : memref<10112x16xf32, #tpu.memory_space<hbm>> -> memref<632x16xf32, #tpu.memory_space<hbm>>
      tpu.wait_dma2 semaphore(%run_scoped3A : memref<!tpu.dma_semaphore, #tpu.memory_space<semaphore_mem>>) src(%dma_wait3A_30 : memref<632x16xf32, #tpu.memory_space<hbm>>) dst(%dma_wait3A_28 : memref<632x16xf32, #tpu.memory_space<vmem_shared>>)
      tpu.yield
    }) : () -> ()
    %barrier3A = arith.constant 0 : index
    tpu.barrier barrier_id(%barrier3A)
    %scan3A = arith.constant 0 : i32
    %scan3A_13 = arith.constant 0 : i32
    %scan3A_14 = arith.constant 80 : i32
    %scan3A_15 = arith.addi %scan3A_13, %scan3A_14 : i32
    %scan3A_16 = arith.constant 1 : i32
    scf.for %scan3A_23 = %scan3A_13 to %scan3A_15 step %scan3A_16  : i32 {
      "tpu.region"() ({
        %run_scoped3A = tpu.sem_alloc : memref<!tpu.dma_semaphore, #tpu.memory_space<semaphore_mem>>
        %dma_start3A_24 = arith.constant 0 : i32
        %dma_start3A_25 = tpu.memref_slice %arg7[%scan3A_23, %dma_start3A_24] : memref<80x128xi32, #tpu.memory_space<vmem>> -> memref<1x128xi32, #tpu.memory_space<vmem>>
        %dma_start3A_26 = tpu.memref_squeeze %dma_start3A_25 : memref<1x128xi32, #tpu.memory_space<vmem>> -> memref<128xi32, #tpu.memory_space<vmem>>
        %dma_start3A_27 = arith.constant 0 : i32
        %dma_start3A_28 = arith.constant 0 : i32
        %dma_start3A_29 = tpu.memref_slice %arg6[%dma_start3A_27, %dma_start3A_28] : memref<10112x16xf32, #tpu.memory_space<vmem_shared>> -> memref<10112x16xf32, #tpu.memory_space<vmem_shared>>
        tpu.enqueue_indirect_dma source(%arg8 : memref<128x16xf32, #tpu.memory_space<vmem>>) target(%dma_start3A_29 : memref<10112x16xf32, #tpu.memory_space<vmem_shared>>) offsets(%dma_start3A_26 : memref<128xi32, #tpu.memory_space<vmem>>) semaphore(%run_scoped3A : memref<!tpu.dma_semaphore, #tpu.memory_space<semaphore_mem>>) {add = true}
        %dma_wait3A_30 = arith.constant 0 : i32
        %dma_wait3A_31 = tpu.memref_slice %arg7[%scan3A_23, %dma_wait3A_30] : memref<80x128xi32, #tpu.memory_space<vmem>> -> memref<1x128xi32, #tpu.memory_space<vmem>>
        %dma_wait3A_32 = tpu.memref_squeeze %dma_wait3A_31 : memref<1x128xi32, #tpu.memory_space<vmem>> -> memref<128xi32, #tpu.memory_space<vmem>>
        %dma_wait3A_33 = arith.constant 0 : i32
        %dma_wait3A_34 = arith.constant 0 : i32
        %dma_wait3A_35 = tpu.memref_slice %arg6[%dma_wait3A_33, %dma_wait3A_34] : memref<10112x16xf32, #tpu.memory_space<vmem_shared>> -> memref<10112x16xf32, #tpu.memory_space<vmem_shared>>
        tpu.wait_indirect_dma semaphore(%run_scoped3A : memref<!tpu.dma_semaphore, #tpu.memory_space<semaphore_mem>>) src(%arg8 : memref<128x16xf32, #tpu.memory_space<vmem>>) dst(%dma_wait3A_35 : memref<10112x16xf32, #tpu.memory_space<vmem_shared>>)
        tpu.yield
      }) : () -> ()
    }
    %scan3A_17 = arith.constant 80 : i32
    %barrier3A_18 = arith.constant 0 : index
    tpu.barrier barrier_id(%barrier3A_18)
    %mul3A_19 = arith.constant 632 : i32
    %mul3A_20 = arith.muli %arg1, %mul3A_19 : i32
    %mul3A_21 = arith.constant 632 : i32
    %mul3A_22 = arith.muli %arg1, %mul3A_21 : i32
    "tpu.region"() ({
      %run_scoped3A = tpu.sem_alloc : memref<!tpu.dma_semaphore, #tpu.memory_space<semaphore_mem>>
      %dma_start3A_23 = arith.constant 0 : i32
      %dma_start3A_24 = tpu.memref_slice %arg5[%arg0, %mul3A_22, %dma_start3A_23] : memref<2x10112x16xf32, #tpu.memory_space<hbm>> -> memref<1x632x16xf32, #tpu.memory_space<hbm>>
      %dma_start3A_25 = tpu.memref_squeeze %dma_start3A_24 : memref<1x632x16xf32, #tpu.memory_space<hbm>> -> memref<632x16xf32, #tpu.memory_space<hbm>>
      %dma_start3A_26 = arith.constant 0 : i32
      %dma_start3A_27 = tpu.memref_slice %arg6[%mul3A_20, %dma_start3A_26] : memref<10112x16xf32, #tpu.memory_space<vmem_shared>> -> memref<632x16xf32, #tpu.memory_space<vmem_shared>>
      tpu.enqueue_dma source(%dma_start3A_27 : memref<632x16xf32, #tpu.memory_space<vmem_shared>>) target(%dma_start3A_25 : memref<632x16xf32, #tpu.memory_space<hbm>>) target_semaphore(%run_scoped3A : memref<!tpu.dma_semaphore, #tpu.memory_space<semaphore_mem>>)
      %dma_wait3A_28 = arith.constant 0 : i32
      %dma_wait3A_29 = tpu.memref_slice %arg5[%arg0, %mul3A_22, %dma_wait3A_28] : memref<2x10112x16xf32, #tpu.memory_space<hbm>> -> memref<1x632x16xf32, #tpu.memory_space<hbm>>
      %dma_wait3A_30 = tpu.memref_squeeze %dma_wait3A_29 : memref<1x632x16xf32, #tpu.memory_space<hbm>> -> memref<632x16xf32, #tpu.memory_space<hbm>>
      %dma_wait3A_31 = arith.constant 0 : i32
      %dma_wait3A_32 = tpu.memref_slice %arg6[%mul3A_20, %dma_wait3A_31] : memref<10112x16xf32, #tpu.memory_space<vmem_shared>> -> memref<632x16xf32, #tpu.memory_space<vmem_shared>>
      tpu.wait_dma2 semaphore(%run_scoped3A : memref<!tpu.dma_semaphore, #tpu.memory_space<semaphore_mem>>) src(%dma_wait3A_32 : memref<632x16xf32, #tpu.memory_space<vmem_shared>>) dst(%dma_wait3A_30 : memref<632x16xf32, #tpu.memory_space<hbm>>)
      tpu.yield
    }) : () -> ()
    return
  }
}

#map = affine_map<(d0, d1) -> (0, 0)>
#map1 = affine_map<(d0, d1) -> (0, 0, 0)>
module attributes {stable_mosaic.version = 14 : i64} {
  func.func @_sc_spmm_body(%arg0: i32, %arg1: i32, %arg2: memref<10000x128xf32, #tpu.memory_space<hbm>>, %arg3: memref<2560x128xi32, #tpu.memory_space<hbm>>, %arg4: memref<2560x128xi32, #tpu.memory_space<hbm>>, %arg5: memref<10112x128xf32, #tpu.memory_space<hbm>>, %arg6: memref<2x10112x128xf32, #tpu.memory_space<hbm>>, %arg7: memref<10112x128xf32, #tpu.memory_space<vmem_shared>>, %arg8: memref<40x128xi32, #tpu.memory_space<vmem>>, %arg9: memref<40x128xi32, #tpu.memory_space<vmem>>, %arg10: memref<2x128x128xf32, #tpu.memory_space<vmem>>, %arg11: memref<!tpu.dma_semaphore, #tpu.memory_space<semaphore_mem>>, %arg12: memref<!tpu.dma_semaphore, #tpu.memory_space<semaphore_mem>>) attributes {dimension_semantics = [#tpu.dimension_semantics<core_parallel>, #tpu.dimension_semantics<subcore_parallel>], iteration_bounds = array<i64: 2, 16>, scalar_prefetch = 0 : i64, scratch_operands = 6 : i64, tpu.core_type = #tpu.core_type<sc_vector_subcore>, window_params = [{transform_indices = #map}, {transform_indices = #map}, {transform_indices = #map}, {transform_indices = #map}, {transform_indices = #map1}]} {
    %mul3A = arith.constant 16 : i32
    %mul3A_0 = arith.muli %arg0, %mul3A : i32
    %add3A = arith.addi %mul3A_0, %arg1 : i32
    %mul3A_1 = arith.constant 632 : i32
    %mul3A_2 = arith.muli %arg1, %mul3A_1 : i32
    %mul3A_3 = arith.constant 632 : i32
    %mul3A_4 = arith.muli %arg1, %mul3A_3 : i32
    "tpu.region"() ({
      %run_scoped3A_162 = tpu.sem_alloc : memref<!tpu.dma_semaphore, #tpu.memory_space<semaphore_mem>>
      %dma_start3A_163 = arith.constant 0 : i32
      %dma_start3A_164 = tpu.memref_slice %arg7[%mul3A_4, %dma_start3A_163] : memref<10112x128xf32, #tpu.memory_space<vmem_shared>> -> memref<632x128xf32, #tpu.memory_space<vmem_shared>>
      %dma_start3A_165 = arith.constant 0 : i32
      %dma_start3A_166 = tpu.memref_slice %arg5[%mul3A_2, %dma_start3A_165] : memref<10112x128xf32, #tpu.memory_space<hbm>> -> memref<632x128xf32, #tpu.memory_space<hbm>>
      tpu.enqueue_dma source(%dma_start3A_166 : memref<632x128xf32, #tpu.memory_space<hbm>>) target(%dma_start3A_164 : memref<632x128xf32, #tpu.memory_space<vmem_shared>>) target_semaphore(%run_scoped3A_162 : memref<!tpu.dma_semaphore, #tpu.memory_space<semaphore_mem>>)
      %dma_wait3A_167 = arith.constant 0 : i32
      %dma_wait3A_168 = tpu.memref_slice %arg7[%mul3A_4, %dma_wait3A_167] : memref<10112x128xf32, #tpu.memory_space<vmem_shared>> -> memref<632x128xf32, #tpu.memory_space<vmem_shared>>
      %dma_wait3A_169 = arith.constant 0 : i32
      %dma_wait3A_170 = tpu.memref_slice %arg5[%mul3A_2, %dma_wait3A_169] : memref<10112x128xf32, #tpu.memory_space<hbm>> -> memref<632x128xf32, #tpu.memory_space<hbm>>
      tpu.wait_dma2 semaphore(%run_scoped3A_162 : memref<!tpu.dma_semaphore, #tpu.memory_space<semaphore_mem>>) src(%dma_wait3A_170 : memref<632x128xf32, #tpu.memory_space<hbm>>) dst(%dma_wait3A_168 : memref<632x128xf32, #tpu.memory_space<vmem_shared>>)
      tpu.yield
    }) : () -> ()
    %barrier3A = arith.constant 0 : index
    tpu.barrier barrier_id(%barrier3A)
    %mul3A_5 = arith.constant 80 : i32
    %mul3A_6 = arith.muli %add3A, %mul3A_5 : i32
    %add3A_7 = arith.constant 0 : i32
    %add3A_8 = arith.addi %mul3A_6, %add3A_7 : i32
    %dma_start3A = arith.constant 0 : i32
    %dma_start3A_9 = tpu.memref_slice %arg3[%add3A_8, %dma_start3A] : memref<2560x128xi32, #tpu.memory_space<hbm>> -> memref<40x128xi32, #tpu.memory_space<hbm>>
    %dma_start3A_10 = arith.constant 0 : i32
    %dma_start3A_11 = tpu.memref_slice %arg3[%add3A_8, %dma_start3A_10] : memref<2560x128xi32, #tpu.memory_space<hbm>> -> memref<40x128xi32, #tpu.memory_space<hbm>>
    tpu.enqueue_dma source(%dma_start3A_11 : memref<40x128xi32, #tpu.memory_space<hbm>>) target(%arg8 : memref<40x128xi32, #tpu.memory_space<vmem>>) target_semaphore(%arg11 : memref<!tpu.dma_semaphore, #tpu.memory_space<semaphore_mem>>)
    %dma_wait3A = arith.constant 0 : i32
    %dma_wait3A_12 = tpu.memref_slice %arg3[%add3A_8, %dma_wait3A] : memref<2560x128xi32, #tpu.memory_space<hbm>> -> memref<40x128xi32, #tpu.memory_space<hbm>>
    %dma_wait3A_13 = arith.constant 0 : i32
    %dma_wait3A_14 = tpu.memref_slice %arg3[%add3A_8, %dma_wait3A_13] : memref<2560x128xi32, #tpu.memory_space<hbm>> -> memref<40x128xi32, #tpu.memory_space<hbm>>
    tpu.wait_dma2 semaphore(%arg11 : memref<!tpu.dma_semaphore, #tpu.memory_space<semaphore_mem>>) src(%dma_wait3A_14 : memref<40x128xi32, #tpu.memory_space<hbm>>) dst(%arg8 : memref<40x128xi32, #tpu.memory_space<vmem>>)
    %dma_start3A_15 = arith.constant 0 : i32
    %dma_start3A_16 = tpu.memref_slice %arg4[%add3A_8, %dma_start3A_15] : memref<2560x128xi32, #tpu.memory_space<hbm>> -> memref<40x128xi32, #tpu.memory_space<hbm>>
    %dma_start3A_17 = arith.constant 0 : i32
    %dma_start3A_18 = tpu.memref_slice %arg4[%add3A_8, %dma_start3A_17] : memref<2560x128xi32, #tpu.memory_space<hbm>> -> memref<40x128xi32, #tpu.memory_space<hbm>>
    tpu.enqueue_dma source(%dma_start3A_18 : memref<40x128xi32, #tpu.memory_space<hbm>>) target(%arg9 : memref<40x128xi32, #tpu.memory_space<vmem>>) target_semaphore(%arg12 : memref<!tpu.dma_semaphore, #tpu.memory_space<semaphore_mem>>)
    %dma_wait3A_19 = arith.constant 0 : i32
    %dma_wait3A_20 = tpu.memref_slice %arg4[%add3A_8, %dma_wait3A_19] : memref<2560x128xi32, #tpu.memory_space<hbm>> -> memref<40x128xi32, #tpu.memory_space<hbm>>
    %dma_wait3A_21 = arith.constant 0 : i32
    %dma_wait3A_22 = tpu.memref_slice %arg4[%add3A_8, %dma_wait3A_21] : memref<2560x128xi32, #tpu.memory_space<hbm>> -> memref<40x128xi32, #tpu.memory_space<hbm>>
    tpu.wait_dma2 semaphore(%arg12 : memref<!tpu.dma_semaphore, #tpu.memory_space<semaphore_mem>>) src(%dma_wait3A_22 : memref<40x128xi32, #tpu.memory_space<hbm>>) dst(%arg9 : memref<40x128xi32, #tpu.memory_space<vmem>>)
    %dma_start3A_23 = arith.constant 0 : i32
    %dma_start3A_24 = arith.constant 0 : i32
    %dma_start3A_25 = arith.constant 0 : i32
    %dma_start3A_26 = arith.constant 0 : i32
    %dma_start3A_27 = tpu.memref_slice %arg10[%dma_start3A_24, %dma_start3A_25, %dma_start3A_26] : memref<2x128x128xf32, #tpu.memory_space<vmem>> -> memref<1x128x128xf32, #tpu.memory_space<vmem>>
    %dma_start3A_28 = tpu.memref_squeeze %dma_start3A_27 : memref<1x128x128xf32, #tpu.memory_space<vmem>> -> memref<128x128xf32, #tpu.memory_space<vmem>>
    %dma_start3A_29 = arith.constant 0 : i32
    %dma_start3A_30 = tpu.memref_slice %arg8[%dma_start3A_23, %dma_start3A_29] : memref<40x128xi32, #tpu.memory_space<vmem>> -> memref<1x128xi32, #tpu.memory_space<vmem>>
    %dma_start3A_31 = tpu.memref_squeeze %dma_start3A_30 : memref<1x128xi32, #tpu.memory_space<vmem>> -> memref<128xi32, #tpu.memory_space<vmem>>
    %dma_start3A_32 = arith.constant 0 : i32
    %dma_start3A_33 = arith.constant 0 : i32
    %dma_start3A_34 = tpu.memref_slice %arg2[%dma_start3A_32, %dma_start3A_33] : memref<10000x128xf32, #tpu.memory_space<hbm>> -> memref<10000x128xf32, #tpu.memory_space<hbm>>
    tpu.enqueue_indirect_dma source(%dma_start3A_34 : memref<10000x128xf32, #tpu.memory_space<hbm>>) target(%dma_start3A_28 : memref<128x128xf32, #tpu.memory_space<vmem>>) offsets(%dma_start3A_31 : memref<128xi32, #tpu.memory_space<vmem>>) semaphore(%arg11 : memref<!tpu.dma_semaphore, #tpu.memory_space<semaphore_mem>>)
    %dma_start3A_35 = arith.constant 1 : i32
    %dma_start3A_36 = arith.constant 1 : i32
    %dma_start3A_37 = arith.constant 0 : i32
    %dma_start3A_38 = arith.constant 0 : i32
    %dma_start3A_39 = tpu.memref_slice %arg10[%dma_start3A_36, %dma_start3A_37, %dma_start3A_38] : memref<2x128x128xf32, #tpu.memory_space<vmem>> -> memref<1x128x128xf32, #tpu.memory_space<vmem>>
    %dma_start3A_40 = tpu.memref_squeeze %dma_start3A_39 : memref<1x128x128xf32, #tpu.memory_space<vmem>> -> memref<128x128xf32, #tpu.memory_space<vmem>>
    %dma_start3A_41 = arith.constant 0 : i32
    %dma_start3A_42 = tpu.memref_slice %arg8[%dma_start3A_35, %dma_start3A_41] : memref<40x128xi32, #tpu.memory_space<vmem>> -> memref<1x128xi32, #tpu.memory_space<vmem>>
    %dma_start3A_43 = tpu.memref_squeeze %dma_start3A_42 : memref<1x128xi32, #tpu.memory_space<vmem>> -> memref<128xi32, #tpu.memory_space<vmem>>
    %dma_start3A_44 = arith.constant 0 : i32
    %dma_start3A_45 = arith.constant 0 : i32
    %dma_start3A_46 = tpu.memref_slice %arg2[%dma_start3A_44, %dma_start3A_45] : memref<10000x128xf32, #tpu.memory_space<hbm>> -> memref<10000x128xf32, #tpu.memory_space<hbm>>
    tpu.enqueue_indirect_dma source(%dma_start3A_46 : memref<10000x128xf32, #tpu.memory_space<hbm>>) target(%dma_start3A_40 : memref<128x128xf32, #tpu.memory_space<vmem>>) offsets(%dma_start3A_43 : memref<128xi32, #tpu.memory_space<vmem>>) semaphore(%arg12 : memref<!tpu.dma_semaphore, #tpu.memory_space<semaphore_mem>>)
    %scan3A = arith.constant 0 : i32
    %scan3A_47 = arith.constant 0 : i32
    %scan3A_48 = arith.constant 19 : i32
    %scan3A_49 = arith.addi %scan3A_47, %scan3A_48 : i32
    %scan3A_50 = arith.constant 1 : i32
    scf.for %scan3A_162 = %scan3A_47 to %scan3A_49 step %scan3A_50  : i32 {
      %mul3A_163 = arith.constant 2 : i32
      %mul3A_164 = arith.muli %scan3A_162, %mul3A_163 : i32
      %add3A_165 = arith.constant 1 : i32
      %add3A_166 = arith.addi %mul3A_164, %add3A_165 : i32
      %dma_wait3A_167 = arith.constant 0 : i32
      %dma_wait3A_168 = arith.constant 0 : i32
      %dma_wait3A_169 = arith.constant 0 : i32
      %dma_wait3A_170 = tpu.memref_slice %arg10[%dma_wait3A_167, %dma_wait3A_168, %dma_wait3A_169] : memref<2x128x128xf32, #tpu.memory_space<vmem>> -> memref<1x128x128xf32, #tpu.memory_space<vmem>>
      %dma_wait3A_171 = tpu.memref_squeeze %dma_wait3A_170 : memref<1x128x128xf32, #tpu.memory_space<vmem>> -> memref<128x128xf32, #tpu.memory_space<vmem>>
      %dma_wait3A_172 = arith.constant 0 : i32
      %dma_wait3A_173 = tpu.memref_slice %arg8[%mul3A_164, %dma_wait3A_172] : memref<40x128xi32, #tpu.memory_space<vmem>> -> memref<1x128xi32, #tpu.memory_space<vmem>>
      %dma_wait3A_174 = tpu.memref_squeeze %dma_wait3A_173 : memref<1x128xi32, #tpu.memory_space<vmem>> -> memref<128xi32, #tpu.memory_space<vmem>>
      %dma_wait3A_175 = arith.constant 0 : i32
      %dma_wait3A_176 = arith.constant 0 : i32
      %dma_wait3A_177 = tpu.memref_slice %arg2[%dma_wait3A_175, %dma_wait3A_176] : memref<10000x128xf32, #tpu.memory_space<hbm>> -> memref<10000x128xf32, #tpu.memory_space<hbm>>
      tpu.wait_indirect_dma semaphore(%arg11 : memref<!tpu.dma_semaphore, #tpu.memory_space<semaphore_mem>>) src(%dma_wait3A_177 : memref<10000x128xf32, #tpu.memory_space<hbm>>) dst(%dma_wait3A_171 : memref<128x128xf32, #tpu.memory_space<vmem>>)
      %run_scoped3A_178 = arith.constant 0 : i32
      "tpu.region"() ({
        %run_scoped3A_217 = tpu.sem_alloc : memref<!tpu.dma_semaphore, #tpu.memory_space<semaphore_mem>>
        %dma_start3A_218 = arith.constant 0 : i32
        %dma_start3A_219 = arith.constant 0 : i32
        %dma_start3A_220 = tpu.memref_slice %arg10[%run_scoped3A_178, %dma_start3A_218, %dma_start3A_219] : memref<2x128x128xf32, #tpu.memory_space<vmem>> -> memref<1x128x128xf32, #tpu.memory_space<vmem>>
        %dma_start3A_221 = tpu.memref_squeeze %dma_start3A_220 : memref<1x128x128xf32, #tpu.memory_space<vmem>> -> memref<128x128xf32, #tpu.memory_space<vmem>>
        %dma_start3A_222 = arith.constant 0 : i32
        %dma_start3A_223 = tpu.memref_slice %arg9[%mul3A_164, %dma_start3A_222] : memref<40x128xi32, #tpu.memory_space<vmem>> -> memref<1x128xi32, #tpu.memory_space<vmem>>
        %dma_start3A_224 = tpu.memref_squeeze %dma_start3A_223 : memref<1x128xi32, #tpu.memory_space<vmem>> -> memref<128xi32, #tpu.memory_space<vmem>>
        %dma_start3A_225 = arith.constant 0 : i32
        %dma_start3A_226 = arith.constant 0 : i32
        %dma_start3A_227 = tpu.memref_slice %arg7[%dma_start3A_225, %dma_start3A_226] : memref<10112x128xf32, #tpu.memory_space<vmem_shared>> -> memref<10112x128xf32, #tpu.memory_space<vmem_shared>>
        tpu.enqueue_indirect_dma source(%dma_start3A_221 : memref<128x128xf32, #tpu.memory_space<vmem>>) target(%dma_start3A_227 : memref<10112x128xf32, #tpu.memory_space<vmem_shared>>) offsets(%dma_start3A_224 : memref<128xi32, #tpu.memory_space<vmem>>) semaphore(%run_scoped3A_217 : memref<!tpu.dma_semaphore, #tpu.memory_space<semaphore_mem>>) {add = true}
        %dma_wait3A_228 = arith.constant 0 : i32
        %dma_wait3A_229 = arith.constant 0 : i32
        %dma_wait3A_230 = tpu.memref_slice %arg10[%run_scoped3A_178, %dma_wait3A_228, %dma_wait3A_229] : memref<2x128x128xf32, #tpu.memory_space<vmem>> -> memref<1x128x128xf32, #tpu.memory_space<vmem>>
        %dma_wait3A_231 = tpu.memref_squeeze %dma_wait3A_230 : memref<1x128x128xf32, #tpu.memory_space<vmem>> -> memref<128x128xf32, #tpu.memory_space<vmem>>
        %dma_wait3A_232 = arith.constant 0 : i32
        %dma_wait3A_233 = tpu.memref_slice %arg9[%mul3A_164, %dma_wait3A_232] : memref<40x128xi32, #tpu.memory_space<vmem>> -> memref<1x128xi32, #tpu.memory_space<vmem>>
        %dma_wait3A_234 = tpu.memref_squeeze %dma_wait3A_233 : memref<1x128xi32, #tpu.memory_space<vmem>> -> memref<128xi32, #tpu.memory_space<vmem>>
        %dma_wait3A_235 = arith.constant 0 : i32
        %dma_wait3A_236 = arith.constant 0 : i32
        %dma_wait3A_237 = tpu.memref_slice %arg7[%dma_wait3A_235, %dma_wait3A_236] : memref<10112x128xf32, #tpu.memory_space<vmem_shared>> -> memref<10112x128xf32, #tpu.memory_space<vmem_shared>>
        tpu.wait_indirect_dma semaphore(%run_scoped3A_217 : memref<!tpu.dma_semaphore, #tpu.memory_space<semaphore_mem>>) src(%dma_wait3A_231 : memref<128x128xf32, #tpu.memory_space<vmem>>) dst(%dma_wait3A_237 : memref<10112x128xf32, #tpu.memory_space<vmem_shared>>)
        tpu.yield
      }) : () -> ()
      %add3A_179 = arith.constant 2 : i32
      %add3A_180 = arith.addi %mul3A_164, %add3A_179 : i32
      %dma_start3A_181 = arith.constant 0 : i32
      %dma_start3A_182 = arith.constant 0 : i32
      %dma_start3A_183 = arith.constant 0 : i32
      %dma_start3A_184 = tpu.memref_slice %arg10[%dma_start3A_181, %dma_start3A_182, %dma_start3A_183] : memref<2x128x128xf32, #tpu.memory_space<vmem>> -> memref<1x128x128xf32, #tpu.memory_space<vmem>>
      %dma_start3A_185 = tpu.memref_squeeze %dma_start3A_184 : memref<1x128x128xf32, #tpu.memory_space<vmem>> -> memref<128x128xf32, #tpu.memory_space<vmem>>
      %dma_start3A_186 = arith.constant 0 : i32
      %dma_start3A_187 = tpu.memref_slice %arg8[%add3A_180, %dma_start3A_186] : memref<40x128xi32, #tpu.memory_space<vmem>> -> memref<1x128xi32, #tpu.memory_space<vmem>>
      %dma_start3A_188 = tpu.memref_squeeze %dma_start3A_187 : memref<1x128xi32, #tpu.memory_space<vmem>> -> memref<128xi32, #tpu.memory_space<vmem>>
      %dma_start3A_189 = arith.constant 0 : i32
      %dma_start3A_190 = arith.constant 0 : i32
      %dma_start3A_191 = tpu.memref_slice %arg2[%dma_start3A_189, %dma_start3A_190] : memref<10000x128xf32, #tpu.memory_space<hbm>> -> memref<10000x128xf32, #tpu.memory_space<hbm>>
      tpu.enqueue_indirect_dma source(%dma_start3A_191 : memref<10000x128xf32, #tpu.memory_space<hbm>>) target(%dma_start3A_185 : memref<128x128xf32, #tpu.memory_space<vmem>>) offsets(%dma_start3A_188 : memref<128xi32, #tpu.memory_space<vmem>>) semaphore(%arg11 : memref<!tpu.dma_semaphore, #tpu.memory_space<semaphore_mem>>)
      %dma_wait3A_192 = arith.constant 1 : i32
      %dma_wait3A_193 = arith.constant 0 : i32
      %dma_wait3A_194 = arith.constant 0 : i32
      %dma_wait3A_195 = tpu.memref_slice %arg10[%dma_wait3A_192, %dma_wait3A_193, %dma_wait3A_194] : memref<2x128x128xf32, #tpu.memory_space<vmem>> -> memref<1x128x128xf32, #tpu.memory_space<vmem>>
      %dma_wait3A_196 = tpu.memref_squeeze %dma_wait3A_195 : memref<1x128x128xf32, #tpu.memory_space<vmem>> -> memref<128x128xf32, #tpu.memory_space<vmem>>
      %dma_wait3A_197 = arith.constant 0 : i32
      %dma_wait3A_198 = tpu.memref_slice %arg8[%add3A_166, %dma_wait3A_197] : memref<40x128xi32, #tpu.memory_space<vmem>> -> memref<1x128xi32, #tpu.memory_space<vmem>>
      %dma_wait3A_199 = tpu.memref_squeeze %dma_wait3A_198 : memref<1x128xi32, #tpu.memory_space<vmem>> -> memref<128xi32, #tpu.memory_space<vmem>>
      %dma_wait3A_200 = arith.constant 0 : i32
      %dma_wait3A_201 = arith.constant 0 : i32
      %dma_wait3A_202 = tpu.memref_slice %arg2[%dma_wait3A_200, %dma_wait3A_201] : memref<10000x128xf32, #tpu.memory_space<hbm>> -> memref<10000x128xf32, #tpu.memory_space<hbm>>
      tpu.wait_indirect_dma semaphore(%arg12 : memref<!tpu.dma_semaphore, #tpu.memory_space<semaphore_mem>>) src(%dma_wait3A_202 : memref<10000x128xf32, #tpu.memory_space<hbm>>) dst(%dma_wait3A_196 : memref<128x128xf32, #tpu.memory_space<vmem>>)
      %run_scoped3A_203 = arith.constant 1 : i32
      "tpu.region"() ({
        %run_scoped3A_217 = tpu.sem_alloc : memref<!tpu.dma_semaphore, #tpu.memory_space<semaphore_mem>>
        %dma_start3A_218 = arith.constant 0 : i32
        %dma_start3A_219 = arith.constant 0 : i32
        %dma_start3A_220 = tpu.memref_slice %arg10[%run_scoped3A_203, %dma_start3A_218, %dma_start3A_219] : memref<2x128x128xf32, #tpu.memory_space<vmem>> -> memref<1x128x128xf32, #tpu.memory_space<vmem>>
        %dma_start3A_221 = tpu.memref_squeeze %dma_start3A_220 : memref<1x128x128xf32, #tpu.memory_space<vmem>> -> memref<128x128xf32, #tpu.memory_space<vmem>>
        %dma_start3A_222 = arith.constant 0 : i32
        %dma_start3A_223 = tpu.memref_slice %arg9[%add3A_166, %dma_start3A_222] : memref<40x128xi32, #tpu.memory_space<vmem>> -> memref<1x128xi32, #tpu.memory_space<vmem>>
        %dma_start3A_224 = tpu.memref_squeeze %dma_start3A_223 : memref<1x128xi32, #tpu.memory_space<vmem>> -> memref<128xi32, #tpu.memory_space<vmem>>
        %dma_start3A_225 = arith.constant 0 : i32
        %dma_start3A_226 = arith.constant 0 : i32
        %dma_start3A_227 = tpu.memref_slice %arg7[%dma_start3A_225, %dma_start3A_226] : memref<10112x128xf32, #tpu.memory_space<vmem_shared>> -> memref<10112x128xf32, #tpu.memory_space<vmem_shared>>
        tpu.enqueue_indirect_dma source(%dma_start3A_221 : memref<128x128xf32, #tpu.memory_space<vmem>>) target(%dma_start3A_227 : memref<10112x128xf32, #tpu.memory_space<vmem_shared>>) offsets(%dma_start3A_224 : memref<128xi32, #tpu.memory_space<vmem>>) semaphore(%run_scoped3A_217 : memref<!tpu.dma_semaphore, #tpu.memory_space<semaphore_mem>>) {add = true}
        %dma_wait3A_228 = arith.constant 0 : i32
        %dma_wait3A_229 = arith.constant 0 : i32
        %dma_wait3A_230 = tpu.memref_slice %arg10[%run_scoped3A_203, %dma_wait3A_228, %dma_wait3A_229] : memref<2x128x128xf32, #tpu.memory_space<vmem>> -> memref<1x128x128xf32, #tpu.memory_space<vmem>>
        %dma_wait3A_231 = tpu.memref_squeeze %dma_wait3A_230 : memref<1x128x128xf32, #tpu.memory_space<vmem>> -> memref<128x128xf32, #tpu.memory_space<vmem>>
        %dma_wait3A_232 = arith.constant 0 : i32
        %dma_wait3A_233 = tpu.memref_slice %arg9[%add3A_166, %dma_wait3A_232] : memref<40x128xi32, #tpu.memory_space<vmem>> -> memref<1x128xi32, #tpu.memory_space<vmem>>
        %dma_wait3A_234 = tpu.memref_squeeze %dma_wait3A_233 : memref<1x128xi32, #tpu.memory_space<vmem>> -> memref<128xi32, #tpu.memory_space<vmem>>
        %dma_wait3A_235 = arith.constant 0 : i32
        %dma_wait3A_236 = arith.constant 0 : i32
        %dma_wait3A_237 = tpu.memref_slice %arg7[%dma_wait3A_235, %dma_wait3A_236] : memref<10112x128xf32, #tpu.memory_space<vmem_shared>> -> memref<10112x128xf32, #tpu.memory_space<vmem_shared>>
        tpu.wait_indirect_dma semaphore(%run_scoped3A_217 : memref<!tpu.dma_semaphore, #tpu.memory_space<semaphore_mem>>) src(%dma_wait3A_231 : memref<128x128xf32, #tpu.memory_space<vmem>>) dst(%dma_wait3A_237 : memref<10112x128xf32, #tpu.memory_space<vmem_shared>>)
        tpu.yield
      }) : () -> ()
      %add3A_204 = arith.constant 2 : i32
      %add3A_205 = arith.addi %add3A_166, %add3A_204 : i32
      %dma_start3A_206 = arith.constant 1 : i32
      %dma_start3A_207 = arith.constant 0 : i32
      %dma_start3A_208 = arith.constant 0 : i32
      %dma_start3A_209 = tpu.memref_slice %arg10[%dma_start3A_206, %dma_start3A_207, %dma_start3A_208] : memref<2x128x128xf32, #tpu.memory_space<vmem>> -> memref<1x128x128xf32, #tpu.memory_space<vmem>>
      %dma_start3A_210 = tpu.memref_squeeze %dma_start3A_209 : memref<1x128x128xf32, #tpu.memory_space<vmem>> -> memref<128x128xf32, #tpu.memory_space<vmem>>
      %dma_start3A_211 = arith.constant 0 : i32
      %dma_start3A_212 = tpu.memref_slice %arg8[%add3A_205, %dma_start3A_211] : memref<40x128xi32, #tpu.memory_space<vmem>> -> memref<1x128xi32, #tpu.memory_space<vmem>>
      %dma_start3A_213 = tpu.memref_squeeze %dma_start3A_212 : memref<1x128xi32, #tpu.memory_space<vmem>> -> memref<128xi32, #tpu.memory_space<vmem>>
      %dma_start3A_214 = arith.constant 0 : i32
      %dma_start3A_215 = arith.constant 0 : i32
      %dma_start3A_216 = tpu.memref_slice %arg2[%dma_start3A_214, %dma_start3A_215] : memref<10000x128xf32, #tpu.memory_space<hbm>> -> memref<10000x128xf32, #tpu.memory_space<hbm>>
      tpu.enqueue_indirect_dma source(%dma_start3A_216 : memref<10000x128xf32, #tpu.memory_space<hbm>>) target(%dma_start3A_210 : memref<128x128xf32, #tpu.memory_space<vmem>>) offsets(%dma_start3A_213 : memref<128xi32, #tpu.memory_space<vmem>>) semaphore(%arg12 : memref<!tpu.dma_semaphore, #tpu.memory_space<semaphore_mem>>)
    }
    %scan3A_51 = arith.constant 19 : i32
    %dma_wait3A_52 = arith.constant 38 : i32
    %dma_wait3A_53 = arith.constant 0 : i32
    %dma_wait3A_54 = arith.constant 0 : i32
    %dma_wait3A_55 = arith.constant 0 : i32
    %dma_wait3A_56 = tpu.memref_slice %arg10[%dma_wait3A_53, %dma_wait3A_54, %dma_wait3A_55] : memref<2x128x128xf32, #tpu.memory_space<vmem>> -> memref<1x128x128xf32, #tpu.memory_space<vmem>>
    %dma_wait3A_57 = tpu.memref_squeeze %dma_wait3A_56 : memref<1x128x128xf32, #tpu.memory_space<vmem>> -> memref<128x128xf32, #tpu.memory_space<vmem>>
    %dma_wait3A_58 = arith.constant 0 : i32
    %dma_wait3A_59 = tpu.memref_slice %arg8[%dma_wait3A_52, %dma_wait3A_58] : memref<40x128xi32, #tpu.memory_space<vmem>> -> memref<1x128xi32, #tpu.memory_space<vmem>>
    %dma_wait3A_60 = tpu.memref_squeeze %dma_wait3A_59 : memref<1x128xi32, #tpu.memory_space<vmem>> -> memref<128xi32, #tpu.memory_space<vmem>>
    %dma_wait3A_61 = arith.constant 0 : i32
    %dma_wait3A_62 = arith.constant 0 : i32
    %dma_wait3A_63 = tpu.memref_slice %arg2[%dma_wait3A_61, %dma_wait3A_62] : memref<10000x128xf32, #tpu.memory_space<hbm>> -> memref<10000x128xf32, #tpu.memory_space<hbm>>
    tpu.wait_indirect_dma semaphore(%arg11 : memref<!tpu.dma_semaphore, #tpu.memory_space<semaphore_mem>>) src(%dma_wait3A_63 : memref<10000x128xf32, #tpu.memory_space<hbm>>) dst(%dma_wait3A_57 : memref<128x128xf32, #tpu.memory_space<vmem>>)
    %run_scoped3A = arith.constant 0 : i32
    %run_scoped3A_64 = arith.constant 38 : i32
    "tpu.region"() ({
      %run_scoped3A_162 = tpu.sem_alloc : memref<!tpu.dma_semaphore, #tpu.memory_space<semaphore_mem>>
      %dma_start3A_163 = arith.constant 0 : i32
      %dma_start3A_164 = arith.constant 0 : i32
      %dma_start3A_165 = tpu.memref_slice %arg10[%run_scoped3A, %dma_start3A_163, %dma_start3A_164] : memref<2x128x128xf32, #tpu.memory_space<vmem>> -> memref<1x128x128xf32, #tpu.memory_space<vmem>>
      %dma_start3A_166 = tpu.memref_squeeze %dma_start3A_165 : memref<1x128x128xf32, #tpu.memory_space<vmem>> -> memref<128x128xf32, #tpu.memory_space<vmem>>
      %dma_start3A_167 = arith.constant 0 : i32
      %dma_start3A_168 = tpu.memref_slice %arg9[%run_scoped3A_64, %dma_start3A_167] : memref<40x128xi32, #tpu.memory_space<vmem>> -> memref<1x128xi32, #tpu.memory_space<vmem>>
      %dma_start3A_169 = tpu.memref_squeeze %dma_start3A_168 : memref<1x128xi32, #tpu.memory_space<vmem>> -> memref<128xi32, #tpu.memory_space<vmem>>
      %dma_start3A_170 = arith.constant 0 : i32
      %dma_start3A_171 = arith.constant 0 : i32
      %dma_start3A_172 = tpu.memref_slice %arg7[%dma_start3A_170, %dma_start3A_171] : memref<10112x128xf32, #tpu.memory_space<vmem_shared>> -> memref<10112x128xf32, #tpu.memory_space<vmem_shared>>
      tpu.enqueue_indirect_dma source(%dma_start3A_166 : memref<128x128xf32, #tpu.memory_space<vmem>>) target(%dma_start3A_172 : memref<10112x128xf32, #tpu.memory_space<vmem_shared>>) offsets(%dma_start3A_169 : memref<128xi32, #tpu.memory_space<vmem>>) semaphore(%run_scoped3A_162 : memref<!tpu.dma_semaphore, #tpu.memory_space<semaphore_mem>>) {add = true}
      %dma_wait3A_173 = arith.constant 0 : i32
      %dma_wait3A_174 = arith.constant 0 : i32
      %dma_wait3A_175 = tpu.memref_slice %arg10[%run_scoped3A, %dma_wait3A_173, %dma_wait3A_174] : memref<2x128x128xf32, #tpu.memory_space<vmem>> -> memref<1x128x128xf32, #tpu.memory_space<vmem>>
      %dma_wait3A_176 = tpu.memref_squeeze %dma_wait3A_175 : memref<1x128x128xf32, #tpu.memory_space<vmem>> -> memref<128x128xf32, #tpu.memory_space<vmem>>
      %dma_wait3A_177 = arith.constant 0 : i32
      %dma_wait3A_178 = tpu.memref_slice %arg9[%run_scoped3A_64, %dma_wait3A_177] : memref<40x128xi32, #tpu.memory_space<vmem>> -> memref<1x128xi32, #tpu.memory_space<vmem>>
      %dma_wait3A_179 = tpu.memref_squeeze %dma_wait3A_178 : memref<1x128xi32, #tpu.memory_space<vmem>> -> memref<128xi32, #tpu.memory_space<vmem>>
      %dma_wait3A_180 = arith.constant 0 : i32
      %dma_wait3A_181 = arith.constant 0 : i32
      %dma_wait3A_182 = tpu.memref_slice %arg7[%dma_wait3A_180, %dma_wait3A_181] : memref<10112x128xf32, #tpu.memory_space<vmem_shared>> -> memref<10112x128xf32, #tpu.memory_space<vmem_shared>>
      tpu.wait_indirect_dma semaphore(%run_scoped3A_162 : memref<!tpu.dma_semaphore, #tpu.memory_space<semaphore_mem>>) src(%dma_wait3A_176 : memref<128x128xf32, #tpu.memory_space<vmem>>) dst(%dma_wait3A_182 : memref<10112x128xf32, #tpu.memory_space<vmem_shared>>)
      tpu.yield
    }) : () -> ()
    %dma_wait3A_65 = arith.constant 39 : i32
    %dma_wait3A_66 = arith.constant 1 : i32
    %dma_wait3A_67 = arith.constant 0 : i32
    %dma_wait3A_68 = arith.constant 0 : i32
    %dma_wait3A_69 = tpu.memref_slice %arg10[%dma_wait3A_66, %dma_wait3A_67, %dma_wait3A_68] : memref<2x128x128xf32, #tpu.memory_space<vmem>> -> memref<1x128x128xf32, #tpu.memory_space<vmem>>
    %dma_wait3A_70 = tpu.memref_squeeze %dma_wait3A_69 : memref<1x128x128xf32, #tpu.memory_space<vmem>> -> memref<128x128xf32, #tpu.memory_space<vmem>>
    %dma_wait3A_71 = arith.constant 0 : i32
    %dma_wait3A_72 = tpu.memref_slice %arg8[%dma_wait3A_65, %dma_wait3A_71] : memref<40x128xi32, #tpu.memory_space<vmem>> -> memref<1x128xi32, #tpu.memory_space<vmem>>
    %dma_wait3A_73 = tpu.memref_squeeze %dma_wait3A_72 : memref<1x128xi32, #tpu.memory_space<vmem>> -> memref<128xi32, #tpu.memory_space<vmem>>
    %dma_wait3A_74 = arith.constant 0 : i32
    %dma_wait3A_75 = arith.constant 0 : i32
    %dma_wait3A_76 = tpu.memref_slice %arg2[%dma_wait3A_74, %dma_wait3A_75] : memref<10000x128xf32, #tpu.memory_space<hbm>> -> memref<10000x128xf32, #tpu.memory_space<hbm>>
    tpu.wait_indirect_dma semaphore(%arg12 : memref<!tpu.dma_semaphore, #tpu.memory_space<semaphore_mem>>) src(%dma_wait3A_76 : memref<10000x128xf32, #tpu.memory_space<hbm>>) dst(%dma_wait3A_70 : memref<128x128xf32, #tpu.memory_space<vmem>>)
    %run_scoped3A_77 = arith.constant 1 : i32
    %run_scoped3A_78 = arith.constant 39 : i32
    "tpu.region"() ({
      %run_scoped3A_162 = tpu.sem_alloc : memref<!tpu.dma_semaphore, #tpu.memory_space<semaphore_mem>>
      %dma_start3A_163 = arith.constant 0 : i32
      %dma_start3A_164 = arith.constant 0 : i32
      %dma_start3A_165 = tpu.memref_slice %arg10[%run_scoped3A_77, %dma_start3A_163, %dma_start3A_164] : memref<2x128x128xf32, #tpu.memory_space<vmem>> -> memref<1x128x128xf32, #tpu.memory_space<vmem>>
      %dma_start3A_166 = tpu.memref_squeeze %dma_start3A_165 : memref<1x128x128xf32, #tpu.memory_space<vmem>> -> memref<128x128xf32, #tpu.memory_space<vmem>>
      %dma_start3A_167 = arith.constant 0 : i32
      %dma_start3A_168 = tpu.memref_slice %arg9[%run_scoped3A_78, %dma_start3A_167] : memref<40x128xi32, #tpu.memory_space<vmem>> -> memref<1x128xi32, #tpu.memory_space<vmem>>
      %dma_start3A_169 = tpu.memref_squeeze %dma_start3A_168 : memref<1x128xi32, #tpu.memory_space<vmem>> -> memref<128xi32, #tpu.memory_space<vmem>>
      %dma_start3A_170 = arith.constant 0 : i32
      %dma_start3A_171 = arith.constant 0 : i32
      %dma_start3A_172 = tpu.memref_slice %arg7[%dma_start3A_170, %dma_start3A_171] : memref<10112x128xf32, #tpu.memory_space<vmem_shared>> -> memref<10112x128xf32, #tpu.memory_space<vmem_shared>>
      tpu.enqueue_indirect_dma source(%dma_start3A_166 : memref<128x128xf32, #tpu.memory_space<vmem>>) target(%dma_start3A_172 : memref<10112x128xf32, #tpu.memory_space<vmem_shared>>) offsets(%dma_start3A_169 : memref<128xi32, #tpu.memory_space<vmem>>) semaphore(%run_scoped3A_162 : memref<!tpu.dma_semaphore, #tpu.memory_space<semaphore_mem>>) {add = true}
      %dma_wait3A_173 = arith.constant 0 : i32
      %dma_wait3A_174 = arith.constant 0 : i32
      %dma_wait3A_175 = tpu.memref_slice %arg10[%run_scoped3A_77, %dma_wait3A_173, %dma_wait3A_174] : memref<2x128x128xf32, #tpu.memory_space<vmem>> -> memref<1x128x128xf32, #tpu.memory_space<vmem>>
      %dma_wait3A_176 = tpu.memref_squeeze %dma_wait3A_175 : memref<1x128x128xf32, #tpu.memory_space<vmem>> -> memref<128x128xf32, #tpu.memory_space<vmem>>
      %dma_wait3A_177 = arith.constant 0 : i32
      %dma_wait3A_178 = tpu.memref_slice %arg9[%run_scoped3A_78, %dma_wait3A_177] : memref<40x128xi32, #tpu.memory_space<vmem>> -> memref<1x128xi32, #tpu.memory_space<vmem>>
      %dma_wait3A_179 = tpu.memref_squeeze %dma_wait3A_178 : memref<1x128xi32, #tpu.memory_space<vmem>> -> memref<128xi32, #tpu.memory_space<vmem>>
      %dma_wait3A_180 = arith.constant 0 : i32
      %dma_wait3A_181 = arith.constant 0 : i32
      %dma_wait3A_182 = tpu.memref_slice %arg7[%dma_wait3A_180, %dma_wait3A_181] : memref<10112x128xf32, #tpu.memory_space<vmem_shared>> -> memref<10112x128xf32, #tpu.memory_space<vmem_shared>>
      tpu.wait_indirect_dma semaphore(%run_scoped3A_162 : memref<!tpu.dma_semaphore, #tpu.memory_space<semaphore_mem>>) src(%dma_wait3A_176 : memref<128x128xf32, #tpu.memory_space<vmem>>) dst(%dma_wait3A_182 : memref<10112x128xf32, #tpu.memory_space<vmem_shared>>)
      tpu.yield
    }) : () -> ()
    %mul3A_79 = arith.constant 80 : i32
    %mul3A_80 = arith.muli %add3A, %mul3A_79 : i32
    %add3A_81 = arith.constant 40 : i32
    %add3A_82 = arith.addi %mul3A_80, %add3A_81 : i32
    %dma_start3A_83 = arith.constant 0 : i32
    %dma_start3A_84 = tpu.memref_slice %arg3[%add3A_82, %dma_start3A_83] : memref<2560x128xi32, #tpu.memory_space<hbm>> -> memref<40x128xi32, #tpu.memory_space<hbm>>
    %dma_start3A_85 = arith.constant 0 : i32
    %dma_start3A_86 = tpu.memref_slice %arg3[%add3A_82, %dma_start3A_85] : memref<2560x128xi32, #tpu.memory_space<hbm>> -> memref<40x128xi32, #tpu.memory_space<hbm>>
    tpu.enqueue_dma source(%dma_start3A_86 : memref<40x128xi32, #tpu.memory_space<hbm>>) target(%arg8 : memref<40x128xi32, #tpu.memory_space<vmem>>) target_semaphore(%arg11 : memref<!tpu.dma_semaphore, #tpu.memory_space<semaphore_mem>>)
    %dma_wait3A_87 = arith.constant 0 : i32
    %dma_wait3A_88 = tpu.memref_slice %arg3[%add3A_82, %dma_wait3A_87] : memref<2560x128xi32, #tpu.memory_space<hbm>> -> memref<40x128xi32, #tpu.memory_space<hbm>>
    %dma_wait3A_89 = arith.constant 0 : i32
    %dma_wait3A_90 = tpu.memref_slice %arg3[%add3A_82, %dma_wait3A_89] : memref<2560x128xi32, #tpu.memory_space<hbm>> -> memref<40x128xi32, #tpu.memory_space<hbm>>
    tpu.wait_dma2 semaphore(%arg11 : memref<!tpu.dma_semaphore, #tpu.memory_space<semaphore_mem>>) src(%dma_wait3A_90 : memref<40x128xi32, #tpu.memory_space<hbm>>) dst(%arg8 : memref<40x128xi32, #tpu.memory_space<vmem>>)
    %dma_start3A_91 = arith.constant 0 : i32
    %dma_start3A_92 = tpu.memref_slice %arg4[%add3A_82, %dma_start3A_91] : memref<2560x128xi32, #tpu.memory_space<hbm>> -> memref<40x128xi32, #tpu.memory_space<hbm>>
    %dma_start3A_93 = arith.constant 0 : i32
    %dma_start3A_94 = tpu.memref_slice %arg4[%add3A_82, %dma_start3A_93] : memref<2560x128xi32, #tpu.memory_space<hbm>> -> memref<40x128xi32, #tpu.memory_space<hbm>>
    tpu.enqueue_dma source(%dma_start3A_94 : memref<40x128xi32, #tpu.memory_space<hbm>>) target(%arg9 : memref<40x128xi32, #tpu.memory_space<vmem>>) target_semaphore(%arg12 : memref<!tpu.dma_semaphore, #tpu.memory_space<semaphore_mem>>)
    %dma_wait3A_95 = arith.constant 0 : i32
    %dma_wait3A_96 = tpu.memref_slice %arg4[%add3A_82, %dma_wait3A_95] : memref<2560x128xi32, #tpu.memory_space<hbm>> -> memref<40x128xi32, #tpu.memory_space<hbm>>
    %dma_wait3A_97 = arith.constant 0 : i32
    %dma_wait3A_98 = tpu.memref_slice %arg4[%add3A_82, %dma_wait3A_97] : memref<2560x128xi32, #tpu.memory_space<hbm>> -> memref<40x128xi32, #tpu.memory_space<hbm>>
    tpu.wait_dma2 semaphore(%arg12 : memref<!tpu.dma_semaphore, #tpu.memory_space<semaphore_mem>>) src(%dma_wait3A_98 : memref<40x128xi32, #tpu.memory_space<hbm>>) dst(%arg9 : memref<40x128xi32, #tpu.memory_space<vmem>>)
    %dma_start3A_99 = arith.constant 0 : i32
    %dma_start3A_100 = arith.constant 0 : i32
    %dma_start3A_101 = arith.constant 0 : i32
    %dma_start3A_102 = arith.constant 0 : i32
    %dma_start3A_103 = tpu.memref_slice %arg10[%dma_start3A_100, %dma_start3A_101, %dma_start3A_102] : memref<2x128x128xf32, #tpu.memory_space<vmem>> -> memref<1x128x128xf32, #tpu.memory_space<vmem>>
    %dma_start3A_104 = tpu.memref_squeeze %dma_start3A_103 : memref<1x128x128xf32, #tpu.memory_space<vmem>> -> memref<128x128xf32, #tpu.memory_space<vmem>>
    %dma_start3A_105 = arith.constant 0 : i32
    %dma_start3A_106 = tpu.memref_slice %arg8[%dma_start3A_99, %dma_start3A_105] : memref<40x128xi32, #tpu.memory_space<vmem>> -> memref<1x128xi32, #tpu.memory_space<vmem>>
    %dma_start3A_107 = tpu.memref_squeeze %dma_start3A_106 : memref<1x128xi32, #tpu.memory_space<vmem>> -> memref<128xi32, #tpu.memory_space<vmem>>
    %dma_start3A_108 = arith.constant 0 : i32
    %dma_start3A_109 = arith.constant 0 : i32
    %dma_start3A_110 = tpu.memref_slice %arg2[%dma_start3A_108, %dma_start3A_109] : memref<10000x128xf32, #tpu.memory_space<hbm>> -> memref<10000x128xf32, #tpu.memory_space<hbm>>
    tpu.enqueue_indirect_dma source(%dma_start3A_110 : memref<10000x128xf32, #tpu.memory_space<hbm>>) target(%dma_start3A_104 : memref<128x128xf32, #tpu.memory_space<vmem>>) offsets(%dma_start3A_107 : memref<128xi32, #tpu.memory_space<vmem>>) semaphore(%arg11 : memref<!tpu.dma_semaphore, #tpu.memory_space<semaphore_mem>>)
    %dma_start3A_111 = arith.constant 1 : i32
    %dma_start3A_112 = arith.constant 1 : i32
    %dma_start3A_113 = arith.constant 0 : i32
    %dma_start3A_114 = arith.constant 0 : i32
    %dma_start3A_115 = tpu.memref_slice %arg10[%dma_start3A_112, %dma_start3A_113, %dma_start3A_114] : memref<2x128x128xf32, #tpu.memory_space<vmem>> -> memref<1x128x128xf32, #tpu.memory_space<vmem>>
    %dma_start3A_116 = tpu.memref_squeeze %dma_start3A_115 : memref<1x128x128xf32, #tpu.memory_space<vmem>> -> memref<128x128xf32, #tpu.memory_space<vmem>>
    %dma_start3A_117 = arith.constant 0 : i32
    %dma_start3A_118 = tpu.memref_slice %arg8[%dma_start3A_111, %dma_start3A_117] : memref<40x128xi32, #tpu.memory_space<vmem>> -> memref<1x128xi32, #tpu.memory_space<vmem>>
    %dma_start3A_119 = tpu.memref_squeeze %dma_start3A_118 : memref<1x128xi32, #tpu.memory_space<vmem>> -> memref<128xi32, #tpu.memory_space<vmem>>
    %dma_start3A_120 = arith.constant 0 : i32
    %dma_start3A_121 = arith.constant 0 : i32
    %dma_start3A_122 = tpu.memref_slice %arg2[%dma_start3A_120, %dma_start3A_121] : memref<10000x128xf32, #tpu.memory_space<hbm>> -> memref<10000x128xf32, #tpu.memory_space<hbm>>
    tpu.enqueue_indirect_dma source(%dma_start3A_122 : memref<10000x128xf32, #tpu.memory_space<hbm>>) target(%dma_start3A_116 : memref<128x128xf32, #tpu.memory_space<vmem>>) offsets(%dma_start3A_119 : memref<128xi32, #tpu.memory_space<vmem>>) semaphore(%arg12 : memref<!tpu.dma_semaphore, #tpu.memory_space<semaphore_mem>>)
    %scan3A_123 = arith.constant 0 : i32
    %scan3A_124 = arith.constant 0 : i32
    %scan3A_125 = arith.constant 19 : i32
    %scan3A_126 = arith.addi %scan3A_124, %scan3A_125 : i32
    %scan3A_127 = arith.constant 1 : i32
    scf.for %scan3A_162 = %scan3A_124 to %scan3A_126 step %scan3A_127  : i32 {
      %mul3A_163 = arith.constant 2 : i32
      %mul3A_164 = arith.muli %scan3A_162, %mul3A_163 : i32
      %add3A_165 = arith.constant 1 : i32
      %add3A_166 = arith.addi %mul3A_164, %add3A_165 : i32
      %dma_wait3A_167 = arith.constant 0 : i32
      %dma_wait3A_168 = arith.constant 0 : i32
      %dma_wait3A_169 = arith.constant 0 : i32
      %dma_wait3A_170 = tpu.memref_slice %arg10[%dma_wait3A_167, %dma_wait3A_168, %dma_wait3A_169] : memref<2x128x128xf32, #tpu.memory_space<vmem>> -> memref<1x128x128xf32, #tpu.memory_space<vmem>>
      %dma_wait3A_171 = tpu.memref_squeeze %dma_wait3A_170 : memref<1x128x128xf32, #tpu.memory_space<vmem>> -> memref<128x128xf32, #tpu.memory_space<vmem>>
      %dma_wait3A_172 = arith.constant 0 : i32
      %dma_wait3A_173 = tpu.memref_slice %arg8[%mul3A_164, %dma_wait3A_172] : memref<40x128xi32, #tpu.memory_space<vmem>> -> memref<1x128xi32, #tpu.memory_space<vmem>>
      %dma_wait3A_174 = tpu.memref_squeeze %dma_wait3A_173 : memref<1x128xi32, #tpu.memory_space<vmem>> -> memref<128xi32, #tpu.memory_space<vmem>>
      %dma_wait3A_175 = arith.constant 0 : i32
      %dma_wait3A_176 = arith.constant 0 : i32
      %dma_wait3A_177 = tpu.memref_slice %arg2[%dma_wait3A_175, %dma_wait3A_176] : memref<10000x128xf32, #tpu.memory_space<hbm>> -> memref<10000x128xf32, #tpu.memory_space<hbm>>
      tpu.wait_indirect_dma semaphore(%arg11 : memref<!tpu.dma_semaphore, #tpu.memory_space<semaphore_mem>>) src(%dma_wait3A_177 : memref<10000x128xf32, #tpu.memory_space<hbm>>) dst(%dma_wait3A_171 : memref<128x128xf32, #tpu.memory_space<vmem>>)
      %run_scoped3A_178 = arith.constant 0 : i32
      "tpu.region"() ({
        %run_scoped3A_217 = tpu.sem_alloc : memref<!tpu.dma_semaphore, #tpu.memory_space<semaphore_mem>>
        %dma_start3A_218 = arith.constant 0 : i32
        %dma_start3A_219 = arith.constant 0 : i32
        %dma_start3A_220 = tpu.memref_slice %arg10[%run_scoped3A_178, %dma_start3A_218, %dma_start3A_219] : memref<2x128x128xf32, #tpu.memory_space<vmem>> -> memref<1x128x128xf32, #tpu.memory_space<vmem>>
        %dma_start3A_221 = tpu.memref_squeeze %dma_start3A_220 : memref<1x128x128xf32, #tpu.memory_space<vmem>> -> memref<128x128xf32, #tpu.memory_space<vmem>>
        %dma_start3A_222 = arith.constant 0 : i32
        %dma_start3A_223 = tpu.memref_slice %arg9[%mul3A_164, %dma_start3A_222] : memref<40x128xi32, #tpu.memory_space<vmem>> -> memref<1x128xi32, #tpu.memory_space<vmem>>
        %dma_start3A_224 = tpu.memref_squeeze %dma_start3A_223 : memref<1x128xi32, #tpu.memory_space<vmem>> -> memref<128xi32, #tpu.memory_space<vmem>>
        %dma_start3A_225 = arith.constant 0 : i32
        %dma_start3A_226 = arith.constant 0 : i32
        %dma_start3A_227 = tpu.memref_slice %arg7[%dma_start3A_225, %dma_start3A_226] : memref<10112x128xf32, #tpu.memory_space<vmem_shared>> -> memref<10112x128xf32, #tpu.memory_space<vmem_shared>>
        tpu.enqueue_indirect_dma source(%dma_start3A_221 : memref<128x128xf32, #tpu.memory_space<vmem>>) target(%dma_start3A_227 : memref<10112x128xf32, #tpu.memory_space<vmem_shared>>) offsets(%dma_start3A_224 : memref<128xi32, #tpu.memory_space<vmem>>) semaphore(%run_scoped3A_217 : memref<!tpu.dma_semaphore, #tpu.memory_space<semaphore_mem>>) {add = true}
        %dma_wait3A_228 = arith.constant 0 : i32
        %dma_wait3A_229 = arith.constant 0 : i32
        %dma_wait3A_230 = tpu.memref_slice %arg10[%run_scoped3A_178, %dma_wait3A_228, %dma_wait3A_229] : memref<2x128x128xf32, #tpu.memory_space<vmem>> -> memref<1x128x128xf32, #tpu.memory_space<vmem>>
        %dma_wait3A_231 = tpu.memref_squeeze %dma_wait3A_230 : memref<1x128x128xf32, #tpu.memory_space<vmem>> -> memref<128x128xf32, #tpu.memory_space<vmem>>
        %dma_wait3A_232 = arith.constant 0 : i32
        %dma_wait3A_233 = tpu.memref_slice %arg9[%mul3A_164, %dma_wait3A_232] : memref<40x128xi32, #tpu.memory_space<vmem>> -> memref<1x128xi32, #tpu.memory_space<vmem>>
        %dma_wait3A_234 = tpu.memref_squeeze %dma_wait3A_233 : memref<1x128xi32, #tpu.memory_space<vmem>> -> memref<128xi32, #tpu.memory_space<vmem>>
        %dma_wait3A_235 = arith.constant 0 : i32
        %dma_wait3A_236 = arith.constant 0 : i32
        %dma_wait3A_237 = tpu.memref_slice %arg7[%dma_wait3A_235, %dma_wait3A_236] : memref<10112x128xf32, #tpu.memory_space<vmem_shared>> -> memref<10112x128xf32, #tpu.memory_space<vmem_shared>>
        tpu.wait_indirect_dma semaphore(%run_scoped3A_217 : memref<!tpu.dma_semaphore, #tpu.memory_space<semaphore_mem>>) src(%dma_wait3A_231 : memref<128x128xf32, #tpu.memory_space<vmem>>) dst(%dma_wait3A_237 : memref<10112x128xf32, #tpu.memory_space<vmem_shared>>)
        tpu.yield
      }) : () -> ()
      %add3A_179 = arith.constant 2 : i32
      %add3A_180 = arith.addi %mul3A_164, %add3A_179 : i32
      %dma_start3A_181 = arith.constant 0 : i32
      %dma_start3A_182 = arith.constant 0 : i32
      %dma_start3A_183 = arith.constant 0 : i32
      %dma_start3A_184 = tpu.memref_slice %arg10[%dma_start3A_181, %dma_start3A_182, %dma_start3A_183] : memref<2x128x128xf32, #tpu.memory_space<vmem>> -> memref<1x128x128xf32, #tpu.memory_space<vmem>>
      %dma_start3A_185 = tpu.memref_squeeze %dma_start3A_184 : memref<1x128x128xf32, #tpu.memory_space<vmem>> -> memref<128x128xf32, #tpu.memory_space<vmem>>
      %dma_start3A_186 = arith.constant 0 : i32
      %dma_start3A_187 = tpu.memref_slice %arg8[%add3A_180, %dma_start3A_186] : memref<40x128xi32, #tpu.memory_space<vmem>> -> memref<1x128xi32, #tpu.memory_space<vmem>>
      %dma_start3A_188 = tpu.memref_squeeze %dma_start3A_187 : memref<1x128xi32, #tpu.memory_space<vmem>> -> memref<128xi32, #tpu.memory_space<vmem>>
      %dma_start3A_189 = arith.constant 0 : i32
      %dma_start3A_190 = arith.constant 0 : i32
      %dma_start3A_191 = tpu.memref_slice %arg2[%dma_start3A_189, %dma_start3A_190] : memref<10000x128xf32, #tpu.memory_space<hbm>> -> memref<10000x128xf32, #tpu.memory_space<hbm>>
      tpu.enqueue_indirect_dma source(%dma_start3A_191 : memref<10000x128xf32, #tpu.memory_space<hbm>>) target(%dma_start3A_185 : memref<128x128xf32, #tpu.memory_space<vmem>>) offsets(%dma_start3A_188 : memref<128xi32, #tpu.memory_space<vmem>>) semaphore(%arg11 : memref<!tpu.dma_semaphore, #tpu.memory_space<semaphore_mem>>)
      %dma_wait3A_192 = arith.constant 1 : i32
      %dma_wait3A_193 = arith.constant 0 : i32
      %dma_wait3A_194 = arith.constant 0 : i32
      %dma_wait3A_195 = tpu.memref_slice %arg10[%dma_wait3A_192, %dma_wait3A_193, %dma_wait3A_194] : memref<2x128x128xf32, #tpu.memory_space<vmem>> -> memref<1x128x128xf32, #tpu.memory_space<vmem>>
      %dma_wait3A_196 = tpu.memref_squeeze %dma_wait3A_195 : memref<1x128x128xf32, #tpu.memory_space<vmem>> -> memref<128x128xf32, #tpu.memory_space<vmem>>
      %dma_wait3A_197 = arith.constant 0 : i32
      %dma_wait3A_198 = tpu.memref_slice %arg8[%add3A_166, %dma_wait3A_197] : memref<40x128xi32, #tpu.memory_space<vmem>> -> memref<1x128xi32, #tpu.memory_space<vmem>>
      %dma_wait3A_199 = tpu.memref_squeeze %dma_wait3A_198 : memref<1x128xi32, #tpu.memory_space<vmem>> -> memref<128xi32, #tpu.memory_space<vmem>>
      %dma_wait3A_200 = arith.constant 0 : i32
      %dma_wait3A_201 = arith.constant 0 : i32
      %dma_wait3A_202 = tpu.memref_slice %arg2[%dma_wait3A_200, %dma_wait3A_201] : memref<10000x128xf32, #tpu.memory_space<hbm>> -> memref<10000x128xf32, #tpu.memory_space<hbm>>
      tpu.wait_indirect_dma semaphore(%arg12 : memref<!tpu.dma_semaphore, #tpu.memory_space<semaphore_mem>>) src(%dma_wait3A_202 : memref<10000x128xf32, #tpu.memory_space<hbm>>) dst(%dma_wait3A_196 : memref<128x128xf32, #tpu.memory_space<vmem>>)
      %run_scoped3A_203 = arith.constant 1 : i32
      "tpu.region"() ({
        %run_scoped3A_217 = tpu.sem_alloc : memref<!tpu.dma_semaphore, #tpu.memory_space<semaphore_mem>>
        %dma_start3A_218 = arith.constant 0 : i32
        %dma_start3A_219 = arith.constant 0 : i32
        %dma_start3A_220 = tpu.memref_slice %arg10[%run_scoped3A_203, %dma_start3A_218, %dma_start3A_219] : memref<2x128x128xf32, #tpu.memory_space<vmem>> -> memref<1x128x128xf32, #tpu.memory_space<vmem>>
        %dma_start3A_221 = tpu.memref_squeeze %dma_start3A_220 : memref<1x128x128xf32, #tpu.memory_space<vmem>> -> memref<128x128xf32, #tpu.memory_space<vmem>>
        %dma_start3A_222 = arith.constant 0 : i32
        %dma_start3A_223 = tpu.memref_slice %arg9[%add3A_166, %dma_start3A_222] : memref<40x128xi32, #tpu.memory_space<vmem>> -> memref<1x128xi32, #tpu.memory_space<vmem>>
        %dma_start3A_224 = tpu.memref_squeeze %dma_start3A_223 : memref<1x128xi32, #tpu.memory_space<vmem>> -> memref<128xi32, #tpu.memory_space<vmem>>
        %dma_start3A_225 = arith.constant 0 : i32
        %dma_start3A_226 = arith.constant 0 : i32
        %dma_start3A_227 = tpu.memref_slice %arg7[%dma_start3A_225, %dma_start3A_226] : memref<10112x128xf32, #tpu.memory_space<vmem_shared>> -> memref<10112x128xf32, #tpu.memory_space<vmem_shared>>
        tpu.enqueue_indirect_dma source(%dma_start3A_221 : memref<128x128xf32, #tpu.memory_space<vmem>>) target(%dma_start3A_227 : memref<10112x128xf32, #tpu.memory_space<vmem_shared>>) offsets(%dma_start3A_224 : memref<128xi32, #tpu.memory_space<vmem>>) semaphore(%run_scoped3A_217 : memref<!tpu.dma_semaphore, #tpu.memory_space<semaphore_mem>>) {add = true}
        %dma_wait3A_228 = arith.constant 0 : i32
        %dma_wait3A_229 = arith.constant 0 : i32
        %dma_wait3A_230 = tpu.memref_slice %arg10[%run_scoped3A_203, %dma_wait3A_228, %dma_wait3A_229] : memref<2x128x128xf32, #tpu.memory_space<vmem>> -> memref<1x128x128xf32, #tpu.memory_space<vmem>>
        %dma_wait3A_231 = tpu.memref_squeeze %dma_wait3A_230 : memref<1x128x128xf32, #tpu.memory_space<vmem>> -> memref<128x128xf32, #tpu.memory_space<vmem>>
        %dma_wait3A_232 = arith.constant 0 : i32
        %dma_wait3A_233 = tpu.memref_slice %arg9[%add3A_166, %dma_wait3A_232] : memref<40x128xi32, #tpu.memory_space<vmem>> -> memref<1x128xi32, #tpu.memory_space<vmem>>
        %dma_wait3A_234 = tpu.memref_squeeze %dma_wait3A_233 : memref<1x128xi32, #tpu.memory_space<vmem>> -> memref<128xi32, #tpu.memory_space<vmem>>
        %dma_wait3A_235 = arith.constant 0 : i32
        %dma_wait3A_236 = arith.constant 0 : i32
        %dma_wait3A_237 = tpu.memref_slice %arg7[%dma_wait3A_235, %dma_wait3A_236] : memref<10112x128xf32, #tpu.memory_space<vmem_shared>> -> memref<10112x128xf32, #tpu.memory_space<vmem_shared>>
        tpu.wait_indirect_dma semaphore(%run_scoped3A_217 : memref<!tpu.dma_semaphore, #tpu.memory_space<semaphore_mem>>) src(%dma_wait3A_231 : memref<128x128xf32, #tpu.memory_space<vmem>>) dst(%dma_wait3A_237 : memref<10112x128xf32, #tpu.memory_space<vmem_shared>>)
        tpu.yield
      }) : () -> ()
      %add3A_204 = arith.constant 2 : i32
      %add3A_205 = arith.addi %add3A_166, %add3A_204 : i32
      %dma_start3A_206 = arith.constant 1 : i32
      %dma_start3A_207 = arith.constant 0 : i32
      %dma_start3A_208 = arith.constant 0 : i32
      %dma_start3A_209 = tpu.memref_slice %arg10[%dma_start3A_206, %dma_start3A_207, %dma_start3A_208] : memref<2x128x128xf32, #tpu.memory_space<vmem>> -> memref<1x128x128xf32, #tpu.memory_space<vmem>>
      %dma_start3A_210 = tpu.memref_squeeze %dma_start3A_209 : memref<1x128x128xf32, #tpu.memory_space<vmem>> -> memref<128x128xf32, #tpu.memory_space<vmem>>
      %dma_start3A_211 = arith.constant 0 : i32
      %dma_start3A_212 = tpu.memref_slice %arg8[%add3A_205, %dma_start3A_211] : memref<40x128xi32, #tpu.memory_space<vmem>> -> memref<1x128xi32, #tpu.memory_space<vmem>>
      %dma_start3A_213 = tpu.memref_squeeze %dma_start3A_212 : memref<1x128xi32, #tpu.memory_space<vmem>> -> memref<128xi32, #tpu.memory_space<vmem>>
      %dma_start3A_214 = arith.constant 0 : i32
      %dma_start3A_215 = arith.constant 0 : i32
      %dma_start3A_216 = tpu.memref_slice %arg2[%dma_start3A_214, %dma_start3A_215] : memref<10000x128xf32, #tpu.memory_space<hbm>> -> memref<10000x128xf32, #tpu.memory_space<hbm>>
      tpu.enqueue_indirect_dma source(%dma_start3A_216 : memref<10000x128xf32, #tpu.memory_space<hbm>>) target(%dma_start3A_210 : memref<128x128xf32, #tpu.memory_space<vmem>>) offsets(%dma_start3A_213 : memref<128xi32, #tpu.memory_space<vmem>>) semaphore(%arg12 : memref<!tpu.dma_semaphore, #tpu.memory_space<semaphore_mem>>)
    }
    %scan3A_128 = arith.constant 19 : i32
    %dma_wait3A_129 = arith.constant 38 : i32
    %dma_wait3A_130 = arith.constant 0 : i32
    %dma_wait3A_131 = arith.constant 0 : i32
    %dma_wait3A_132 = arith.constant 0 : i32
    %dma_wait3A_133 = tpu.memref_slice %arg10[%dma_wait3A_130, %dma_wait3A_131, %dma_wait3A_132] : memref<2x128x128xf32, #tpu.memory_space<vmem>> -> memref<1x128x128xf32, #tpu.memory_space<vmem>>
    %dma_wait3A_134 = tpu.memref_squeeze %dma_wait3A_133 : memref<1x128x128xf32, #tpu.memory_space<vmem>> -> memref<128x128xf32, #tpu.memory_space<vmem>>
    %dma_wait3A_135 = arith.constant 0 : i32
    %dma_wait3A_136 = tpu.memref_slice %arg8[%dma_wait3A_129, %dma_wait3A_135] : memref<40x128xi32, #tpu.memory_space<vmem>> -> memref<1x128xi32, #tpu.memory_space<vmem>>
    %dma_wait3A_137 = tpu.memref_squeeze %dma_wait3A_136 : memref<1x128xi32, #tpu.memory_space<vmem>> -> memref<128xi32, #tpu.memory_space<vmem>>
    %dma_wait3A_138 = arith.constant 0 : i32
    %dma_wait3A_139 = arith.constant 0 : i32
    %dma_wait3A_140 = tpu.memref_slice %arg2[%dma_wait3A_138, %dma_wait3A_139] : memref<10000x128xf32, #tpu.memory_space<hbm>> -> memref<10000x128xf32, #tpu.memory_space<hbm>>
    tpu.wait_indirect_dma semaphore(%arg11 : memref<!tpu.dma_semaphore, #tpu.memory_space<semaphore_mem>>) src(%dma_wait3A_140 : memref<10000x128xf32, #tpu.memory_space<hbm>>) dst(%dma_wait3A_134 : memref<128x128xf32, #tpu.memory_space<vmem>>)
    %run_scoped3A_141 = arith.constant 0 : i32
    %run_scoped3A_142 = arith.constant 38 : i32
    "tpu.region"() ({
      %run_scoped3A_162 = tpu.sem_alloc : memref<!tpu.dma_semaphore, #tpu.memory_space<semaphore_mem>>
      %dma_start3A_163 = arith.constant 0 : i32
      %dma_start3A_164 = arith.constant 0 : i32
      %dma_start3A_165 = tpu.memref_slice %arg10[%run_scoped3A_141, %dma_start3A_163, %dma_start3A_164] : memref<2x128x128xf32, #tpu.memory_space<vmem>> -> memref<1x128x128xf32, #tpu.memory_space<vmem>>
      %dma_start3A_166 = tpu.memref_squeeze %dma_start3A_165 : memref<1x128x128xf32, #tpu.memory_space<vmem>> -> memref<128x128xf32, #tpu.memory_space<vmem>>
      %dma_start3A_167 = arith.constant 0 : i32
      %dma_start3A_168 = tpu.memref_slice %arg9[%run_scoped3A_142, %dma_start3A_167] : memref<40x128xi32, #tpu.memory_space<vmem>> -> memref<1x128xi32, #tpu.memory_space<vmem>>
      %dma_start3A_169 = tpu.memref_squeeze %dma_start3A_168 : memref<1x128xi32, #tpu.memory_space<vmem>> -> memref<128xi32, #tpu.memory_space<vmem>>
      %dma_start3A_170 = arith.constant 0 : i32
      %dma_start3A_171 = arith.constant 0 : i32
      %dma_start3A_172 = tpu.memref_slice %arg7[%dma_start3A_170, %dma_start3A_171] : memref<10112x128xf32, #tpu.memory_space<vmem_shared>> -> memref<10112x128xf32, #tpu.memory_space<vmem_shared>>
      tpu.enqueue_indirect_dma source(%dma_start3A_166 : memref<128x128xf32, #tpu.memory_space<vmem>>) target(%dma_start3A_172 : memref<10112x128xf32, #tpu.memory_space<vmem_shared>>) offsets(%dma_start3A_169 : memref<128xi32, #tpu.memory_space<vmem>>) semaphore(%run_scoped3A_162 : memref<!tpu.dma_semaphore, #tpu.memory_space<semaphore_mem>>) {add = true}
      %dma_wait3A_173 = arith.constant 0 : i32
      %dma_wait3A_174 = arith.constant 0 : i32
      %dma_wait3A_175 = tpu.memref_slice %arg10[%run_scoped3A_141, %dma_wait3A_173, %dma_wait3A_174] : memref<2x128x128xf32, #tpu.memory_space<vmem>> -> memref<1x128x128xf32, #tpu.memory_space<vmem>>
      %dma_wait3A_176 = tpu.memref_squeeze %dma_wait3A_175 : memref<1x128x128xf32, #tpu.memory_space<vmem>> -> memref<128x128xf32, #tpu.memory_space<vmem>>
      %dma_wait3A_177 = arith.constant 0 : i32
      %dma_wait3A_178 = tpu.memref_slice %arg9[%run_scoped3A_142, %dma_wait3A_177] : memref<40x128xi32, #tpu.memory_space<vmem>> -> memref<1x128xi32, #tpu.memory_space<vmem>>
      %dma_wait3A_179 = tpu.memref_squeeze %dma_wait3A_178 : memref<1x128xi32, #tpu.memory_space<vmem>> -> memref<128xi32, #tpu.memory_space<vmem>>
      %dma_wait3A_180 = arith.constant 0 : i32
      %dma_wait3A_181 = arith.constant 0 : i32
      %dma_wait3A_182 = tpu.memref_slice %arg7[%dma_wait3A_180, %dma_wait3A_181] : memref<10112x128xf32, #tpu.memory_space<vmem_shared>> -> memref<10112x128xf32, #tpu.memory_space<vmem_shared>>
      tpu.wait_indirect_dma semaphore(%run_scoped3A_162 : memref<!tpu.dma_semaphore, #tpu.memory_space<semaphore_mem>>) src(%dma_wait3A_176 : memref<128x128xf32, #tpu.memory_space<vmem>>) dst(%dma_wait3A_182 : memref<10112x128xf32, #tpu.memory_space<vmem_shared>>)
      tpu.yield
    }) : () -> ()
    %dma_wait3A_143 = arith.constant 39 : i32
    %dma_wait3A_144 = arith.constant 1 : i32
    %dma_wait3A_145 = arith.constant 0 : i32
    %dma_wait3A_146 = arith.constant 0 : i32
    %dma_wait3A_147 = tpu.memref_slice %arg10[%dma_wait3A_144, %dma_wait3A_145, %dma_wait3A_146] : memref<2x128x128xf32, #tpu.memory_space<vmem>> -> memref<1x128x128xf32, #tpu.memory_space<vmem>>
    %dma_wait3A_148 = tpu.memref_squeeze %dma_wait3A_147 : memref<1x128x128xf32, #tpu.memory_space<vmem>> -> memref<128x128xf32, #tpu.memory_space<vmem>>
    %dma_wait3A_149 = arith.constant 0 : i32
    %dma_wait3A_150 = tpu.memref_slice %arg8[%dma_wait3A_143, %dma_wait3A_149] : memref<40x128xi32, #tpu.memory_space<vmem>> -> memref<1x128xi32, #tpu.memory_space<vmem>>
    %dma_wait3A_151 = tpu.memref_squeeze %dma_wait3A_150 : memref<1x128xi32, #tpu.memory_space<vmem>> -> memref<128xi32, #tpu.memory_space<vmem>>
    %dma_wait3A_152 = arith.constant 0 : i32
    %dma_wait3A_153 = arith.constant 0 : i32
    %dma_wait3A_154 = tpu.memref_slice %arg2[%dma_wait3A_152, %dma_wait3A_153] : memref<10000x128xf32, #tpu.memory_space<hbm>> -> memref<10000x128xf32, #tpu.memory_space<hbm>>
    tpu.wait_indirect_dma semaphore(%arg12 : memref<!tpu.dma_semaphore, #tpu.memory_space<semaphore_mem>>) src(%dma_wait3A_154 : memref<10000x128xf32, #tpu.memory_space<hbm>>) dst(%dma_wait3A_148 : memref<128x128xf32, #tpu.memory_space<vmem>>)
    %run_scoped3A_155 = arith.constant 1 : i32
    %run_scoped3A_156 = arith.constant 39 : i32
    "tpu.region"() ({
      %run_scoped3A_162 = tpu.sem_alloc : memref<!tpu.dma_semaphore, #tpu.memory_space<semaphore_mem>>
      %dma_start3A_163 = arith.constant 0 : i32
      %dma_start3A_164 = arith.constant 0 : i32
      %dma_start3A_165 = tpu.memref_slice %arg10[%run_scoped3A_155, %dma_start3A_163, %dma_start3A_164] : memref<2x128x128xf32, #tpu.memory_space<vmem>> -> memref<1x128x128xf32, #tpu.memory_space<vmem>>
      %dma_start3A_166 = tpu.memref_squeeze %dma_start3A_165 : memref<1x128x128xf32, #tpu.memory_space<vmem>> -> memref<128x128xf32, #tpu.memory_space<vmem>>
      %dma_start3A_167 = arith.constant 0 : i32
      %dma_start3A_168 = tpu.memref_slice %arg9[%run_scoped3A_156, %dma_start3A_167] : memref<40x128xi32, #tpu.memory_space<vmem>> -> memref<1x128xi32, #tpu.memory_space<vmem>>
      %dma_start3A_169 = tpu.memref_squeeze %dma_start3A_168 : memref<1x128xi32, #tpu.memory_space<vmem>> -> memref<128xi32, #tpu.memory_space<vmem>>
      %dma_start3A_170 = arith.constant 0 : i32
      %dma_start3A_171 = arith.constant 0 : i32
      %dma_start3A_172 = tpu.memref_slice %arg7[%dma_start3A_170, %dma_start3A_171] : memref<10112x128xf32, #tpu.memory_space<vmem_shared>> -> memref<10112x128xf32, #tpu.memory_space<vmem_shared>>
      tpu.enqueue_indirect_dma source(%dma_start3A_166 : memref<128x128xf32, #tpu.memory_space<vmem>>) target(%dma_start3A_172 : memref<10112x128xf32, #tpu.memory_space<vmem_shared>>) offsets(%dma_start3A_169 : memref<128xi32, #tpu.memory_space<vmem>>) semaphore(%run_scoped3A_162 : memref<!tpu.dma_semaphore, #tpu.memory_space<semaphore_mem>>) {add = true}
      %dma_wait3A_173 = arith.constant 0 : i32
      %dma_wait3A_174 = arith.constant 0 : i32
      %dma_wait3A_175 = tpu.memref_slice %arg10[%run_scoped3A_155, %dma_wait3A_173, %dma_wait3A_174] : memref<2x128x128xf32, #tpu.memory_space<vmem>> -> memref<1x128x128xf32, #tpu.memory_space<vmem>>
      %dma_wait3A_176 = tpu.memref_squeeze %dma_wait3A_175 : memref<1x128x128xf32, #tpu.memory_space<vmem>> -> memref<128x128xf32, #tpu.memory_space<vmem>>
      %dma_wait3A_177 = arith.constant 0 : i32
      %dma_wait3A_178 = tpu.memref_slice %arg9[%run_scoped3A_156, %dma_wait3A_177] : memref<40x128xi32, #tpu.memory_space<vmem>> -> memref<1x128xi32, #tpu.memory_space<vmem>>
      %dma_wait3A_179 = tpu.memref_squeeze %dma_wait3A_178 : memref<1x128xi32, #tpu.memory_space<vmem>> -> memref<128xi32, #tpu.memory_space<vmem>>
      %dma_wait3A_180 = arith.constant 0 : i32
      %dma_wait3A_181 = arith.constant 0 : i32
      %dma_wait3A_182 = tpu.memref_slice %arg7[%dma_wait3A_180, %dma_wait3A_181] : memref<10112x128xf32, #tpu.memory_space<vmem_shared>> -> memref<10112x128xf32, #tpu.memory_space<vmem_shared>>
      tpu.wait_indirect_dma semaphore(%run_scoped3A_162 : memref<!tpu.dma_semaphore, #tpu.memory_space<semaphore_mem>>) src(%dma_wait3A_176 : memref<128x128xf32, #tpu.memory_space<vmem>>) dst(%dma_wait3A_182 : memref<10112x128xf32, #tpu.memory_space<vmem_shared>>)
      tpu.yield
    }) : () -> ()
    %barrier3A_157 = arith.constant 0 : index
    tpu.barrier barrier_id(%barrier3A_157)
    %mul3A_158 = arith.constant 632 : i32
    %mul3A_159 = arith.muli %arg1, %mul3A_158 : i32
    %mul3A_160 = arith.constant 632 : i32
    %mul3A_161 = arith.muli %arg1, %mul3A_160 : i32
    "tpu.region"() ({
      %run_scoped3A_162 = tpu.sem_alloc : memref<!tpu.dma_semaphore, #tpu.memory_space<semaphore_mem>>
      %dma_start3A_163 = arith.constant 0 : i32
      %dma_start3A_164 = tpu.memref_slice %arg6[%arg0, %mul3A_161, %dma_start3A_163] : memref<2x10112x128xf32, #tpu.memory_space<hbm>> -> memref<1x632x128xf32, #tpu.memory_space<hbm>>
      %dma_start3A_165 = tpu.memref_squeeze %dma_start3A_164 : memref<1x632x128xf32, #tpu.memory_space<hbm>> -> memref<632x128xf32, #tpu.memory_space<hbm>>
      %dma_start3A_166 = arith.constant 0 : i32
      %dma_start3A_167 = tpu.memref_slice %arg7[%mul3A_159, %dma_start3A_166] : memref<10112x128xf32, #tpu.memory_space<vmem_shared>> -> memref<632x128xf32, #tpu.memory_space<vmem_shared>>
      tpu.enqueue_dma source(%dma_start3A_167 : memref<632x128xf32, #tpu.memory_space<vmem_shared>>) target(%dma_start3A_165 : memref<632x128xf32, #tpu.memory_space<hbm>>) target_semaphore(%run_scoped3A_162 : memref<!tpu.dma_semaphore, #tpu.memory_space<semaphore_mem>>)
      %dma_wait3A_168 = arith.constant 0 : i32
      %dma_wait3A_169 = tpu.memref_slice %arg6[%arg0, %mul3A_161, %dma_wait3A_168] : memref<2x10112x128xf32, #tpu.memory_space<hbm>> -> memref<1x632x128xf32, #tpu.memory_space<hbm>>
      %dma_wait3A_170 = tpu.memref_squeeze %dma_wait3A_169 : memref<1x632x128xf32, #tpu.memory_space<hbm>> -> memref<632x128xf32, #tpu.memory_space<hbm>>
      %dma_wait3A_171 = arith.constant 0 : i32
      %dma_wait3A_172 = tpu.memref_slice %arg7[%mul3A_159, %dma_wait3A_171] : memref<10112x128xf32, #tpu.memory_space<vmem_shared>> -> memref<632x128xf32, #tpu.memory_space<vmem_shared>>
      tpu.wait_dma2 semaphore(%run_scoped3A_162 : memref<!tpu.dma_semaphore, #tpu.memory_space<semaphore_mem>>) src(%dma_wait3A_172 : memref<632x128xf32, #tpu.memory_space<vmem_shared>>) dst(%dma_wait3A_170 : memref<632x128xf32, #tpu.memory_space<hbm>>)
      tpu.yield
    }) : () -> ()
    return
  }
}

#map = affine_map<(d0, d1) -> (0, 0)>
#map1 = affine_map<(d0, d1) -> (0, 0, 0)>
module attributes {stable_mosaic.version = 14 : i64} {
  func.func @_sc_spmm_body(%arg0: i32, %arg1: i32, %arg2: memref<10000x128xf32, #tpu.memory_space<hbm>>, %arg3: memref<2560x128xi32, #tpu.memory_space<hbm>>, %arg4: memref<2560x128xi32, #tpu.memory_space<hbm>>, %arg5: memref<10112x128xf32, #tpu.memory_space<hbm>>, %arg6: memref<2x10112x128xf32, #tpu.memory_space<hbm>>, %arg7: memref<10112x128xf32, #tpu.memory_space<vmem_shared>>, %arg8: memref<40x128xi32, #tpu.memory_space<vmem>>, %arg9: memref<40x128xi32, #tpu.memory_space<vmem>>, %arg10: memref<2x128x128xf32, #tpu.memory_space<vmem>>, %arg11: memref<!tpu.dma_semaphore, #tpu.memory_space<semaphore_mem>>, %arg12: memref<!tpu.dma_semaphore, #tpu.memory_space<semaphore_mem>>) attributes {dimension_semantics = [#tpu.dimension_semantics<core_parallel>, #tpu.dimension_semantics<subcore_parallel>], iteration_bounds = array<i64: 2, 16>, scalar_prefetch = 0 : i64, scratch_operands = 6 : i64, tpu.core_type = #tpu.core_type<sc_vector_subcore>, window_params = [{transform_indices = #map}, {transform_indices = #map}, {transform_indices = #map}, {transform_indices = #map}, {transform_indices = #map1}]} {
    %mul3A = arith.constant 16 : i32
    %mul3A_0 = arith.muli %arg0, %mul3A : i32
    %add3A = arith.addi %mul3A_0, %arg1 : i32
    %mul3A_1 = arith.constant 632 : i32
    %mul3A_2 = arith.muli %arg1, %mul3A_1 : i32
    %mul3A_3 = arith.constant 632 : i32
    %mul3A_4 = arith.muli %arg1, %mul3A_3 : i32
    "tpu.region"() ({
      %run_scoped3A_162 = tpu.sem_alloc : memref<!tpu.dma_semaphore, #tpu.memory_space<semaphore_mem>>
      %dma_start3A_163 = arith.constant 0 : i32
      %dma_start3A_164 = tpu.memref_slice %arg7[%mul3A_4, %dma_start3A_163] : memref<10112x128xf32, #tpu.memory_space<vmem_shared>> -> memref<632x128xf32, #tpu.memory_space<vmem_shared>>
      %dma_start3A_165 = arith.constant 0 : i32
      %dma_start3A_166 = tpu.memref_slice %arg5[%mul3A_2, %dma_start3A_165] : memref<10112x128xf32, #tpu.memory_space<hbm>> -> memref<632x128xf32, #tpu.memory_space<hbm>>
      tpu.enqueue_dma source(%dma_start3A_166 : memref<632x128xf32, #tpu.memory_space<hbm>>) target(%dma_start3A_164 : memref<632x128xf32, #tpu.memory_space<vmem_shared>>) target_semaphore(%run_scoped3A_162 : memref<!tpu.dma_semaphore, #tpu.memory_space<semaphore_mem>>)
      %dma_wait3A_167 = arith.constant 0 : i32
      %dma_wait3A_168 = tpu.memref_slice %arg7[%mul3A_4, %dma_wait3A_167] : memref<10112x128xf32, #tpu.memory_space<vmem_shared>> -> memref<632x128xf32, #tpu.memory_space<vmem_shared>>
      %dma_wait3A_169 = arith.constant 0 : i32
      %dma_wait3A_170 = tpu.memref_slice %arg5[%mul3A_2, %dma_wait3A_169] : memref<10112x128xf32, #tpu.memory_space<hbm>> -> memref<632x128xf32, #tpu.memory_space<hbm>>
      tpu.wait_dma2 semaphore(%run_scoped3A_162 : memref<!tpu.dma_semaphore, #tpu.memory_space<semaphore_mem>>) src(%dma_wait3A_170 : memref<632x128xf32, #tpu.memory_space<hbm>>) dst(%dma_wait3A_168 : memref<632x128xf32, #tpu.memory_space<vmem_shared>>)
      tpu.yield
    }) : () -> ()
    %barrier3A = arith.constant 0 : index
    tpu.barrier barrier_id(%barrier3A)
    %mul3A_5 = arith.constant 80 : i32
    %mul3A_6 = arith.muli %add3A, %mul3A_5 : i32
    %add3A_7 = arith.constant 0 : i32
    %add3A_8 = arith.addi %mul3A_6, %add3A_7 : i32
    %dma_start3A = arith.constant 0 : i32
    %dma_start3A_9 = tpu.memref_slice %arg3[%add3A_8, %dma_start3A] : memref<2560x128xi32, #tpu.memory_space<hbm>> -> memref<40x128xi32, #tpu.memory_space<hbm>>
    %dma_start3A_10 = arith.constant 0 : i32
    %dma_start3A_11 = tpu.memref_slice %arg3[%add3A_8, %dma_start3A_10] : memref<2560x128xi32, #tpu.memory_space<hbm>> -> memref<40x128xi32, #tpu.memory_space<hbm>>
    tpu.enqueue_dma source(%dma_start3A_11 : memref<40x128xi32, #tpu.memory_space<hbm>>) target(%arg8 : memref<40x128xi32, #tpu.memory_space<vmem>>) target_semaphore(%arg11 : memref<!tpu.dma_semaphore, #tpu.memory_space<semaphore_mem>>)
    %dma_wait3A = arith.constant 0 : i32
    %dma_wait3A_12 = tpu.memref_slice %arg3[%add3A_8, %dma_wait3A] : memref<2560x128xi32, #tpu.memory_space<hbm>> -> memref<40x128xi32, #tpu.memory_space<hbm>>
    %dma_wait3A_13 = arith.constant 0 : i32
    %dma_wait3A_14 = tpu.memref_slice %arg3[%add3A_8, %dma_wait3A_13] : memref<2560x128xi32, #tpu.memory_space<hbm>> -> memref<40x128xi32, #tpu.memory_space<hbm>>
    tpu.wait_dma2 semaphore(%arg11 : memref<!tpu.dma_semaphore, #tpu.memory_space<semaphore_mem>>) src(%dma_wait3A_14 : memref<40x128xi32, #tpu.memory_space<hbm>>) dst(%arg8 : memref<40x128xi32, #tpu.memory_space<vmem>>)
    %dma_start3A_15 = arith.constant 0 : i32
    %dma_start3A_16 = tpu.memref_slice %arg4[%add3A_8, %dma_start3A_15] : memref<2560x128xi32, #tpu.memory_space<hbm>> -> memref<40x128xi32, #tpu.memory_space<hbm>>
    %dma_start3A_17 = arith.constant 0 : i32
    %dma_start3A_18 = tpu.memref_slice %arg4[%add3A_8, %dma_start3A_17] : memref<2560x128xi32, #tpu.memory_space<hbm>> -> memref<40x128xi32, #tpu.memory_space<hbm>>
    tpu.enqueue_dma source(%dma_start3A_18 : memref<40x128xi32, #tpu.memory_space<hbm>>) target(%arg9 : memref<40x128xi32, #tpu.memory_space<vmem>>) target_semaphore(%arg12 : memref<!tpu.dma_semaphore, #tpu.memory_space<semaphore_mem>>)
    %dma_wait3A_19 = arith.constant 0 : i32
    %dma_wait3A_20 = tpu.memref_slice %arg4[%add3A_8, %dma_wait3A_19] : memref<2560x128xi32, #tpu.memory_space<hbm>> -> memref<40x128xi32, #tpu.memory_space<hbm>>
    %dma_wait3A_21 = arith.constant 0 : i32
    %dma_wait3A_22 = tpu.memref_slice %arg4[%add3A_8, %dma_wait3A_21] : memref<2560x128xi32, #tpu.memory_space<hbm>> -> memref<40x128xi32, #tpu.memory_space<hbm>>
    tpu.wait_dma2 semaphore(%arg12 : memref<!tpu.dma_semaphore, #tpu.memory_space<semaphore_mem>>) src(%dma_wait3A_22 : memref<40x128xi32, #tpu.memory_space<hbm>>) dst(%arg9 : memref<40x128xi32, #tpu.memory_space<vmem>>)
    %dma_start3A_23 = arith.constant 0 : i32
    %dma_start3A_24 = arith.constant 0 : i32
    %dma_start3A_25 = arith.constant 0 : i32
    %dma_start3A_26 = arith.constant 0 : i32
    %dma_start3A_27 = tpu.memref_slice %arg10[%dma_start3A_24, %dma_start3A_25, %dma_start3A_26] : memref<2x128x128xf32, #tpu.memory_space<vmem>> -> memref<1x128x128xf32, #tpu.memory_space<vmem>>
    %dma_start3A_28 = tpu.memref_squeeze %dma_start3A_27 : memref<1x128x128xf32, #tpu.memory_space<vmem>> -> memref<128x128xf32, #tpu.memory_space<vmem>>
    %dma_start3A_29 = arith.constant 0 : i32
    %dma_start3A_30 = tpu.memref_slice %arg8[%dma_start3A_23, %dma_start3A_29] : memref<40x128xi32, #tpu.memory_space<vmem>> -> memref<1x128xi32, #tpu.memory_space<vmem>>
    %dma_start3A_31 = tpu.memref_squeeze %dma_start3A_30 : memref<1x128xi32, #tpu.memory_space<vmem>> -> memref<128xi32, #tpu.memory_space<vmem>>
    %dma_start3A_32 = arith.constant 0 : i32
    %dma_start3A_33 = arith.constant 0 : i32
    %dma_start3A_34 = tpu.memref_slice %arg2[%dma_start3A_32, %dma_start3A_33] : memref<10000x128xf32, #tpu.memory_space<hbm>> -> memref<10000x128xf32, #tpu.memory_space<hbm>>
    tpu.enqueue_indirect_dma source(%dma_start3A_34 : memref<10000x128xf32, #tpu.memory_space<hbm>>) target(%dma_start3A_28 : memref<128x128xf32, #tpu.memory_space<vmem>>) offsets(%dma_start3A_31 : memref<128xi32, #tpu.memory_space<vmem>>) semaphore(%arg11 : memref<!tpu.dma_semaphore, #tpu.memory_space<semaphore_mem>>)
    %dma_start3A_35 = arith.constant 1 : i32
    %dma_start3A_36 = arith.constant 1 : i32
    %dma_start3A_37 = arith.constant 0 : i32
    %dma_start3A_38 = arith.constant 0 : i32
    %dma_start3A_39 = tpu.memref_slice %arg10[%dma_start3A_36, %dma_start3A_37, %dma_start3A_38] : memref<2x128x128xf32, #tpu.memory_space<vmem>> -> memref<1x128x128xf32, #tpu.memory_space<vmem>>
    %dma_start3A_40 = tpu.memref_squeeze %dma_start3A_39 : memref<1x128x128xf32, #tpu.memory_space<vmem>> -> memref<128x128xf32, #tpu.memory_space<vmem>>
    %dma_start3A_41 = arith.constant 0 : i32
    %dma_start3A_42 = tpu.memref_slice %arg8[%dma_start3A_35, %dma_start3A_41] : memref<40x128xi32, #tpu.memory_space<vmem>> -> memref<1x128xi32, #tpu.memory_space<vmem>>
    %dma_start3A_43 = tpu.memref_squeeze %dma_start3A_42 : memref<1x128xi32, #tpu.memory_space<vmem>> -> memref<128xi32, #tpu.memory_space<vmem>>
    %dma_start3A_44 = arith.constant 0 : i32
    %dma_start3A_45 = arith.constant 0 : i32
    %dma_start3A_46 = tpu.memref_slice %arg2[%dma_start3A_44, %dma_start3A_45] : memref<10000x128xf32, #tpu.memory_space<hbm>> -> memref<10000x128xf32, #tpu.memory_space<hbm>>
    tpu.enqueue_indirect_dma source(%dma_start3A_46 : memref<10000x128xf32, #tpu.memory_space<hbm>>) target(%dma_start3A_40 : memref<128x128xf32, #tpu.memory_space<vmem>>) offsets(%dma_start3A_43 : memref<128xi32, #tpu.memory_space<vmem>>) semaphore(%arg12 : memref<!tpu.dma_semaphore, #tpu.memory_space<semaphore_mem>>)
    %scan3A = arith.constant 0 : i32
    %scan3A_47 = arith.constant 0 : i32
    %scan3A_48 = arith.constant 19 : i32
    %scan3A_49 = arith.addi %scan3A_47, %scan3A_48 : i32
    %scan3A_50 = arith.constant 1 : i32
    scf.for %scan3A_162 = %scan3A_47 to %scan3A_49 step %scan3A_50  : i32 {
      %mul3A_163 = arith.constant 2 : i32
      %mul3A_164 = arith.muli %scan3A_162, %mul3A_163 : i32
      %add3A_165 = arith.constant 1 : i32
      %add3A_166 = arith.addi %mul3A_164, %add3A_165 : i32
      %dma_wait3A_167 = arith.constant 0 : i32
      %dma_wait3A_168 = arith.constant 0 : i32
      %dma_wait3A_169 = arith.constant 0 : i32
      %dma_wait3A_170 = tpu.memref_slice %arg10[%dma_wait3A_167, %dma_wait3A_168, %dma_wait3A_169] : memref<2x128x128xf32, #tpu.memory_space<vmem>> -> memref<1x128x128xf32, #tpu.memory_space<vmem>>
      %dma_wait3A_171 = tpu.memref_squeeze %dma_wait3A_170 : memref<1x128x128xf32, #tpu.memory_space<vmem>> -> memref<128x128xf32, #tpu.memory_space<vmem>>
      %dma_wait3A_172 = arith.constant 0 : i32
      %dma_wait3A_173 = tpu.memref_slice %arg8[%mul3A_164, %dma_wait3A_172] : memref<40x128xi32, #tpu.memory_space<vmem>> -> memref<1x128xi32, #tpu.memory_space<vmem>>
      %dma_wait3A_174 = tpu.memref_squeeze %dma_wait3A_173 : memref<1x128xi32, #tpu.memory_space<vmem>> -> memref<128xi32, #tpu.memory_space<vmem>>
      %dma_wait3A_175 = arith.constant 0 : i32
      %dma_wait3A_176 = arith.constant 0 : i32
      %dma_wait3A_177 = tpu.memref_slice %arg2[%dma_wait3A_175, %dma_wait3A_176] : memref<10000x128xf32, #tpu.memory_space<hbm>> -> memref<10000x128xf32, #tpu.memory_space<hbm>>
      tpu.wait_indirect_dma semaphore(%arg11 : memref<!tpu.dma_semaphore, #tpu.memory_space<semaphore_mem>>) src(%dma_wait3A_177 : memref<10000x128xf32, #tpu.memory_space<hbm>>) dst(%dma_wait3A_171 : memref<128x128xf32, #tpu.memory_space<vmem>>)
      %run_scoped3A_178 = arith.constant 0 : i32
      "tpu.region"() ({
        %run_scoped3A_217 = tpu.sem_alloc : memref<!tpu.dma_semaphore, #tpu.memory_space<semaphore_mem>>
        %dma_start3A_218 = arith.constant 0 : i32
        %dma_start3A_219 = arith.constant 0 : i32
        %dma_start3A_220 = tpu.memref_slice %arg10[%run_scoped3A_178, %dma_start3A_218, %dma_start3A_219] : memref<2x128x128xf32, #tpu.memory_space<vmem>> -> memref<1x128x128xf32, #tpu.memory_space<vmem>>
        %dma_start3A_221 = tpu.memref_squeeze %dma_start3A_220 : memref<1x128x128xf32, #tpu.memory_space<vmem>> -> memref<128x128xf32, #tpu.memory_space<vmem>>
        %dma_start3A_222 = arith.constant 0 : i32
        %dma_start3A_223 = tpu.memref_slice %arg9[%mul3A_164, %dma_start3A_222] : memref<40x128xi32, #tpu.memory_space<vmem>> -> memref<1x128xi32, #tpu.memory_space<vmem>>
        %dma_start3A_224 = tpu.memref_squeeze %dma_start3A_223 : memref<1x128xi32, #tpu.memory_space<vmem>> -> memref<128xi32, #tpu.memory_space<vmem>>
        %dma_start3A_225 = arith.constant 0 : i32
        %dma_start3A_226 = arith.constant 0 : i32
        %dma_start3A_227 = tpu.memref_slice %arg7[%dma_start3A_225, %dma_start3A_226] : memref<10112x128xf32, #tpu.memory_space<vmem_shared>> -> memref<10112x128xf32, #tpu.memory_space<vmem_shared>>
        tpu.enqueue_indirect_dma source(%dma_start3A_221 : memref<128x128xf32, #tpu.memory_space<vmem>>) target(%dma_start3A_227 : memref<10112x128xf32, #tpu.memory_space<vmem_shared>>) offsets(%dma_start3A_224 : memref<128xi32, #tpu.memory_space<vmem>>) semaphore(%run_scoped3A_217 : memref<!tpu.dma_semaphore, #tpu.memory_space<semaphore_mem>>) {add = true}
        %dma_wait3A_228 = arith.constant 0 : i32
        %dma_wait3A_229 = arith.constant 0 : i32
        %dma_wait3A_230 = tpu.memref_slice %arg10[%run_scoped3A_178, %dma_wait3A_228, %dma_wait3A_229] : memref<2x128x128xf32, #tpu.memory_space<vmem>> -> memref<1x128x128xf32, #tpu.memory_space<vmem>>
        %dma_wait3A_231 = tpu.memref_squeeze %dma_wait3A_230 : memref<1x128x128xf32, #tpu.memory_space<vmem>> -> memref<128x128xf32, #tpu.memory_space<vmem>>
        %dma_wait3A_232 = arith.constant 0 : i32
        %dma_wait3A_233 = tpu.memref_slice %arg9[%mul3A_164, %dma_wait3A_232] : memref<40x128xi32, #tpu.memory_space<vmem>> -> memref<1x128xi32, #tpu.memory_space<vmem>>
        %dma_wait3A_234 = tpu.memref_squeeze %dma_wait3A_233 : memref<1x128xi32, #tpu.memory_space<vmem>> -> memref<128xi32, #tpu.memory_space<vmem>>
        %dma_wait3A_235 = arith.constant 0 : i32
        %dma_wait3A_236 = arith.constant 0 : i32
        %dma_wait3A_237 = tpu.memref_slice %arg7[%dma_wait3A_235, %dma_wait3A_236] : memref<10112x128xf32, #tpu.memory_space<vmem_shared>> -> memref<10112x128xf32, #tpu.memory_space<vmem_shared>>
        tpu.wait_indirect_dma semaphore(%run_scoped3A_217 : memref<!tpu.dma_semaphore, #tpu.memory_space<semaphore_mem>>) src(%dma_wait3A_231 : memref<128x128xf32, #tpu.memory_space<vmem>>) dst(%dma_wait3A_237 : memref<10112x128xf32, #tpu.memory_space<vmem_shared>>)
        tpu.yield
      }) : () -> ()
      %add3A_179 = arith.constant 2 : i32
      %add3A_180 = arith.addi %mul3A_164, %add3A_179 : i32
      %dma_start3A_181 = arith.constant 0 : i32
      %dma_start3A_182 = arith.constant 0 : i32
      %dma_start3A_183 = arith.constant 0 : i32
      %dma_start3A_184 = tpu.memref_slice %arg10[%dma_start3A_181, %dma_start3A_182, %dma_start3A_183] : memref<2x128x128xf32, #tpu.memory_space<vmem>> -> memref<1x128x128xf32, #tpu.memory_space<vmem>>
      %dma_start3A_185 = tpu.memref_squeeze %dma_start3A_184 : memref<1x128x128xf32, #tpu.memory_space<vmem>> -> memref<128x128xf32, #tpu.memory_space<vmem>>
      %dma_start3A_186 = arith.constant 0 : i32
      %dma_start3A_187 = tpu.memref_slice %arg8[%add3A_180, %dma_start3A_186] : memref<40x128xi32, #tpu.memory_space<vmem>> -> memref<1x128xi32, #tpu.memory_space<vmem>>
      %dma_start3A_188 = tpu.memref_squeeze %dma_start3A_187 : memref<1x128xi32, #tpu.memory_space<vmem>> -> memref<128xi32, #tpu.memory_space<vmem>>
      %dma_start3A_189 = arith.constant 0 : i32
      %dma_start3A_190 = arith.constant 0 : i32
      %dma_start3A_191 = tpu.memref_slice %arg2[%dma_start3A_189, %dma_start3A_190] : memref<10000x128xf32, #tpu.memory_space<hbm>> -> memref<10000x128xf32, #tpu.memory_space<hbm>>
      tpu.enqueue_indirect_dma source(%dma_start3A_191 : memref<10000x128xf32, #tpu.memory_space<hbm>>) target(%dma_start3A_185 : memref<128x128xf32, #tpu.memory_space<vmem>>) offsets(%dma_start3A_188 : memref<128xi32, #tpu.memory_space<vmem>>) semaphore(%arg11 : memref<!tpu.dma_semaphore, #tpu.memory_space<semaphore_mem>>)
      %dma_wait3A_192 = arith.constant 1 : i32
      %dma_wait3A_193 = arith.constant 0 : i32
      %dma_wait3A_194 = arith.constant 0 : i32
      %dma_wait3A_195 = tpu.memref_slice %arg10[%dma_wait3A_192, %dma_wait3A_193, %dma_wait3A_194] : memref<2x128x128xf32, #tpu.memory_space<vmem>> -> memref<1x128x128xf32, #tpu.memory_space<vmem>>
      %dma_wait3A_196 = tpu.memref_squeeze %dma_wait3A_195 : memref<1x128x128xf32, #tpu.memory_space<vmem>> -> memref<128x128xf32, #tpu.memory_space<vmem>>
      %dma_wait3A_197 = arith.constant 0 : i32
      %dma_wait3A_198 = tpu.memref_slice %arg8[%add3A_166, %dma_wait3A_197] : memref<40x128xi32, #tpu.memory_space<vmem>> -> memref<1x128xi32, #tpu.memory_space<vmem>>
      %dma_wait3A_199 = tpu.memref_squeeze %dma_wait3A_198 : memref<1x128xi32, #tpu.memory_space<vmem>> -> memref<128xi32, #tpu.memory_space<vmem>>
      %dma_wait3A_200 = arith.constant 0 : i32
      %dma_wait3A_201 = arith.constant 0 : i32
      %dma_wait3A_202 = tpu.memref_slice %arg2[%dma_wait3A_200, %dma_wait3A_201] : memref<10000x128xf32, #tpu.memory_space<hbm>> -> memref<10000x128xf32, #tpu.memory_space<hbm>>
      tpu.wait_indirect_dma semaphore(%arg12 : memref<!tpu.dma_semaphore, #tpu.memory_space<semaphore_mem>>) src(%dma_wait3A_202 : memref<10000x128xf32, #tpu.memory_space<hbm>>) dst(%dma_wait3A_196 : memref<128x128xf32, #tpu.memory_space<vmem>>)
      %run_scoped3A_203 = arith.constant 1 : i32
      "tpu.region"() ({
        %run_scoped3A_217 = tpu.sem_alloc : memref<!tpu.dma_semaphore, #tpu.memory_space<semaphore_mem>>
        %dma_start3A_218 = arith.constant 0 : i32
        %dma_start3A_219 = arith.constant 0 : i32
        %dma_start3A_220 = tpu.memref_slice %arg10[%run_scoped3A_203, %dma_start3A_218, %dma_start3A_219] : memref<2x128x128xf32, #tpu.memory_space<vmem>> -> memref<1x128x128xf32, #tpu.memory_space<vmem>>
        %dma_start3A_221 = tpu.memref_squeeze %dma_start3A_220 : memref<1x128x128xf32, #tpu.memory_space<vmem>> -> memref<128x128xf32, #tpu.memory_space<vmem>>
        %dma_start3A_222 = arith.constant 0 : i32
        %dma_start3A_223 = tpu.memref_slice %arg9[%add3A_166, %dma_start3A_222] : memref<40x128xi32, #tpu.memory_space<vmem>> -> memref<1x128xi32, #tpu.memory_space<vmem>>
        %dma_start3A_224 = tpu.memref_squeeze %dma_start3A_223 : memref<1x128xi32, #tpu.memory_space<vmem>> -> memref<128xi32, #tpu.memory_space<vmem>>
        %dma_start3A_225 = arith.constant 0 : i32
        %dma_start3A_226 = arith.constant 0 : i32
        %dma_start3A_227 = tpu.memref_slice %arg7[%dma_start3A_225, %dma_start3A_226] : memref<10112x128xf32, #tpu.memory_space<vmem_shared>> -> memref<10112x128xf32, #tpu.memory_space<vmem_shared>>
        tpu.enqueue_indirect_dma source(%dma_start3A_221 : memref<128x128xf32, #tpu.memory_space<vmem>>) target(%dma_start3A_227 : memref<10112x128xf32, #tpu.memory_space<vmem_shared>>) offsets(%dma_start3A_224 : memref<128xi32, #tpu.memory_space<vmem>>) semaphore(%run_scoped3A_217 : memref<!tpu.dma_semaphore, #tpu.memory_space<semaphore_mem>>) {add = true}
        %dma_wait3A_228 = arith.constant 0 : i32
        %dma_wait3A_229 = arith.constant 0 : i32
        %dma_wait3A_230 = tpu.memref_slice %arg10[%run_scoped3A_203, %dma_wait3A_228, %dma_wait3A_229] : memref<2x128x128xf32, #tpu.memory_space<vmem>> -> memref<1x128x128xf32, #tpu.memory_space<vmem>>
        %dma_wait3A_231 = tpu.memref_squeeze %dma_wait3A_230 : memref<1x128x128xf32, #tpu.memory_space<vmem>> -> memref<128x128xf32, #tpu.memory_space<vmem>>
        %dma_wait3A_232 = arith.constant 0 : i32
        %dma_wait3A_233 = tpu.memref_slice %arg9[%add3A_166, %dma_wait3A_232] : memref<40x128xi32, #tpu.memory_space<vmem>> -> memref<1x128xi32, #tpu.memory_space<vmem>>
        %dma_wait3A_234 = tpu.memref_squeeze %dma_wait3A_233 : memref<1x128xi32, #tpu.memory_space<vmem>> -> memref<128xi32, #tpu.memory_space<vmem>>
        %dma_wait3A_235 = arith.constant 0 : i32
        %dma_wait3A_236 = arith.constant 0 : i32
        %dma_wait3A_237 = tpu.memref_slice %arg7[%dma_wait3A_235, %dma_wait3A_236] : memref<10112x128xf32, #tpu.memory_space<vmem_shared>> -> memref<10112x128xf32, #tpu.memory_space<vmem_shared>>
        tpu.wait_indirect_dma semaphore(%run_scoped3A_217 : memref<!tpu.dma_semaphore, #tpu.memory_space<semaphore_mem>>) src(%dma_wait3A_231 : memref<128x128xf32, #tpu.memory_space<vmem>>) dst(%dma_wait3A_237 : memref<10112x128xf32, #tpu.memory_space<vmem_shared>>)
        tpu.yield
      }) : () -> ()
      %add3A_204 = arith.constant 2 : i32
      %add3A_205 = arith.addi %add3A_166, %add3A_204 : i32
      %dma_start3A_206 = arith.constant 1 : i32
      %dma_start3A_207 = arith.constant 0 : i32
      %dma_start3A_208 = arith.constant 0 : i32
      %dma_start3A_209 = tpu.memref_slice %arg10[%dma_start3A_206, %dma_start3A_207, %dma_start3A_208] : memref<2x128x128xf32, #tpu.memory_space<vmem>> -> memref<1x128x128xf32, #tpu.memory_space<vmem>>
      %dma_start3A_210 = tpu.memref_squeeze %dma_start3A_209 : memref<1x128x128xf32, #tpu.memory_space<vmem>> -> memref<128x128xf32, #tpu.memory_space<vmem>>
      %dma_start3A_211 = arith.constant 0 : i32
      %dma_start3A_212 = tpu.memref_slice %arg8[%add3A_205, %dma_start3A_211] : memref<40x128xi32, #tpu.memory_space<vmem>> -> memref<1x128xi32, #tpu.memory_space<vmem>>
      %dma_start3A_213 = tpu.memref_squeeze %dma_start3A_212 : memref<1x128xi32, #tpu.memory_space<vmem>> -> memref<128xi32, #tpu.memory_space<vmem>>
      %dma_start3A_214 = arith.constant 0 : i32
      %dma_start3A_215 = arith.constant 0 : i32
      %dma_start3A_216 = tpu.memref_slice %arg2[%dma_start3A_214, %dma_start3A_215] : memref<10000x128xf32, #tpu.memory_space<hbm>> -> memref<10000x128xf32, #tpu.memory_space<hbm>>
      tpu.enqueue_indirect_dma source(%dma_start3A_216 : memref<10000x128xf32, #tpu.memory_space<hbm>>) target(%dma_start3A_210 : memref<128x128xf32, #tpu.memory_space<vmem>>) offsets(%dma_start3A_213 : memref<128xi32, #tpu.memory_space<vmem>>) semaphore(%arg12 : memref<!tpu.dma_semaphore, #tpu.memory_space<semaphore_mem>>)
    }
    %scan3A_51 = arith.constant 19 : i32
    %dma_wait3A_52 = arith.constant 38 : i32
    %dma_wait3A_53 = arith.constant 0 : i32
    %dma_wait3A_54 = arith.constant 0 : i32
    %dma_wait3A_55 = arith.constant 0 : i32
    %dma_wait3A_56 = tpu.memref_slice %arg10[%dma_wait3A_53, %dma_wait3A_54, %dma_wait3A_55] : memref<2x128x128xf32, #tpu.memory_space<vmem>> -> memref<1x128x128xf32, #tpu.memory_space<vmem>>
    %dma_wait3A_57 = tpu.memref_squeeze %dma_wait3A_56 : memref<1x128x128xf32, #tpu.memory_space<vmem>> -> memref<128x128xf32, #tpu.memory_space<vmem>>
    %dma_wait3A_58 = arith.constant 0 : i32
    %dma_wait3A_59 = tpu.memref_slice %arg8[%dma_wait3A_52, %dma_wait3A_58] : memref<40x128xi32, #tpu.memory_space<vmem>> -> memref<1x128xi32, #tpu.memory_space<vmem>>
    %dma_wait3A_60 = tpu.memref_squeeze %dma_wait3A_59 : memref<1x128xi32, #tpu.memory_space<vmem>> -> memref<128xi32, #tpu.memory_space<vmem>>
    %dma_wait3A_61 = arith.constant 0 : i32
    %dma_wait3A_62 = arith.constant 0 : i32
    %dma_wait3A_63 = tpu.memref_slice %arg2[%dma_wait3A_61, %dma_wait3A_62] : memref<10000x128xf32, #tpu.memory_space<hbm>> -> memref<10000x128xf32, #tpu.memory_space<hbm>>
    tpu.wait_indirect_dma semaphore(%arg11 : memref<!tpu.dma_semaphore, #tpu.memory_space<semaphore_mem>>) src(%dma_wait3A_63 : memref<10000x128xf32, #tpu.memory_space<hbm>>) dst(%dma_wait3A_57 : memref<128x128xf32, #tpu.memory_space<vmem>>)
    %run_scoped3A = arith.constant 0 : i32
    %run_scoped3A_64 = arith.constant 38 : i32
    "tpu.region"() ({
      %run_scoped3A_162 = tpu.sem_alloc : memref<!tpu.dma_semaphore, #tpu.memory_space<semaphore_mem>>
      %dma_start3A_163 = arith.constant 0 : i32
      %dma_start3A_164 = arith.constant 0 : i32
      %dma_start3A_165 = tpu.memref_slice %arg10[%run_scoped3A, %dma_start3A_163, %dma_start3A_164] : memref<2x128x128xf32, #tpu.memory_space<vmem>> -> memref<1x128x128xf32, #tpu.memory_space<vmem>>
      %dma_start3A_166 = tpu.memref_squeeze %dma_start3A_165 : memref<1x128x128xf32, #tpu.memory_space<vmem>> -> memref<128x128xf32, #tpu.memory_space<vmem>>
      %dma_start3A_167 = arith.constant 0 : i32
      %dma_start3A_168 = tpu.memref_slice %arg9[%run_scoped3A_64, %dma_start3A_167] : memref<40x128xi32, #tpu.memory_space<vmem>> -> memref<1x128xi32, #tpu.memory_space<vmem>>
      %dma_start3A_169 = tpu.memref_squeeze %dma_start3A_168 : memref<1x128xi32, #tpu.memory_space<vmem>> -> memref<128xi32, #tpu.memory_space<vmem>>
      %dma_start3A_170 = arith.constant 0 : i32
      %dma_start3A_171 = arith.constant 0 : i32
      %dma_start3A_172 = tpu.memref_slice %arg7[%dma_start3A_170, %dma_start3A_171] : memref<10112x128xf32, #tpu.memory_space<vmem_shared>> -> memref<10112x128xf32, #tpu.memory_space<vmem_shared>>
      tpu.enqueue_indirect_dma source(%dma_start3A_166 : memref<128x128xf32, #tpu.memory_space<vmem>>) target(%dma_start3A_172 : memref<10112x128xf32, #tpu.memory_space<vmem_shared>>) offsets(%dma_start3A_169 : memref<128xi32, #tpu.memory_space<vmem>>) semaphore(%run_scoped3A_162 : memref<!tpu.dma_semaphore, #tpu.memory_space<semaphore_mem>>) {add = true}
      %dma_wait3A_173 = arith.constant 0 : i32
      %dma_wait3A_174 = arith.constant 0 : i32
      %dma_wait3A_175 = tpu.memref_slice %arg10[%run_scoped3A, %dma_wait3A_173, %dma_wait3A_174] : memref<2x128x128xf32, #tpu.memory_space<vmem>> -> memref<1x128x128xf32, #tpu.memory_space<vmem>>
      %dma_wait3A_176 = tpu.memref_squeeze %dma_wait3A_175 : memref<1x128x128xf32, #tpu.memory_space<vmem>> -> memref<128x128xf32, #tpu.memory_space<vmem>>
      %dma_wait3A_177 = arith.constant 0 : i32
      %dma_wait3A_178 = tpu.memref_slice %arg9[%run_scoped3A_64, %dma_wait3A_177] : memref<40x128xi32, #tpu.memory_space<vmem>> -> memref<1x128xi32, #tpu.memory_space<vmem>>
      %dma_wait3A_179 = tpu.memref_squeeze %dma_wait3A_178 : memref<1x128xi32, #tpu.memory_space<vmem>> -> memref<128xi32, #tpu.memory_space<vmem>>
      %dma_wait3A_180 = arith.constant 0 : i32
      %dma_wait3A_181 = arith.constant 0 : i32
      %dma_wait3A_182 = tpu.memref_slice %arg7[%dma_wait3A_180, %dma_wait3A_181] : memref<10112x128xf32, #tpu.memory_space<vmem_shared>> -> memref<10112x128xf32, #tpu.memory_space<vmem_shared>>
      tpu.wait_indirect_dma semaphore(%run_scoped3A_162 : memref<!tpu.dma_semaphore, #tpu.memory_space<semaphore_mem>>) src(%dma_wait3A_176 : memref<128x128xf32, #tpu.memory_space<vmem>>) dst(%dma_wait3A_182 : memref<10112x128xf32, #tpu.memory_space<vmem_shared>>)
      tpu.yield
    }) : () -> ()
    %dma_wait3A_65 = arith.constant 39 : i32
    %dma_wait3A_66 = arith.constant 1 : i32
    %dma_wait3A_67 = arith.constant 0 : i32
    %dma_wait3A_68 = arith.constant 0 : i32
    %dma_wait3A_69 = tpu.memref_slice %arg10[%dma_wait3A_66, %dma_wait3A_67, %dma_wait3A_68] : memref<2x128x128xf32, #tpu.memory_space<vmem>> -> memref<1x128x128xf32, #tpu.memory_space<vmem>>
    %dma_wait3A_70 = tpu.memref_squeeze %dma_wait3A_69 : memref<1x128x128xf32, #tpu.memory_space<vmem>> -> memref<128x128xf32, #tpu.memory_space<vmem>>
    %dma_wait3A_71 = arith.constant 0 : i32
    %dma_wait3A_72 = tpu.memref_slice %arg8[%dma_wait3A_65, %dma_wait3A_71] : memref<40x128xi32, #tpu.memory_space<vmem>> -> memref<1x128xi32, #tpu.memory_space<vmem>>
    %dma_wait3A_73 = tpu.memref_squeeze %dma_wait3A_72 : memref<1x128xi32, #tpu.memory_space<vmem>> -> memref<128xi32, #tpu.memory_space<vmem>>
    %dma_wait3A_74 = arith.constant 0 : i32
    %dma_wait3A_75 = arith.constant 0 : i32
    %dma_wait3A_76 = tpu.memref_slice %arg2[%dma_wait3A_74, %dma_wait3A_75] : memref<10000x128xf32, #tpu.memory_space<hbm>> -> memref<10000x128xf32, #tpu.memory_space<hbm>>
    tpu.wait_indirect_dma semaphore(%arg12 : memref<!tpu.dma_semaphore, #tpu.memory_space<semaphore_mem>>) src(%dma_wait3A_76 : memref<10000x128xf32, #tpu.memory_space<hbm>>) dst(%dma_wait3A_70 : memref<128x128xf32, #tpu.memory_space<vmem>>)
    %run_scoped3A_77 = arith.constant 1 : i32
    %run_scoped3A_78 = arith.constant 39 : i32
    "tpu.region"() ({
      %run_scoped3A_162 = tpu.sem_alloc : memref<!tpu.dma_semaphore, #tpu.memory_space<semaphore_mem>>
      %dma_start3A_163 = arith.constant 0 : i32
      %dma_start3A_164 = arith.constant 0 : i32
      %dma_start3A_165 = tpu.memref_slice %arg10[%run_scoped3A_77, %dma_start3A_163, %dma_start3A_164] : memref<2x128x128xf32, #tpu.memory_space<vmem>> -> memref<1x128x128xf32, #tpu.memory_space<vmem>>
      %dma_start3A_166 = tpu.memref_squeeze %dma_start3A_165 : memref<1x128x128xf32, #tpu.memory_space<vmem>> -> memref<128x128xf32, #tpu.memory_space<vmem>>
      %dma_start3A_167 = arith.constant 0 : i32
      %dma_start3A_168 = tpu.memref_slice %arg9[%run_scoped3A_78, %dma_start3A_167] : memref<40x128xi32, #tpu.memory_space<vmem>> -> memref<1x128xi32, #tpu.memory_space<vmem>>
      %dma_start3A_169 = tpu.memref_squeeze %dma_start3A_168 : memref<1x128xi32, #tpu.memory_space<vmem>> -> memref<128xi32, #tpu.memory_space<vmem>>
      %dma_start3A_170 = arith.constant 0 : i32
      %dma_start3A_171 = arith.constant 0 : i32
      %dma_start3A_172 = tpu.memref_slice %arg7[%dma_start3A_170, %dma_start3A_171] : memref<10112x128xf32, #tpu.memory_space<vmem_shared>> -> memref<10112x128xf32, #tpu.memory_space<vmem_shared>>
      tpu.enqueue_indirect_dma source(%dma_start3A_166 : memref<128x128xf32, #tpu.memory_space<vmem>>) target(%dma_start3A_172 : memref<10112x128xf32, #tpu.memory_space<vmem_shared>>) offsets(%dma_start3A_169 : memref<128xi32, #tpu.memory_space<vmem>>) semaphore(%run_scoped3A_162 : memref<!tpu.dma_semaphore, #tpu.memory_space<semaphore_mem>>) {add = true}
      %dma_wait3A_173 = arith.constant 0 : i32
      %dma_wait3A_174 = arith.constant 0 : i32
      %dma_wait3A_175 = tpu.memref_slice %arg10[%run_scoped3A_77, %dma_wait3A_173, %dma_wait3A_174] : memref<2x128x128xf32, #tpu.memory_space<vmem>> -> memref<1x128x128xf32, #tpu.memory_space<vmem>>
      %dma_wait3A_176 = tpu.memref_squeeze %dma_wait3A_175 : memref<1x128x128xf32, #tpu.memory_space<vmem>> -> memref<128x128xf32, #tpu.memory_space<vmem>>
      %dma_wait3A_177 = arith.constant 0 : i32
      %dma_wait3A_178 = tpu.memref_slice %arg9[%run_scoped3A_78, %dma_wait3A_177] : memref<40x128xi32, #tpu.memory_space<vmem>> -> memref<1x128xi32, #tpu.memory_space<vmem>>
      %dma_wait3A_179 = tpu.memref_squeeze %dma_wait3A_178 : memref<1x128xi32, #tpu.memory_space<vmem>> -> memref<128xi32, #tpu.memory_space<vmem>>
      %dma_wait3A_180 = arith.constant 0 : i32
      %dma_wait3A_181 = arith.constant 0 : i32
      %dma_wait3A_182 = tpu.memref_slice %arg7[%dma_wait3A_180, %dma_wait3A_181] : memref<10112x128xf32, #tpu.memory_space<vmem_shared>> -> memref<10112x128xf32, #tpu.memory_space<vmem_shared>>
      tpu.wait_indirect_dma semaphore(%run_scoped3A_162 : memref<!tpu.dma_semaphore, #tpu.memory_space<semaphore_mem>>) src(%dma_wait3A_176 : memref<128x128xf32, #tpu.memory_space<vmem>>) dst(%dma_wait3A_182 : memref<10112x128xf32, #tpu.memory_space<vmem_shared>>)
      tpu.yield
    }) : () -> ()
    %mul3A_79 = arith.constant 80 : i32
    %mul3A_80 = arith.muli %add3A, %mul3A_79 : i32
    %add3A_81 = arith.constant 40 : i32
    %add3A_82 = arith.addi %mul3A_80, %add3A_81 : i32
    %dma_start3A_83 = arith.constant 0 : i32
    %dma_start3A_84 = tpu.memref_slice %arg3[%add3A_82, %dma_start3A_83] : memref<2560x128xi32, #tpu.memory_space<hbm>> -> memref<40x128xi32, #tpu.memory_space<hbm>>
    %dma_start3A_85 = arith.constant 0 : i32
    %dma_start3A_86 = tpu.memref_slice %arg3[%add3A_82, %dma_start3A_85] : memref<2560x128xi32, #tpu.memory_space<hbm>> -> memref<40x128xi32, #tpu.memory_space<hbm>>
    tpu.enqueue_dma source(%dma_start3A_86 : memref<40x128xi32, #tpu.memory_space<hbm>>) target(%arg8 : memref<40x128xi32, #tpu.memory_space<vmem>>) target_semaphore(%arg11 : memref<!tpu.dma_semaphore, #tpu.memory_space<semaphore_mem>>)
    %dma_wait3A_87 = arith.constant 0 : i32
    %dma_wait3A_88 = tpu.memref_slice %arg3[%add3A_82, %dma_wait3A_87] : memref<2560x128xi32, #tpu.memory_space<hbm>> -> memref<40x128xi32, #tpu.memory_space<hbm>>
    %dma_wait3A_89 = arith.constant 0 : i32
    %dma_wait3A_90 = tpu.memref_slice %arg3[%add3A_82, %dma_wait3A_89] : memref<2560x128xi32, #tpu.memory_space<hbm>> -> memref<40x128xi32, #tpu.memory_space<hbm>>
    tpu.wait_dma2 semaphore(%arg11 : memref<!tpu.dma_semaphore, #tpu.memory_space<semaphore_mem>>) src(%dma_wait3A_90 : memref<40x128xi32, #tpu.memory_space<hbm>>) dst(%arg8 : memref<40x128xi32, #tpu.memory_space<vmem>>)
    %dma_start3A_91 = arith.constant 0 : i32
    %dma_start3A_92 = tpu.memref_slice %arg4[%add3A_82, %dma_start3A_91] : memref<2560x128xi32, #tpu.memory_space<hbm>> -> memref<40x128xi32, #tpu.memory_space<hbm>>
    %dma_start3A_93 = arith.constant 0 : i32
    %dma_start3A_94 = tpu.memref_slice %arg4[%add3A_82, %dma_start3A_93] : memref<2560x128xi32, #tpu.memory_space<hbm>> -> memref<40x128xi32, #tpu.memory_space<hbm>>
    tpu.enqueue_dma source(%dma_start3A_94 : memref<40x128xi32, #tpu.memory_space<hbm>>) target(%arg9 : memref<40x128xi32, #tpu.memory_space<vmem>>) target_semaphore(%arg12 : memref<!tpu.dma_semaphore, #tpu.memory_space<semaphore_mem>>)
    %dma_wait3A_95 = arith.constant 0 : i32
    %dma_wait3A_96 = tpu.memref_slice %arg4[%add3A_82, %dma_wait3A_95] : memref<2560x128xi32, #tpu.memory_space<hbm>> -> memref<40x128xi32, #tpu.memory_space<hbm>>
    %dma_wait3A_97 = arith.constant 0 : i32
    %dma_wait3A_98 = tpu.memref_slice %arg4[%add3A_82, %dma_wait3A_97] : memref<2560x128xi32, #tpu.memory_space<hbm>> -> memref<40x128xi32, #tpu.memory_space<hbm>>
    tpu.wait_dma2 semaphore(%arg12 : memref<!tpu.dma_semaphore, #tpu.memory_space<semaphore_mem>>) src(%dma_wait3A_98 : memref<40x128xi32, #tpu.memory_space<hbm>>) dst(%arg9 : memref<40x128xi32, #tpu.memory_space<vmem>>)
    %dma_start3A_99 = arith.constant 0 : i32
    %dma_start3A_100 = arith.constant 0 : i32
    %dma_start3A_101 = arith.constant 0 : i32
    %dma_start3A_102 = arith.constant 0 : i32
    %dma_start3A_103 = tpu.memref_slice %arg10[%dma_start3A_100, %dma_start3A_101, %dma_start3A_102] : memref<2x128x128xf32, #tpu.memory_space<vmem>> -> memref<1x128x128xf32, #tpu.memory_space<vmem>>
    %dma_start3A_104 = tpu.memref_squeeze %dma_start3A_103 : memref<1x128x128xf32, #tpu.memory_space<vmem>> -> memref<128x128xf32, #tpu.memory_space<vmem>>
    %dma_start3A_105 = arith.constant 0 : i32
    %dma_start3A_106 = tpu.memref_slice %arg8[%dma_start3A_99, %dma_start3A_105] : memref<40x128xi32, #tpu.memory_space<vmem>> -> memref<1x128xi32, #tpu.memory_space<vmem>>
    %dma_start3A_107 = tpu.memref_squeeze %dma_start3A_106 : memref<1x128xi32, #tpu.memory_space<vmem>> -> memref<128xi32, #tpu.memory_space<vmem>>
    %dma_start3A_108 = arith.constant 0 : i32
    %dma_start3A_109 = arith.constant 0 : i32
    %dma_start3A_110 = tpu.memref_slice %arg2[%dma_start3A_108, %dma_start3A_109] : memref<10000x128xf32, #tpu.memory_space<hbm>> -> memref<10000x128xf32, #tpu.memory_space<hbm>>
    tpu.enqueue_indirect_dma source(%dma_start3A_110 : memref<10000x128xf32, #tpu.memory_space<hbm>>) target(%dma_start3A_104 : memref<128x128xf32, #tpu.memory_space<vmem>>) offsets(%dma_start3A_107 : memref<128xi32, #tpu.memory_space<vmem>>) semaphore(%arg11 : memref<!tpu.dma_semaphore, #tpu.memory_space<semaphore_mem>>)
    %dma_start3A_111 = arith.constant 1 : i32
    %dma_start3A_112 = arith.constant 1 : i32
    %dma_start3A_113 = arith.constant 0 : i32
    %dma_start3A_114 = arith.constant 0 : i32
    %dma_start3A_115 = tpu.memref_slice %arg10[%dma_start3A_112, %dma_start3A_113, %dma_start3A_114] : memref<2x128x128xf32, #tpu.memory_space<vmem>> -> memref<1x128x128xf32, #tpu.memory_space<vmem>>
    %dma_start3A_116 = tpu.memref_squeeze %dma_start3A_115 : memref<1x128x128xf32, #tpu.memory_space<vmem>> -> memref<128x128xf32, #tpu.memory_space<vmem>>
    %dma_start3A_117 = arith.constant 0 : i32
    %dma_start3A_118 = tpu.memref_slice %arg8[%dma_start3A_111, %dma_start3A_117] : memref<40x128xi32, #tpu.memory_space<vmem>> -> memref<1x128xi32, #tpu.memory_space<vmem>>
    %dma_start3A_119 = tpu.memref_squeeze %dma_start3A_118 : memref<1x128xi32, #tpu.memory_space<vmem>> -> memref<128xi32, #tpu.memory_space<vmem>>
    %dma_start3A_120 = arith.constant 0 : i32
    %dma_start3A_121 = arith.constant 0 : i32
    %dma_start3A_122 = tpu.memref_slice %arg2[%dma_start3A_120, %dma_start3A_121] : memref<10000x128xf32, #tpu.memory_space<hbm>> -> memref<10000x128xf32, #tpu.memory_space<hbm>>
    tpu.enqueue_indirect_dma source(%dma_start3A_122 : memref<10000x128xf32, #tpu.memory_space<hbm>>) target(%dma_start3A_116 : memref<128x128xf32, #tpu.memory_space<vmem>>) offsets(%dma_start3A_119 : memref<128xi32, #tpu.memory_space<vmem>>) semaphore(%arg12 : memref<!tpu.dma_semaphore, #tpu.memory_space<semaphore_mem>>)
    %scan3A_123 = arith.constant 0 : i32
    %scan3A_124 = arith.constant 0 : i32
    %scan3A_125 = arith.constant 19 : i32
    %scan3A_126 = arith.addi %scan3A_124, %scan3A_125 : i32
    %scan3A_127 = arith.constant 1 : i32
    scf.for %scan3A_162 = %scan3A_124 to %scan3A_126 step %scan3A_127  : i32 {
      %mul3A_163 = arith.constant 2 : i32
      %mul3A_164 = arith.muli %scan3A_162, %mul3A_163 : i32
      %add3A_165 = arith.constant 1 : i32
      %add3A_166 = arith.addi %mul3A_164, %add3A_165 : i32
      %dma_wait3A_167 = arith.constant 0 : i32
      %dma_wait3A_168 = arith.constant 0 : i32
      %dma_wait3A_169 = arith.constant 0 : i32
      %dma_wait3A_170 = tpu.memref_slice %arg10[%dma_wait3A_167, %dma_wait3A_168, %dma_wait3A_169] : memref<2x128x128xf32, #tpu.memory_space<vmem>> -> memref<1x128x128xf32, #tpu.memory_space<vmem>>
      %dma_wait3A_171 = tpu.memref_squeeze %dma_wait3A_170 : memref<1x128x128xf32, #tpu.memory_space<vmem>> -> memref<128x128xf32, #tpu.memory_space<vmem>>
      %dma_wait3A_172 = arith.constant 0 : i32
      %dma_wait3A_173 = tpu.memref_slice %arg8[%mul3A_164, %dma_wait3A_172] : memref<40x128xi32, #tpu.memory_space<vmem>> -> memref<1x128xi32, #tpu.memory_space<vmem>>
      %dma_wait3A_174 = tpu.memref_squeeze %dma_wait3A_173 : memref<1x128xi32, #tpu.memory_space<vmem>> -> memref<128xi32, #tpu.memory_space<vmem>>
      %dma_wait3A_175 = arith.constant 0 : i32
      %dma_wait3A_176 = arith.constant 0 : i32
      %dma_wait3A_177 = tpu.memref_slice %arg2[%dma_wait3A_175, %dma_wait3A_176] : memref<10000x128xf32, #tpu.memory_space<hbm>> -> memref<10000x128xf32, #tpu.memory_space<hbm>>
      tpu.wait_indirect_dma semaphore(%arg11 : memref<!tpu.dma_semaphore, #tpu.memory_space<semaphore_mem>>) src(%dma_wait3A_177 : memref<10000x128xf32, #tpu.memory_space<hbm>>) dst(%dma_wait3A_171 : memref<128x128xf32, #tpu.memory_space<vmem>>)
      %run_scoped3A_178 = arith.constant 0 : i32
      "tpu.region"() ({
        %run_scoped3A_217 = tpu.sem_alloc : memref<!tpu.dma_semaphore, #tpu.memory_space<semaphore_mem>>
        %dma_start3A_218 = arith.constant 0 : i32
        %dma_start3A_219 = arith.constant 0 : i32
        %dma_start3A_220 = tpu.memref_slice %arg10[%run_scoped3A_178, %dma_start3A_218, %dma_start3A_219] : memref<2x128x128xf32, #tpu.memory_space<vmem>> -> memref<1x128x128xf32, #tpu.memory_space<vmem>>
        %dma_start3A_221 = tpu.memref_squeeze %dma_start3A_220 : memref<1x128x128xf32, #tpu.memory_space<vmem>> -> memref<128x128xf32, #tpu.memory_space<vmem>>
        %dma_start3A_222 = arith.constant 0 : i32
        %dma_start3A_223 = tpu.memref_slice %arg9[%mul3A_164, %dma_start3A_222] : memref<40x128xi32, #tpu.memory_space<vmem>> -> memref<1x128xi32, #tpu.memory_space<vmem>>
        %dma_start3A_224 = tpu.memref_squeeze %dma_start3A_223 : memref<1x128xi32, #tpu.memory_space<vmem>> -> memref<128xi32, #tpu.memory_space<vmem>>
        %dma_start3A_225 = arith.constant 0 : i32
        %dma_start3A_226 = arith.constant 0 : i32
        %dma_start3A_227 = tpu.memref_slice %arg7[%dma_start3A_225, %dma_start3A_226] : memref<10112x128xf32, #tpu.memory_space<vmem_shared>> -> memref<10112x128xf32, #tpu.memory_space<vmem_shared>>
        tpu.enqueue_indirect_dma source(%dma_start3A_221 : memref<128x128xf32, #tpu.memory_space<vmem>>) target(%dma_start3A_227 : memref<10112x128xf32, #tpu.memory_space<vmem_shared>>) offsets(%dma_start3A_224 : memref<128xi32, #tpu.memory_space<vmem>>) semaphore(%run_scoped3A_217 : memref<!tpu.dma_semaphore, #tpu.memory_space<semaphore_mem>>) {add = true}
        %dma_wait3A_228 = arith.constant 0 : i32
        %dma_wait3A_229 = arith.constant 0 : i32
        %dma_wait3A_230 = tpu.memref_slice %arg10[%run_scoped3A_178, %dma_wait3A_228, %dma_wait3A_229] : memref<2x128x128xf32, #tpu.memory_space<vmem>> -> memref<1x128x128xf32, #tpu.memory_space<vmem>>
        %dma_wait3A_231 = tpu.memref_squeeze %dma_wait3A_230 : memref<1x128x128xf32, #tpu.memory_space<vmem>> -> memref<128x128xf32, #tpu.memory_space<vmem>>
        %dma_wait3A_232 = arith.constant 0 : i32
        %dma_wait3A_233 = tpu.memref_slice %arg9[%mul3A_164, %dma_wait3A_232] : memref<40x128xi32, #tpu.memory_space<vmem>> -> memref<1x128xi32, #tpu.memory_space<vmem>>
        %dma_wait3A_234 = tpu.memref_squeeze %dma_wait3A_233 : memref<1x128xi32, #tpu.memory_space<vmem>> -> memref<128xi32, #tpu.memory_space<vmem>>
        %dma_wait3A_235 = arith.constant 0 : i32
        %dma_wait3A_236 = arith.constant 0 : i32
        %dma_wait3A_237 = tpu.memref_slice %arg7[%dma_wait3A_235, %dma_wait3A_236] : memref<10112x128xf32, #tpu.memory_space<vmem_shared>> -> memref<10112x128xf32, #tpu.memory_space<vmem_shared>>
        tpu.wait_indirect_dma semaphore(%run_scoped3A_217 : memref<!tpu.dma_semaphore, #tpu.memory_space<semaphore_mem>>) src(%dma_wait3A_231 : memref<128x128xf32, #tpu.memory_space<vmem>>) dst(%dma_wait3A_237 : memref<10112x128xf32, #tpu.memory_space<vmem_shared>>)
        tpu.yield
      }) : () -> ()
      %add3A_179 = arith.constant 2 : i32
      %add3A_180 = arith.addi %mul3A_164, %add3A_179 : i32
      %dma_start3A_181 = arith.constant 0 : i32
      %dma_start3A_182 = arith.constant 0 : i32
      %dma_start3A_183 = arith.constant 0 : i32
      %dma_start3A_184 = tpu.memref_slice %arg10[%dma_start3A_181, %dma_start3A_182, %dma_start3A_183] : memref<2x128x128xf32, #tpu.memory_space<vmem>> -> memref<1x128x128xf32, #tpu.memory_space<vmem>>
      %dma_start3A_185 = tpu.memref_squeeze %dma_start3A_184 : memref<1x128x128xf32, #tpu.memory_space<vmem>> -> memref<128x128xf32, #tpu.memory_space<vmem>>
      %dma_start3A_186 = arith.constant 0 : i32
      %dma_start3A_187 = tpu.memref_slice %arg8[%add3A_180, %dma_start3A_186] : memref<40x128xi32, #tpu.memory_space<vmem>> -> memref<1x128xi32, #tpu.memory_space<vmem>>
      %dma_start3A_188 = tpu.memref_squeeze %dma_start3A_187 : memref<1x128xi32, #tpu.memory_space<vmem>> -> memref<128xi32, #tpu.memory_space<vmem>>
      %dma_start3A_189 = arith.constant 0 : i32
      %dma_start3A_190 = arith.constant 0 : i32
      %dma_start3A_191 = tpu.memref_slice %arg2[%dma_start3A_189, %dma_start3A_190] : memref<10000x128xf32, #tpu.memory_space<hbm>> -> memref<10000x128xf32, #tpu.memory_space<hbm>>
      tpu.enqueue_indirect_dma source(%dma_start3A_191 : memref<10000x128xf32, #tpu.memory_space<hbm>>) target(%dma_start3A_185 : memref<128x128xf32, #tpu.memory_space<vmem>>) offsets(%dma_start3A_188 : memref<128xi32, #tpu.memory_space<vmem>>) semaphore(%arg11 : memref<!tpu.dma_semaphore, #tpu.memory_space<semaphore_mem>>)
      %dma_wait3A_192 = arith.constant 1 : i32
      %dma_wait3A_193 = arith.constant 0 : i32
      %dma_wait3A_194 = arith.constant 0 : i32
      %dma_wait3A_195 = tpu.memref_slice %arg10[%dma_wait3A_192, %dma_wait3A_193, %dma_wait3A_194] : memref<2x128x128xf32, #tpu.memory_space<vmem>> -> memref<1x128x128xf32, #tpu.memory_space<vmem>>
      %dma_wait3A_196 = tpu.memref_squeeze %dma_wait3A_195 : memref<1x128x128xf32, #tpu.memory_space<vmem>> -> memref<128x128xf32, #tpu.memory_space<vmem>>
      %dma_wait3A_197 = arith.constant 0 : i32
      %dma_wait3A_198 = tpu.memref_slice %arg8[%add3A_166, %dma_wait3A_197] : memref<40x128xi32, #tpu.memory_space<vmem>> -> memref<1x128xi32, #tpu.memory_space<vmem>>
      %dma_wait3A_199 = tpu.memref_squeeze %dma_wait3A_198 : memref<1x128xi32, #tpu.memory_space<vmem>> -> memref<128xi32, #tpu.memory_space<vmem>>
      %dma_wait3A_200 = arith.constant 0 : i32
      %dma_wait3A_201 = arith.constant 0 : i32
      %dma_wait3A_202 = tpu.memref_slice %arg2[%dma_wait3A_200, %dma_wait3A_201] : memref<10000x128xf32, #tpu.memory_space<hbm>> -> memref<10000x128xf32, #tpu.memory_space<hbm>>
      tpu.wait_indirect_dma semaphore(%arg12 : memref<!tpu.dma_semaphore, #tpu.memory_space<semaphore_mem>>) src(%dma_wait3A_202 : memref<10000x128xf32, #tpu.memory_space<hbm>>) dst(%dma_wait3A_196 : memref<128x128xf32, #tpu.memory_space<vmem>>)
      %run_scoped3A_203 = arith.constant 1 : i32
      "tpu.region"() ({
        %run_scoped3A_217 = tpu.sem_alloc : memref<!tpu.dma_semaphore, #tpu.memory_space<semaphore_mem>>
        %dma_start3A_218 = arith.constant 0 : i32
        %dma_start3A_219 = arith.constant 0 : i32
        %dma_start3A_220 = tpu.memref_slice %arg10[%run_scoped3A_203, %dma_start3A_218, %dma_start3A_219] : memref<2x128x128xf32, #tpu.memory_space<vmem>> -> memref<1x128x128xf32, #tpu.memory_space<vmem>>
        %dma_start3A_221 = tpu.memref_squeeze %dma_start3A_220 : memref<1x128x128xf32, #tpu.memory_space<vmem>> -> memref<128x128xf32, #tpu.memory_space<vmem>>
        %dma_start3A_222 = arith.constant 0 : i32
        %dma_start3A_223 = tpu.memref_slice %arg9[%add3A_166, %dma_start3A_222] : memref<40x128xi32, #tpu.memory_space<vmem>> -> memref<1x128xi32, #tpu.memory_space<vmem>>
        %dma_start3A_224 = tpu.memref_squeeze %dma_start3A_223 : memref<1x128xi32, #tpu.memory_space<vmem>> -> memref<128xi32, #tpu.memory_space<vmem>>
        %dma_start3A_225 = arith.constant 0 : i32
        %dma_start3A_226 = arith.constant 0 : i32
        %dma_start3A_227 = tpu.memref_slice %arg7[%dma_start3A_225, %dma_start3A_226] : memref<10112x128xf32, #tpu.memory_space<vmem_shared>> -> memref<10112x128xf32, #tpu.memory_space<vmem_shared>>
        tpu.enqueue_indirect_dma source(%dma_start3A_221 : memref<128x128xf32, #tpu.memory_space<vmem>>) target(%dma_start3A_227 : memref<10112x128xf32, #tpu.memory_space<vmem_shared>>) offsets(%dma_start3A_224 : memref<128xi32, #tpu.memory_space<vmem>>) semaphore(%run_scoped3A_217 : memref<!tpu.dma_semaphore, #tpu.memory_space<semaphore_mem>>) {add = true}
        %dma_wait3A_228 = arith.constant 0 : i32
        %dma_wait3A_229 = arith.constant 0 : i32
        %dma_wait3A_230 = tpu.memref_slice %arg10[%run_scoped3A_203, %dma_wait3A_228, %dma_wait3A_229] : memref<2x128x128xf32, #tpu.memory_space<vmem>> -> memref<1x128x128xf32, #tpu.memory_space<vmem>>
        %dma_wait3A_231 = tpu.memref_squeeze %dma_wait3A_230 : memref<1x128x128xf32, #tpu.memory_space<vmem>> -> memref<128x128xf32, #tpu.memory_space<vmem>>
        %dma_wait3A_232 = arith.constant 0 : i32
        %dma_wait3A_233 = tpu.memref_slice %arg9[%add3A_166, %dma_wait3A_232] : memref<40x128xi32, #tpu.memory_space<vmem>> -> memref<1x128xi32, #tpu.memory_space<vmem>>
        %dma_wait3A_234 = tpu.memref_squeeze %dma_wait3A_233 : memref<1x128xi32, #tpu.memory_space<vmem>> -> memref<128xi32, #tpu.memory_space<vmem>>
        %dma_wait3A_235 = arith.constant 0 : i32
        %dma_wait3A_236 = arith.constant 0 : i32
        %dma_wait3A_237 = tpu.memref_slice %arg7[%dma_wait3A_235, %dma_wait3A_236] : memref<10112x128xf32, #tpu.memory_space<vmem_shared>> -> memref<10112x128xf32, #tpu.memory_space<vmem_shared>>
        tpu.wait_indirect_dma semaphore(%run_scoped3A_217 : memref<!tpu.dma_semaphore, #tpu.memory_space<semaphore_mem>>) src(%dma_wait3A_231 : memref<128x128xf32, #tpu.memory_space<vmem>>) dst(%dma_wait3A_237 : memref<10112x128xf32, #tpu.memory_space<vmem_shared>>)
        tpu.yield
      }) : () -> ()
      %add3A_204 = arith.constant 2 : i32
      %add3A_205 = arith.addi %add3A_166, %add3A_204 : i32
      %dma_start3A_206 = arith.constant 1 : i32
      %dma_start3A_207 = arith.constant 0 : i32
      %dma_start3A_208 = arith.constant 0 : i32
      %dma_start3A_209 = tpu.memref_slice %arg10[%dma_start3A_206, %dma_start3A_207, %dma_start3A_208] : memref<2x128x128xf32, #tpu.memory_space<vmem>> -> memref<1x128x128xf32, #tpu.memory_space<vmem>>
      %dma_start3A_210 = tpu.memref_squeeze %dma_start3A_209 : memref<1x128x128xf32, #tpu.memory_space<vmem>> -> memref<128x128xf32, #tpu.memory_space<vmem>>
      %dma_start3A_211 = arith.constant 0 : i32
      %dma_start3A_212 = tpu.memref_slice %arg8[%add3A_205, %dma_start3A_211] : memref<40x128xi32, #tpu.memory_space<vmem>> -> memref<1x128xi32, #tpu.memory_space<vmem>>
      %dma_start3A_213 = tpu.memref_squeeze %dma_start3A_212 : memref<1x128xi32, #tpu.memory_space<vmem>> -> memref<128xi32, #tpu.memory_space<vmem>>
      %dma_start3A_214 = arith.constant 0 : i32
      %dma_start3A_215 = arith.constant 0 : i32
      %dma_start3A_216 = tpu.memref_slice %arg2[%dma_start3A_214, %dma_start3A_215] : memref<10000x128xf32, #tpu.memory_space<hbm>> -> memref<10000x128xf32, #tpu.memory_space<hbm>>
      tpu.enqueue_indirect_dma source(%dma_start3A_216 : memref<10000x128xf32, #tpu.memory_space<hbm>>) target(%dma_start3A_210 : memref<128x128xf32, #tpu.memory_space<vmem>>) offsets(%dma_start3A_213 : memref<128xi32, #tpu.memory_space<vmem>>) semaphore(%arg12 : memref<!tpu.dma_semaphore, #tpu.memory_space<semaphore_mem>>)
    }
    %scan3A_128 = arith.constant 19 : i32
    %dma_wait3A_129 = arith.constant 38 : i32
    %dma_wait3A_130 = arith.constant 0 : i32
    %dma_wait3A_131 = arith.constant 0 : i32
    %dma_wait3A_132 = arith.constant 0 : i32
    %dma_wait3A_133 = tpu.memref_slice %arg10[%dma_wait3A_130, %dma_wait3A_131, %dma_wait3A_132] : memref<2x128x128xf32, #tpu.memory_space<vmem>> -> memref<1x128x128xf32, #tpu.memory_space<vmem>>
    %dma_wait3A_134 = tpu.memref_squeeze %dma_wait3A_133 : memref<1x128x128xf32, #tpu.memory_space<vmem>> -> memref<128x128xf32, #tpu.memory_space<vmem>>
    %dma_wait3A_135 = arith.constant 0 : i32
    %dma_wait3A_136 = tpu.memref_slice %arg8[%dma_wait3A_129, %dma_wait3A_135] : memref<40x128xi32, #tpu.memory_space<vmem>> -> memref<1x128xi32, #tpu.memory_space<vmem>>
    %dma_wait3A_137 = tpu.memref_squeeze %dma_wait3A_136 : memref<1x128xi32, #tpu.memory_space<vmem>> -> memref<128xi32, #tpu.memory_space<vmem>>
    %dma_wait3A_138 = arith.constant 0 : i32
    %dma_wait3A_139 = arith.constant 0 : i32
    %dma_wait3A_140 = tpu.memref_slice %arg2[%dma_wait3A_138, %dma_wait3A_139] : memref<10000x128xf32, #tpu.memory_space<hbm>> -> memref<10000x128xf32, #tpu.memory_space<hbm>>
    tpu.wait_indirect_dma semaphore(%arg11 : memref<!tpu.dma_semaphore, #tpu.memory_space<semaphore_mem>>) src(%dma_wait3A_140 : memref<10000x128xf32, #tpu.memory_space<hbm>>) dst(%dma_wait3A_134 : memref<128x128xf32, #tpu.memory_space<vmem>>)
    %run_scoped3A_141 = arith.constant 0 : i32
    %run_scoped3A_142 = arith.constant 38 : i32
    "tpu.region"() ({
      %run_scoped3A_162 = tpu.sem_alloc : memref<!tpu.dma_semaphore, #tpu.memory_space<semaphore_mem>>
      %dma_start3A_163 = arith.constant 0 : i32
      %dma_start3A_164 = arith.constant 0 : i32
      %dma_start3A_165 = tpu.memref_slice %arg10[%run_scoped3A_141, %dma_start3A_163, %dma_start3A_164] : memref<2x128x128xf32, #tpu.memory_space<vmem>> -> memref<1x128x128xf32, #tpu.memory_space<vmem>>
      %dma_start3A_166 = tpu.memref_squeeze %dma_start3A_165 : memref<1x128x128xf32, #tpu.memory_space<vmem>> -> memref<128x128xf32, #tpu.memory_space<vmem>>
      %dma_start3A_167 = arith.constant 0 : i32
      %dma_start3A_168 = tpu.memref_slice %arg9[%run_scoped3A_142, %dma_start3A_167] : memref<40x128xi32, #tpu.memory_space<vmem>> -> memref<1x128xi32, #tpu.memory_space<vmem>>
      %dma_start3A_169 = tpu.memref_squeeze %dma_start3A_168 : memref<1x128xi32, #tpu.memory_space<vmem>> -> memref<128xi32, #tpu.memory_space<vmem>>
      %dma_start3A_170 = arith.constant 0 : i32
      %dma_start3A_171 = arith.constant 0 : i32
      %dma_start3A_172 = tpu.memref_slice %arg7[%dma_start3A_170, %dma_start3A_171] : memref<10112x128xf32, #tpu.memory_space<vmem_shared>> -> memref<10112x128xf32, #tpu.memory_space<vmem_shared>>
      tpu.enqueue_indirect_dma source(%dma_start3A_166 : memref<128x128xf32, #tpu.memory_space<vmem>>) target(%dma_start3A_172 : memref<10112x128xf32, #tpu.memory_space<vmem_shared>>) offsets(%dma_start3A_169 : memref<128xi32, #tpu.memory_space<vmem>>) semaphore(%run_scoped3A_162 : memref<!tpu.dma_semaphore, #tpu.memory_space<semaphore_mem>>) {add = true}
      %dma_wait3A_173 = arith.constant 0 : i32
      %dma_wait3A_174 = arith.constant 0 : i32
      %dma_wait3A_175 = tpu.memref_slice %arg10[%run_scoped3A_141, %dma_wait3A_173, %dma_wait3A_174] : memref<2x128x128xf32, #tpu.memory_space<vmem>> -> memref<1x128x128xf32, #tpu.memory_space<vmem>>
      %dma_wait3A_176 = tpu.memref_squeeze %dma_wait3A_175 : memref<1x128x128xf32, #tpu.memory_space<vmem>> -> memref<128x128xf32, #tpu.memory_space<vmem>>
      %dma_wait3A_177 = arith.constant 0 : i32
      %dma_wait3A_178 = tpu.memref_slice %arg9[%run_scoped3A_142, %dma_wait3A_177] : memref<40x128xi32, #tpu.memory_space<vmem>> -> memref<1x128xi32, #tpu.memory_space<vmem>>
      %dma_wait3A_179 = tpu.memref_squeeze %dma_wait3A_178 : memref<1x128xi32, #tpu.memory_space<vmem>> -> memref<128xi32, #tpu.memory_space<vmem>>
      %dma_wait3A_180 = arith.constant 0 : i32
      %dma_wait3A_181 = arith.constant 0 : i32
      %dma_wait3A_182 = tpu.memref_slice %arg7[%dma_wait3A_180, %dma_wait3A_181] : memref<10112x128xf32, #tpu.memory_space<vmem_shared>> -> memref<10112x128xf32, #tpu.memory_space<vmem_shared>>
      tpu.wait_indirect_dma semaphore(%run_scoped3A_162 : memref<!tpu.dma_semaphore, #tpu.memory_space<semaphore_mem>>) src(%dma_wait3A_176 : memref<128x128xf32, #tpu.memory_space<vmem>>) dst(%dma_wait3A_182 : memref<10112x128xf32, #tpu.memory_space<vmem_shared>>)
      tpu.yield
    }) : () -> ()
    %dma_wait3A_143 = arith.constant 39 : i32
    %dma_wait3A_144 = arith.constant 1 : i32
    %dma_wait3A_145 = arith.constant 0 : i32
    %dma_wait3A_146 = arith.constant 0 : i32
    %dma_wait3A_147 = tpu.memref_slice %arg10[%dma_wait3A_144, %dma_wait3A_145, %dma_wait3A_146] : memref<2x128x128xf32, #tpu.memory_space<vmem>> -> memref<1x128x128xf32, #tpu.memory_space<vmem>>
    %dma_wait3A_148 = tpu.memref_squeeze %dma_wait3A_147 : memref<1x128x128xf32, #tpu.memory_space<vmem>> -> memref<128x128xf32, #tpu.memory_space<vmem>>
    %dma_wait3A_149 = arith.constant 0 : i32
    %dma_wait3A_150 = tpu.memref_slice %arg8[%dma_wait3A_143, %dma_wait3A_149] : memref<40x128xi32, #tpu.memory_space<vmem>> -> memref<1x128xi32, #tpu.memory_space<vmem>>
    %dma_wait3A_151 = tpu.memref_squeeze %dma_wait3A_150 : memref<1x128xi32, #tpu.memory_space<vmem>> -> memref<128xi32, #tpu.memory_space<vmem>>
    %dma_wait3A_152 = arith.constant 0 : i32
    %dma_wait3A_153 = arith.constant 0 : i32
    %dma_wait3A_154 = tpu.memref_slice %arg2[%dma_wait3A_152, %dma_wait3A_153] : memref<10000x128xf32, #tpu.memory_space<hbm>> -> memref<10000x128xf32, #tpu.memory_space<hbm>>
    tpu.wait_indirect_dma semaphore(%arg12 : memref<!tpu.dma_semaphore, #tpu.memory_space<semaphore_mem>>) src(%dma_wait3A_154 : memref<10000x128xf32, #tpu.memory_space<hbm>>) dst(%dma_wait3A_148 : memref<128x128xf32, #tpu.memory_space<vmem>>)
    %run_scoped3A_155 = arith.constant 1 : i32
    %run_scoped3A_156 = arith.constant 39 : i32
    "tpu.region"() ({
      %run_scoped3A_162 = tpu.sem_alloc : memref<!tpu.dma_semaphore, #tpu.memory_space<semaphore_mem>>
      %dma_start3A_163 = arith.constant 0 : i32
      %dma_start3A_164 = arith.constant 0 : i32
      %dma_start3A_165 = tpu.memref_slice %arg10[%run_scoped3A_155, %dma_start3A_163, %dma_start3A_164] : memref<2x128x128xf32, #tpu.memory_space<vmem>> -> memref<1x128x128xf32, #tpu.memory_space<vmem>>
      %dma_start3A_166 = tpu.memref_squeeze %dma_start3A_165 : memref<1x128x128xf32, #tpu.memory_space<vmem>> -> memref<128x128xf32, #tpu.memory_space<vmem>>
      %dma_start3A_167 = arith.constant 0 : i32
      %dma_start3A_168 = tpu.memref_slice %arg9[%run_scoped3A_156, %dma_start3A_167] : memref<40x128xi32, #tpu.memory_space<vmem>> -> memref<1x128xi32, #tpu.memory_space<vmem>>
      %dma_start3A_169 = tpu.memref_squeeze %dma_start3A_168 : memref<1x128xi32, #tpu.memory_space<vmem>> -> memref<128xi32, #tpu.memory_space<vmem>>
      %dma_start3A_170 = arith.constant 0 : i32
      %dma_start3A_171 = arith.constant 0 : i32
      %dma_start3A_172 = tpu.memref_slice %arg7[%dma_start3A_170, %dma_start3A_171] : memref<10112x128xf32, #tpu.memory_space<vmem_shared>> -> memref<10112x128xf32, #tpu.memory_space<vmem_shared>>
      tpu.enqueue_indirect_dma source(%dma_start3A_166 : memref<128x128xf32, #tpu.memory_space<vmem>>) target(%dma_start3A_172 : memref<10112x128xf32, #tpu.memory_space<vmem_shared>>) offsets(%dma_start3A_169 : memref<128xi32, #tpu.memory_space<vmem>>) semaphore(%run_scoped3A_162 : memref<!tpu.dma_semaphore, #tpu.memory_space<semaphore_mem>>) {add = true}
      %dma_wait3A_173 = arith.constant 0 : i32
      %dma_wait3A_174 = arith.constant 0 : i32
      %dma_wait3A_175 = tpu.memref_slice %arg10[%run_scoped3A_155, %dma_wait3A_173, %dma_wait3A_174] : memref<2x128x128xf32, #tpu.memory_space<vmem>> -> memref<1x128x128xf32, #tpu.memory_space<vmem>>
      %dma_wait3A_176 = tpu.memref_squeeze %dma_wait3A_175 : memref<1x128x128xf32, #tpu.memory_space<vmem>> -> memref<128x128xf32, #tpu.memory_space<vmem>>
      %dma_wait3A_177 = arith.constant 0 : i32
      %dma_wait3A_178 = tpu.memref_slice %arg9[%run_scoped3A_156, %dma_wait3A_177] : memref<40x128xi32, #tpu.memory_space<vmem>> -> memref<1x128xi32, #tpu.memory_space<vmem>>
      %dma_wait3A_179 = tpu.memref_squeeze %dma_wait3A_178 : memref<1x128xi32, #tpu.memory_space<vmem>> -> memref<128xi32, #tpu.memory_space<vmem>>
      %dma_wait3A_180 = arith.constant 0 : i32
      %dma_wait3A_181 = arith.constant 0 : i32
      %dma_wait3A_182 = tpu.memref_slice %arg7[%dma_wait3A_180, %dma_wait3A_181] : memref<10112x128xf32, #tpu.memory_space<vmem_shared>> -> memref<10112x128xf32, #tpu.memory_space<vmem_shared>>
      tpu.wait_indirect_dma semaphore(%run_scoped3A_162 : memref<!tpu.dma_semaphore, #tpu.memory_space<semaphore_mem>>) src(%dma_wait3A_176 : memref<128x128xf32, #tpu.memory_space<vmem>>) dst(%dma_wait3A_182 : memref<10112x128xf32, #tpu.memory_space<vmem_shared>>)
      tpu.yield
    }) : () -> ()
    %barrier3A_157 = arith.constant 0 : index
    tpu.barrier barrier_id(%barrier3A_157)
    %mul3A_158 = arith.constant 632 : i32
    %mul3A_159 = arith.muli %arg1, %mul3A_158 : i32
    %mul3A_160 = arith.constant 632 : i32
    %mul3A_161 = arith.muli %arg1, %mul3A_160 : i32
    "tpu.region"() ({
      %run_scoped3A_162 = tpu.sem_alloc : memref<!tpu.dma_semaphore, #tpu.memory_space<semaphore_mem>>
      %dma_start3A_163 = arith.constant 0 : i32
      %dma_start3A_164 = tpu.memref_slice %arg6[%arg0, %mul3A_161, %dma_start3A_163] : memref<2x10112x128xf32, #tpu.memory_space<hbm>> -> memref<1x632x128xf32, #tpu.memory_space<hbm>>
      %dma_start3A_165 = tpu.memref_squeeze %dma_start3A_164 : memref<1x632x128xf32, #tpu.memory_space<hbm>> -> memref<632x128xf32, #tpu.memory_space<hbm>>
      %dma_start3A_166 = arith.constant 0 : i32
      %dma_start3A_167 = tpu.memref_slice %arg7[%mul3A_159, %dma_start3A_166] : memref<10112x128xf32, #tpu.memory_space<vmem_shared>> -> memref<632x128xf32, #tpu.memory_space<vmem_shared>>
      tpu.enqueue_dma source(%dma_start3A_167 : memref<632x128xf32, #tpu.memory_space<vmem_shared>>) target(%dma_start3A_165 : memref<632x128xf32, #tpu.memory_space<hbm>>) target_semaphore(%run_scoped3A_162 : memref<!tpu.dma_semaphore, #tpu.memory_space<semaphore_mem>>)
      %dma_wait3A_168 = arith.constant 0 : i32
      %dma_wait3A_169 = tpu.memref_slice %arg6[%arg0, %mul3A_161, %dma_wait3A_168] : memref<2x10112x128xf32, #tpu.memory_space<hbm>> -> memref<1x632x128xf32, #tpu.memory_space<hbm>>
      %dma_wait3A_170 = tpu.memref_squeeze %dma_wait3A_169 : memref<1x632x128xf32, #tpu.memory_space<hbm>> -> memref<632x128xf32, #tpu.memory_space<hbm>>
      %dma_wait3A_171 = arith.constant 0 : i32
      %dma_wait3A_172 = tpu.memref_slice %arg7[%mul3A_159, %dma_wait3A_171] : memref<10112x128xf32, #tpu.memory_space<vmem_shared>> -> memref<632x128xf32, #tpu.memory_space<vmem_shared>>
      tpu.wait_dma2 semaphore(%run_scoped3A_162 : memref<!tpu.dma_semaphore, #tpu.memory_space<semaphore_mem>>) src(%dma_wait3A_172 : memref<632x128xf32, #tpu.memory_space<vmem_shared>>) dst(%dma_wait3A_170 : memref<632x128xf32, #tpu.memory_space<hbm>>)
      tpu.yield
    }) : () -> ()
    return
  }
}

#map = affine_map<(d0, d1) -> (0, 0)>
#map1 = affine_map<(d0, d1) -> (0, 0, 0)>
module attributes {stable_mosaic.version = 14 : i64} {
  func.func @_sc_spmm_body(%arg0: i32, %arg1: i32, %arg2: memref<10000x128xf32, #tpu.memory_space<hbm>>, %arg3: memref<2560x128xi32, #tpu.memory_space<hbm>>, %arg4: memref<2560x128xi32, #tpu.memory_space<hbm>>, %arg5: memref<10112x128xf32, #tpu.memory_space<hbm>>, %arg6: memref<2x10112x128xf32, #tpu.memory_space<hbm>>, %arg7: memref<10112x128xf32, #tpu.memory_space<vmem_shared>>, %arg8: memref<40x128xi32, #tpu.memory_space<vmem>>, %arg9: memref<40x128xi32, #tpu.memory_space<vmem>>, %arg10: memref<2x128x128xf32, #tpu.memory_space<vmem>>, %arg11: memref<!tpu.dma_semaphore, #tpu.memory_space<semaphore_mem>>, %arg12: memref<!tpu.dma_semaphore, #tpu.memory_space<semaphore_mem>>) attributes {dimension_semantics = [#tpu.dimension_semantics<core_parallel>, #tpu.dimension_semantics<subcore_parallel>], iteration_bounds = array<i64: 2, 16>, scalar_prefetch = 0 : i64, scratch_operands = 6 : i64, tpu.core_type = #tpu.core_type<sc_vector_subcore>, window_params = [{transform_indices = #map}, {transform_indices = #map}, {transform_indices = #map}, {transform_indices = #map}, {transform_indices = #map1}]} {
    %mul3A = arith.constant 16 : i32
    %mul3A_0 = arith.muli %arg0, %mul3A : i32
    %add3A = arith.addi %mul3A_0, %arg1 : i32
    %mul3A_1 = arith.constant 632 : i32
    %mul3A_2 = arith.muli %arg1, %mul3A_1 : i32
    %mul3A_3 = arith.constant 632 : i32
    %mul3A_4 = arith.muli %arg1, %mul3A_3 : i32
    "tpu.region"() ({
      %run_scoped3A_162 = tpu.sem_alloc : memref<!tpu.dma_semaphore, #tpu.memory_space<semaphore_mem>>
      %dma_start3A_163 = arith.constant 0 : i32
      %dma_start3A_164 = tpu.memref_slice %arg7[%mul3A_4, %dma_start3A_163] : memref<10112x128xf32, #tpu.memory_space<vmem_shared>> -> memref<632x128xf32, #tpu.memory_space<vmem_shared>>
      %dma_start3A_165 = arith.constant 0 : i32
      %dma_start3A_166 = tpu.memref_slice %arg5[%mul3A_2, %dma_start3A_165] : memref<10112x128xf32, #tpu.memory_space<hbm>> -> memref<632x128xf32, #tpu.memory_space<hbm>>
      tpu.enqueue_dma source(%dma_start3A_166 : memref<632x128xf32, #tpu.memory_space<hbm>>) target(%dma_start3A_164 : memref<632x128xf32, #tpu.memory_space<vmem_shared>>) target_semaphore(%run_scoped3A_162 : memref<!tpu.dma_semaphore, #tpu.memory_space<semaphore_mem>>)
      %dma_wait3A_167 = arith.constant 0 : i32
      %dma_wait3A_168 = tpu.memref_slice %arg7[%mul3A_4, %dma_wait3A_167] : memref<10112x128xf32, #tpu.memory_space<vmem_shared>> -> memref<632x128xf32, #tpu.memory_space<vmem_shared>>
      %dma_wait3A_169 = arith.constant 0 : i32
      %dma_wait3A_170 = tpu.memref_slice %arg5[%mul3A_2, %dma_wait3A_169] : memref<10112x128xf32, #tpu.memory_space<hbm>> -> memref<632x128xf32, #tpu.memory_space<hbm>>
      tpu.wait_dma2 semaphore(%run_scoped3A_162 : memref<!tpu.dma_semaphore, #tpu.memory_space<semaphore_mem>>) src(%dma_wait3A_170 : memref<632x128xf32, #tpu.memory_space<hbm>>) dst(%dma_wait3A_168 : memref<632x128xf32, #tpu.memory_space<vmem_shared>>)
      tpu.yield
    }) : () -> ()
    %barrier3A = arith.constant 0 : index
    tpu.barrier barrier_id(%barrier3A)
    %mul3A_5 = arith.constant 80 : i32
    %mul3A_6 = arith.muli %add3A, %mul3A_5 : i32
    %add3A_7 = arith.constant 0 : i32
    %add3A_8 = arith.addi %mul3A_6, %add3A_7 : i32
    %dma_start3A = arith.constant 0 : i32
    %dma_start3A_9 = tpu.memref_slice %arg3[%add3A_8, %dma_start3A] : memref<2560x128xi32, #tpu.memory_space<hbm>> -> memref<40x128xi32, #tpu.memory_space<hbm>>
    %dma_start3A_10 = arith.constant 0 : i32
    %dma_start3A_11 = tpu.memref_slice %arg3[%add3A_8, %dma_start3A_10] : memref<2560x128xi32, #tpu.memory_space<hbm>> -> memref<40x128xi32, #tpu.memory_space<hbm>>
    tpu.enqueue_dma source(%dma_start3A_11 : memref<40x128xi32, #tpu.memory_space<hbm>>) target(%arg8 : memref<40x128xi32, #tpu.memory_space<vmem>>) target_semaphore(%arg11 : memref<!tpu.dma_semaphore, #tpu.memory_space<semaphore_mem>>)
    %dma_wait3A = arith.constant 0 : i32
    %dma_wait3A_12 = tpu.memref_slice %arg3[%add3A_8, %dma_wait3A] : memref<2560x128xi32, #tpu.memory_space<hbm>> -> memref<40x128xi32, #tpu.memory_space<hbm>>
    %dma_wait3A_13 = arith.constant 0 : i32
    %dma_wait3A_14 = tpu.memref_slice %arg3[%add3A_8, %dma_wait3A_13] : memref<2560x128xi32, #tpu.memory_space<hbm>> -> memref<40x128xi32, #tpu.memory_space<hbm>>
    tpu.wait_dma2 semaphore(%arg11 : memref<!tpu.dma_semaphore, #tpu.memory_space<semaphore_mem>>) src(%dma_wait3A_14 : memref<40x128xi32, #tpu.memory_space<hbm>>) dst(%arg8 : memref<40x128xi32, #tpu.memory_space<vmem>>)
    %dma_start3A_15 = arith.constant 0 : i32
    %dma_start3A_16 = tpu.memref_slice %arg4[%add3A_8, %dma_start3A_15] : memref<2560x128xi32, #tpu.memory_space<hbm>> -> memref<40x128xi32, #tpu.memory_space<hbm>>
    %dma_start3A_17 = arith.constant 0 : i32
    %dma_start3A_18 = tpu.memref_slice %arg4[%add3A_8, %dma_start3A_17] : memref<2560x128xi32, #tpu.memory_space<hbm>> -> memref<40x128xi32, #tpu.memory_space<hbm>>
    tpu.enqueue_dma source(%dma_start3A_18 : memref<40x128xi32, #tpu.memory_space<hbm>>) target(%arg9 : memref<40x128xi32, #tpu.memory_space<vmem>>) target_semaphore(%arg12 : memref<!tpu.dma_semaphore, #tpu.memory_space<semaphore_mem>>)
    %dma_wait3A_19 = arith.constant 0 : i32
    %dma_wait3A_20 = tpu.memref_slice %arg4[%add3A_8, %dma_wait3A_19] : memref<2560x128xi32, #tpu.memory_space<hbm>> -> memref<40x128xi32, #tpu.memory_space<hbm>>
    %dma_wait3A_21 = arith.constant 0 : i32
    %dma_wait3A_22 = tpu.memref_slice %arg4[%add3A_8, %dma_wait3A_21] : memref<2560x128xi32, #tpu.memory_space<hbm>> -> memref<40x128xi32, #tpu.memory_space<hbm>>
    tpu.wait_dma2 semaphore(%arg12 : memref<!tpu.dma_semaphore, #tpu.memory_space<semaphore_mem>>) src(%dma_wait3A_22 : memref<40x128xi32, #tpu.memory_space<hbm>>) dst(%arg9 : memref<40x128xi32, #tpu.memory_space<vmem>>)
    %dma_start3A_23 = arith.constant 0 : i32
    %dma_start3A_24 = arith.constant 0 : i32
    %dma_start3A_25 = arith.constant 0 : i32
    %dma_start3A_26 = arith.constant 0 : i32
    %dma_start3A_27 = tpu.memref_slice %arg10[%dma_start3A_24, %dma_start3A_25, %dma_start3A_26] : memref<2x128x128xf32, #tpu.memory_space<vmem>> -> memref<1x128x128xf32, #tpu.memory_space<vmem>>
    %dma_start3A_28 = tpu.memref_squeeze %dma_start3A_27 : memref<1x128x128xf32, #tpu.memory_space<vmem>> -> memref<128x128xf32, #tpu.memory_space<vmem>>
    %dma_start3A_29 = arith.constant 0 : i32
    %dma_start3A_30 = tpu.memref_slice %arg8[%dma_start3A_23, %dma_start3A_29] : memref<40x128xi32, #tpu.memory_space<vmem>> -> memref<1x128xi32, #tpu.memory_space<vmem>>
    %dma_start3A_31 = tpu.memref_squeeze %dma_start3A_30 : memref<1x128xi32, #tpu.memory_space<vmem>> -> memref<128xi32, #tpu.memory_space<vmem>>
    %dma_start3A_32 = arith.constant 0 : i32
    %dma_start3A_33 = arith.constant 0 : i32
    %dma_start3A_34 = tpu.memref_slice %arg2[%dma_start3A_32, %dma_start3A_33] : memref<10000x128xf32, #tpu.memory_space<hbm>> -> memref<10000x128xf32, #tpu.memory_space<hbm>>
    tpu.enqueue_indirect_dma source(%dma_start3A_34 : memref<10000x128xf32, #tpu.memory_space<hbm>>) target(%dma_start3A_28 : memref<128x128xf32, #tpu.memory_space<vmem>>) offsets(%dma_start3A_31 : memref<128xi32, #tpu.memory_space<vmem>>) semaphore(%arg11 : memref<!tpu.dma_semaphore, #tpu.memory_space<semaphore_mem>>)
    %dma_start3A_35 = arith.constant 1 : i32
    %dma_start3A_36 = arith.constant 1 : i32
    %dma_start3A_37 = arith.constant 0 : i32
    %dma_start3A_38 = arith.constant 0 : i32
    %dma_start3A_39 = tpu.memref_slice %arg10[%dma_start3A_36, %dma_start3A_37, %dma_start3A_38] : memref<2x128x128xf32, #tpu.memory_space<vmem>> -> memref<1x128x128xf32, #tpu.memory_space<vmem>>
    %dma_start3A_40 = tpu.memref_squeeze %dma_start3A_39 : memref<1x128x128xf32, #tpu.memory_space<vmem>> -> memref<128x128xf32, #tpu.memory_space<vmem>>
    %dma_start3A_41 = arith.constant 0 : i32
    %dma_start3A_42 = tpu.memref_slice %arg8[%dma_start3A_35, %dma_start3A_41] : memref<40x128xi32, #tpu.memory_space<vmem>> -> memref<1x128xi32, #tpu.memory_space<vmem>>
    %dma_start3A_43 = tpu.memref_squeeze %dma_start3A_42 : memref<1x128xi32, #tpu.memory_space<vmem>> -> memref<128xi32, #tpu.memory_space<vmem>>
    %dma_start3A_44 = arith.constant 0 : i32
    %dma_start3A_45 = arith.constant 0 : i32
    %dma_start3A_46 = tpu.memref_slice %arg2[%dma_start3A_44, %dma_start3A_45] : memref<10000x128xf32, #tpu.memory_space<hbm>> -> memref<10000x128xf32, #tpu.memory_space<hbm>>
    tpu.enqueue_indirect_dma source(%dma_start3A_46 : memref<10000x128xf32, #tpu.memory_space<hbm>>) target(%dma_start3A_40 : memref<128x128xf32, #tpu.memory_space<vmem>>) offsets(%dma_start3A_43 : memref<128xi32, #tpu.memory_space<vmem>>) semaphore(%arg12 : memref<!tpu.dma_semaphore, #tpu.memory_space<semaphore_mem>>)
    %scan3A = arith.constant 0 : i32
    %scan3A_47 = arith.constant 0 : i32
    %scan3A_48 = arith.constant 19 : i32
    %scan3A_49 = arith.addi %scan3A_47, %scan3A_48 : i32
    %scan3A_50 = arith.constant 1 : i32
    scf.for %scan3A_162 = %scan3A_47 to %scan3A_49 step %scan3A_50  : i32 {
      %mul3A_163 = arith.constant 2 : i32
      %mul3A_164 = arith.muli %scan3A_162, %mul3A_163 : i32
      %add3A_165 = arith.constant 1 : i32
      %add3A_166 = arith.addi %mul3A_164, %add3A_165 : i32
      %dma_wait3A_167 = arith.constant 0 : i32
      %dma_wait3A_168 = arith.constant 0 : i32
      %dma_wait3A_169 = arith.constant 0 : i32
      %dma_wait3A_170 = tpu.memref_slice %arg10[%dma_wait3A_167, %dma_wait3A_168, %dma_wait3A_169] : memref<2x128x128xf32, #tpu.memory_space<vmem>> -> memref<1x128x128xf32, #tpu.memory_space<vmem>>
      %dma_wait3A_171 = tpu.memref_squeeze %dma_wait3A_170 : memref<1x128x128xf32, #tpu.memory_space<vmem>> -> memref<128x128xf32, #tpu.memory_space<vmem>>
      %dma_wait3A_172 = arith.constant 0 : i32
      %dma_wait3A_173 = tpu.memref_slice %arg8[%mul3A_164, %dma_wait3A_172] : memref<40x128xi32, #tpu.memory_space<vmem>> -> memref<1x128xi32, #tpu.memory_space<vmem>>
      %dma_wait3A_174 = tpu.memref_squeeze %dma_wait3A_173 : memref<1x128xi32, #tpu.memory_space<vmem>> -> memref<128xi32, #tpu.memory_space<vmem>>
      %dma_wait3A_175 = arith.constant 0 : i32
      %dma_wait3A_176 = arith.constant 0 : i32
      %dma_wait3A_177 = tpu.memref_slice %arg2[%dma_wait3A_175, %dma_wait3A_176] : memref<10000x128xf32, #tpu.memory_space<hbm>> -> memref<10000x128xf32, #tpu.memory_space<hbm>>
      tpu.wait_indirect_dma semaphore(%arg11 : memref<!tpu.dma_semaphore, #tpu.memory_space<semaphore_mem>>) src(%dma_wait3A_177 : memref<10000x128xf32, #tpu.memory_space<hbm>>) dst(%dma_wait3A_171 : memref<128x128xf32, #tpu.memory_space<vmem>>)
      %run_scoped3A_178 = arith.constant 0 : i32
      "tpu.region"() ({
        %run_scoped3A_217 = tpu.sem_alloc : memref<!tpu.dma_semaphore, #tpu.memory_space<semaphore_mem>>
        %dma_start3A_218 = arith.constant 0 : i32
        %dma_start3A_219 = arith.constant 0 : i32
        %dma_start3A_220 = tpu.memref_slice %arg10[%run_scoped3A_178, %dma_start3A_218, %dma_start3A_219] : memref<2x128x128xf32, #tpu.memory_space<vmem>> -> memref<1x128x128xf32, #tpu.memory_space<vmem>>
        %dma_start3A_221 = tpu.memref_squeeze %dma_start3A_220 : memref<1x128x128xf32, #tpu.memory_space<vmem>> -> memref<128x128xf32, #tpu.memory_space<vmem>>
        %dma_start3A_222 = arith.constant 0 : i32
        %dma_start3A_223 = tpu.memref_slice %arg9[%mul3A_164, %dma_start3A_222] : memref<40x128xi32, #tpu.memory_space<vmem>> -> memref<1x128xi32, #tpu.memory_space<vmem>>
        %dma_start3A_224 = tpu.memref_squeeze %dma_start3A_223 : memref<1x128xi32, #tpu.memory_space<vmem>> -> memref<128xi32, #tpu.memory_space<vmem>>
        %dma_start3A_225 = arith.constant 0 : i32
        %dma_start3A_226 = arith.constant 0 : i32
        %dma_start3A_227 = tpu.memref_slice %arg7[%dma_start3A_225, %dma_start3A_226] : memref<10112x128xf32, #tpu.memory_space<vmem_shared>> -> memref<10112x128xf32, #tpu.memory_space<vmem_shared>>
        tpu.enqueue_indirect_dma source(%dma_start3A_221 : memref<128x128xf32, #tpu.memory_space<vmem>>) target(%dma_start3A_227 : memref<10112x128xf32, #tpu.memory_space<vmem_shared>>) offsets(%dma_start3A_224 : memref<128xi32, #tpu.memory_space<vmem>>) semaphore(%run_scoped3A_217 : memref<!tpu.dma_semaphore, #tpu.memory_space<semaphore_mem>>) {add = true}
        %dma_wait3A_228 = arith.constant 0 : i32
        %dma_wait3A_229 = arith.constant 0 : i32
        %dma_wait3A_230 = tpu.memref_slice %arg10[%run_scoped3A_178, %dma_wait3A_228, %dma_wait3A_229] : memref<2x128x128xf32, #tpu.memory_space<vmem>> -> memref<1x128x128xf32, #tpu.memory_space<vmem>>
        %dma_wait3A_231 = tpu.memref_squeeze %dma_wait3A_230 : memref<1x128x128xf32, #tpu.memory_space<vmem>> -> memref<128x128xf32, #tpu.memory_space<vmem>>
        %dma_wait3A_232 = arith.constant 0 : i32
        %dma_wait3A_233 = tpu.memref_slice %arg9[%mul3A_164, %dma_wait3A_232] : memref<40x128xi32, #tpu.memory_space<vmem>> -> memref<1x128xi32, #tpu.memory_space<vmem>>
        %dma_wait3A_234 = tpu.memref_squeeze %dma_wait3A_233 : memref<1x128xi32, #tpu.memory_space<vmem>> -> memref<128xi32, #tpu.memory_space<vmem>>
        %dma_wait3A_235 = arith.constant 0 : i32
        %dma_wait3A_236 = arith.constant 0 : i32
        %dma_wait3A_237 = tpu.memref_slice %arg7[%dma_wait3A_235, %dma_wait3A_236] : memref<10112x128xf32, #tpu.memory_space<vmem_shared>> -> memref<10112x128xf32, #tpu.memory_space<vmem_shared>>
        tpu.wait_indirect_dma semaphore(%run_scoped3A_217 : memref<!tpu.dma_semaphore, #tpu.memory_space<semaphore_mem>>) src(%dma_wait3A_231 : memref<128x128xf32, #tpu.memory_space<vmem>>) dst(%dma_wait3A_237 : memref<10112x128xf32, #tpu.memory_space<vmem_shared>>)
        tpu.yield
      }) : () -> ()
      %add3A_179 = arith.constant 2 : i32
      %add3A_180 = arith.addi %mul3A_164, %add3A_179 : i32
      %dma_start3A_181 = arith.constant 0 : i32
      %dma_start3A_182 = arith.constant 0 : i32
      %dma_start3A_183 = arith.constant 0 : i32
      %dma_start3A_184 = tpu.memref_slice %arg10[%dma_start3A_181, %dma_start3A_182, %dma_start3A_183] : memref<2x128x128xf32, #tpu.memory_space<vmem>> -> memref<1x128x128xf32, #tpu.memory_space<vmem>>
      %dma_start3A_185 = tpu.memref_squeeze %dma_start3A_184 : memref<1x128x128xf32, #tpu.memory_space<vmem>> -> memref<128x128xf32, #tpu.memory_space<vmem>>
      %dma_start3A_186 = arith.constant 0 : i32
      %dma_start3A_187 = tpu.memref_slice %arg8[%add3A_180, %dma_start3A_186] : memref<40x128xi32, #tpu.memory_space<vmem>> -> memref<1x128xi32, #tpu.memory_space<vmem>>
      %dma_start3A_188 = tpu.memref_squeeze %dma_start3A_187 : memref<1x128xi32, #tpu.memory_space<vmem>> -> memref<128xi32, #tpu.memory_space<vmem>>
      %dma_start3A_189 = arith.constant 0 : i32
      %dma_start3A_190 = arith.constant 0 : i32
      %dma_start3A_191 = tpu.memref_slice %arg2[%dma_start3A_189, %dma_start3A_190] : memref<10000x128xf32, #tpu.memory_space<hbm>> -> memref<10000x128xf32, #tpu.memory_space<hbm>>
      tpu.enqueue_indirect_dma source(%dma_start3A_191 : memref<10000x128xf32, #tpu.memory_space<hbm>>) target(%dma_start3A_185 : memref<128x128xf32, #tpu.memory_space<vmem>>) offsets(%dma_start3A_188 : memref<128xi32, #tpu.memory_space<vmem>>) semaphore(%arg11 : memref<!tpu.dma_semaphore, #tpu.memory_space<semaphore_mem>>)
      %dma_wait3A_192 = arith.constant 1 : i32
      %dma_wait3A_193 = arith.constant 0 : i32
      %dma_wait3A_194 = arith.constant 0 : i32
      %dma_wait3A_195 = tpu.memref_slice %arg10[%dma_wait3A_192, %dma_wait3A_193, %dma_wait3A_194] : memref<2x128x128xf32, #tpu.memory_space<vmem>> -> memref<1x128x128xf32, #tpu.memory_space<vmem>>
      %dma_wait3A_196 = tpu.memref_squeeze %dma_wait3A_195 : memref<1x128x128xf32, #tpu.memory_space<vmem>> -> memref<128x128xf32, #tpu.memory_space<vmem>>
      %dma_wait3A_197 = arith.constant 0 : i32
      %dma_wait3A_198 = tpu.memref_slice %arg8[%add3A_166, %dma_wait3A_197] : memref<40x128xi32, #tpu.memory_space<vmem>> -> memref<1x128xi32, #tpu.memory_space<vmem>>
      %dma_wait3A_199 = tpu.memref_squeeze %dma_wait3A_198 : memref<1x128xi32, #tpu.memory_space<vmem>> -> memref<128xi32, #tpu.memory_space<vmem>>
      %dma_wait3A_200 = arith.constant 0 : i32
      %dma_wait3A_201 = arith.constant 0 : i32
      %dma_wait3A_202 = tpu.memref_slice %arg2[%dma_wait3A_200, %dma_wait3A_201] : memref<10000x128xf32, #tpu.memory_space<hbm>> -> memref<10000x128xf32, #tpu.memory_space<hbm>>
      tpu.wait_indirect_dma semaphore(%arg12 : memref<!tpu.dma_semaphore, #tpu.memory_space<semaphore_mem>>) src(%dma_wait3A_202 : memref<10000x128xf32, #tpu.memory_space<hbm>>) dst(%dma_wait3A_196 : memref<128x128xf32, #tpu.memory_space<vmem>>)
      %run_scoped3A_203 = arith.constant 1 : i32
      "tpu.region"() ({
        %run_scoped3A_217 = tpu.sem_alloc : memref<!tpu.dma_semaphore, #tpu.memory_space<semaphore_mem>>
        %dma_start3A_218 = arith.constant 0 : i32
        %dma_start3A_219 = arith.constant 0 : i32
        %dma_start3A_220 = tpu.memref_slice %arg10[%run_scoped3A_203, %dma_start3A_218, %dma_start3A_219] : memref<2x128x128xf32, #tpu.memory_space<vmem>> -> memref<1x128x128xf32, #tpu.memory_space<vmem>>
        %dma_start3A_221 = tpu.memref_squeeze %dma_start3A_220 : memref<1x128x128xf32, #tpu.memory_space<vmem>> -> memref<128x128xf32, #tpu.memory_space<vmem>>
        %dma_start3A_222 = arith.constant 0 : i32
        %dma_start3A_223 = tpu.memref_slice %arg9[%add3A_166, %dma_start3A_222] : memref<40x128xi32, #tpu.memory_space<vmem>> -> memref<1x128xi32, #tpu.memory_space<vmem>>
        %dma_start3A_224 = tpu.memref_squeeze %dma_start3A_223 : memref<1x128xi32, #tpu.memory_space<vmem>> -> memref<128xi32, #tpu.memory_space<vmem>>
        %dma_start3A_225 = arith.constant 0 : i32
        %dma_start3A_226 = arith.constant 0 : i32
        %dma_start3A_227 = tpu.memref_slice %arg7[%dma_start3A_225, %dma_start3A_226] : memref<10112x128xf32, #tpu.memory_space<vmem_shared>> -> memref<10112x128xf32, #tpu.memory_space<vmem_shared>>
        tpu.enqueue_indirect_dma source(%dma_start3A_221 : memref<128x128xf32, #tpu.memory_space<vmem>>) target(%dma_start3A_227 : memref<10112x128xf32, #tpu.memory_space<vmem_shared>>) offsets(%dma_start3A_224 : memref<128xi32, #tpu.memory_space<vmem>>) semaphore(%run_scoped3A_217 : memref<!tpu.dma_semaphore, #tpu.memory_space<semaphore_mem>>) {add = true}
        %dma_wait3A_228 = arith.constant 0 : i32
        %dma_wait3A_229 = arith.constant 0 : i32
        %dma_wait3A_230 = tpu.memref_slice %arg10[%run_scoped3A_203, %dma_wait3A_228, %dma_wait3A_229] : memref<2x128x128xf32, #tpu.memory_space<vmem>> -> memref<1x128x128xf32, #tpu.memory_space<vmem>>
        %dma_wait3A_231 = tpu.memref_squeeze %dma_wait3A_230 : memref<1x128x128xf32, #tpu.memory_space<vmem>> -> memref<128x128xf32, #tpu.memory_space<vmem>>
        %dma_wait3A_232 = arith.constant 0 : i32
        %dma_wait3A_233 = tpu.memref_slice %arg9[%add3A_166, %dma_wait3A_232] : memref<40x128xi32, #tpu.memory_space<vmem>> -> memref<1x128xi32, #tpu.memory_space<vmem>>
        %dma_wait3A_234 = tpu.memref_squeeze %dma_wait3A_233 : memref<1x128xi32, #tpu.memory_space<vmem>> -> memref<128xi32, #tpu.memory_space<vmem>>
        %dma_wait3A_235 = arith.constant 0 : i32
        %dma_wait3A_236 = arith.constant 0 : i32
        %dma_wait3A_237 = tpu.memref_slice %arg7[%dma_wait3A_235, %dma_wait3A_236] : memref<10112x128xf32, #tpu.memory_space<vmem_shared>> -> memref<10112x128xf32, #tpu.memory_space<vmem_shared>>
        tpu.wait_indirect_dma semaphore(%run_scoped3A_217 : memref<!tpu.dma_semaphore, #tpu.memory_space<semaphore_mem>>) src(%dma_wait3A_231 : memref<128x128xf32, #tpu.memory_space<vmem>>) dst(%dma_wait3A_237 : memref<10112x128xf32, #tpu.memory_space<vmem_shared>>)
        tpu.yield
      }) : () -> ()
      %add3A_204 = arith.constant 2 : i32
      %add3A_205 = arith.addi %add3A_166, %add3A_204 : i32
      %dma_start3A_206 = arith.constant 1 : i32
      %dma_start3A_207 = arith.constant 0 : i32
      %dma_start3A_208 = arith.constant 0 : i32
      %dma_start3A_209 = tpu.memref_slice %arg10[%dma_start3A_206, %dma_start3A_207, %dma_start3A_208] : memref<2x128x128xf32, #tpu.memory_space<vmem>> -> memref<1x128x128xf32, #tpu.memory_space<vmem>>
      %dma_start3A_210 = tpu.memref_squeeze %dma_start3A_209 : memref<1x128x128xf32, #tpu.memory_space<vmem>> -> memref<128x128xf32, #tpu.memory_space<vmem>>
      %dma_start3A_211 = arith.constant 0 : i32
      %dma_start3A_212 = tpu.memref_slice %arg8[%add3A_205, %dma_start3A_211] : memref<40x128xi32, #tpu.memory_space<vmem>> -> memref<1x128xi32, #tpu.memory_space<vmem>>
      %dma_start3A_213 = tpu.memref_squeeze %dma_start3A_212 : memref<1x128xi32, #tpu.memory_space<vmem>> -> memref<128xi32, #tpu.memory_space<vmem>>
      %dma_start3A_214 = arith.constant 0 : i32
      %dma_start3A_215 = arith.constant 0 : i32
      %dma_start3A_216 = tpu.memref_slice %arg2[%dma_start3A_214, %dma_start3A_215] : memref<10000x128xf32, #tpu.memory_space<hbm>> -> memref<10000x128xf32, #tpu.memory_space<hbm>>
      tpu.enqueue_indirect_dma source(%dma_start3A_216 : memref<10000x128xf32, #tpu.memory_space<hbm>>) target(%dma_start3A_210 : memref<128x128xf32, #tpu.memory_space<vmem>>) offsets(%dma_start3A_213 : memref<128xi32, #tpu.memory_space<vmem>>) semaphore(%arg12 : memref<!tpu.dma_semaphore, #tpu.memory_space<semaphore_mem>>)
    }
    %scan3A_51 = arith.constant 19 : i32
    %dma_wait3A_52 = arith.constant 38 : i32
    %dma_wait3A_53 = arith.constant 0 : i32
    %dma_wait3A_54 = arith.constant 0 : i32
    %dma_wait3A_55 = arith.constant 0 : i32
    %dma_wait3A_56 = tpu.memref_slice %arg10[%dma_wait3A_53, %dma_wait3A_54, %dma_wait3A_55] : memref<2x128x128xf32, #tpu.memory_space<vmem>> -> memref<1x128x128xf32, #tpu.memory_space<vmem>>
    %dma_wait3A_57 = tpu.memref_squeeze %dma_wait3A_56 : memref<1x128x128xf32, #tpu.memory_space<vmem>> -> memref<128x128xf32, #tpu.memory_space<vmem>>
    %dma_wait3A_58 = arith.constant 0 : i32
    %dma_wait3A_59 = tpu.memref_slice %arg8[%dma_wait3A_52, %dma_wait3A_58] : memref<40x128xi32, #tpu.memory_space<vmem>> -> memref<1x128xi32, #tpu.memory_space<vmem>>
    %dma_wait3A_60 = tpu.memref_squeeze %dma_wait3A_59 : memref<1x128xi32, #tpu.memory_space<vmem>> -> memref<128xi32, #tpu.memory_space<vmem>>
    %dma_wait3A_61 = arith.constant 0 : i32
    %dma_wait3A_62 = arith.constant 0 : i32
    %dma_wait3A_63 = tpu.memref_slice %arg2[%dma_wait3A_61, %dma_wait3A_62] : memref<10000x128xf32, #tpu.memory_space<hbm>> -> memref<10000x128xf32, #tpu.memory_space<hbm>>
    tpu.wait_indirect_dma semaphore(%arg11 : memref<!tpu.dma_semaphore, #tpu.memory_space<semaphore_mem>>) src(%dma_wait3A_63 : memref<10000x128xf32, #tpu.memory_space<hbm>>) dst(%dma_wait3A_57 : memref<128x128xf32, #tpu.memory_space<vmem>>)
    %run_scoped3A = arith.constant 0 : i32
    %run_scoped3A_64 = arith.constant 38 : i32
    "tpu.region"() ({
      %run_scoped3A_162 = tpu.sem_alloc : memref<!tpu.dma_semaphore, #tpu.memory_space<semaphore_mem>>
      %dma_start3A_163 = arith.constant 0 : i32
      %dma_start3A_164 = arith.constant 0 : i32
      %dma_start3A_165 = tpu.memref_slice %arg10[%run_scoped3A, %dma_start3A_163, %dma_start3A_164] : memref<2x128x128xf32, #tpu.memory_space<vmem>> -> memref<1x128x128xf32, #tpu.memory_space<vmem>>
      %dma_start3A_166 = tpu.memref_squeeze %dma_start3A_165 : memref<1x128x128xf32, #tpu.memory_space<vmem>> -> memref<128x128xf32, #tpu.memory_space<vmem>>
      %dma_start3A_167 = arith.constant 0 : i32
      %dma_start3A_168 = tpu.memref_slice %arg9[%run_scoped3A_64, %dma_start3A_167] : memref<40x128xi32, #tpu.memory_space<vmem>> -> memref<1x128xi32, #tpu.memory_space<vmem>>
      %dma_start3A_169 = tpu.memref_squeeze %dma_start3A_168 : memref<1x128xi32, #tpu.memory_space<vmem>> -> memref<128xi32, #tpu.memory_space<vmem>>
      %dma_start3A_170 = arith.constant 0 : i32
      %dma_start3A_171 = arith.constant 0 : i32
      %dma_start3A_172 = tpu.memref_slice %arg7[%dma_start3A_170, %dma_start3A_171] : memref<10112x128xf32, #tpu.memory_space<vmem_shared>> -> memref<10112x128xf32, #tpu.memory_space<vmem_shared>>
      tpu.enqueue_indirect_dma source(%dma_start3A_166 : memref<128x128xf32, #tpu.memory_space<vmem>>) target(%dma_start3A_172 : memref<10112x128xf32, #tpu.memory_space<vmem_shared>>) offsets(%dma_start3A_169 : memref<128xi32, #tpu.memory_space<vmem>>) semaphore(%run_scoped3A_162 : memref<!tpu.dma_semaphore, #tpu.memory_space<semaphore_mem>>) {add = true}
      %dma_wait3A_173 = arith.constant 0 : i32
      %dma_wait3A_174 = arith.constant 0 : i32
      %dma_wait3A_175 = tpu.memref_slice %arg10[%run_scoped3A, %dma_wait3A_173, %dma_wait3A_174] : memref<2x128x128xf32, #tpu.memory_space<vmem>> -> memref<1x128x128xf32, #tpu.memory_space<vmem>>
      %dma_wait3A_176 = tpu.memref_squeeze %dma_wait3A_175 : memref<1x128x128xf32, #tpu.memory_space<vmem>> -> memref<128x128xf32, #tpu.memory_space<vmem>>
      %dma_wait3A_177 = arith.constant 0 : i32
      %dma_wait3A_178 = tpu.memref_slice %arg9[%run_scoped3A_64, %dma_wait3A_177] : memref<40x128xi32, #tpu.memory_space<vmem>> -> memref<1x128xi32, #tpu.memory_space<vmem>>
      %dma_wait3A_179 = tpu.memref_squeeze %dma_wait3A_178 : memref<1x128xi32, #tpu.memory_space<vmem>> -> memref<128xi32, #tpu.memory_space<vmem>>
      %dma_wait3A_180 = arith.constant 0 : i32
      %dma_wait3A_181 = arith.constant 0 : i32
      %dma_wait3A_182 = tpu.memref_slice %arg7[%dma_wait3A_180, %dma_wait3A_181] : memref<10112x128xf32, #tpu.memory_space<vmem_shared>> -> memref<10112x128xf32, #tpu.memory_space<vmem_shared>>
      tpu.wait_indirect_dma semaphore(%run_scoped3A_162 : memref<!tpu.dma_semaphore, #tpu.memory_space<semaphore_mem>>) src(%dma_wait3A_176 : memref<128x128xf32, #tpu.memory_space<vmem>>) dst(%dma_wait3A_182 : memref<10112x128xf32, #tpu.memory_space<vmem_shared>>)
      tpu.yield
    }) : () -> ()
    %dma_wait3A_65 = arith.constant 39 : i32
    %dma_wait3A_66 = arith.constant 1 : i32
    %dma_wait3A_67 = arith.constant 0 : i32
    %dma_wait3A_68 = arith.constant 0 : i32
    %dma_wait3A_69 = tpu.memref_slice %arg10[%dma_wait3A_66, %dma_wait3A_67, %dma_wait3A_68] : memref<2x128x128xf32, #tpu.memory_space<vmem>> -> memref<1x128x128xf32, #tpu.memory_space<vmem>>
    %dma_wait3A_70 = tpu.memref_squeeze %dma_wait3A_69 : memref<1x128x128xf32, #tpu.memory_space<vmem>> -> memref<128x128xf32, #tpu.memory_space<vmem>>
    %dma_wait3A_71 = arith.constant 0 : i32
    %dma_wait3A_72 = tpu.memref_slice %arg8[%dma_wait3A_65, %dma_wait3A_71] : memref<40x128xi32, #tpu.memory_space<vmem>> -> memref<1x128xi32, #tpu.memory_space<vmem>>
    %dma_wait3A_73 = tpu.memref_squeeze %dma_wait3A_72 : memref<1x128xi32, #tpu.memory_space<vmem>> -> memref<128xi32, #tpu.memory_space<vmem>>
    %dma_wait3A_74 = arith.constant 0 : i32
    %dma_wait3A_75 = arith.constant 0 : i32
    %dma_wait3A_76 = tpu.memref_slice %arg2[%dma_wait3A_74, %dma_wait3A_75] : memref<10000x128xf32, #tpu.memory_space<hbm>> -> memref<10000x128xf32, #tpu.memory_space<hbm>>
    tpu.wait_indirect_dma semaphore(%arg12 : memref<!tpu.dma_semaphore, #tpu.memory_space<semaphore_mem>>) src(%dma_wait3A_76 : memref<10000x128xf32, #tpu.memory_space<hbm>>) dst(%dma_wait3A_70 : memref<128x128xf32, #tpu.memory_space<vmem>>)
    %run_scoped3A_77 = arith.constant 1 : i32
    %run_scoped3A_78 = arith.constant 39 : i32
    "tpu.region"() ({
      %run_scoped3A_162 = tpu.sem_alloc : memref<!tpu.dma_semaphore, #tpu.memory_space<semaphore_mem>>
      %dma_start3A_163 = arith.constant 0 : i32
      %dma_start3A_164 = arith.constant 0 : i32
      %dma_start3A_165 = tpu.memref_slice %arg10[%run_scoped3A_77, %dma_start3A_163, %dma_start3A_164] : memref<2x128x128xf32, #tpu.memory_space<vmem>> -> memref<1x128x128xf32, #tpu.memory_space<vmem>>
      %dma_start3A_166 = tpu.memref_squeeze %dma_start3A_165 : memref<1x128x128xf32, #tpu.memory_space<vmem>> -> memref<128x128xf32, #tpu.memory_space<vmem>>
      %dma_start3A_167 = arith.constant 0 : i32
      %dma_start3A_168 = tpu.memref_slice %arg9[%run_scoped3A_78, %dma_start3A_167] : memref<40x128xi32, #tpu.memory_space<vmem>> -> memref<1x128xi32, #tpu.memory_space<vmem>>
      %dma_start3A_169 = tpu.memref_squeeze %dma_start3A_168 : memref<1x128xi32, #tpu.memory_space<vmem>> -> memref<128xi32, #tpu.memory_space<vmem>>
      %dma_start3A_170 = arith.constant 0 : i32
      %dma_start3A_171 = arith.constant 0 : i32
      %dma_start3A_172 = tpu.memref_slice %arg7[%dma_start3A_170, %dma_start3A_171] : memref<10112x128xf32, #tpu.memory_space<vmem_shared>> -> memref<10112x128xf32, #tpu.memory_space<vmem_shared>>
      tpu.enqueue_indirect_dma source(%dma_start3A_166 : memref<128x128xf32, #tpu.memory_space<vmem>>) target(%dma_start3A_172 : memref<10112x128xf32, #tpu.memory_space<vmem_shared>>) offsets(%dma_start3A_169 : memref<128xi32, #tpu.memory_space<vmem>>) semaphore(%run_scoped3A_162 : memref<!tpu.dma_semaphore, #tpu.memory_space<semaphore_mem>>) {add = true}
      %dma_wait3A_173 = arith.constant 0 : i32
      %dma_wait3A_174 = arith.constant 0 : i32
      %dma_wait3A_175 = tpu.memref_slice %arg10[%run_scoped3A_77, %dma_wait3A_173, %dma_wait3A_174] : memref<2x128x128xf32, #tpu.memory_space<vmem>> -> memref<1x128x128xf32, #tpu.memory_space<vmem>>
      %dma_wait3A_176 = tpu.memref_squeeze %dma_wait3A_175 : memref<1x128x128xf32, #tpu.memory_space<vmem>> -> memref<128x128xf32, #tpu.memory_space<vmem>>
      %dma_wait3A_177 = arith.constant 0 : i32
      %dma_wait3A_178 = tpu.memref_slice %arg9[%run_scoped3A_78, %dma_wait3A_177] : memref<40x128xi32, #tpu.memory_space<vmem>> -> memref<1x128xi32, #tpu.memory_space<vmem>>
      %dma_wait3A_179 = tpu.memref_squeeze %dma_wait3A_178 : memref<1x128xi32, #tpu.memory_space<vmem>> -> memref<128xi32, #tpu.memory_space<vmem>>
      %dma_wait3A_180 = arith.constant 0 : i32
      %dma_wait3A_181 = arith.constant 0 : i32
      %dma_wait3A_182 = tpu.memref_slice %arg7[%dma_wait3A_180, %dma_wait3A_181] : memref<10112x128xf32, #tpu.memory_space<vmem_shared>> -> memref<10112x128xf32, #tpu.memory_space<vmem_shared>>
      tpu.wait_indirect_dma semaphore(%run_scoped3A_162 : memref<!tpu.dma_semaphore, #tpu.memory_space<semaphore_mem>>) src(%dma_wait3A_176 : memref<128x128xf32, #tpu.memory_space<vmem>>) dst(%dma_wait3A_182 : memref<10112x128xf32, #tpu.memory_space<vmem_shared>>)
      tpu.yield
    }) : () -> ()
    %mul3A_79 = arith.constant 80 : i32
    %mul3A_80 = arith.muli %add3A, %mul3A_79 : i32
    %add3A_81 = arith.constant 40 : i32
    %add3A_82 = arith.addi %mul3A_80, %add3A_81 : i32
    %dma_start3A_83 = arith.constant 0 : i32
    %dma_start3A_84 = tpu.memref_slice %arg3[%add3A_82, %dma_start3A_83] : memref<2560x128xi32, #tpu.memory_space<hbm>> -> memref<40x128xi32, #tpu.memory_space<hbm>>
    %dma_start3A_85 = arith.constant 0 : i32
    %dma_start3A_86 = tpu.memref_slice %arg3[%add3A_82, %dma_start3A_85] : memref<2560x128xi32, #tpu.memory_space<hbm>> -> memref<40x128xi32, #tpu.memory_space<hbm>>
    tpu.enqueue_dma source(%dma_start3A_86 : memref<40x128xi32, #tpu.memory_space<hbm>>) target(%arg8 : memref<40x128xi32, #tpu.memory_space<vmem>>) target_semaphore(%arg11 : memref<!tpu.dma_semaphore, #tpu.memory_space<semaphore_mem>>)
    %dma_wait3A_87 = arith.constant 0 : i32
    %dma_wait3A_88 = tpu.memref_slice %arg3[%add3A_82, %dma_wait3A_87] : memref<2560x128xi32, #tpu.memory_space<hbm>> -> memref<40x128xi32, #tpu.memory_space<hbm>>
    %dma_wait3A_89 = arith.constant 0 : i32
    %dma_wait3A_90 = tpu.memref_slice %arg3[%add3A_82, %dma_wait3A_89] : memref<2560x128xi32, #tpu.memory_space<hbm>> -> memref<40x128xi32, #tpu.memory_space<hbm>>
    tpu.wait_dma2 semaphore(%arg11 : memref<!tpu.dma_semaphore, #tpu.memory_space<semaphore_mem>>) src(%dma_wait3A_90 : memref<40x128xi32, #tpu.memory_space<hbm>>) dst(%arg8 : memref<40x128xi32, #tpu.memory_space<vmem>>)
    %dma_start3A_91 = arith.constant 0 : i32
    %dma_start3A_92 = tpu.memref_slice %arg4[%add3A_82, %dma_start3A_91] : memref<2560x128xi32, #tpu.memory_space<hbm>> -> memref<40x128xi32, #tpu.memory_space<hbm>>
    %dma_start3A_93 = arith.constant 0 : i32
    %dma_start3A_94 = tpu.memref_slice %arg4[%add3A_82, %dma_start3A_93] : memref<2560x128xi32, #tpu.memory_space<hbm>> -> memref<40x128xi32, #tpu.memory_space<hbm>>
    tpu.enqueue_dma source(%dma_start3A_94 : memref<40x128xi32, #tpu.memory_space<hbm>>) target(%arg9 : memref<40x128xi32, #tpu.memory_space<vmem>>) target_semaphore(%arg12 : memref<!tpu.dma_semaphore, #tpu.memory_space<semaphore_mem>>)
    %dma_wait3A_95 = arith.constant 0 : i32
    %dma_wait3A_96 = tpu.memref_slice %arg4[%add3A_82, %dma_wait3A_95] : memref<2560x128xi32, #tpu.memory_space<hbm>> -> memref<40x128xi32, #tpu.memory_space<hbm>>
    %dma_wait3A_97 = arith.constant 0 : i32
    %dma_wait3A_98 = tpu.memref_slice %arg4[%add3A_82, %dma_wait3A_97] : memref<2560x128xi32, #tpu.memory_space<hbm>> -> memref<40x128xi32, #tpu.memory_space<hbm>>
    tpu.wait_dma2 semaphore(%arg12 : memref<!tpu.dma_semaphore, #tpu.memory_space<semaphore_mem>>) src(%dma_wait3A_98 : memref<40x128xi32, #tpu.memory_space<hbm>>) dst(%arg9 : memref<40x128xi32, #tpu.memory_space<vmem>>)
    %dma_start3A_99 = arith.constant 0 : i32
    %dma_start3A_100 = arith.constant 0 : i32
    %dma_start3A_101 = arith.constant 0 : i32
    %dma_start3A_102 = arith.constant 0 : i32
    %dma_start3A_103 = tpu.memref_slice %arg10[%dma_start3A_100, %dma_start3A_101, %dma_start3A_102] : memref<2x128x128xf32, #tpu.memory_space<vmem>> -> memref<1x128x128xf32, #tpu.memory_space<vmem>>
    %dma_start3A_104 = tpu.memref_squeeze %dma_start3A_103 : memref<1x128x128xf32, #tpu.memory_space<vmem>> -> memref<128x128xf32, #tpu.memory_space<vmem>>
    %dma_start3A_105 = arith.constant 0 : i32
    %dma_start3A_106 = tpu.memref_slice %arg8[%dma_start3A_99, %dma_start3A_105] : memref<40x128xi32, #tpu.memory_space<vmem>> -> memref<1x128xi32, #tpu.memory_space<vmem>>
    %dma_start3A_107 = tpu.memref_squeeze %dma_start3A_106 : memref<1x128xi32, #tpu.memory_space<vmem>> -> memref<128xi32, #tpu.memory_space<vmem>>
    %dma_start3A_108 = arith.constant 0 : i32
    %dma_start3A_109 = arith.constant 0 : i32
    %dma_start3A_110 = tpu.memref_slice %arg2[%dma_start3A_108, %dma_start3A_109] : memref<10000x128xf32, #tpu.memory_space<hbm>> -> memref<10000x128xf32, #tpu.memory_space<hbm>>
    tpu.enqueue_indirect_dma source(%dma_start3A_110 : memref<10000x128xf32, #tpu.memory_space<hbm>>) target(%dma_start3A_104 : memref<128x128xf32, #tpu.memory_space<vmem>>) offsets(%dma_start3A_107 : memref<128xi32, #tpu.memory_space<vmem>>) semaphore(%arg11 : memref<!tpu.dma_semaphore, #tpu.memory_space<semaphore_mem>>)
    %dma_start3A_111 = arith.constant 1 : i32
    %dma_start3A_112 = arith.constant 1 : i32
    %dma_start3A_113 = arith.constant 0 : i32
    %dma_start3A_114 = arith.constant 0 : i32
    %dma_start3A_115 = tpu.memref_slice %arg10[%dma_start3A_112, %dma_start3A_113, %dma_start3A_114] : memref<2x128x128xf32, #tpu.memory_space<vmem>> -> memref<1x128x128xf32, #tpu.memory_space<vmem>>
    %dma_start3A_116 = tpu.memref_squeeze %dma_start3A_115 : memref<1x128x128xf32, #tpu.memory_space<vmem>> -> memref<128x128xf32, #tpu.memory_space<vmem>>
    %dma_start3A_117 = arith.constant 0 : i32
    %dma_start3A_118 = tpu.memref_slice %arg8[%dma_start3A_111, %dma_start3A_117] : memref<40x128xi32, #tpu.memory_space<vmem>> -> memref<1x128xi32, #tpu.memory_space<vmem>>
    %dma_start3A_119 = tpu.memref_squeeze %dma_start3A_118 : memref<1x128xi32, #tpu.memory_space<vmem>> -> memref<128xi32, #tpu.memory_space<vmem>>
    %dma_start3A_120 = arith.constant 0 : i32
    %dma_start3A_121 = arith.constant 0 : i32
    %dma_start3A_122 = tpu.memref_slice %arg2[%dma_start3A_120, %dma_start3A_121] : memref<10000x128xf32, #tpu.memory_space<hbm>> -> memref<10000x128xf32, #tpu.memory_space<hbm>>
    tpu.enqueue_indirect_dma source(%dma_start3A_122 : memref<10000x128xf32, #tpu.memory_space<hbm>>) target(%dma_start3A_116 : memref<128x128xf32, #tpu.memory_space<vmem>>) offsets(%dma_start3A_119 : memref<128xi32, #tpu.memory_space<vmem>>) semaphore(%arg12 : memref<!tpu.dma_semaphore, #tpu.memory_space<semaphore_mem>>)
    %scan3A_123 = arith.constant 0 : i32
    %scan3A_124 = arith.constant 0 : i32
    %scan3A_125 = arith.constant 19 : i32
    %scan3A_126 = arith.addi %scan3A_124, %scan3A_125 : i32
    %scan3A_127 = arith.constant 1 : i32
    scf.for %scan3A_162 = %scan3A_124 to %scan3A_126 step %scan3A_127  : i32 {
      %mul3A_163 = arith.constant 2 : i32
      %mul3A_164 = arith.muli %scan3A_162, %mul3A_163 : i32
      %add3A_165 = arith.constant 1 : i32
      %add3A_166 = arith.addi %mul3A_164, %add3A_165 : i32
      %dma_wait3A_167 = arith.constant 0 : i32
      %dma_wait3A_168 = arith.constant 0 : i32
      %dma_wait3A_169 = arith.constant 0 : i32
      %dma_wait3A_170 = tpu.memref_slice %arg10[%dma_wait3A_167, %dma_wait3A_168, %dma_wait3A_169] : memref<2x128x128xf32, #tpu.memory_space<vmem>> -> memref<1x128x128xf32, #tpu.memory_space<vmem>>
      %dma_wait3A_171 = tpu.memref_squeeze %dma_wait3A_170 : memref<1x128x128xf32, #tpu.memory_space<vmem>> -> memref<128x128xf32, #tpu.memory_space<vmem>>
      %dma_wait3A_172 = arith.constant 0 : i32
      %dma_wait3A_173 = tpu.memref_slice %arg8[%mul3A_164, %dma_wait3A_172] : memref<40x128xi32, #tpu.memory_space<vmem>> -> memref<1x128xi32, #tpu.memory_space<vmem>>
      %dma_wait3A_174 = tpu.memref_squeeze %dma_wait3A_173 : memref<1x128xi32, #tpu.memory_space<vmem>> -> memref<128xi32, #tpu.memory_space<vmem>>
      %dma_wait3A_175 = arith.constant 0 : i32
      %dma_wait3A_176 = arith.constant 0 : i32
      %dma_wait3A_177 = tpu.memref_slice %arg2[%dma_wait3A_175, %dma_wait3A_176] : memref<10000x128xf32, #tpu.memory_space<hbm>> -> memref<10000x128xf32, #tpu.memory_space<hbm>>
      tpu.wait_indirect_dma semaphore(%arg11 : memref<!tpu.dma_semaphore, #tpu.memory_space<semaphore_mem>>) src(%dma_wait3A_177 : memref<10000x128xf32, #tpu.memory_space<hbm>>) dst(%dma_wait3A_171 : memref<128x128xf32, #tpu.memory_space<vmem>>)
      %run_scoped3A_178 = arith.constant 0 : i32
      "tpu.region"() ({
        %run_scoped3A_217 = tpu.sem_alloc : memref<!tpu.dma_semaphore, #tpu.memory_space<semaphore_mem>>
        %dma_start3A_218 = arith.constant 0 : i32
        %dma_start3A_219 = arith.constant 0 : i32
        %dma_start3A_220 = tpu.memref_slice %arg10[%run_scoped3A_178, %dma_start3A_218, %dma_start3A_219] : memref<2x128x128xf32, #tpu.memory_space<vmem>> -> memref<1x128x128xf32, #tpu.memory_space<vmem>>
        %dma_start3A_221 = tpu.memref_squeeze %dma_start3A_220 : memref<1x128x128xf32, #tpu.memory_space<vmem>> -> memref<128x128xf32, #tpu.memory_space<vmem>>
        %dma_start3A_222 = arith.constant 0 : i32
        %dma_start3A_223 = tpu.memref_slice %arg9[%mul3A_164, %dma_start3A_222] : memref<40x128xi32, #tpu.memory_space<vmem>> -> memref<1x128xi32, #tpu.memory_space<vmem>>
        %dma_start3A_224 = tpu.memref_squeeze %dma_start3A_223 : memref<1x128xi32, #tpu.memory_space<vmem>> -> memref<128xi32, #tpu.memory_space<vmem>>
        %dma_start3A_225 = arith.constant 0 : i32
        %dma_start3A_226 = arith.constant 0 : i32
        %dma_start3A_227 = tpu.memref_slice %arg7[%dma_start3A_225, %dma_start3A_226] : memref<10112x128xf32, #tpu.memory_space<vmem_shared>> -> memref<10112x128xf32, #tpu.memory_space<vmem_shared>>
        tpu.enqueue_indirect_dma source(%dma_start3A_221 : memref<128x128xf32, #tpu.memory_space<vmem>>) target(%dma_start3A_227 : memref<10112x128xf32, #tpu.memory_space<vmem_shared>>) offsets(%dma_start3A_224 : memref<128xi32, #tpu.memory_space<vmem>>) semaphore(%run_scoped3A_217 : memref<!tpu.dma_semaphore, #tpu.memory_space<semaphore_mem>>) {add = true}
        %dma_wait3A_228 = arith.constant 0 : i32
        %dma_wait3A_229 = arith.constant 0 : i32
        %dma_wait3A_230 = tpu.memref_slice %arg10[%run_scoped3A_178, %dma_wait3A_228, %dma_wait3A_229] : memref<2x128x128xf32, #tpu.memory_space<vmem>> -> memref<1x128x128xf32, #tpu.memory_space<vmem>>
        %dma_wait3A_231 = tpu.memref_squeeze %dma_wait3A_230 : memref<1x128x128xf32, #tpu.memory_space<vmem>> -> memref<128x128xf32, #tpu.memory_space<vmem>>
        %dma_wait3A_232 = arith.constant 0 : i32
        %dma_wait3A_233 = tpu.memref_slice %arg9[%mul3A_164, %dma_wait3A_232] : memref<40x128xi32, #tpu.memory_space<vmem>> -> memref<1x128xi32, #tpu.memory_space<vmem>>
        %dma_wait3A_234 = tpu.memref_squeeze %dma_wait3A_233 : memref<1x128xi32, #tpu.memory_space<vmem>> -> memref<128xi32, #tpu.memory_space<vmem>>
        %dma_wait3A_235 = arith.constant 0 : i32
        %dma_wait3A_236 = arith.constant 0 : i32
        %dma_wait3A_237 = tpu.memref_slice %arg7[%dma_wait3A_235, %dma_wait3A_236] : memref<10112x128xf32, #tpu.memory_space<vmem_shared>> -> memref<10112x128xf32, #tpu.memory_space<vmem_shared>>
        tpu.wait_indirect_dma semaphore(%run_scoped3A_217 : memref<!tpu.dma_semaphore, #tpu.memory_space<semaphore_mem>>) src(%dma_wait3A_231 : memref<128x128xf32, #tpu.memory_space<vmem>>) dst(%dma_wait3A_237 : memref<10112x128xf32, #tpu.memory_space<vmem_shared>>)
        tpu.yield
      }) : () -> ()
      %add3A_179 = arith.constant 2 : i32
      %add3A_180 = arith.addi %mul3A_164, %add3A_179 : i32
      %dma_start3A_181 = arith.constant 0 : i32
      %dma_start3A_182 = arith.constant 0 : i32
      %dma_start3A_183 = arith.constant 0 : i32
      %dma_start3A_184 = tpu.memref_slice %arg10[%dma_start3A_181, %dma_start3A_182, %dma_start3A_183] : memref<2x128x128xf32, #tpu.memory_space<vmem>> -> memref<1x128x128xf32, #tpu.memory_space<vmem>>
      %dma_start3A_185 = tpu.memref_squeeze %dma_start3A_184 : memref<1x128x128xf32, #tpu.memory_space<vmem>> -> memref<128x128xf32, #tpu.memory_space<vmem>>
      %dma_start3A_186 = arith.constant 0 : i32
      %dma_start3A_187 = tpu.memref_slice %arg8[%add3A_180, %dma_start3A_186] : memref<40x128xi32, #tpu.memory_space<vmem>> -> memref<1x128xi32, #tpu.memory_space<vmem>>
      %dma_start3A_188 = tpu.memref_squeeze %dma_start3A_187 : memref<1x128xi32, #tpu.memory_space<vmem>> -> memref<128xi32, #tpu.memory_space<vmem>>
      %dma_start3A_189 = arith.constant 0 : i32
      %dma_start3A_190 = arith.constant 0 : i32
      %dma_start3A_191 = tpu.memref_slice %arg2[%dma_start3A_189, %dma_start3A_190] : memref<10000x128xf32, #tpu.memory_space<hbm>> -> memref<10000x128xf32, #tpu.memory_space<hbm>>
      tpu.enqueue_indirect_dma source(%dma_start3A_191 : memref<10000x128xf32, #tpu.memory_space<hbm>>) target(%dma_start3A_185 : memref<128x128xf32, #tpu.memory_space<vmem>>) offsets(%dma_start3A_188 : memref<128xi32, #tpu.memory_space<vmem>>) semaphore(%arg11 : memref<!tpu.dma_semaphore, #tpu.memory_space<semaphore_mem>>)
      %dma_wait3A_192 = arith.constant 1 : i32
      %dma_wait3A_193 = arith.constant 0 : i32
      %dma_wait3A_194 = arith.constant 0 : i32
      %dma_wait3A_195 = tpu.memref_slice %arg10[%dma_wait3A_192, %dma_wait3A_193, %dma_wait3A_194] : memref<2x128x128xf32, #tpu.memory_space<vmem>> -> memref<1x128x128xf32, #tpu.memory_space<vmem>>
      %dma_wait3A_196 = tpu.memref_squeeze %dma_wait3A_195 : memref<1x128x128xf32, #tpu.memory_space<vmem>> -> memref<128x128xf32, #tpu.memory_space<vmem>>
      %dma_wait3A_197 = arith.constant 0 : i32
      %dma_wait3A_198 = tpu.memref_slice %arg8[%add3A_166, %dma_wait3A_197] : memref<40x128xi32, #tpu.memory_space<vmem>> -> memref<1x128xi32, #tpu.memory_space<vmem>>
      %dma_wait3A_199 = tpu.memref_squeeze %dma_wait3A_198 : memref<1x128xi32, #tpu.memory_space<vmem>> -> memref<128xi32, #tpu.memory_space<vmem>>
      %dma_wait3A_200 = arith.constant 0 : i32
      %dma_wait3A_201 = arith.constant 0 : i32
      %dma_wait3A_202 = tpu.memref_slice %arg2[%dma_wait3A_200, %dma_wait3A_201] : memref<10000x128xf32, #tpu.memory_space<hbm>> -> memref<10000x128xf32, #tpu.memory_space<hbm>>
      tpu.wait_indirect_dma semaphore(%arg12 : memref<!tpu.dma_semaphore, #tpu.memory_space<semaphore_mem>>) src(%dma_wait3A_202 : memref<10000x128xf32, #tpu.memory_space<hbm>>) dst(%dma_wait3A_196 : memref<128x128xf32, #tpu.memory_space<vmem>>)
      %run_scoped3A_203 = arith.constant 1 : i32
      "tpu.region"() ({
        %run_scoped3A_217 = tpu.sem_alloc : memref<!tpu.dma_semaphore, #tpu.memory_space<semaphore_mem>>
        %dma_start3A_218 = arith.constant 0 : i32
        %dma_start3A_219 = arith.constant 0 : i32
        %dma_start3A_220 = tpu.memref_slice %arg10[%run_scoped3A_203, %dma_start3A_218, %dma_start3A_219] : memref<2x128x128xf32, #tpu.memory_space<vmem>> -> memref<1x128x128xf32, #tpu.memory_space<vmem>>
        %dma_start3A_221 = tpu.memref_squeeze %dma_start3A_220 : memref<1x128x128xf32, #tpu.memory_space<vmem>> -> memref<128x128xf32, #tpu.memory_space<vmem>>
        %dma_start3A_222 = arith.constant 0 : i32
        %dma_start3A_223 = tpu.memref_slice %arg9[%add3A_166, %dma_start3A_222] : memref<40x128xi32, #tpu.memory_space<vmem>> -> memref<1x128xi32, #tpu.memory_space<vmem>>
        %dma_start3A_224 = tpu.memref_squeeze %dma_start3A_223 : memref<1x128xi32, #tpu.memory_space<vmem>> -> memref<128xi32, #tpu.memory_space<vmem>>
        %dma_start3A_225 = arith.constant 0 : i32
        %dma_start3A_226 = arith.constant 0 : i32
        %dma_start3A_227 = tpu.memref_slice %arg7[%dma_start3A_225, %dma_start3A_226] : memref<10112x128xf32, #tpu.memory_space<vmem_shared>> -> memref<10112x128xf32, #tpu.memory_space<vmem_shared>>
        tpu.enqueue_indirect_dma source(%dma_start3A_221 : memref<128x128xf32, #tpu.memory_space<vmem>>) target(%dma_start3A_227 : memref<10112x128xf32, #tpu.memory_space<vmem_shared>>) offsets(%dma_start3A_224 : memref<128xi32, #tpu.memory_space<vmem>>) semaphore(%run_scoped3A_217 : memref<!tpu.dma_semaphore, #tpu.memory_space<semaphore_mem>>) {add = true}
        %dma_wait3A_228 = arith.constant 0 : i32
        %dma_wait3A_229 = arith.constant 0 : i32
        %dma_wait3A_230 = tpu.memref_slice %arg10[%run_scoped3A_203, %dma_wait3A_228, %dma_wait3A_229] : memref<2x128x128xf32, #tpu.memory_space<vmem>> -> memref<1x128x128xf32, #tpu.memory_space<vmem>>
        %dma_wait3A_231 = tpu.memref_squeeze %dma_wait3A_230 : memref<1x128x128xf32, #tpu.memory_space<vmem>> -> memref<128x128xf32, #tpu.memory_space<vmem>>
        %dma_wait3A_232 = arith.constant 0 : i32
        %dma_wait3A_233 = tpu.memref_slice %arg9[%add3A_166, %dma_wait3A_232] : memref<40x128xi32, #tpu.memory_space<vmem>> -> memref<1x128xi32, #tpu.memory_space<vmem>>
        %dma_wait3A_234 = tpu.memref_squeeze %dma_wait3A_233 : memref<1x128xi32, #tpu.memory_space<vmem>> -> memref<128xi32, #tpu.memory_space<vmem>>
        %dma_wait3A_235 = arith.constant 0 : i32
        %dma_wait3A_236 = arith.constant 0 : i32
        %dma_wait3A_237 = tpu.memref_slice %arg7[%dma_wait3A_235, %dma_wait3A_236] : memref<10112x128xf32, #tpu.memory_space<vmem_shared>> -> memref<10112x128xf32, #tpu.memory_space<vmem_shared>>
        tpu.wait_indirect_dma semaphore(%run_scoped3A_217 : memref<!tpu.dma_semaphore, #tpu.memory_space<semaphore_mem>>) src(%dma_wait3A_231 : memref<128x128xf32, #tpu.memory_space<vmem>>) dst(%dma_wait3A_237 : memref<10112x128xf32, #tpu.memory_space<vmem_shared>>)
        tpu.yield
      }) : () -> ()
      %add3A_204 = arith.constant 2 : i32
      %add3A_205 = arith.addi %add3A_166, %add3A_204 : i32
      %dma_start3A_206 = arith.constant 1 : i32
      %dma_start3A_207 = arith.constant 0 : i32
      %dma_start3A_208 = arith.constant 0 : i32
      %dma_start3A_209 = tpu.memref_slice %arg10[%dma_start3A_206, %dma_start3A_207, %dma_start3A_208] : memref<2x128x128xf32, #tpu.memory_space<vmem>> -> memref<1x128x128xf32, #tpu.memory_space<vmem>>
      %dma_start3A_210 = tpu.memref_squeeze %dma_start3A_209 : memref<1x128x128xf32, #tpu.memory_space<vmem>> -> memref<128x128xf32, #tpu.memory_space<vmem>>
      %dma_start3A_211 = arith.constant 0 : i32
      %dma_start3A_212 = tpu.memref_slice %arg8[%add3A_205, %dma_start3A_211] : memref<40x128xi32, #tpu.memory_space<vmem>> -> memref<1x128xi32, #tpu.memory_space<vmem>>
      %dma_start3A_213 = tpu.memref_squeeze %dma_start3A_212 : memref<1x128xi32, #tpu.memory_space<vmem>> -> memref<128xi32, #tpu.memory_space<vmem>>
      %dma_start3A_214 = arith.constant 0 : i32
      %dma_start3A_215 = arith.constant 0 : i32
      %dma_start3A_216 = tpu.memref_slice %arg2[%dma_start3A_214, %dma_start3A_215] : memref<10000x128xf32, #tpu.memory_space<hbm>> -> memref<10000x128xf32, #tpu.memory_space<hbm>>
      tpu.enqueue_indirect_dma source(%dma_start3A_216 : memref<10000x128xf32, #tpu.memory_space<hbm>>) target(%dma_start3A_210 : memref<128x128xf32, #tpu.memory_space<vmem>>) offsets(%dma_start3A_213 : memref<128xi32, #tpu.memory_space<vmem>>) semaphore(%arg12 : memref<!tpu.dma_semaphore, #tpu.memory_space<semaphore_mem>>)
    }
    %scan3A_128 = arith.constant 19 : i32
    %dma_wait3A_129 = arith.constant 38 : i32
    %dma_wait3A_130 = arith.constant 0 : i32
    %dma_wait3A_131 = arith.constant 0 : i32
    %dma_wait3A_132 = arith.constant 0 : i32
    %dma_wait3A_133 = tpu.memref_slice %arg10[%dma_wait3A_130, %dma_wait3A_131, %dma_wait3A_132] : memref<2x128x128xf32, #tpu.memory_space<vmem>> -> memref<1x128x128xf32, #tpu.memory_space<vmem>>
    %dma_wait3A_134 = tpu.memref_squeeze %dma_wait3A_133 : memref<1x128x128xf32, #tpu.memory_space<vmem>> -> memref<128x128xf32, #tpu.memory_space<vmem>>
    %dma_wait3A_135 = arith.constant 0 : i32
    %dma_wait3A_136 = tpu.memref_slice %arg8[%dma_wait3A_129, %dma_wait3A_135] : memref<40x128xi32, #tpu.memory_space<vmem>> -> memref<1x128xi32, #tpu.memory_space<vmem>>
    %dma_wait3A_137 = tpu.memref_squeeze %dma_wait3A_136 : memref<1x128xi32, #tpu.memory_space<vmem>> -> memref<128xi32, #tpu.memory_space<vmem>>
    %dma_wait3A_138 = arith.constant 0 : i32
    %dma_wait3A_139 = arith.constant 0 : i32
    %dma_wait3A_140 = tpu.memref_slice %arg2[%dma_wait3A_138, %dma_wait3A_139] : memref<10000x128xf32, #tpu.memory_space<hbm>> -> memref<10000x128xf32, #tpu.memory_space<hbm>>
    tpu.wait_indirect_dma semaphore(%arg11 : memref<!tpu.dma_semaphore, #tpu.memory_space<semaphore_mem>>) src(%dma_wait3A_140 : memref<10000x128xf32, #tpu.memory_space<hbm>>) dst(%dma_wait3A_134 : memref<128x128xf32, #tpu.memory_space<vmem>>)
    %run_scoped3A_141 = arith.constant 0 : i32
    %run_scoped3A_142 = arith.constant 38 : i32
    "tpu.region"() ({
      %run_scoped3A_162 = tpu.sem_alloc : memref<!tpu.dma_semaphore, #tpu.memory_space<semaphore_mem>>
      %dma_start3A_163 = arith.constant 0 : i32
      %dma_start3A_164 = arith.constant 0 : i32
      %dma_start3A_165 = tpu.memref_slice %arg10[%run_scoped3A_141, %dma_start3A_163, %dma_start3A_164] : memref<2x128x128xf32, #tpu.memory_space<vmem>> -> memref<1x128x128xf32, #tpu.memory_space<vmem>>
      %dma_start3A_166 = tpu.memref_squeeze %dma_start3A_165 : memref<1x128x128xf32, #tpu.memory_space<vmem>> -> memref<128x128xf32, #tpu.memory_space<vmem>>
      %dma_start3A_167 = arith.constant 0 : i32
      %dma_start3A_168 = tpu.memref_slice %arg9[%run_scoped3A_142, %dma_start3A_167] : memref<40x128xi32, #tpu.memory_space<vmem>> -> memref<1x128xi32, #tpu.memory_space<vmem>>
      %dma_start3A_169 = tpu.memref_squeeze %dma_start3A_168 : memref<1x128xi32, #tpu.memory_space<vmem>> -> memref<128xi32, #tpu.memory_space<vmem>>
      %dma_start3A_170 = arith.constant 0 : i32
      %dma_start3A_171 = arith.constant 0 : i32
      %dma_start3A_172 = tpu.memref_slice %arg7[%dma_start3A_170, %dma_start3A_171] : memref<10112x128xf32, #tpu.memory_space<vmem_shared>> -> memref<10112x128xf32, #tpu.memory_space<vmem_shared>>
      tpu.enqueue_indirect_dma source(%dma_start3A_166 : memref<128x128xf32, #tpu.memory_space<vmem>>) target(%dma_start3A_172 : memref<10112x128xf32, #tpu.memory_space<vmem_shared>>) offsets(%dma_start3A_169 : memref<128xi32, #tpu.memory_space<vmem>>) semaphore(%run_scoped3A_162 : memref<!tpu.dma_semaphore, #tpu.memory_space<semaphore_mem>>) {add = true}
      %dma_wait3A_173 = arith.constant 0 : i32
      %dma_wait3A_174 = arith.constant 0 : i32
      %dma_wait3A_175 = tpu.memref_slice %arg10[%run_scoped3A_141, %dma_wait3A_173, %dma_wait3A_174] : memref<2x128x128xf32, #tpu.memory_space<vmem>> -> memref<1x128x128xf32, #tpu.memory_space<vmem>>
      %dma_wait3A_176 = tpu.memref_squeeze %dma_wait3A_175 : memref<1x128x128xf32, #tpu.memory_space<vmem>> -> memref<128x128xf32, #tpu.memory_space<vmem>>
      %dma_wait3A_177 = arith.constant 0 : i32
      %dma_wait3A_178 = tpu.memref_slice %arg9[%run_scoped3A_142, %dma_wait3A_177] : memref<40x128xi32, #tpu.memory_space<vmem>> -> memref<1x128xi32, #tpu.memory_space<vmem>>
      %dma_wait3A_179 = tpu.memref_squeeze %dma_wait3A_178 : memref<1x128xi32, #tpu.memory_space<vmem>> -> memref<128xi32, #tpu.memory_space<vmem>>
      %dma_wait3A_180 = arith.constant 0 : i32
      %dma_wait3A_181 = arith.constant 0 : i32
      %dma_wait3A_182 = tpu.memref_slice %arg7[%dma_wait3A_180, %dma_wait3A_181] : memref<10112x128xf32, #tpu.memory_space<vmem_shared>> -> memref<10112x128xf32, #tpu.memory_space<vmem_shared>>
      tpu.wait_indirect_dma semaphore(%run_scoped3A_162 : memref<!tpu.dma_semaphore, #tpu.memory_space<semaphore_mem>>) src(%dma_wait3A_176 : memref<128x128xf32, #tpu.memory_space<vmem>>) dst(%dma_wait3A_182 : memref<10112x128xf32, #tpu.memory_space<vmem_shared>>)
      tpu.yield
    }) : () -> ()
    %dma_wait3A_143 = arith.constant 39 : i32
    %dma_wait3A_144 = arith.constant 1 : i32
    %dma_wait3A_145 = arith.constant 0 : i32
    %dma_wait3A_146 = arith.constant 0 : i32
    %dma_wait3A_147 = tpu.memref_slice %arg10[%dma_wait3A_144, %dma_wait3A_145, %dma_wait3A_146] : memref<2x128x128xf32, #tpu.memory_space<vmem>> -> memref<1x128x128xf32, #tpu.memory_space<vmem>>
    %dma_wait3A_148 = tpu.memref_squeeze %dma_wait3A_147 : memref<1x128x128xf32, #tpu.memory_space<vmem>> -> memref<128x128xf32, #tpu.memory_space<vmem>>
    %dma_wait3A_149 = arith.constant 0 : i32
    %dma_wait3A_150 = tpu.memref_slice %arg8[%dma_wait3A_143, %dma_wait3A_149] : memref<40x128xi32, #tpu.memory_space<vmem>> -> memref<1x128xi32, #tpu.memory_space<vmem>>
    %dma_wait3A_151 = tpu.memref_squeeze %dma_wait3A_150 : memref<1x128xi32, #tpu.memory_space<vmem>> -> memref<128xi32, #tpu.memory_space<vmem>>
    %dma_wait3A_152 = arith.constant 0 : i32
    %dma_wait3A_153 = arith.constant 0 : i32
    %dma_wait3A_154 = tpu.memref_slice %arg2[%dma_wait3A_152, %dma_wait3A_153] : memref<10000x128xf32, #tpu.memory_space<hbm>> -> memref<10000x128xf32, #tpu.memory_space<hbm>>
    tpu.wait_indirect_dma semaphore(%arg12 : memref<!tpu.dma_semaphore, #tpu.memory_space<semaphore_mem>>) src(%dma_wait3A_154 : memref<10000x128xf32, #tpu.memory_space<hbm>>) dst(%dma_wait3A_148 : memref<128x128xf32, #tpu.memory_space<vmem>>)
    %run_scoped3A_155 = arith.constant 1 : i32
    %run_scoped3A_156 = arith.constant 39 : i32
    "tpu.region"() ({
      %run_scoped3A_162 = tpu.sem_alloc : memref<!tpu.dma_semaphore, #tpu.memory_space<semaphore_mem>>
      %dma_start3A_163 = arith.constant 0 : i32
      %dma_start3A_164 = arith.constant 0 : i32
      %dma_start3A_165 = tpu.memref_slice %arg10[%run_scoped3A_155, %dma_start3A_163, %dma_start3A_164] : memref<2x128x128xf32, #tpu.memory_space<vmem>> -> memref<1x128x128xf32, #tpu.memory_space<vmem>>
      %dma_start3A_166 = tpu.memref_squeeze %dma_start3A_165 : memref<1x128x128xf32, #tpu.memory_space<vmem>> -> memref<128x128xf32, #tpu.memory_space<vmem>>
      %dma_start3A_167 = arith.constant 0 : i32
      %dma_start3A_168 = tpu.memref_slice %arg9[%run_scoped3A_156, %dma_start3A_167] : memref<40x128xi32, #tpu.memory_space<vmem>> -> memref<1x128xi32, #tpu.memory_space<vmem>>
      %dma_start3A_169 = tpu.memref_squeeze %dma_start3A_168 : memref<1x128xi32, #tpu.memory_space<vmem>> -> memref<128xi32, #tpu.memory_space<vmem>>
      %dma_start3A_170 = arith.constant 0 : i32
      %dma_start3A_171 = arith.constant 0 : i32
      %dma_start3A_172 = tpu.memref_slice %arg7[%dma_start3A_170, %dma_start3A_171] : memref<10112x128xf32, #tpu.memory_space<vmem_shared>> -> memref<10112x128xf32, #tpu.memory_space<vmem_shared>>
      tpu.enqueue_indirect_dma source(%dma_start3A_166 : memref<128x128xf32, #tpu.memory_space<vmem>>) target(%dma_start3A_172 : memref<10112x128xf32, #tpu.memory_space<vmem_shared>>) offsets(%dma_start3A_169 : memref<128xi32, #tpu.memory_space<vmem>>) semaphore(%run_scoped3A_162 : memref<!tpu.dma_semaphore, #tpu.memory_space<semaphore_mem>>) {add = true}
      %dma_wait3A_173 = arith.constant 0 : i32
      %dma_wait3A_174 = arith.constant 0 : i32
      %dma_wait3A_175 = tpu.memref_slice %arg10[%run_scoped3A_155, %dma_wait3A_173, %dma_wait3A_174] : memref<2x128x128xf32, #tpu.memory_space<vmem>> -> memref<1x128x128xf32, #tpu.memory_space<vmem>>
      %dma_wait3A_176 = tpu.memref_squeeze %dma_wait3A_175 : memref<1x128x128xf32, #tpu.memory_space<vmem>> -> memref<128x128xf32, #tpu.memory_space<vmem>>
      %dma_wait3A_177 = arith.constant 0 : i32
      %dma_wait3A_178 = tpu.memref_slice %arg9[%run_scoped3A_156, %dma_wait3A_177] : memref<40x128xi32, #tpu.memory_space<vmem>> -> memref<1x128xi32, #tpu.memory_space<vmem>>
      %dma_wait3A_179 = tpu.memref_squeeze %dma_wait3A_178 : memref<1x128xi32, #tpu.memory_space<vmem>> -> memref<128xi32, #tpu.memory_space<vmem>>
      %dma_wait3A_180 = arith.constant 0 : i32
      %dma_wait3A_181 = arith.constant 0 : i32
      %dma_wait3A_182 = tpu.memref_slice %arg7[%dma_wait3A_180, %dma_wait3A_181] : memref<10112x128xf32, #tpu.memory_space<vmem_shared>> -> memref<10112x128xf32, #tpu.memory_space<vmem_shared>>
      tpu.wait_indirect_dma semaphore(%run_scoped3A_162 : memref<!tpu.dma_semaphore, #tpu.memory_space<semaphore_mem>>) src(%dma_wait3A_176 : memref<128x128xf32, #tpu.memory_space<vmem>>) dst(%dma_wait3A_182 : memref<10112x128xf32, #tpu.memory_space<vmem_shared>>)
      tpu.yield
    }) : () -> ()
    %barrier3A_157 = arith.constant 0 : index
    tpu.barrier barrier_id(%barrier3A_157)
    %mul3A_158 = arith.constant 632 : i32
    %mul3A_159 = arith.muli %arg1, %mul3A_158 : i32
    %mul3A_160 = arith.constant 632 : i32
    %mul3A_161 = arith.muli %arg1, %mul3A_160 : i32
    "tpu.region"() ({
      %run_scoped3A_162 = tpu.sem_alloc : memref<!tpu.dma_semaphore, #tpu.memory_space<semaphore_mem>>
      %dma_start3A_163 = arith.constant 0 : i32
      %dma_start3A_164 = tpu.memref_slice %arg6[%arg0, %mul3A_161, %dma_start3A_163] : memref<2x10112x128xf32, #tpu.memory_space<hbm>> -> memref<1x632x128xf32, #tpu.memory_space<hbm>>
      %dma_start3A_165 = tpu.memref_squeeze %dma_start3A_164 : memref<1x632x128xf32, #tpu.memory_space<hbm>> -> memref<632x128xf32, #tpu.memory_space<hbm>>
      %dma_start3A_166 = arith.constant 0 : i32
      %dma_start3A_167 = tpu.memref_slice %arg7[%mul3A_159, %dma_start3A_166] : memref<10112x128xf32, #tpu.memory_space<vmem_shared>> -> memref<632x128xf32, #tpu.memory_space<vmem_shared>>
      tpu.enqueue_dma source(%dma_start3A_167 : memref<632x128xf32, #tpu.memory_space<vmem_shared>>) target(%dma_start3A_165 : memref<632x128xf32, #tpu.memory_space<hbm>>) target_semaphore(%run_scoped3A_162 : memref<!tpu.dma_semaphore, #tpu.memory_space<semaphore_mem>>)
      %dma_wait3A_168 = arith.constant 0 : i32
      %dma_wait3A_169 = tpu.memref_slice %arg6[%arg0, %mul3A_161, %dma_wait3A_168] : memref<2x10112x128xf32, #tpu.memory_space<hbm>> -> memref<1x632x128xf32, #tpu.memory_space<hbm>>
      %dma_wait3A_170 = tpu.memref_squeeze %dma_wait3A_169 : memref<1x632x128xf32, #tpu.memory_space<hbm>> -> memref<632x128xf32, #tpu.memory_space<hbm>>
      %dma_wait3A_171 = arith.constant 0 : i32
      %dma_wait3A_172 = tpu.memref_slice %arg7[%mul3A_159, %dma_wait3A_171] : memref<10112x128xf32, #tpu.memory_space<vmem_shared>> -> memref<632x128xf32, #tpu.memory_space<vmem_shared>>
      tpu.wait_dma2 semaphore(%run_scoped3A_162 : memref<!tpu.dma_semaphore, #tpu.memory_space<semaphore_mem>>) src(%dma_wait3A_172 : memref<632x128xf32, #tpu.memory_space<vmem_shared>>) dst(%dma_wait3A_170 : memref<632x128xf32, #tpu.memory_space<hbm>>)
      tpu.yield
    }) : () -> ()
    return
  }
}

module attributes {stable_mosaic.version = 14 : i64} {
  func.func @_tc_start_body(%arg0: memref<10000x128xf32, #tpu.memory_space<vmem>>, %arg1: memref<128x256xf32, #tpu.memory_space<vmem>>, %arg2: memref<1x256xf32, #tpu.memory_space<vmem>>, %arg3: memref<1x256xf32, #tpu.memory_space<vmem>>, %arg4: memref<1x256xf32, #tpu.memory_space<vmem>>, %arg5: memref<256x128xf32, #tpu.memory_space<vmem>>, %arg6: memref<1x128xf32, #tpu.memory_space<vmem>>, %arg7: memref<128x4xf32, #tpu.memory_space<vmem>>, %arg8: memref<1x4xf32, #tpu.memory_space<vmem>>, %arg9: memref<4x1xf32, #tpu.memory_space<vmem>>, %arg10: memref<1x1xf32, #tpu.memory_space<vmem>>, %arg11: memref<128x128xf32, #tpu.memory_space<vmem>>, %arg12: memref<2x10112x16xf32, #tpu.memory_space<vmem>>, %arg13: memref<10000x128xf32, #tpu.memory_space<vmem>>, %arg14: memref<10000x1xf32, #tpu.memory_space<vmem>>, %arg15: memref<10000x1xf32, #tpu.memory_space<vmem>>, %arg16: memref<10000x128xf32, #tpu.memory_space<vmem>>, %arg17: memref<10000x128xf32, #tpu.memory_space<vmem>>) attributes {dimension_semantics = [], scalar_prefetch = 0 : i64, scratch_operands = 0 : i64, tpu.core_type = #tpu.core_type<tc>} {
    %get3A = arith.constant 0 : index
    %get3A_0 = arith.constant 0 : index
    %get3A_1 = vector.load %arg0[%get3A, %get3A_0] : memref<10000x128xf32, #tpu.memory_space<vmem>>, vector<10000x128xf32>
    %get3A_2 = arith.constant 0 : index
    %get3A_3 = arith.constant 0 : index
    %get3A_4 = vector.load %arg1[%get3A_2, %get3A_3] : memref<128x256xf32, #tpu.memory_space<vmem>>, vector<128x256xf32>
    %dot_general3A = arith.constant dense<0.000000e+00> : vector<10000x256xf32>
    %dot_general3A_5 = tpu.matmul %get3A_1, %get3A_4, %dot_general3A {dimension_numbers = #tpu.dot_dimension_numbers<[1], [0], [0], [1], [0, 0, 1, 1], [], []>, transpose_lhs_hint = false} : vector<10000x128xf32>, vector<128x256xf32>, vector<10000x256xf32> -> vector<10000x256xf32>
    %get3A_6 = arith.constant 0 : index
    %get3A_7 = arith.constant 0 : index
    %get3A_8 = vector.load %arg2[%get3A_6, %get3A_7] : memref<1x256xf32, #tpu.memory_space<vmem>>, vector<1x256xf32>
    %add3A = vector.broadcast %get3A_8 : vector<1x256xf32> to vector<10000x256xf32>
    %add3A_9 = arith.addf %dot_general3A_5, %add3A : vector<10000x256xf32>
    %get3A_10 = arith.constant 0 : index
    %get3A_11 = arith.constant 0 : index
    %get3A_12 = vector.load %arg3[%get3A_10, %get3A_11] : memref<1x256xf32, #tpu.memory_space<vmem>>, vector<1x256xf32>
    %get3A_13 = arith.constant 0 : index
    %get3A_14 = arith.constant 0 : index
    %get3A_15 = vector.load %arg4[%get3A_13, %get3A_14] : memref<1x256xf32, #tpu.memory_space<vmem>>, vector<1x256xf32>
    %reduce_sum3A = arith.constant dense<0.000000e+00> : vector<256xf32>
    %reduce_sum3A_16 = vector.multi_reduction <add>, %add3A_9, %reduce_sum3A [0] : vector<10000x256xf32> to vector<256xf32>
    %broadcast_in_dim3A = vector.shape_cast %reduce_sum3A_16 : vector<256xf32> to vector<1x256xf32>
    %div3A = arith.constant 1.000000e+04 : f32
    %div3A_17 = vector.broadcast %div3A : f32 to vector<1x256xf32>
    %div3A_18 = arith.divf %broadcast_in_dim3A, %div3A_17 : vector<1x256xf32>
    %sub3A = vector.broadcast %div3A_18 : vector<1x256xf32> to vector<10000x256xf32>
    %sub3A_19 = arith.subf %add3A_9, %sub3A : vector<10000x256xf32>
    %sub3A_20 = vector.broadcast %div3A_18 : vector<1x256xf32> to vector<10000x256xf32>
    %sub3A_21 = arith.subf %add3A_9, %sub3A_20 : vector<10000x256xf32>
    %mul3A = arith.mulf %sub3A_19, %sub3A_21 : vector<10000x256xf32>
    %reduce_sum3A_22 = arith.constant dense<0.000000e+00> : vector<256xf32>
    %reduce_sum3A_23 = vector.multi_reduction <add>, %mul3A, %reduce_sum3A_22 [0] : vector<10000x256xf32> to vector<256xf32>
    %broadcast_in_dim3A_24 = vector.shape_cast %reduce_sum3A_23 : vector<256xf32> to vector<1x256xf32>
    %div3A_25 = arith.constant 1.000000e+04 : f32
    %div3A_26 = vector.broadcast %div3A_25 : f32 to vector<1x256xf32>
    %div3A_27 = arith.divf %broadcast_in_dim3A_24, %div3A_26 : vector<1x256xf32>
    %sub3A_28 = vector.broadcast %div3A_18 : vector<1x256xf32> to vector<10000x256xf32>
    %sub3A_29 = arith.subf %add3A_9, %sub3A_28 : vector<10000x256xf32>
    %add3A_30 = arith.constant 9.99999974E-6 : f32
    %add3A_31 = vector.broadcast %add3A_30 : f32 to vector<1x256xf32>
    %add3A_32 = arith.addf %div3A_27, %add3A_31 : vector<1x256xf32>
    %rsqrt3A = math.rsqrt %add3A_32 : vector<1x256xf32>
    %mul3A_33 = vector.broadcast %rsqrt3A : vector<1x256xf32> to vector<10000x256xf32>
    %mul3A_34 = arith.mulf %sub3A_29, %mul3A_33 : vector<10000x256xf32>
    %mul3A_35 = vector.broadcast %get3A_12 : vector<1x256xf32> to vector<10000x256xf32>
    %mul3A_36 = arith.mulf %mul3A_34, %mul3A_35 : vector<10000x256xf32>
    %add3A_37 = vector.broadcast %get3A_15 : vector<1x256xf32> to vector<10000x256xf32>
    %add3A_38 = arith.addf %mul3A_36, %add3A_37 : vector<10000x256xf32>
    %max3A = arith.constant 0.000000e+00 : f32
    %max3A_39 = vector.broadcast %max3A : f32 to vector<10000x256xf32>
    %max3A_40 = arith.maximumf %add3A_38, %max3A_39 : vector<10000x256xf32>
    %get3A_41 = arith.constant 0 : index
    %get3A_42 = arith.constant 0 : index
    %get3A_43 = vector.load %arg5[%get3A_41, %get3A_42] : memref<256x128xf32, #tpu.memory_space<vmem>>, vector<256x128xf32>
    %dot_general3A_44 = arith.constant dense<0.000000e+00> : vector<10000x128xf32>
    %dot_general3A_45 = tpu.matmul %max3A_40, %get3A_43, %dot_general3A_44 {dimension_numbers = #tpu.dot_dimension_numbers<[1], [0], [0], [1], [0, 0, 1, 1], [], []>, transpose_lhs_hint = false} : vector<10000x256xf32>, vector<256x128xf32>, vector<10000x128xf32> -> vector<10000x128xf32>
    %get3A_46 = arith.constant 0 : index
    %get3A_47 = arith.constant 0 : index
    %get3A_48 = vector.load %arg6[%get3A_46, %get3A_47] : memref<1x128xf32, #tpu.memory_space<vmem>>, vector<1x128xf32>
    %add3A_49 = vector.broadcast %get3A_48 : vector<1x128xf32> to vector<10000x128xf32>
    %add3A_50 = arith.addf %dot_general3A_45, %add3A_49 : vector<10000x128xf32>
    %get3A_51 = arith.constant 0 : index
    %get3A_52 = arith.constant 0 : index
    %get3A_53 = vector.load %arg7[%get3A_51, %get3A_52] : memref<128x4xf32, #tpu.memory_space<vmem>>, vector<128x4xf32>
    %get3A_54 = arith.constant 0 : index
    %get3A_55 = arith.constant 0 : index
    %get3A_56 = vector.load %arg8[%get3A_54, %get3A_55] : memref<1x4xf32, #tpu.memory_space<vmem>>, vector<1x4xf32>
    %get3A_57 = arith.constant 0 : index
    %get3A_58 = arith.constant 0 : index
    %get3A_59 = vector.load %arg9[%get3A_57, %get3A_58] : memref<4x1xf32, #tpu.memory_space<vmem>>, vector<4x1xf32>
    %get3A_60 = arith.constant 0 : index
    %get3A_61 = arith.constant 0 : index
    %get3A_62 = vector.load %arg10[%get3A_60, %get3A_61] : memref<1x1xf32, #tpu.memory_space<vmem>>, vector<1x1xf32>
    %dot_general3A_63 = arith.constant dense<0.000000e+00> : vector<10000x4xf32>
    %dot_general3A_64 = tpu.matmul %add3A_50, %get3A_53, %dot_general3A_63 {dimension_numbers = #tpu.dot_dimension_numbers<[1], [0], [0], [1], [0, 0, 1, 1], [], []>, transpose_lhs_hint = false} : vector<10000x128xf32>, vector<128x4xf32>, vector<10000x4xf32> -> vector<10000x4xf32>
    %add3A_65 = vector.broadcast %get3A_56 : vector<1x4xf32> to vector<10000x4xf32>
    %add3A_66 = arith.addf %dot_general3A_64, %add3A_65 : vector<10000x4xf32>
    %ge3A = arith.constant 0.000000e+00 : f32
    %ge3A_67 = vector.broadcast %ge3A : f32 to vector<10000x4xf32>
    %ge3A_68 = arith.cmpf oge, %add3A_66, %ge3A_67 : vector<10000x4xf32>
    %mul3A_69 = arith.constant 2.000000e-01 : f32
    %mul3A_70 = vector.broadcast %mul3A_69 : f32 to vector<10000x4xf32>
    %mul3A_71 = arith.mulf %mul3A_70, %add3A_66 : vector<10000x4xf32>
    %select_n3A = arith.select %ge3A_68, %add3A_66, %mul3A_71 : vector<10000x4xi1>, vector<10000x4xf32>
    %dot_general3A_72 = arith.constant dense<0.000000e+00> : vector<10000x1xf32>
    %dot_general3A_73 = tpu.matmul %select_n3A, %get3A_59, %dot_general3A_72 {dimension_numbers = #tpu.dot_dimension_numbers<[1], [0], [0], [1], [0, 0, 1, 1], [], []>, transpose_lhs_hint = false} : vector<10000x4xf32>, vector<4x1xf32>, vector<10000x1xf32> -> vector<10000x1xf32>
    %add3A_74 = vector.broadcast %get3A_62 : vector<1x1xf32> to vector<10000x1xf32>
    %add3A_75 = arith.addf %dot_general3A_73, %add3A_74 : vector<10000x1xf32>
    %neg3A = arith.constant 0.000000e+00 : f32
    %neg3A_76 = vector.broadcast %neg3A : f32 to vector<10000x1xf32>
    %neg3A_77 = arith.subf %neg3A_76, %add3A_75 : vector<10000x1xf32>
    %exp3A = math.exp %neg3A_77 : vector<10000x1xf32>
    %add3A_78 = arith.constant 1.000000e+00 : f32
    %add3A_79 = vector.broadcast %add3A_78 : f32 to vector<10000x1xf32>
    %add3A_80 = arith.addf %add3A_79, %exp3A : vector<10000x1xf32>
    %div3A_81 = arith.constant 1.000000e+00 : f32
    %div3A_82 = vector.broadcast %div3A_81 : f32 to vector<10000x1xf32>
    %div3A_83 = arith.divf %div3A_82, %add3A_80 : vector<10000x1xf32>
    %mul3A_84 = vector.broadcast %div3A_83 : vector<10000x1xf32> to vector<10000x128xf32>
    %mul3A_85 = arith.mulf %add3A_50, %mul3A_84 : vector<10000x128xf32>
    %swap3A = arith.constant 0 : index
    %swap3A_86 = arith.constant 0 : index
    %swap3A_87 = vector.load %arg13[%swap3A, %swap3A_86] : memref<10000x128xf32, #tpu.memory_space<vmem>>, vector<10000x128xf32>
    tpu.vector_store %arg13[%swap3A, %swap3A_86], %mul3A_85 {strides = array<i32>} : memref<10000x128xf32, #tpu.memory_space<vmem>>, vector<10000x128xf32>,
    %get3A_88 = arith.constant 0 : index
    %get3A_89 = arith.constant 0 : index
    %get3A_90 = arith.constant 0 : index
    %get3A_91 = vector.load %arg12[%get3A_88, %get3A_89, %get3A_90] : memref<2x10112x16xf32, #tpu.memory_space<vmem>>, vector<1x10000x1xf32>
    %get3A_92 = vector.shape_cast %get3A_91 : vector<1x10000x1xf32> to vector<10000x1xf32>
    %get3A_93 = arith.constant 1 : index
    %get3A_94 = arith.constant 0 : index
    %get3A_95 = arith.constant 0 : index
    %get3A_96 = vector.load %arg12[%get3A_93, %get3A_94, %get3A_95] : memref<2x10112x16xf32, #tpu.memory_space<vmem>>, vector<1x10000x1xf32>
    %get3A_97 = vector.shape_cast %get3A_96 : vector<1x10000x1xf32> to vector<10000x1xf32>
    %add3A_98 = arith.addf %get3A_92, %get3A_97 : vector<10000x1xf32>
    %add3A_99 = arith.constant 1.000000e+00 : f32
    %add3A_100 = vector.broadcast %add3A_99 : f32 to vector<10000x1xf32>
    %add3A_101 = arith.addf %add3A_98, %add3A_100 : vector<10000x1xf32>
    %rsqrt3A_102 = math.rsqrt %add3A_101 : vector<10000x1xf32>
    %div3A_103 = arith.constant 1.000000e+00 : f32
    %div3A_104 = vector.broadcast %div3A_103 : f32 to vector<10000x1xf32>
    %div3A_105 = arith.divf %div3A_104, %add3A_101 : vector<10000x1xf32>
    %swap3A_106 = arith.constant 0 : index
    %swap3A_107 = arith.constant 0 : index
    %swap3A_108 = vector.load %arg14[%swap3A_106, %swap3A_107] : memref<10000x1xf32, #tpu.memory_space<vmem>>, vector<10000x1xf32>
    tpu.vector_store %arg14[%swap3A_106, %swap3A_107], %rsqrt3A_102 {strides = array<i32>} : memref<10000x1xf32, #tpu.memory_space<vmem>>, vector<10000x1xf32>,
    %swap3A_109 = arith.constant 0 : index
    %swap3A_110 = arith.constant 0 : index
    %swap3A_111 = vector.load %arg15[%swap3A_109, %swap3A_110] : memref<10000x1xf32, #tpu.memory_space<vmem>>, vector<10000x1xf32>
    tpu.vector_store %arg15[%swap3A_109, %swap3A_110], %div3A_105 {strides = array<i32>} : memref<10000x1xf32, #tpu.memory_space<vmem>>, vector<10000x1xf32>,
    %get3A_112 = arith.constant 0 : index
    %get3A_113 = arith.constant 0 : index
    %get3A_114 = vector.load %arg11[%get3A_112, %get3A_113] : memref<128x128xf32, #tpu.memory_space<vmem>>, vector<128x128xf32>
    %dot_general3A_115 = arith.constant dense<0.000000e+00> : vector<10000x128xf32>
    %dot_general3A_116 = tpu.matmul %mul3A_85, %get3A_114, %dot_general3A_115 {dimension_numbers = #tpu.dot_dimension_numbers<[1], [0], [0], [1], [0, 0, 1, 1], [], []>, transpose_lhs_hint = false} : vector<10000x128xf32>, vector<128x128xf32>, vector<10000x128xf32> -> vector<10000x128xf32>
    %mul3A_117 = vector.broadcast %rsqrt3A_102 : vector<10000x1xf32> to vector<10000x128xf32>
    %mul3A_118 = arith.mulf %dot_general3A_116, %mul3A_117 : vector<10000x128xf32>
    %swap3A_119 = arith.constant 0 : index
    %swap3A_120 = arith.constant 0 : index
    %swap3A_121 = vector.load %arg16[%swap3A_119, %swap3A_120] : memref<10000x128xf32, #tpu.memory_space<vmem>>, vector<10000x128xf32>
    tpu.vector_store %arg16[%swap3A_119, %swap3A_120], %mul3A_118 {strides = array<i32>} : memref<10000x128xf32, #tpu.memory_space<vmem>>, vector<10000x128xf32>,
    %mul3A_122 = vector.broadcast %div3A_105 : vector<10000x1xf32> to vector<10000x128xf32>
    %mul3A_123 = arith.mulf %dot_general3A_116, %mul3A_122 : vector<10000x128xf32>
    %swap3A_124 = arith.constant 0 : index
    %swap3A_125 = arith.constant 0 : index
    %swap3A_126 = vector.load %arg17[%swap3A_124, %swap3A_125] : memref<10000x128xf32, #tpu.memory_space<vmem>>, vector<10000x128xf32>
    tpu.vector_store %arg17[%swap3A_124, %swap3A_125], %mul3A_123 {strides = array<i32>} : memref<10000x128xf32, #tpu.memory_space<vmem>>, vector<10000x128xf32>,
    return
  }
}

module attributes {stable_mosaic.version = 14 : i64} {
  func.func @_tc_mid_body(%arg0: memref<2x10112x128xf32, #tpu.memory_space<vmem>>, %arg1: memref<10000x128xf32, #tpu.memory_space<vmem>>, %arg2: memref<10000x1xf32, #tpu.memory_space<vmem>>, %arg3: memref<10000x1xf32, #tpu.memory_space<vmem>>, %arg4: memref<10000x128xf32, #tpu.memory_space<vmem>>, %arg5: memref<1x128xf32, #tpu.memory_space<vmem>>, %arg6: memref<1x128xf32, #tpu.memory_space<vmem>>, %arg7: memref<1x128xf32, #tpu.memory_space<vmem>>, %arg8: memref<128x4xf32, #tpu.memory_space<vmem>>, %arg9: memref<1x4xf32, #tpu.memory_space<vmem>>, %arg10: memref<4x1xf32, #tpu.memory_space<vmem>>, %arg11: memref<1x1xf32, #tpu.memory_space<vmem>>, %arg12: memref<128x128xf32, #tpu.memory_space<vmem>>, %arg13: memref<10000x128xf32, #tpu.memory_space<vmem>>, %arg14: memref<10000x128xf32, #tpu.memory_space<vmem>>, %arg15: memref<10000x128xf32, #tpu.memory_space<vmem>>) attributes {dimension_semantics = [], scalar_prefetch = 0 : i64, scratch_operands = 0 : i64, tpu.core_type = #tpu.core_type<tc>} {
    %get3A = arith.constant 0 : index
    %get3A_0 = arith.constant 0 : index
    %get3A_1 = vector.load %arg2[%get3A, %get3A_0] : memref<10000x1xf32, #tpu.memory_space<vmem>>, vector<10000x1xf32>
    %get3A_2 = arith.constant 0 : index
    %get3A_3 = arith.constant 0 : index
    %get3A_4 = arith.constant 0 : index
    %get3A_5 = vector.load %arg0[%get3A_2, %get3A_3, %get3A_4] : memref<2x10112x128xf32, #tpu.memory_space<vmem>>, vector<1x10000x128xf32>
    %get3A_6 = vector.shape_cast %get3A_5 : vector<1x10000x128xf32> to vector<10000x128xf32>
    %get3A_7 = arith.constant 1 : index
    %get3A_8 = arith.constant 0 : index
    %get3A_9 = arith.constant 0 : index
    %get3A_10 = vector.load %arg0[%get3A_7, %get3A_8, %get3A_9] : memref<2x10112x128xf32, #tpu.memory_space<vmem>>, vector<1x10000x128xf32>
    %get3A_11 = vector.shape_cast %get3A_10 : vector<1x10000x128xf32> to vector<10000x128xf32>
    %add3A = arith.addf %get3A_6, %get3A_11 : vector<10000x128xf32>
    %mul3A = vector.broadcast %get3A_1 : vector<10000x1xf32> to vector<10000x128xf32>
    %mul3A_12 = arith.mulf %add3A, %mul3A : vector<10000x128xf32>
    %get3A_13 = arith.constant 0 : index
    %get3A_14 = arith.constant 0 : index
    %get3A_15 = vector.load %arg1[%get3A_13, %get3A_14] : memref<10000x128xf32, #tpu.memory_space<vmem>>, vector<10000x128xf32>
    %add3A_16 = arith.addf %mul3A_12, %get3A_15 : vector<10000x128xf32>
    %get3A_17 = arith.constant 0 : index
    %get3A_18 = arith.constant 0 : index
    %get3A_19 = vector.load %arg5[%get3A_17, %get3A_18] : memref<1x128xf32, #tpu.memory_space<vmem>>, vector<1x128xf32>
    %add3A_20 = vector.broadcast %get3A_19 : vector<1x128xf32> to vector<10000x128xf32>
    %add3A_21 = arith.addf %add3A_16, %add3A_20 : vector<10000x128xf32>
    %get3A_22 = arith.constant 0 : index
    %get3A_23 = arith.constant 0 : index
    %get3A_24 = vector.load %arg6[%get3A_22, %get3A_23] : memref<1x128xf32, #tpu.memory_space<vmem>>, vector<1x128xf32>
    %get3A_25 = arith.constant 0 : index
    %get3A_26 = arith.constant 0 : index
    %get3A_27 = vector.load %arg7[%get3A_25, %get3A_26] : memref<1x128xf32, #tpu.memory_space<vmem>>, vector<1x128xf32>
    %reduce_sum3A = arith.constant dense<0.000000e+00> : vector<128xf32>
    %reduce_sum3A_28 = vector.multi_reduction <add>, %add3A_21, %reduce_sum3A [0] : vector<10000x128xf32> to vector<128xf32>
    %broadcast_in_dim3A = vector.shape_cast %reduce_sum3A_28 : vector<128xf32> to vector<1x128xf32>
    %div3A = arith.constant 1.000000e+04 : f32
    %div3A_29 = vector.broadcast %div3A : f32 to vector<1x128xf32>
    %div3A_30 = arith.divf %broadcast_in_dim3A, %div3A_29 : vector<1x128xf32>
    %sub3A = vector.broadcast %div3A_30 : vector<1x128xf32> to vector<10000x128xf32>
    %sub3A_31 = arith.subf %add3A_21, %sub3A : vector<10000x128xf32>
    %sub3A_32 = vector.broadcast %div3A_30 : vector<1x128xf32> to vector<10000x128xf32>
    %sub3A_33 = arith.subf %add3A_21, %sub3A_32 : vector<10000x128xf32>
    %mul3A_34 = arith.mulf %sub3A_31, %sub3A_33 : vector<10000x128xf32>
    %reduce_sum3A_35 = arith.constant dense<0.000000e+00> : vector<128xf32>
    %reduce_sum3A_36 = vector.multi_reduction <add>, %mul3A_34, %reduce_sum3A_35 [0] : vector<10000x128xf32> to vector<128xf32>
    %broadcast_in_dim3A_37 = vector.shape_cast %reduce_sum3A_36 : vector<128xf32> to vector<1x128xf32>
    %div3A_38 = arith.constant 1.000000e+04 : f32
    %div3A_39 = vector.broadcast %div3A_38 : f32 to vector<1x128xf32>
    %div3A_40 = arith.divf %broadcast_in_dim3A_37, %div3A_39 : vector<1x128xf32>
    %sub3A_41 = vector.broadcast %div3A_30 : vector<1x128xf32> to vector<10000x128xf32>
    %sub3A_42 = arith.subf %add3A_21, %sub3A_41 : vector<10000x128xf32>
    %add3A_43 = arith.constant 9.99999974E-6 : f32
    %add3A_44 = vector.broadcast %add3A_43 : f32 to vector<1x128xf32>
    %add3A_45 = arith.addf %div3A_40, %add3A_44 : vector<1x128xf32>
    %rsqrt3A = math.rsqrt %add3A_45 : vector<1x128xf32>
    %mul3A_46 = vector.broadcast %rsqrt3A : vector<1x128xf32> to vector<10000x128xf32>
    %mul3A_47 = arith.mulf %sub3A_42, %mul3A_46 : vector<10000x128xf32>
    %mul3A_48 = vector.broadcast %get3A_24 : vector<1x128xf32> to vector<10000x128xf32>
    %mul3A_49 = arith.mulf %mul3A_47, %mul3A_48 : vector<10000x128xf32>
    %add3A_50 = vector.broadcast %get3A_27 : vector<1x128xf32> to vector<10000x128xf32>
    %add3A_51 = arith.addf %mul3A_49, %add3A_50 : vector<10000x128xf32>
    %max3A = arith.constant 0.000000e+00 : f32
    %max3A_52 = vector.broadcast %max3A : f32 to vector<10000x128xf32>
    %max3A_53 = arith.maximumf %add3A_51, %max3A_52 : vector<10000x128xf32>
    %get3A_54 = arith.constant 0 : index
    %get3A_55 = arith.constant 0 : index
    %get3A_56 = vector.load %arg4[%get3A_54, %get3A_55] : memref<10000x128xf32, #tpu.memory_space<vmem>>, vector<10000x128xf32>
    %add3A_57 = arith.addf %max3A_53, %get3A_56 : vector<10000x128xf32>
    %get3A_58 = arith.constant 0 : index
    %get3A_59 = arith.constant 0 : index
    %get3A_60 = vector.load %arg8[%get3A_58, %get3A_59] : memref<128x4xf32, #tpu.memory_space<vmem>>, vector<128x4xf32>
    %get3A_61 = arith.constant 0 : index
    %get3A_62 = arith.constant 0 : index
    %get3A_63 = vector.load %arg9[%get3A_61, %get3A_62] : memref<1x4xf32, #tpu.memory_space<vmem>>, vector<1x4xf32>
    %get3A_64 = arith.constant 0 : index
    %get3A_65 = arith.constant 0 : index
    %get3A_66 = vector.load %arg10[%get3A_64, %get3A_65] : memref<4x1xf32, #tpu.memory_space<vmem>>, vector<4x1xf32>
    %get3A_67 = arith.constant 0 : index
    %get3A_68 = arith.constant 0 : index
    %get3A_69 = vector.load %arg11[%get3A_67, %get3A_68] : memref<1x1xf32, #tpu.memory_space<vmem>>, vector<1x1xf32>
    %dot_general3A = arith.constant dense<0.000000e+00> : vector<10000x4xf32>
    %dot_general3A_70 = tpu.matmul %add3A_57, %get3A_60, %dot_general3A {dimension_numbers = #tpu.dot_dimension_numbers<[1], [0], [0], [1], [0, 0, 1, 1], [], []>, transpose_lhs_hint = false} : vector<10000x128xf32>, vector<128x4xf32>, vector<10000x4xf32> -> vector<10000x4xf32>
    %add3A_71 = vector.broadcast %get3A_63 : vector<1x4xf32> to vector<10000x4xf32>
    %add3A_72 = arith.addf %dot_general3A_70, %add3A_71 : vector<10000x4xf32>
    %ge3A = arith.constant 0.000000e+00 : f32
    %ge3A_73 = vector.broadcast %ge3A : f32 to vector<10000x4xf32>
    %ge3A_74 = arith.cmpf oge, %add3A_72, %ge3A_73 : vector<10000x4xf32>
    %mul3A_75 = arith.constant 2.000000e-01 : f32
    %mul3A_76 = vector.broadcast %mul3A_75 : f32 to vector<10000x4xf32>
    %mul3A_77 = arith.mulf %mul3A_76, %add3A_72 : vector<10000x4xf32>
    %select_n3A = arith.select %ge3A_74, %add3A_72, %mul3A_77 : vector<10000x4xi1>, vector<10000x4xf32>
    %dot_general3A_78 = arith.constant dense<0.000000e+00> : vector<10000x1xf32>
    %dot_general3A_79 = tpu.matmul %select_n3A, %get3A_66, %dot_general3A_78 {dimension_numbers = #tpu.dot_dimension_numbers<[1], [0], [0], [1], [0, 0, 1, 1], [], []>, transpose_lhs_hint = false} : vector<10000x4xf32>, vector<4x1xf32>, vector<10000x1xf32> -> vector<10000x1xf32>
    %add3A_80 = vector.broadcast %get3A_69 : vector<1x1xf32> to vector<10000x1xf32>
    %add3A_81 = arith.addf %dot_general3A_79, %add3A_80 : vector<10000x1xf32>
    %neg3A = arith.constant 0.000000e+00 : f32
    %neg3A_82 = vector.broadcast %neg3A : f32 to vector<10000x1xf32>
    %neg3A_83 = arith.subf %neg3A_82, %add3A_81 : vector<10000x1xf32>
    %exp3A = math.exp %neg3A_83 : vector<10000x1xf32>
    %add3A_84 = arith.constant 1.000000e+00 : f32
    %add3A_85 = vector.broadcast %add3A_84 : f32 to vector<10000x1xf32>
    %add3A_86 = arith.addf %add3A_85, %exp3A : vector<10000x1xf32>
    %div3A_87 = arith.constant 1.000000e+00 : f32
    %div3A_88 = vector.broadcast %div3A_87 : f32 to vector<10000x1xf32>
    %div3A_89 = arith.divf %div3A_88, %add3A_86 : vector<10000x1xf32>
    %mul3A_90 = vector.broadcast %div3A_89 : vector<10000x1xf32> to vector<10000x128xf32>
    %mul3A_91 = arith.mulf %max3A_53, %mul3A_90 : vector<10000x128xf32>
    %add3A_92 = arith.addf %get3A_56, %mul3A_91 : vector<10000x128xf32>
    %swap3A = arith.constant 0 : index
    %swap3A_93 = arith.constant 0 : index
    %swap3A_94 = vector.load %arg13[%swap3A, %swap3A_93] : memref<10000x128xf32, #tpu.memory_space<vmem>>, vector<10000x128xf32>
    tpu.vector_store %arg13[%swap3A, %swap3A_93], %add3A_92 {strides = array<i32>} : memref<10000x128xf32, #tpu.memory_space<vmem>>, vector<10000x128xf32>,
    %get3A_95 = arith.constant 0 : index
    %get3A_96 = arith.constant 0 : index
    %get3A_97 = vector.load %arg12[%get3A_95, %get3A_96] : memref<128x128xf32, #tpu.memory_space<vmem>>, vector<128x128xf32>
    %dot_general3A_98 = arith.constant dense<0.000000e+00> : vector<10000x128xf32>
    %dot_general3A_99 = tpu.matmul %mul3A_91, %get3A_97, %dot_general3A_98 {dimension_numbers = #tpu.dot_dimension_numbers<[1], [0], [0], [1], [0, 0, 1, 1], [], []>, transpose_lhs_hint = false} : vector<10000x128xf32>, vector<128x128xf32>, vector<10000x128xf32> -> vector<10000x128xf32>
    %mul3A_100 = vector.broadcast %get3A_1 : vector<10000x1xf32> to vector<10000x128xf32>
    %mul3A_101 = arith.mulf %dot_general3A_99, %mul3A_100 : vector<10000x128xf32>
    %swap3A_102 = arith.constant 0 : index
    %swap3A_103 = arith.constant 0 : index
    %swap3A_104 = vector.load %arg14[%swap3A_102, %swap3A_103] : memref<10000x128xf32, #tpu.memory_space<vmem>>, vector<10000x128xf32>
    tpu.vector_store %arg14[%swap3A_102, %swap3A_103], %mul3A_101 {strides = array<i32>} : memref<10000x128xf32, #tpu.memory_space<vmem>>, vector<10000x128xf32>,
    %get3A_105 = arith.constant 0 : index
    %get3A_106 = arith.constant 0 : index
    %get3A_107 = vector.load %arg3[%get3A_105, %get3A_106] : memref<10000x1xf32, #tpu.memory_space<vmem>>, vector<10000x1xf32>
    %mul3A_108 = vector.broadcast %get3A_107 : vector<10000x1xf32> to vector<10000x128xf32>
    %mul3A_109 = arith.mulf %dot_general3A_99, %mul3A_108 : vector<10000x128xf32>
    %swap3A_110 = arith.constant 0 : index
    %swap3A_111 = arith.constant 0 : index
    %swap3A_112 = vector.load %arg15[%swap3A_110, %swap3A_111] : memref<10000x128xf32, #tpu.memory_space<vmem>>, vector<10000x128xf32>
    tpu.vector_store %arg15[%swap3A_110, %swap3A_111], %mul3A_109 {strides = array<i32>} : memref<10000x128xf32, #tpu.memory_space<vmem>>, vector<10000x128xf32>,
    return
  }
}

module attributes {stable_mosaic.version = 14 : i64} {
  func.func @_tc_final_body(%arg0: memref<2x10112x128xf32, #tpu.memory_space<vmem>>, %arg1: memref<10000x128xf32, #tpu.memory_space<vmem>>, %arg2: memref<10000x1xf32, #tpu.memory_space<vmem>>, %arg3: memref<10000x128xf32, #tpu.memory_space<vmem>>, %arg4: memref<1x128xf32, #tpu.memory_space<vmem>>, %arg5: memref<1x128xf32, #tpu.memory_space<vmem>>, %arg6: memref<1x128xf32, #tpu.memory_space<vmem>>, %arg7: memref<128x4xf32, #tpu.memory_space<vmem>>, %arg8: memref<1x4xf32, #tpu.memory_space<vmem>>, %arg9: memref<4x1xf32, #tpu.memory_space<vmem>>, %arg10: memref<1x1xf32, #tpu.memory_space<vmem>>, %arg11: memref<128x256xf32, #tpu.memory_space<vmem>>, %arg12: memref<1x256xf32, #tpu.memory_space<vmem>>, %arg13: memref<256x128xf32, #tpu.memory_space<vmem>>, %arg14: memref<1x128xf32, #tpu.memory_space<vmem>>, %arg15: memref<10000x128xf32, #tpu.memory_space<vmem>>) attributes {dimension_semantics = [], scalar_prefetch = 0 : i64, scratch_operands = 0 : i64, tpu.core_type = #tpu.core_type<tc>} {
    %get3A = arith.constant 0 : index
    %get3A_0 = arith.constant 0 : index
    %get3A_1 = arith.constant 0 : index
    %get3A_2 = vector.load %arg0[%get3A, %get3A_0, %get3A_1] : memref<2x10112x128xf32, #tpu.memory_space<vmem>>, vector<1x10000x128xf32>
    %get3A_3 = vector.shape_cast %get3A_2 : vector<1x10000x128xf32> to vector<10000x128xf32>
    %get3A_4 = arith.constant 1 : index
    %get3A_5 = arith.constant 0 : index
    %get3A_6 = arith.constant 0 : index
    %get3A_7 = vector.load %arg0[%get3A_4, %get3A_5, %get3A_6] : memref<2x10112x128xf32, #tpu.memory_space<vmem>>, vector<1x10000x128xf32>
    %get3A_8 = vector.shape_cast %get3A_7 : vector<1x10000x128xf32> to vector<10000x128xf32>
    %add3A = arith.addf %get3A_3, %get3A_8 : vector<10000x128xf32>
    %get3A_9 = arith.constant 0 : index
    %get3A_10 = arith.constant 0 : index
    %get3A_11 = vector.load %arg2[%get3A_9, %get3A_10] : memref<10000x1xf32, #tpu.memory_space<vmem>>, vector<10000x1xf32>
    %mul3A = vector.broadcast %get3A_11 : vector<10000x1xf32> to vector<10000x128xf32>
    %mul3A_12 = arith.mulf %add3A, %mul3A : vector<10000x128xf32>
    %get3A_13 = arith.constant 0 : index
    %get3A_14 = arith.constant 0 : index
    %get3A_15 = vector.load %arg1[%get3A_13, %get3A_14] : memref<10000x128xf32, #tpu.memory_space<vmem>>, vector<10000x128xf32>
    %add3A_16 = arith.addf %mul3A_12, %get3A_15 : vector<10000x128xf32>
    %get3A_17 = arith.constant 0 : index
    %get3A_18 = arith.constant 0 : index
    %get3A_19 = vector.load %arg4[%get3A_17, %get3A_18] : memref<1x128xf32, #tpu.memory_space<vmem>>, vector<1x128xf32>
    %add3A_20 = vector.broadcast %get3A_19 : vector<1x128xf32> to vector<10000x128xf32>
    %add3A_21 = arith.addf %add3A_16, %add3A_20 : vector<10000x128xf32>
    %get3A_22 = arith.constant 0 : index
    %get3A_23 = arith.constant 0 : index
    %get3A_24 = vector.load %arg5[%get3A_22, %get3A_23] : memref<1x128xf32, #tpu.memory_space<vmem>>, vector<1x128xf32>
    %get3A_25 = arith.constant 0 : index
    %get3A_26 = arith.constant 0 : index
    %get3A_27 = vector.load %arg6[%get3A_25, %get3A_26] : memref<1x128xf32, #tpu.memory_space<vmem>>, vector<1x128xf32>
    %reduce_sum3A = arith.constant dense<0.000000e+00> : vector<128xf32>
    %reduce_sum3A_28 = vector.multi_reduction <add>, %add3A_21, %reduce_sum3A [0] : vector<10000x128xf32> to vector<128xf32>
    %broadcast_in_dim3A = vector.shape_cast %reduce_sum3A_28 : vector<128xf32> to vector<1x128xf32>
    %div3A = arith.constant 1.000000e+04 : f32
    %div3A_29 = vector.broadcast %div3A : f32 to vector<1x128xf32>
    %div3A_30 = arith.divf %broadcast_in_dim3A, %div3A_29 : vector<1x128xf32>
    %sub3A = vector.broadcast %div3A_30 : vector<1x128xf32> to vector<10000x128xf32>
    %sub3A_31 = arith.subf %add3A_21, %sub3A : vector<10000x128xf32>
    %sub3A_32 = vector.broadcast %div3A_30 : vector<1x128xf32> to vector<10000x128xf32>
    %sub3A_33 = arith.subf %add3A_21, %sub3A_32 : vector<10000x128xf32>
    %mul3A_34 = arith.mulf %sub3A_31, %sub3A_33 : vector<10000x128xf32>
    %reduce_sum3A_35 = arith.constant dense<0.000000e+00> : vector<128xf32>
    %reduce_sum3A_36 = vector.multi_reduction <add>, %mul3A_34, %reduce_sum3A_35 [0] : vector<10000x128xf32> to vector<128xf32>
    %broadcast_in_dim3A_37 = vector.shape_cast %reduce_sum3A_36 : vector<128xf32> to vector<1x128xf32>
    %div3A_38 = arith.constant 1.000000e+04 : f32
    %div3A_39 = vector.broadcast %div3A_38 : f32 to vector<1x128xf32>
    %div3A_40 = arith.divf %broadcast_in_dim3A_37, %div3A_39 : vector<1x128xf32>
    %sub3A_41 = vector.broadcast %div3A_30 : vector<1x128xf32> to vector<10000x128xf32>
    %sub3A_42 = arith.subf %add3A_21, %sub3A_41 : vector<10000x128xf32>
    %add3A_43 = arith.constant 9.99999974E-6 : f32
    %add3A_44 = vector.broadcast %add3A_43 : f32 to vector<1x128xf32>
    %add3A_45 = arith.addf %div3A_40, %add3A_44 : vector<1x128xf32>
    %rsqrt3A = math.rsqrt %add3A_45 : vector<1x128xf32>
    %mul3A_46 = vector.broadcast %rsqrt3A : vector<1x128xf32> to vector<10000x128xf32>
    %mul3A_47 = arith.mulf %sub3A_42, %mul3A_46 : vector<10000x128xf32>
    %mul3A_48 = vector.broadcast %get3A_24 : vector<1x128xf32> to vector<10000x128xf32>
    %mul3A_49 = arith.mulf %mul3A_47, %mul3A_48 : vector<10000x128xf32>
    %add3A_50 = vector.broadcast %get3A_27 : vector<1x128xf32> to vector<10000x128xf32>
    %add3A_51 = arith.addf %mul3A_49, %add3A_50 : vector<10000x128xf32>
    %max3A = arith.constant 0.000000e+00 : f32
    %max3A_52 = vector.broadcast %max3A : f32 to vector<10000x128xf32>
    %max3A_53 = arith.maximumf %add3A_51, %max3A_52 : vector<10000x128xf32>
    %get3A_54 = arith.constant 0 : index
    %get3A_55 = arith.constant 0 : index
    %get3A_56 = vector.load %arg3[%get3A_54, %get3A_55] : memref<10000x128xf32, #tpu.memory_space<vmem>>, vector<10000x128xf32>
    %add3A_57 = arith.addf %max3A_53, %get3A_56 : vector<10000x128xf32>
    %get3A_58 = arith.constant 0 : index
    %get3A_59 = arith.constant 0 : index
    %get3A_60 = vector.load %arg7[%get3A_58, %get3A_59] : memref<128x4xf32, #tpu.memory_space<vmem>>, vector<128x4xf32>
    %get3A_61 = arith.constant 0 : index
    %get3A_62 = arith.constant 0 : index
    %get3A_63 = vector.load %arg8[%get3A_61, %get3A_62] : memref<1x4xf32, #tpu.memory_space<vmem>>, vector<1x4xf32>
    %get3A_64 = arith.constant 0 : index
    %get3A_65 = arith.constant 0 : index
    %get3A_66 = vector.load %arg9[%get3A_64, %get3A_65] : memref<4x1xf32, #tpu.memory_space<vmem>>, vector<4x1xf32>
    %get3A_67 = arith.constant 0 : index
    %get3A_68 = arith.constant 0 : index
    %get3A_69 = vector.load %arg10[%get3A_67, %get3A_68] : memref<1x1xf32, #tpu.memory_space<vmem>>, vector<1x1xf32>
    %dot_general3A = arith.constant dense<0.000000e+00> : vector<10000x4xf32>
    %dot_general3A_70 = tpu.matmul %add3A_57, %get3A_60, %dot_general3A {dimension_numbers = #tpu.dot_dimension_numbers<[1], [0], [0], [1], [0, 0, 1, 1], [], []>, transpose_lhs_hint = false} : vector<10000x128xf32>, vector<128x4xf32>, vector<10000x4xf32> -> vector<10000x4xf32>
    %add3A_71 = vector.broadcast %get3A_63 : vector<1x4xf32> to vector<10000x4xf32>
    %add3A_72 = arith.addf %dot_general3A_70, %add3A_71 : vector<10000x4xf32>
    %ge3A = arith.constant 0.000000e+00 : f32
    %ge3A_73 = vector.broadcast %ge3A : f32 to vector<10000x4xf32>
    %ge3A_74 = arith.cmpf oge, %add3A_72, %ge3A_73 : vector<10000x4xf32>
    %mul3A_75 = arith.constant 2.000000e-01 : f32
    %mul3A_76 = vector.broadcast %mul3A_75 : f32 to vector<10000x4xf32>
    %mul3A_77 = arith.mulf %mul3A_76, %add3A_72 : vector<10000x4xf32>
    %select_n3A = arith.select %ge3A_74, %add3A_72, %mul3A_77 : vector<10000x4xi1>, vector<10000x4xf32>
    %dot_general3A_78 = arith.constant dense<0.000000e+00> : vector<10000x1xf32>
    %dot_general3A_79 = tpu.matmul %select_n3A, %get3A_66, %dot_general3A_78 {dimension_numbers = #tpu.dot_dimension_numbers<[1], [0], [0], [1], [0, 0, 1, 1], [], []>, transpose_lhs_hint = false} : vector<10000x4xf32>, vector<4x1xf32>, vector<10000x1xf32> -> vector<10000x1xf32>
    %add3A_80 = vector.broadcast %get3A_69 : vector<1x1xf32> to vector<10000x1xf32>
    %add3A_81 = arith.addf %dot_general3A_79, %add3A_80 : vector<10000x1xf32>
    %neg3A = arith.constant 0.000000e+00 : f32
    %neg3A_82 = vector.broadcast %neg3A : f32 to vector<10000x1xf32>
    %neg3A_83 = arith.subf %neg3A_82, %add3A_81 : vector<10000x1xf32>
    %exp3A = math.exp %neg3A_83 : vector<10000x1xf32>
    %add3A_84 = arith.constant 1.000000e+00 : f32
    %add3A_85 = vector.broadcast %add3A_84 : f32 to vector<10000x1xf32>
    %add3A_86 = arith.addf %add3A_85, %exp3A : vector<10000x1xf32>
    %div3A_87 = arith.constant 1.000000e+00 : f32
    %div3A_88 = vector.broadcast %div3A_87 : f32 to vector<10000x1xf32>
    %div3A_89 = arith.divf %div3A_88, %add3A_86 : vector<10000x1xf32>
    %mul3A_90 = vector.broadcast %div3A_89 : vector<10000x1xf32> to vector<10000x128xf32>
    %mul3A_91 = arith.mulf %max3A_53, %mul3A_90 : vector<10000x128xf32>
    %add3A_92 = arith.addf %get3A_56, %mul3A_91 : vector<10000x128xf32>
    %get3A_93 = arith.constant 0 : index
    %get3A_94 = arith.constant 0 : index
    %get3A_95 = vector.load %arg11[%get3A_93, %get3A_94] : memref<128x256xf32, #tpu.memory_space<vmem>>, vector<128x256xf32>
    %dot_general3A_96 = arith.constant dense<0.000000e+00> : vector<10000x256xf32>
    %dot_general3A_97 = tpu.matmul %add3A_92, %get3A_95, %dot_general3A_96 {dimension_numbers = #tpu.dot_dimension_numbers<[1], [0], [0], [1], [0, 0, 1, 1], [], []>, transpose_lhs_hint = false} : vector<10000x128xf32>, vector<128x256xf32>, vector<10000x256xf32> -> vector<10000x256xf32>
    %get3A_98 = arith.constant 0 : index
    %get3A_99 = arith.constant 0 : index
    %get3A_100 = vector.load %arg12[%get3A_98, %get3A_99] : memref<1x256xf32, #tpu.memory_space<vmem>>, vector<1x256xf32>
    %add3A_101 = vector.broadcast %get3A_100 : vector<1x256xf32> to vector<10000x256xf32>
    %add3A_102 = arith.addf %dot_general3A_97, %add3A_101 : vector<10000x256xf32>
    %max3A_103 = arith.constant 0.000000e+00 : f32
    %max3A_104 = vector.broadcast %max3A_103 : f32 to vector<10000x256xf32>
    %max3A_105 = arith.maximumf %add3A_102, %max3A_104 : vector<10000x256xf32>
    %get3A_106 = arith.constant 0 : index
    %get3A_107 = arith.constant 0 : index
    %get3A_108 = vector.load %arg13[%get3A_106, %get3A_107] : memref<256x128xf32, #tpu.memory_space<vmem>>, vector<256x128xf32>
    %dot_general3A_109 = arith.constant dense<0.000000e+00> : vector<10000x128xf32>
    %dot_general3A_110 = tpu.matmul %max3A_105, %get3A_108, %dot_general3A_109 {dimension_numbers = #tpu.dot_dimension_numbers<[1], [0], [0], [1], [0, 0, 1, 1], [], []>, transpose_lhs_hint = false} : vector<10000x256xf32>, vector<256x128xf32>, vector<10000x128xf32> -> vector<10000x128xf32>
    %get3A_111 = arith.constant 0 : index
    %get3A_112 = arith.constant 0 : index
    %get3A_113 = vector.load %arg14[%get3A_111, %get3A_112] : memref<1x128xf32, #tpu.memory_space<vmem>>, vector<1x128xf32>
    %add3A_114 = vector.broadcast %get3A_113 : vector<1x128xf32> to vector<10000x128xf32>
    %add3A_115 = arith.addf %dot_general3A_110, %add3A_114 : vector<10000x128xf32>
    %swap3A = arith.constant 0 : index
    %swap3A_116 = arith.constant 0 : index
    %swap3A_117 = vector.load %arg15[%swap3A, %swap3A_116] : memref<10000x128xf32, #tpu.memory_space<vmem>>, vector<10000x128xf32>
    tpu.vector_store %arg15[%swap3A, %swap3A_116], %add3A_115 {strides = array<i32>} : memref<10000x128xf32, #tpu.memory_space<vmem>>, vector<10000x128xf32>,
    return
  }
}

</mosaic_0001>

<sc_bundles>
// kernel: kernel.12.cloned.1.call-start
scs
__scs_entry_jumppad:
0x0: {  	(pc) =	sbr.rel $0x88, $3  }
0x1: {  	(tag) =	ssettag $0x0;
	lr =	simm.s32 $0x1  }
0x2: {  	[smem:$0x3F8D] =	sst lr;
	_ =	strace $0xD0000000  }
0x3: {  	_ = 	snop  }
0x4: {  	_ = 	snop  }
0x5: {  	_ = 	snop  }
0x6: {  	_ = 	snop  }
0x7: {  	_ = 	snop  }
__scs_overlays_trampoline_lowered:
0x8: {  	[smem:$0x3F9C] =	sst s0  }
0x9: {  	[smem:$0x3F9D] =	sst s1  }
0xa: {  	[smem:$0x3F9E] =	sst s2  }
0xb: {  	[smem:$0x3F9F] =	sst s3  }
0xc: {  	[smem:$0x3FA0] =	sst s4  }
0xd: {  	[smem:$0x3FA1] =	sst s5  }
0xe: {  	[smem:$0x3FA2] =	sst s6  }
0xf: {  	[smem:$0x3FA3] =	sst s7  }
0x10: {  	[smem:$0x3FA4] =	sst s8  }
0x11: {  	[smem:$0x3FA5] =	sst s9;
	s0 =	simm.s32 @!p0 $0x0  }
0x12: {  	s1 =	sld [smem:$0x3F8B];
	s0 =	simm.s32 @p0 $0x1  }
0x13: {  	[smem:$0x3FA6] =	sst s0;
	s0 =	simm.s32 @!p1 $0x0  }
0x14: {  	s2 =	sld [smem:$0x3F8A];
	s0 =	simm.s32 @p1 $0x1  }
0x15: {  	[smem:$0x3FA7] =	sst s0;
	s0 =	simm.s32 @!p2 $0x0  }
0x16: {  	s3 =	sld [smem:$0x3FDB];
	s0 =	simm.s32 @p2 $0x1  }
0x17: {  	s4 =	simm.s32 $0x1BF5;
	[smem:$0x3FA9] =	sst s0  }
0x18: {  	s0 =	sld [smem:$0x3F8C];
	_ =	swait.ge [sflag:s4], $0x0  }
0x19: {  	s7 =	sld [smem:$0x3F8D]  }
0x1a: {  	s8 =	sadd.s32 $0xFFFFE003, lr  }
0x1b: {  	s9 =	sadd.s32 $0xFFFFFEF7, lr;
	s5 =	simm.s32 $0xFFFFFFFF;
	p2 =	slt.u32 s8, $0xFFFFF086  }
0x1c: {  	p1 =	slt.u32 s9, $0xF7A;
	s5 =	simm.s32 @!p2 $0x0  }
0x1d: {  	s5 =	simm.s32 @p1 $0x1;
	p0 =	seq.s32 s7, s2  }
0x1e: {  	s7 =	smul.u32 @!p0 $0xF7A, s2;
	p2 =	seq.s32 @!p0 s5, $0x0  }
0x1f: {  	s9 =	smul.u32 $0xF7A, s1;
	s8 =	simm.s32 @!p0 $0x1BF5;
	p2 =	por !p2, p0  }
0x20: {  	[sflag:s8] =	ssyncset.s32 @!p0 $0xFFFFF086;
	s6 =	sadd.s32 @!p0 s3, s7;
	s7 =	simm.s32 @!p0 $0x108  }
0x21: {  	s3 =	sadd.s32 s3, s9;
	s6 =	sadd.s32 @!p0 $0x88, s6;
	s7 =	simm.s32 @p2 $0x1082  }
0x22: {  	[simem:s7], [sflag:s8] =	dma.local @!p0 [hbm:s6], $0xF7A  }
0x23: {  	s9 =	sor.u32 $0xD0000000, s2;
	s6 =	simm.s32 $0x108;
	_ =	swait.ge @!p0 [sflag:s8], $0x0  }
0x24: {  	s3 =	sadd.s32 $0x88, s3;
	s6 =	simm.s32 @!p1 $0x1082;
	[sflag:s4] =	ssyncset.s32 $0xFFFFF086  }
0x25: {  	[simem:s6], [sflag:s4] =	dma.local [hbm:s3], $0xF7A  }
0x26: {  	[smem:$0x3F8D] =	sst s1;
	(tag) =	ssettag s2;
	_ =	strace s9  }
0x27: {  	s1 =	sld [smem:$0x3F9D]  }
0x28: {  	s2 =	sld [smem:$0x3F9E]  }
0x29: {  	s4 =	sld [smem:$0x3FA0]  }
0x2a: {  	p0 =	seq.s32 s5, $0x0;
	s5 =	sld [smem:$0x3FA1]  }
0x2b: {  	s6 =	sld [smem:$0x3FA2]  }
0x2c: {  	s7 =	sld [smem:$0x3FA3]  }
0x2d: {  	s3 =	simm.s32 $0x108;
	s8 =	sld [smem:$0x3FA4]  }
0x2e: {  	s3 =	simm.s32 @!p0 $0x1082;
	s9 =	sld [smem:$0x3FA5]  }
0x2f: {  	lr =	sadd.s32 s0, s3;
	s0 =	sld [smem:$0x3F9C]  }
0x30: {  	s3 =	sld [smem:$0x3F9F]  }
0x31: {  	[smem:$0x3FA8] =	sst s10  }
0x32: {  	s10 =	sld [smem:$0x3FA6];
	_ =	sdelay $0x3  }
0x33: {  	p0 =	seq.s32 s10, $0x1;
	s10 =	sld [smem:$0x3FA8];
	_ =	sdelay $0x3  }
0x34: {  	[smem:$0x3FA8] =	sst s10  }
0x35: {  	s10 =	sld [smem:$0x3FA7];
	_ =	sdelay $0x3  }
0x36: {  	p1 =	seq.s32 s10, $0x1;
	s10 =	sld [smem:$0x3FA8];
	_ =	sdelay $0x3  }
0x37: {  	[smem:$0x3FA8] =	sst s10  }
0x38: {  	s10 =	sld [smem:$0x3FA9]  }
0x39: {  	_ = 	snop;
	(pc) =	sbr.ind lr, $3  }
0x3a: {  	_ = 	snop  }
0x3b: {  	_ = 	snop  }
0x3c: {  	p2 =	seq.s32 s10, $0x1;
	s10 =	sld [smem:$0x3FA8]  }
0x3d: {  	_ =	shalt  }
0x3e: {  	_ =	shalt  }
0x3f: {  	_ =	shalt  }
0x40: {  	_ =	shalt  }
0x41: {  	_ =	shalt  }
0x42: {  	_ =	shalt  }
0x43: {  	_ =	shalt  }
0x44: {  	_ =	shalt  }
0x45: {  	_ =	shalt  }
0x46: {  	_ =	shalt  }
0x47: {  	_ =	shalt  }
0x48: {  	_ =	shalt  }
0x49: {  	_ =	shalt  }
0x4a: {  	_ =	shalt  }
0x4b: {  	_ =	shalt  }
0x4c: {  	_ =	shalt  }
0x4d: {  	_ =	shalt  }
0x4e: {  	_ =	shalt  }
0x4f: {  	_ =	shalt  }
0x50: {  	_ =	shalt  }
0x51: {  	_ =	shalt  }
0x52: {  	_ =	shalt  }
0x53: {  	_ =	shalt  }
0x54: {  	_ =	shalt  }
0x55: {  	_ =	shalt  }
0x56: {  	_ =	shalt  }
0x57: {  	_ =	shalt  }
0x58: {  	_ =	shalt  }
0x59: {  	_ =	shalt  }
0x5a: {  	_ =	shalt  }
0x5b: {  	_ =	shalt  }
0x5c: {  	_ =	shalt  }
0x5d: {  	_ =	shalt  }
0x5e: {  	_ =	shalt  }
0x5f: {  	_ =	shalt  }
0x60: {  	_ =	shalt  }
0x61: {  	_ =	shalt  }
0x62: {  	_ =	shalt  }
0x63: {  	_ =	shalt  }
0x64: {  	_ =	shalt  }
0x65: {  	_ =	shalt  }
0x66: {  	_ =	shalt  }
0x67: {  	_ =	shalt  }
0x68: {  	_ =	shalt  }
0x69: {  	_ =	shalt  }
0x6a: {  	_ =	shalt  }
0x6b: {  	_ =	shalt  }
0x6c: {  	_ =	shalt  }
0x6d: {  	_ =	shalt  }
0x6e: {  	_ =	shalt  }
0x6f: {  	_ =	shalt  }
0x70: {  	_ =	shalt  }
0x71: {  	_ =	shalt  }
0x72: {  	_ =	shalt  }
0x73: {  	_ =	shalt  }
0x74: {  	_ =	shalt  }
0x75: {  	_ =	shalt  }
0x76: {  	_ =	shalt  }
0x77: {  	_ =	shalt  }
0x78: {  	_ =	shalt  }
0x79: {  	_ =	shalt  }
0x7a: {  	_ =	shalt  }
0x7b: {  	_ =	shalt  }
0x7c: {  	_ =	shalt  }
0x7d: {  	_ =	shalt  }
0x7e: {  	_ =	shalt  }
0x7f: {  	_ =	shalt  }
0x80: {  	_ =	shalt  }
0x81: {  	_ =	shalt  }
0x82: {  	_ =	shalt  }
0x83: {  	_ =	shalt  }
0x84: {  	_ =	shalt  }
0x85: {  	_ =	shalt  }
0x86: {  	_ =	shalt  }
0x87: {  	_ =	shalt  }
.Lfunc_end0:
.L_simem_size_0:
called_computation_lowered:
.L_overlay_start_0:
0x88: {  	s2 =	sld [smem:$0x3FD9]  }
0x89: {  	s3 =	sld [smem:$0x3FFE];
	_ =	sdelay $0x1  }
0x8a: {  	s1 =	srdreg.scid  }
0x8b: {  	s0 =	sand.u32 $0x1, s1  }
0x8c: {  	s17 =	sshll.u32 s0, $0xA;
	s2 =	sadd.s32 s3, s2  }
0x8d: {  	s2 =	sadd.s32 s2, s17  }
0x8e: {  	[smem:$0x3FB4] =	sst s2  }
0x8f: {  	_ = 	snop  }
0x90: {  	s2 =	sld [smem:$0x3FD0];
	(tm) =	ssettm $0x1  }
0x91: {  	s18 =	sld [smem:$0x3FFB];
	_ =	sdelay $0x3  }
0x92: {  	_ =	strace s18  }
0x93: {  	s3 =	sld [smem:$0x3FFC];
	_ =	sdelay $0x3  }
0x94: {  	_ =	strace s3  }
0x95: {  	s3 =	sld [smem:$0x3FFD];
	_ =	sdelay $0x3  }
0x96: {  	_ =	strace s3  }
0x97: {  	_ =	strace $0x8FFFFFFF  }
0x98: {  	s19 =	sld [smem:$0x3FDB];
	_ =	sdelay $0x1  }
0x99: {  	s4 =	simm.s32 $_scs_section_size  }
0x9a: {  	s5 =	simm.s32 $_size__tile_overlayer_lowered;
	s6 =	simm.s32 $_tile_overlayer_lowered  }
0x9b: {  	s22 =	simm.s32 $0x1BFF;
	s21 =	sshll.u32 s6, $0x1;
	s3 =	sadd.s32 s4, s19  }
0x9c: {  	s7 =	simm.s32 $0x0;
	s20 =	sshll.u32 s5, $0x1;
	s5 =	sadd.s32 s21, s3  }
0x9d: {  	[timem:s7], [sflag:s22] =	dma.local [hbm:s5], s20  }
0x9e: {  	_ =	swait.ge [sflag:s22], s20  }
0x9f: {  	s4 =	ssub.s32 $0x0, s20;
	[sflag:s22] =	ssyncset.done $0x0  }
0xa0: {  	[sflag:s22] =	ssyncadd.s32 s4;
	_ =	sdelay $0x1  }
0xa1: {  	s23 =	simm.s32 $0x1B8B  }
0xa2: {  	_ =	swait.ge [sflag:s23], $0x1  }
0xa3: {  	[sflag:s23] =	ssyncset.done $0x0  }
0xa4: {  	s25 =	simm.s32 $0x1B8E;
	s24 =	sld [smem:$0x3FFE];
	[sflag:s23] =	ssyncadd.s32 $0xFFFFFFFF  }
0xa5: {  	s26 =	simm.s32 $execute0_lowered;
	[smem:$0x3FD2] =	sst s25  }
0xa6: {  	s5 =	sshll.u32 s26, $0x1;
	_ =	strace $0x80000046;
	[dreg:$0x1] =	wrdreg $0xFFFFFFFF  }
0xa7: {  	s28 =	simm.s32 $_size_execute0_lowered;
	s3 =	sadd.s32 s3, s5;
	[dreg:$0x0] =	wrdreg $0x0  }
0xa8: {  	s5 =	sshll.u32 s28, $0x1;
	[dreg:$0x2] =	wrdreg s3  }
0xa9: {  	[dreg:$0x3] =	wrdreg s5  }
0xaa: {  	[dreg:$0x4] =	wrdreg $0xC0  }
0xab: {  	_ =	task [dreg:s7], $0x5FFFF  }
0xac: {  	[dreg:$0x1] =	wrdreg $0xFFFFFFFF  }
0xad: {  	[dreg:$0x0] =	wrdreg $0x60  }
0xae: {  	[dreg:$0x2] =	wrdreg s24  }
0xaf: {  	[dreg:$0x3] =	wrdreg s2  }
0xb0: {  	[dreg:$0x4] =	wrdreg $0x0  }
0xb1: {  	[dreg:$0x5] =	wrdreg $0x9  }
0xb2: {  	_ =	task.clear_ibuf [dreg:s7], $0x6FFFF;
	_ =	strace $0x90000046  }
0xb3: {  	s29 =	simm.s32 $0x9;
	_ =	strace $0x80000048  }
0xb4: {  	_ =	swait.ge [sflag:s29], $0x1  }
0xb5: {  	[sflag:s29] =	ssyncadd.s32 $0xFFFFFFFF  }
0xb6: {  	_ =	strace $0x90000048  }
0xb7: {  	_ =	sfence  }
0xb8: {  	s30 =	sld [smem:$0x0];
	_ =	sdelay $0x2  }
0xb9: {  	s31 =	sshll.u32 s1, $0xD;
	s1 =	sshrl.u32 s1, $0x2  }
0xba: {  	s3 =	sand.u32 $0x4000, s31;
	s1 =	sadd.s32 s1, s30  }
0xbb: {  	s0 =	sor.u32 s3, s0;
	s1 =	sshll.u32 s1, $0x11  }
0xbc: {  	s0 =	sor.u32 s1, s0  }
0xbd: {  	s0 =	sadd.s32 $0x8F2B, s0  }
0xbe: {  	[sflag:s0] =	ssyncadd.remote.s32 $0x1  }
0xbf: {  	_ =	sfence.sel $0xFFFF  }
0xc0: {  	[dreg:$0x0] =	wrdreg $0xFFFFFFFF;
	(pc) =	sbr.abs _section_cstart, $3  }
0xc1: {  	[dreg:$0x1] =	wrdreg $0xFFFFFFFF  }
0xc2: {  	_ =	task.clear_ibuf [dreg:s7], $0x2FFFF;
	_ =	strace $0x9FFFFFFF  }
0xc3: {  	(tm) =	ssettm $0x7FFFFFFF  }
tec
execute0_lowered:
.L_overlay_start_1:
0x0: {  	(tag) =	ssettag $0x1  }
0x1: {  	s6 =	rddreg [dreg:$0x0]  }
0x2: {  	s2 =	rddreg [dreg:$0x1]  }
0x3: {  	s0 =	srdreg.scid;
	s3 =	rddreg [dreg:$0x2]  }
0x4: {  	s4 =	simm.s32 $0x0;
	s5 =	sand.u32 $0x1, s0;
	s0 =	stileid.u32  }
0x5: {  	s14 =	simm.s32 $0x2;
	s15 =	simm.s32 $0x80;
	s8 =	smul.u32 $0x13C00, s0  }
0x6: {  	s16 =	simm.s32 $0x0;
	[smem:$0x7FF] =	sst s4;
	s9 =	smul.u32 $0x13C000, s5  }
0x7: {  	s1 =	sshll.u32 s5, $0x4;
	s30 =	smul.u32 $0x4F000, s0;
	s5 =	ssub.s32 $0x2, s5  }
0x8: {  	s12 =	sshll.u32 s0, $0x6;
	s1 =	sor.u32 s0, s1;
	s31 =	sshrl.u32 s5, $0x1  }
0x9: {  	s12 =	sor.u32 $0x1C02, s12;
	s7 =	smul.u32 $0x500, s1;
	s1 =	rddreg [dreg:$0x3]  }
0xa: {  	_ =	strace $0x80000047;
	s10 =	sshrl.u32 s8, $0x3;
	s8 =	sadd.s32 s8, s9  }
0xb: {  	s9 =	sshrl.u32 s30, $0x2;
	s11 =	ssub.s32 s5, s31;
	s10 =	sadd.s32 s10, s6  }
0xc: {  	s8 =	sshrl.u32 s8, $0x3;
	s13 =	sadd.s32 s9, s3;
	s9 =	simm.s32 $0x2780  }
0xd: {  	s7 =	sadd.s32 s7, s6;
	s8 =	sadd.s32 s8, s6;
	s6 =	sadd.s32 $0x18400, s10  }
0xe: {  	s10 =	simm.s32 $0x1;
	s13 =	sshrl.u32 s13, $0x3;
	s5 =	sadd.s32 $0x4400, s7  }
0xf: {  	s7 =	sadd.s32 $0x3FC00, s8;
	s8 =	smax.u32 s11, $0x1;
	s11 =	simm.s32 $0x4F80  }
.LBB2_1:
0x10: {  	[tilespmem:s9], [sflag:$0x1] =	stream.linear.gather [hbm4b:s5+s4], $0x2800, $0x38;
	[tilespmem:$0x8F80] =	vst v63  }
0x11: {  	_ =	swait.ge [sflag:s10], $0x2800  }
0x12: {  	[sflag:s10] =	ssyncset.done $0x0  }
0x13: {  	[sflag:s10] =	ssyncadd.s32 $0xFFFFD800  }
0x14: {  	[tilespmem:s11], [sflag:$0x1] =	stream.linear.gather [hbm4b:s2+s4], $0x4000, $0x38;
	[tilespmem:$0x8F80] =	vst v63  }
0x15: {  	_ =	swait.ge [sflag:s10], $0x4000  }
0x16: {  	[sflag:s10] =	ssyncset.done $0x0  }
0x17: {  	[sflag:s10] =	ssyncadd.s32 $0xFFFFC000  }
0x18: {  	[spmem:s13], [sflag:s12] =	dma.local [hbm:s6], $0x2780  }
0x19: {  	_ =	swait.ge [sflag:s14], $0x2780  }
0x1a: {  	[sflag:s14] =	ssyncset.done $0x0  }
0x1b: {  	[sflag:s14] =	ssyncadd.s32 $0xFFFFD880  }
0x1c: {  	s17 =	simm.s32 $0x2780;
	[bflag:$0x0] =	sbarrier.arrive $0xFFFF  }
0x1d: {  	[spmem:s3] =	stream.indirect.scatter.add.f32 [tilespmem:s11], [sflag:$0x2], $0x10, s17, s15, $0xb8;
	[tilespmem:$0x8F80] =	vst v63  }
0x1e: {  	s17 =	simm.s32 $0x200;
	_ =	swait.ge [sflag:s14], $0x800  }
.LBB2_2:
0x1f: {  	s18 =	sshra.s32 s17, $0x2;
	[sflag:s14] =	ssyncset.done $0x0;
	p0 =	sne.s32 s17, $0x9E00  }
.Ltmp0:
0x20: {  	s18 =	sadd.s32 $0x2780, s18;
	[sflag:s14] =	ssyncadd.s32 $0xFFFFF800;
	(pc) =	sbr.rel @p0 .LBB2_2-.Ltmp0, $3  }
0x21: {  	[spmem:s3] =	stream.indirect.scatter.add.f32 [tilespmem:s11], [sflag:$0x2], $0x10, s18, s15, $0xb8;
	[tilespmem:$0x8F80] =	vst v63  }
0x22: {  	s17 =	sadd.s32 $0x200, s17;
	_ =	sdelay $0x1  }
0x23: {  	_ =	swait.ge [sflag:s14], $0x800  }
0x24: {  	[sflag:s14] =	ssyncset.done $0x0;
	s16 =	sadd.s32 $0x1, s16  }
0x25: {  	[sflag:s14] =	ssyncadd.s32 $0xFFFFF800;
	p0 =	sne.s32 s16, s8  }
.Ltmp1:
0x26: {  	[bflag:$0x0] =	sbarrier.arrive $0xFFFF;
	(pc) =	sbr.rel @p0 .LBB2_1-.Ltmp1, $4  }
0x27: {  	[hbm:s7], [sflag:s12] =	dma.local [spmem:s13], $0x2780  }
0x28: {  	_ =	swait.ge [sflag:s14], $0x2780  }
0x29: {  	[sflag:s14] =	ssyncset.done $0x0  }
0x2a: {  	[sflag:s14] =	ssyncadd.s32 $0xFFFFD880  }
0x2b: {  	_ =	sfence.sel $0x180000  }
0x2c: {  	[bflag:$0x0] =	sbarrier.arrive $0xFFFF  }
0x2d: {  	p0 =	sne.s32 s0, $0x0;
	_ =	strace $0x90000047  }
0x2e: {  	s0 =	sadd.s32 @!p0 $0x100000, s1;
	[bflag:$0x2] =	sbarrier.arrive $0xFFFF  }
0x2f: {  	[sflag:s0] =	ssyncadd.tile.s32 @!p0 $0x1;
	_ =	shalt  }
.Lfunc_end2:
_tile_overlayer_lowered:
.L_overlay_start_2:
0x30: {  	(tag) =	ssettag $0x2  }
0x31: {  	s0 =	rddreg [dreg:$0x0];
	s2 =	stileid.u32  }
0x32: {  	s1 =	rddreg [dreg:$0x1];
	p0 =	sne.s32 s2, $0x0  }
0x33: {  	s3 =	rddreg [dreg:$0x2];
	[bflag:$0x3] =	sbarrier.arrive $0xFFFF;
	s2 =	simm.s32 @!p0 $0x1C02  }
0x34: {  	[timem:s3], [sflag:s2] =	dma.local @!p0 [hbm:s0], s1  }
0x35: {  	s0 =	simm.s32 @!p0 $0x2  }
0x36: {  	_ =	swait.ge @!p0 [sflag:s0], s1  }
0x37: {  	s1 =	ssub.s32 @!p0 $0x0, s1;
	[sflag:s0] =	ssyncset.done @!p0 $0x0  }
0x38: {  	[sflag:s0] =	ssyncadd.s32 @!p0 s1  }
0x39: {  	[bflag:$0x3] =	sbarrier.arrive $0xFFFF  }
0x3a: {  	_ =	shalt  }

// kernel: kernel.15.cloned.1.call-start
scs
__scs_entry_jumppad:
0x0: {  	(pc) =	sbr.rel $0x88, $3  }
0x1: {  	(tag) =	ssettag $0x0;
	lr =	simm.s32 $0x1  }
0x2: {  	[smem:$0x3F8D] =	sst lr;
	_ =	strace $0xD0000000  }
0x3: {  	_ = 	snop  }
0x4: {  	_ = 	snop  }
0x5: {  	_ = 	snop  }
0x6: {  	_ = 	snop  }
0x7: {  	_ = 	snop  }
__scs_overlays_trampoline_lowered:
0x8: {  	[smem:$0x3F9C] =	sst s0  }
0x9: {  	[smem:$0x3F9D] =	sst s1  }
0xa: {  	[smem:$0x3F9E] =	sst s2  }
0xb: {  	[smem:$0x3F9F] =	sst s3  }
0xc: {  	[smem:$0x3FA0] =	sst s4  }
0xd: {  	[smem:$0x3FA1] =	sst s5  }
0xe: {  	[smem:$0x3FA2] =	sst s6  }
0xf: {  	[smem:$0x3FA3] =	sst s7  }
0x10: {  	[smem:$0x3FA4] =	sst s8  }
0x11: {  	[smem:$0x3FA5] =	sst s9;
	s0 =	simm.s32 @!p0 $0x0  }
0x12: {  	s1 =	sld [smem:$0x3F8B];
	s0 =	simm.s32 @p0 $0x1  }
0x13: {  	[smem:$0x3FA6] =	sst s0;
	s0 =	simm.s32 @!p1 $0x0  }
0x14: {  	s2 =	sld [smem:$0x3F8A];
	s0 =	simm.s32 @p1 $0x1  }
0x15: {  	[smem:$0x3FA7] =	sst s0;
	s0 =	simm.s32 @!p2 $0x0  }
0x16: {  	s3 =	sld [smem:$0x3FDB];
	s0 =	simm.s32 @p2 $0x1  }
0x17: {  	s4 =	simm.s32 $0x1BF5;
	[smem:$0x3FA9] =	sst s0  }
0x18: {  	s0 =	sld [smem:$0x3F8C];
	_ =	swait.ge [sflag:s4], $0x0  }
0x19: {  	s7 =	sld [smem:$0x3F8D]  }
0x1a: {  	s8 =	sadd.s32 $0xFFFFE003, lr  }
0x1b: {  	s9 =	sadd.s32 $0xFFFFFEF7, lr;
	s5 =	simm.s32 $0xFFFFFFFF;
	p2 =	slt.u32 s8, $0xFFFFF086  }
0x1c: {  	p1 =	slt.u32 s9, $0xF7A;
	s5 =	simm.s32 @!p2 $0x0  }
0x1d: {  	s5 =	simm.s32 @p1 $0x1;
	p0 =	seq.s32 s7, s2  }
0x1e: {  	s7 =	smul.u32 @!p0 $0xF7A, s2;
	p2 =	seq.s32 @!p0 s5, $0x0  }
0x1f: {  	s9 =	smul.u32 $0xF7A, s1;
	s8 =	simm.s32 @!p0 $0x1BF5;
	p2 =	por !p2, p0  }
0x20: {  	[sflag:s8] =	ssyncset.s32 @!p0 $0xFFFFF086;
	s6 =	sadd.s32 @!p0 s3, s7;
	s7 =	simm.s32 @!p0 $0x108  }
0x21: {  	s3 =	sadd.s32 s3, s9;
	s6 =	sadd.s32 @!p0 $0x88, s6;
	s7 =	simm.s32 @p2 $0x1082  }
0x22: {  	[simem:s7], [sflag:s8] =	dma.local @!p0 [hbm:s6], $0xF7A  }
0x23: {  	s9 =	sor.u32 $0xD0000000, s2;
	s6 =	simm.s32 $0x108;
	_ =	swait.ge @!p0 [sflag:s8], $0x0  }
0x24: {  	s3 =	sadd.s32 $0x88, s3;
	s6 =	simm.s32 @!p1 $0x1082;
	[sflag:s4] =	ssyncset.s32 $0xFFFFF086  }
0x25: {  	[simem:s6], [sflag:s4] =	dma.local [hbm:s3], $0xF7A  }
0x26: {  	[smem:$0x3F8D] =	sst s1;
	(tag) =	ssettag s2;
	_ =	strace s9  }
0x27: {  	s1 =	sld [smem:$0x3F9D]  }
0x28: {  	s2 =	sld [smem:$0x3F9E]  }
0x29: {  	s4 =	sld [smem:$0x3FA0]  }
0x2a: {  	p0 =	seq.s32 s5, $0x0;
	s5 =	sld [smem:$0x3FA1]  }
0x2b: {  	s6 =	sld [smem:$0x3FA2]  }
0x2c: {  	s7 =	sld [smem:$0x3FA3]  }
0x2d: {  	s3 =	simm.s32 $0x108;
	s8 =	sld [smem:$0x3FA4]  }
0x2e: {  	s3 =	simm.s32 @!p0 $0x1082;
	s9 =	sld [smem:$0x3FA5]  }
0x2f: {  	lr =	sadd.s32 s0, s3;
	s0 =	sld [smem:$0x3F9C]  }
0x30: {  	s3 =	sld [smem:$0x3F9F]  }
0x31: {  	[smem:$0x3FA8] =	sst s10  }
0x32: {  	s10 =	sld [smem:$0x3FA6];
	_ =	sdelay $0x3  }
0x33: {  	p0 =	seq.s32 s10, $0x1;
	s10 =	sld [smem:$0x3FA8];
	_ =	sdelay $0x3  }
0x34: {  	[smem:$0x3FA8] =	sst s10  }
0x35: {  	s10 =	sld [smem:$0x3FA7];
	_ =	sdelay $0x3  }
0x36: {  	p1 =	seq.s32 s10, $0x1;
	s10 =	sld [smem:$0x3FA8];
	_ =	sdelay $0x3  }
0x37: {  	[smem:$0x3FA8] =	sst s10  }
0x38: {  	s10 =	sld [smem:$0x3FA9]  }
0x39: {  	_ = 	snop;
	(pc) =	sbr.ind lr, $3  }
0x3a: {  	_ = 	snop  }
0x3b: {  	_ = 	snop  }
0x3c: {  	p2 =	seq.s32 s10, $0x1;
	s10 =	sld [smem:$0x3FA8]  }
0x3d: {  	_ =	shalt  }
0x3e: {  	_ =	shalt  }
0x3f: {  	_ =	shalt  }
0x40: {  	_ =	shalt  }
0x41: {  	_ =	shalt  }
0x42: {  	_ =	shalt  }
0x43: {  	_ =	shalt  }
0x44: {  	_ =	shalt  }
0x45: {  	_ =	shalt  }
0x46: {  	_ =	shalt  }
0x47: {  	_ =	shalt  }
0x48: {  	_ =	shalt  }
0x49: {  	_ =	shalt  }
0x4a: {  	_ =	shalt  }
0x4b: {  	_ =	shalt  }
0x4c: {  	_ =	shalt  }
0x4d: {  	_ =	shalt  }
0x4e: {  	_ =	shalt  }
0x4f: {  	_ =	shalt  }
0x50: {  	_ =	shalt  }
0x51: {  	_ =	shalt  }
0x52: {  	_ =	shalt  }
0x53: {  	_ =	shalt  }
0x54: {  	_ =	shalt  }
0x55: {  	_ =	shalt  }
0x56: {  	_ =	shalt  }
0x57: {  	_ =	shalt  }
0x58: {  	_ =	shalt  }
0x59: {  	_ =	shalt  }
0x5a: {  	_ =	shalt  }
0x5b: {  	_ =	shalt  }
0x5c: {  	_ =	shalt  }
0x5d: {  	_ =	shalt  }
0x5e: {  	_ =	shalt  }
0x5f: {  	_ =	shalt  }
0x60: {  	_ =	shalt  }
0x61: {  	_ =	shalt  }
0x62: {  	_ =	shalt  }
0x63: {  	_ =	shalt  }
0x64: {  	_ =	shalt  }
0x65: {  	_ =	shalt  }
0x66: {  	_ =	shalt  }
0x67: {  	_ =	shalt  }
0x68: {  	_ =	shalt  }
0x69: {  	_ =	shalt  }
0x6a: {  	_ =	shalt  }
0x6b: {  	_ =	shalt  }
0x6c: {  	_ =	shalt  }
0x6d: {  	_ =	shalt  }
0x6e: {  	_ =	shalt  }
0x6f: {  	_ =	shalt  }
0x70: {  	_ =	shalt  }
0x71: {  	_ =	shalt  }
0x72: {  	_ =	shalt  }
0x73: {  	_ =	shalt  }
0x74: {  	_ =	shalt  }
0x75: {  	_ =	shalt  }
0x76: {  	_ =	shalt  }
0x77: {  	_ =	shalt  }
0x78: {  	_ =	shalt  }
0x79: {  	_ =	shalt  }
0x7a: {  	_ =	shalt  }
0x7b: {  	_ =	shalt  }
0x7c: {  	_ =	shalt  }
0x7d: {  	_ =	shalt  }
0x7e: {  	_ =	shalt  }
0x7f: {  	_ =	shalt  }
0x80: {  	_ =	shalt  }
0x81: {  	_ =	shalt  }
0x82: {  	_ =	shalt  }
0x83: {  	_ =	shalt  }
0x84: {  	_ =	shalt  }
0x85: {  	_ =	shalt  }
0x86: {  	_ =	shalt  }
0x87: {  	_ =	shalt  }
.Lfunc_end0:
.L_simem_size_0:
called_computation.1_lowered:
.L_overlay_start_0:
0x88: {  	s2 =	sld [smem:$0x3FD9]  }
0x89: {  	s3 =	sld [smem:$0x3FFE];
	_ =	sdelay $0x1  }
0x8a: {  	s1 =	srdreg.scid  }
0x8b: {  	s0 =	sand.u32 $0x1, s1  }
0x8c: {  	s16 =	sshll.u32 s0, $0xA;
	s2 =	sadd.s32 s3, s2  }
0x8d: {  	s2 =	sadd.s32 s2, s16  }
0x8e: {  	[smem:$0x3FB4] =	sst s2  }
0x8f: {  	_ = 	snop  }
0x90: {  	(tm) =	ssettm $0x1  }
0x91: {  	s17 =	sld [smem:$0x3FFB];
	_ =	sdelay $0x3  }
0x92: {  	_ =	strace s17  }
0x93: {  	s2 =	sld [smem:$0x3FFC];
	_ =	sdelay $0x3  }
0x94: {  	_ =	strace s2  }
0x95: {  	s2 =	sld [smem:$0x3FFD];
	_ =	sdelay $0x3  }
0x96: {  	_ =	strace s2  }
0x97: {  	_ =	strace $0x8FFFFFFF  }
0x98: {  	s18 =	sld [smem:$0x3FDB];
	_ =	sdelay $0x1  }
0x99: {  	s19 =	simm.s32 $_scs_section_size  }
0x9a: {  	s4 =	simm.s32 $_size__tile_overlayer_lowered;
	s5 =	simm.s32 $_tile_overlayer_lowered  }
0x9b: {  	s22 =	simm.s32 $0x1BFF;
	s21 =	sshll.u32 s5, $0x1;
	s2 =	sadd.s32 s19, s18  }
0x9c: {  	s6 =	simm.s32 $0x0;
	s20 =	sshll.u32 s4, $0x1;
	s4 =	sadd.s32 s21, s2  }
0x9d: {  	[timem:s6], [sflag:s22] =	dma.local [hbm:s4], s20  }
0x9e: {  	_ =	swait.ge [sflag:s22], s20  }
0x9f: {  	s3 =	ssub.s32 $0x0, s20;
	[sflag:s22] =	ssyncset.done $0x0  }
0xa0: {  	[sflag:s22] =	ssyncadd.s32 s3;
	_ =	sdelay $0x1  }
0xa1: {  	s23 =	simm.s32 $0x1B8B  }
0xa2: {  	_ =	swait.ge [sflag:s23], $0x1  }
0xa3: {  	[sflag:s23] =	ssyncset.done $0x0  }
0xa4: {  	s25 =	simm.s32 $0x1B8E;
	s24 =	sld [smem:$0x3FFE];
	[sflag:s23] =	ssyncadd.s32 $0xFFFFFFFF  }
0xa5: {  	s26 =	simm.s32 $execute0_lowered;
	[smem:$0x3FD2] =	sst s25  }
0xa6: {  	s4 =	sshll.u32 s26, $0x1;
	_ =	strace $0x80000049;
	[dreg:$0x1] =	wrdreg $0xFFFFFFFF  }
0xa7: {  	s28 =	simm.s32 $_size_execute0_lowered;
	s2 =	sadd.s32 s2, s4;
	[dreg:$0x0] =	wrdreg $0x0  }
0xa8: {  	s4 =	sshll.u32 s28, $0x1;
	[dreg:$0x2] =	wrdreg s2  }
0xa9: {  	[dreg:$0x3] =	wrdreg s4  }
0xaa: {  	[dreg:$0x4] =	wrdreg $0xC0  }
0xab: {  	_ =	task [dreg:s6], $0x5FFFF  }
0xac: {  	[dreg:$0x1] =	wrdreg $0xFFFFFFFF  }
0xad: {  	[dreg:$0x0] =	wrdreg $0x60  }
0xae: {  	[dreg:$0x2] =	wrdreg s24  }
0xaf: {  	[dreg:$0x3] =	wrdreg $0x0  }
0xb0: {  	[dreg:$0x4] =	wrdreg $0x9  }
0xb1: {  	_ =	task.clear_ibuf [dreg:s6], $0x5FFFF;
	_ =	strace $0x90000049  }
0xb2: {  	s29 =	simm.s32 $0x9;
	_ =	strace $0x8000004B  }
0xb3: {  	_ =	swait.ge [sflag:s29], $0x1  }
0xb4: {  	[sflag:s29] =	ssyncadd.s32 $0xFFFFFFFF  }
0xb5: {  	_ =	strace $0x9000004B  }
0xb6: {  	_ =	sfence  }
0xb7: {  	s30 =	sld [smem:$0x0];
	_ =	sdelay $0x2  }
0xb8: {  	s31 =	sshll.u32 s1, $0xD;
	s1 =	sshrl.u32 s1, $0x2  }
0xb9: {  	s3 =	sand.u32 $0x4000, s31;
	s1 =	sadd.s32 s1, s30  }
0xba: {  	s0 =	sor.u32 s3, s0;
	s1 =	sshll.u32 s1, $0x11  }
0xbb: {  	s0 =	sor.u32 s1, s0  }
0xbc: {  	s0 =	sadd.s32 $0x8F2B, s0  }
0xbd: {  	[sflag:s0] =	ssyncadd.remote.s32 $0x1  }
0xbe: {  	_ =	sfence.sel $0xFFFF  }
0xbf: {  	[dreg:$0x0] =	wrdreg $0xFFFFFFFF;
	(pc) =	sbr.abs _section_cstart, $3  }
0xc0: {  	[dreg:$0x1] =	wrdreg $0xFFFFFFFF  }
0xc1: {  	_ =	task.clear_ibuf [dreg:s6], $0x2FFFF;
	_ =	strace $0x9FFFFFFF  }
0xc2: {  	(tm) =	ssettm $0x7FFFFFFF  }
0xc3: {  	_ =	shalt  }
tec
execute0_lowered:
.L_overlay_start_1:
0x0: {  	(tag) =	ssettag $0x1  }
0x1: {  	s5 =	rddreg [dreg:$0x0]  }
0x2: {  	s2 =	rddreg [dreg:$0x1]  }
0x3: {  	s0 =	rddreg [dreg:$0x2];
	s3 =	simm.s32 $0x0;
	s1 =	stileid.u32  }
0x4: {  	s4 =	srdreg.scid;
	s16 =	simm.s32 $0x1;
	s17 =	simm.s32 $0x15000  }
0x5: {  	s18 =	simm.s32 $0x2;
	s19 =	simm.s32 $0x80;
	s20 =	simm.s32 $0x16400  }
0x6: {  	s21 =	simm.s32 $0x13C80;
	s22 =	simm.s32 $0x1A400;
	[smem:$0x7FF] =	sst s3  }
0x7: {  	s6 =	smul.u32 $0x13C00, s1;
	s7 =	sand.u32 $0x1, s4;
	s4 =	sadd.s32 $0x18400, s5  }
0x8: {  	s9 =	sadd.s32 $0xE400, s5;
	s11 =	sadd.s32 $0x4400, s5;
	s12 =	smul.u32 $0x4F000, s1  }
0x9: {  	s30 =	sshll.u32 s1, $0x6;
	_ =	strace $0x8000004A;
	s8 =	smul.u32 $0x13C000, s7  }
0xa: {  	s23 =	sshll.u32 s7, $0x4;
	s24 =	ssub.s32 $0x2, s7;
	s10 =	sshrl.u32 s6, $0x3  }
0xb: {  	s25 =	sor.u32 s1, s23;
	s7 =	sshrl.u32 s24, $0x1;
	s26 =	sshrl.u32 s12, $0x2  }
0xc: {  	s23 =	simm.s32 $0x16300;
	s10 =	sadd.s32 s10, s5;
	s6 =	sadd.s32 s6, s8  }
0xd: {  	s28 =	smul.u32 $0x2800, s25;
	s14 =	ssub.s32 s24, s7;
	s15 =	sadd.s32 s26, s2  }
0xe: {  	s29 =	smul.u32 $0x500, s25;
	s24 =	simm.s32 $0x16380;
	s25 =	simm.s32 $0x0  }
0xf: {  	s6 =	sshrl.u32 s6, $0x3;
	s12 =	smax.u32 s14, $0x1;
	s14 =	simm.s32 $0x3  }
0x10: {  	s13 =	sadd.s32 s6, s5;
	s5 =	sadd.s32 $0x3F600, s10;
	s31 =	sshrl.u32 s28, $0x3  }
0x11: {  	s6 =	sor.u32 $0x1C03, s30;
	s7 =	sadd.s32 s9, s29;
	s10 =	sadd.s32 $0x280, s31  }
0x12: {  	s8 =	sadd.s32 s11, s29;
	s9 =	sadd.s32 s9, s10;
	s10 =	sadd.s32 s11, s10  }
0x13: {  	s11 =	sadd.s32 $0x109000, s13;
	s13 =	sshrl.u32 s15, $0x3;
	s15 =	simm.s32 $0x13C00  }
.LBB2_1:
0x14: {  	[spmem:s13], [sflag:s6] =	dma.local [hbm:s5], $0x2780  }
0x15: {  	_ =	swait.ge [sflag:s14], $0x2780  }
0x16: {  	[sflag:s14] =	ssyncset.done $0x0  }
0x17: {  	[sflag:s14] =	ssyncadd.s32 $0xFFFFD880  }
0x18: {  	[bflag:$0x0] =	sbarrier.arrive $0xFFFF  }
0x19: {  	[tilespmem:s15], [sflag:$0x1] =	stream.linear.gather [hbm4b:s7+s3], $0x1400, $0x38;
	[tilespmem:$0x1E400] =	vst v63  }
0x1a: {  	_ =	swait.ge [sflag:s16], $0x1400  }
0x1b: {  	[sflag:s16] =	ssyncset.done $0x0  }
0x1c: {  	[sflag:s16] =	ssyncadd.s32 $0xFFFFEC00  }
0x1d: {  	[tilespmem:s17], [sflag:$0x2] =	stream.linear.gather [hbm4b:s8+s3], $0x1400, $0x38;
	[tilespmem:$0x1E400] =	vst v63  }
0x1e: {  	_ =	swait.ge [sflag:s18], $0x1400  }
0x1f: {  	[sflag:s18] =	ssyncset.done $0x0  }
0x20: {  	[sflag:s18] =	ssyncadd.s32 $0xFFFFEC00  }
0x21: {  	[tilespmem:s20], [sflag:$0x1] =	stream.indirect.gather [hbm4b:s4+s19], $0x80, s15, s19, $0xb8;
	[tilespmem:$0x1E400] =	vst v63  }
0x22: {  	_ = 	snop  }
0x23: {  	[tilespmem:s22], [sflag:$0x2] =	stream.indirect.gather [hbm4b:s4+s19], $0x80, s21, s19, $0xb8;
	[tilespmem:$0x1E400] =	vst v63  }
0x24: {  	_ =	swait.ge [sflag:s16], $0x4000  }
0x25: {  	[sflag:s16] =	ssyncset.done $0x0  }
0x26: {  	s26 =	simm.s32 $0x15000;
	[sflag:s16] =	ssyncadd.s32 $0xFFFFC000  }
0x27: {  	[spmem:s2] =	stream.indirect.scatter.add.f32 [tilespmem:s20], [sflag:$0x3], $0x80, s26, s19, $0xb8;
	[tilespmem:$0x1E400] =	vst v63  }
0x28: {  	_ =	swait.ge [sflag:s14], $0x4000  }
0x29: {  	[sflag:s14] =	ssyncset.done $0x0  }
0x2a: {  	s30 =	simm.s32 $0x13D00;
	[sflag:s14] =	ssyncadd.s32 $0xFFFFC000  }
0x2b: {  	[tilespmem:s20], [sflag:$0x1] =	stream.indirect.gather [hbm4b:s4+s19], $0x80, s30, s19, $0xb8;
	[tilespmem:$0x1E400] =	vst v63  }
0x2c: {  	_ =	swait.ge [sflag:s18], $0x4000  }
0x2d: {  	[sflag:s18] =	ssyncset.done $0x0  }
0x2e: {  	s31 =	simm.s32 $0x15080;
	[sflag:s18] =	ssyncadd.s32 $0xFFFFC000  }
0x2f: {  	[spmem:s2] =	stream.indirect.scatter.add.f32 [tilespmem:s22], [sflag:$0x3], $0x80, s31, s19, $0xb8;
	[tilespmem:$0x1E400] =	vst v63  }
0x30: {  	_ =	swait.ge [sflag:s14], $0x4000  }
0x31: {  	[sflag:s14] =	ssyncset.done $0x0  }
0x32: {  	s28 =	simm.s32 $0x13D80;
	s26 =	simm.s32 $0x400;
	[sflag:s14] =	ssyncadd.s32 $0xFFFFC000  }
.LBB2_2:
0x33: {  	[tilespmem:s22], [sflag:$0x2] =	stream.indirect.gather [hbm4b:s4+s19], $0x80, s28, s19, $0xb8;
	[tilespmem:$0x1E400] =	vst v63  }
0x34: {  	s28 =	smov.u32 s26  }
0x35: {  	p0 =	sne.s32 s26, $0x4800;
	s26 =	sadd.s32 $0x400, s26;
	_ =	swait.ge [sflag:s16], $0x4000  }
0x36: {  	s28 =	sshra.s32 s28, $0x2;
	[sflag:s16] =	ssyncset.done $0x0  }
0x37: {  	s29 =	sadd.s32 $0x15000, s28;
	[sflag:s16] =	ssyncadd.s32 $0xFFFFC000  }
0x38: {  	[spmem:s2] =	stream.indirect.scatter.add.f32 [tilespmem:s20], [sflag:$0x3], $0x80, s29, s19, $0xb8;
	[tilespmem:$0x1E400] =	vst v63  }
0x39: {  	_ =	swait.ge [sflag:s14], $0x4000  }
0x3a: {  	[sflag:s14] =	ssyncset.done $0x0  }
0x3b: {  	s29 =	sadd.s32 $0x13D00, s28;
	[sflag:s14] =	ssyncadd.s32 $0xFFFFC000  }
0x3c: {  	[tilespmem:s20], [sflag:$0x1] =	stream.indirect.gather [hbm4b:s4+s19], $0x80, s29, s19, $0xb8;
	[tilespmem:$0x1E400] =	vst v63  }
0x3d: {  	_ =	swait.ge [sflag:s18], $0x4000  }
0x3e: {  	[sflag:s18] =	ssyncset.done $0x0  }
.Ltmp0:
0x3f: {  	s29 =	sadd.s32 $0x15080, s28;
	[sflag:s18] =	ssyncadd.s32 $0xFFFFC000;
	(pc) =	sbr.rel @p0 .LBB2_2-.Ltmp0, $4  }
0x40: {  	[spmem:s2] =	stream.indirect.scatter.add.f32 [tilespmem:s22], [sflag:$0x3], $0x80, s29, s19, $0xb8;
	[tilespmem:$0x1E400] =	vst v63  }
0x41: {  	_ =	swait.ge [sflag:s14], $0x4000  }
0x42: {  	[sflag:s14] =	ssyncset.done $0x0  }
0x43: {  	s28 =	sadd.s32 $0x13D80, s28;
	[sflag:s14] =	ssyncadd.s32 $0xFFFFC000  }
0x44: {  	[tilespmem:s22], [sflag:$0x2] =	stream.indirect.gather [hbm4b:s4+s19], $0x80, s28, s19, $0xb8;
	[tilespmem:$0x1E400] =	vst v63  }
0x45: {  	_ =	swait.ge [sflag:s16], $0x4000  }
0x46: {  	[sflag:s16] =	ssyncset.done $0x0  }
0x47: {  	[sflag:s16] =	ssyncadd.s32 $0xFFFFC000  }
0x48: {  	[spmem:s2] =	stream.indirect.scatter.add.f32 [tilespmem:s20], [sflag:$0x3], $0x80, s23, s19, $0xb8;
	[tilespmem:$0x1E400] =	vst v63  }
0x49: {  	_ =	swait.ge [sflag:s14], $0x4000  }
0x4a: {  	[sflag:s14] =	ssyncset.done $0x0  }
0x4b: {  	[sflag:s14] =	ssyncadd.s32 $0xFFFFC000  }
0x4c: {  	_ =	swait.ge [sflag:s18], $0x4000  }
0x4d: {  	[sflag:s18] =	ssyncset.done $0x0  }
0x4e: {  	[sflag:s18] =	ssyncadd.s32 $0xFFFFC000  }
0x4f: {  	[spmem:s2] =	stream.indirect.scatter.add.f32 [tilespmem:s22], [sflag:$0x3], $0x80, s24, s19, $0xb8;
	[tilespmem:$0x1E400] =	vst v63  }
0x50: {  	_ =	swait.ge [sflag:s14], $0x4000  }
0x51: {  	[sflag:s14] =	ssyncset.done $0x0  }
0x52: {  	s26 =	simm.s32 $0x0;
	[sflag:s14] =	ssyncadd.s32 $0xFFFFC000  }
0x53: {  	[tilespmem:s15], [sflag:$0x1] =	stream.linear.gather [hbm4b:s9+s26], $0x1400, $0x38;
	[tilespmem:$0x1E400] =	vst v63  }
0x54: {  	_ =	swait.ge [sflag:s16], $0x1400  }
0x55: {  	[sflag:s16] =	ssyncset.done $0x0  }
0x56: {  	[sflag:s16] =	ssyncadd.s32 $0xFFFFEC00  }
0x57: {  	[tilespmem:s17], [sflag:$0x2] =	stream.linear.gather [hbm4b:s10+s26], $0x1400, $0x38;
	[tilespmem:$0x1E400] =	vst v63  }
0x58: {  	_ =	swait.ge [sflag:s18], $0x1400  }
0x59: {  	[sflag:s18] =	ssyncset.done $0x0  }
0x5a: {  	[sflag:s18] =	ssyncadd.s32 $0xFFFFEC00  }
0x5b: {  	[tilespmem:s20], [sflag:$0x1] =	stream.indirect.gather [hbm4b:s4+s19], $0x80, s15, s19, $0xb8;
	[tilespmem:$0x1E400] =	vst v63  }
0x5c: {  	_ = 	snop  }
0x5d: {  	[tilespmem:s22], [sflag:$0x2] =	stream.indirect.gather [hbm4b:s4+s19], $0x80, s21, s19, $0xb8;
	[tilespmem:$0x1E400] =	vst v63  }
0x5e: {  	_ =	swait.ge [sflag:s16], $0x4000  }
0x5f: {  	[sflag:s16] =	ssyncset.done $0x0  }
0x60: {  	s29 =	simm.s32 $0x15000;
	[sflag:s16] =	ssyncadd.s32 $0xFFFFC000  }
0x61: {  	[spmem:s2] =	stream.indirect.scatter.add.f32 [tilespmem:s20], [sflag:$0x3], $0x80, s29, s19, $0xb8;
	[tilespmem:$0x1E400] =	vst v63  }
0x62: {  	_ =	swait.ge [sflag:s14], $0x4000  }
0x63: {  	[sflag:s14] =	ssyncset.done $0x0  }
0x64: {  	s30 =	simm.s32 $0x13D00;
	[sflag:s14] =	ssyncadd.s32 $0xFFFFC000  }
0x65: {  	[tilespmem:s20], [sflag:$0x1] =	stream.indirect.gather [hbm4b:s4+s19], $0x80, s30, s19, $0xb8;
	[tilespmem:$0x1E400] =	vst v63  }
0x66: {  	_ =	swait.ge [sflag:s18], $0x4000  }
0x67: {  	[sflag:s18] =	ssyncset.done $0x0  }
0x68: {  	s31 =	simm.s32 $0x15080;
	[sflag:s18] =	ssyncadd.s32 $0xFFFFC000  }
0x69: {  	[spmem:s2] =	stream.indirect.scatter.add.f32 [tilespmem:s22], [sflag:$0x3], $0x80, s31, s19, $0xb8;
	[tilespmem:$0x1E400] =	vst v63  }
0x6a: {  	_ =	swait.ge [sflag:s14], $0x4000  }
0x6b: {  	[sflag:s14] =	ssyncset.done $0x0  }
0x6c: {  	s28 =	simm.s32 $0x13D80;
	s26 =	simm.s32 $0x400;
	[sflag:s14] =	ssyncadd.s32 $0xFFFFC000  }
.LBB2_4:
0x6d: {  	[tilespmem:s22], [sflag:$0x2] =	stream.indirect.gather [hbm4b:s4+s19], $0x80, s28, s19, $0xb8;
	[tilespmem:$0x1E400] =	vst v63  }
0x6e: {  	s28 =	smov.u32 s26  }
0x6f: {  	p0 =	sne.s32 s26, $0x4800;
	s26 =	sadd.s32 $0x400, s26;
	_ =	swait.ge [sflag:s16], $0x4000  }
0x70: {  	s28 =	sshra.s32 s28, $0x2;
	[sflag:s16] =	ssyncset.done $0x0  }
0x71: {  	s29 =	sadd.s32 $0x15000, s28;
	[sflag:s16] =	ssyncadd.s32 $0xFFFFC000  }
0x72: {  	[spmem:s2] =	stream.indirect.scatter.add.f32 [tilespmem:s20], [sflag:$0x3], $0x80, s29, s19, $0xb8;
	[tilespmem:$0x1E400] =	vst v63  }
0x73: {  	_ =	swait.ge [sflag:s14], $0x4000  }
0x74: {  	[sflag:s14] =	ssyncset.done $0x0  }
0x75: {  	s29 =	sadd.s32 $0x13D00, s28;
	[sflag:s14] =	ssyncadd.s32 $0xFFFFC000  }
0x76: {  	[tilespmem:s20], [sflag:$0x1] =	stream.indirect.gather [hbm4b:s4+s19], $0x80, s29, s19, $0xb8;
	[tilespmem:$0x1E400] =	vst v63  }
0x77: {  	_ =	swait.ge [sflag:s18], $0x4000  }
0x78: {  	[sflag:s18] =	ssyncset.done $0x0  }
.Ltmp1:
0x79: {  	s29 =	sadd.s32 $0x15080, s28;
	[sflag:s18] =	ssyncadd.s32 $0xFFFFC000;
	(pc) =	sbr.rel @p0 .LBB2_4-.Ltmp1, $4  }
0x7a: {  	[spmem:s2] =	stream.indirect.scatter.add.f32 [tilespmem:s22], [sflag:$0x3], $0x80, s29, s19, $0xb8;
	[tilespmem:$0x1E400] =	vst v63  }
0x7b: {  	_ =	swait.ge [sflag:s14], $0x4000  }
0x7c: {  	[sflag:s14] =	ssyncset.done $0x0  }
0x7d: {  	s28 =	sadd.s32 $0x13D80, s28;
	[sflag:s14] =	ssyncadd.s32 $0xFFFFC000  }
0x7e: {  	[tilespmem:s22], [sflag:$0x2] =	stream.indirect.gather [hbm4b:s4+s19], $0x80, s28, s19, $0xb8;
	[tilespmem:$0x1E400] =	vst v63  }
0x7f: {  	_ =	swait.ge [sflag:s16], $0x4000  }
0x80: {  	[sflag:s16] =	ssyncset.done $0x0  }
0x81: {  	[sflag:s16] =	ssyncadd.s32 $0xFFFFC000  }
0x82: {  	[spmem:s2] =	stream.indirect.scatter.add.f32 [tilespmem:s20], [sflag:$0x3], $0x80, s23, s19, $0xb8;
	[tilespmem:$0x1E400] =	vst v63  }
0x83: {  	_ =	swait.ge [sflag:s14], $0x4000  }
0x84: {  	[sflag:s14] =	ssyncset.done $0x0  }
0x85: {  	[sflag:s14] =	ssyncadd.s32 $0xFFFFC000  }
0x86: {  	_ =	swait.ge [sflag:s18], $0x4000  }
0x87: {  	[sflag:s18] =	ssyncset.done $0x0  }
0x88: {  	[sflag:s18] =	ssyncadd.s32 $0xFFFFC000  }
0x89: {  	[spmem:s2] =	stream.indirect.scatter.add.f32 [tilespmem:s22], [sflag:$0x3], $0x80, s24, s19, $0xb8;
	[tilespmem:$0x1E400] =	vst v63  }
0x8a: {  	_ =	swait.ge [sflag:s14], $0x4000  }
0x8b: {  	s25 =	sadd.s32 $0x1, s25;
	[sflag:s14] =	ssyncset.done $0x0  }
0x8c: {  	p0 =	sne.s32 s25, s12;
	[sflag:s14] =	ssyncadd.s32 $0xFFFFC000  }
.Ltmp2:
0x8d: {  	[bflag:$0x0] =	sbarrier.arrive $0xFFFF;
	(pc) =	sbr.rel @p0 .LBB2_1-.Ltmp2, $4  }
0x8e: {  	[hbm:s11], [sflag:s6] =	dma.local [spmem:s13], $0x2780  }
0x8f: {  	_ =	swait.ge [sflag:s14], $0x2780  }
0x90: {  	[sflag:s14] =	ssyncset.done $0x0  }
0x91: {  	[sflag:s14] =	ssyncadd.s32 $0xFFFFD880  }
0x92: {  	_ =	sfence.sel $0x180000  }
0x93: {  	[bflag:$0x0] =	sbarrier.arrive $0xFFFF  }
0x94: {  	p0 =	sne.s32 s1, $0x0;
	_ =	strace $0x9000004A  }
0x95: {  	s0 =	sadd.s32 @!p0 $0x100000, s0;
	[bflag:$0x2] =	sbarrier.arrive $0xFFFF  }
0x96: {  	[sflag:s0] =	ssyncadd.tile.s32 @!p0 $0x1;
	_ =	shalt  }
.Lfunc_end2:
_tile_overlayer_lowered:
.L_overlay_start_2:
0x97: {  	(tag) =	ssettag $0x2  }
0x98: {  	s0 =	rddreg [dreg:$0x0];
	s2 =	stileid.u32  }
0x99: {  	s1 =	rddreg [dreg:$0x1];
	p0 =	sne.s32 s2, $0x0  }
0x9a: {  	s3 =	rddreg [dreg:$0x2];
	[bflag:$0x3] =	sbarrier.arrive $0xFFFF;
	s2 =	simm.s32 @!p0 $0x1C03  }
0x9b: {  	[timem:s3], [sflag:s2] =	dma.local @!p0 [hbm:s0], s1  }
0x9c: {  	s0 =	simm.s32 @!p0 $0x3  }
0x9d: {  	_ =	swait.ge @!p0 [sflag:s0], s1  }
0x9e: {  	s1 =	ssub.s32 @!p0 $0x0, s1;
	[sflag:s0] =	ssyncset.done @!p0 $0x0  }
0x9f: {  	[sflag:s0] =	ssyncadd.s32 @!p0 s1  }
0xa0: {  	[bflag:$0x3] =	sbarrier.arrive $0xFFFF  }
0xa1: {  	_ =	shalt  }

// kernel: kernel.18.cloned.1.call-start
scs
__scs_entry_jumppad:
0x0: {  	(pc) =	sbr.rel $0x88, $3  }
0x1: {  	(tag) =	ssettag $0x0;
	lr =	simm.s32 $0x1  }
0x2: {  	[smem:$0x3F8D] =	sst lr;
	_ =	strace $0xD0000000  }
0x3: {  	_ = 	snop  }
0x4: {  	_ = 	snop  }
0x5: {  	_ = 	snop  }
0x6: {  	_ = 	snop  }
0x7: {  	_ = 	snop  }
__scs_overlays_trampoline_lowered:
0x8: {  	[smem:$0x3F9C] =	sst s0  }
0x9: {  	[smem:$0x3F9D] =	sst s1  }
0xa: {  	[smem:$0x3F9E] =	sst s2  }
0xb: {  	[smem:$0x3F9F] =	sst s3  }
0xc: {  	[smem:$0x3FA0] =	sst s4  }
0xd: {  	[smem:$0x3FA1] =	sst s5  }
0xe: {  	[smem:$0x3FA2] =	sst s6  }
0xf: {  	[smem:$0x3FA3] =	sst s7  }
0x10: {  	[smem:$0x3FA4] =	sst s8  }
0x11: {  	[smem:$0x3FA5] =	sst s9;
	s0 =	simm.s32 @!p0 $0x0  }
0x12: {  	s1 =	sld [smem:$0x3F8B];
	s0 =	simm.s32 @p0 $0x1  }
0x13: {  	[smem:$0x3FA6] =	sst s0;
	s0 =	simm.s32 @!p1 $0x0  }
0x14: {  	s2 =	sld [smem:$0x3F8A];
	s0 =	simm.s32 @p1 $0x1  }
0x15: {  	[smem:$0x3FA7] =	sst s0;
	s0 =	simm.s32 @!p2 $0x0  }
0x16: {  	s3 =	sld [smem:$0x3FDB];
	s0 =	simm.s32 @p2 $0x1  }
0x17: {  	s4 =	simm.s32 $0x1BF5;
	[smem:$0x3FA9] =	sst s0  }
0x18: {  	s0 =	sld [smem:$0x3F8C];
	_ =	swait.ge [sflag:s4], $0x0  }
0x19: {  	s7 =	sld [smem:$0x3F8D]  }
0x1a: {  	s8 =	sadd.s32 $0xFFFFE003, lr  }
0x1b: {  	s9 =	sadd.s32 $0xFFFFFEF7, lr;
	s5 =	simm.s32 $0xFFFFFFFF;
	p2 =	slt.u32 s8, $0xFFFFF086  }
0x1c: {  	p1 =	slt.u32 s9, $0xF7A;
	s5 =	simm.s32 @!p2 $0x0  }
0x1d: {  	s5 =	simm.s32 @p1 $0x1;
	p0 =	seq.s32 s7, s2  }
0x1e: {  	s7 =	smul.u32 @!p0 $0xF7A, s2;
	p2 =	seq.s32 @!p0 s5, $0x0  }
0x1f: {  	s9 =	smul.u32 $0xF7A, s1;
	s8 =	simm.s32 @!p0 $0x1BF5;
	p2 =	por !p2, p0  }
0x20: {  	[sflag:s8] =	ssyncset.s32 @!p0 $0xFFFFF086;
	s6 =	sadd.s32 @!p0 s3, s7;
	s7 =	simm.s32 @!p0 $0x108  }
0x21: {  	s3 =	sadd.s32 s3, s9;
	s6 =	sadd.s32 @!p0 $0x88, s6;
	s7 =	simm.s32 @p2 $0x1082  }
0x22: {  	[simem:s7], [sflag:s8] =	dma.local @!p0 [hbm:s6], $0xF7A  }
0x23: {  	s9 =	sor.u32 $0xD0000000, s2;
	s6 =	simm.s32 $0x108;
	_ =	swait.ge @!p0 [sflag:s8], $0x0  }
0x24: {  	s3 =	sadd.s32 $0x88, s3;
	s6 =	simm.s32 @!p1 $0x1082;
	[sflag:s4] =	ssyncset.s32 $0xFFFFF086  }
0x25: {  	[simem:s6], [sflag:s4] =	dma.local [hbm:s3], $0xF7A  }
0x26: {  	[smem:$0x3F8D] =	sst s1;
	(tag) =	ssettag s2;
	_ =	strace s9  }
0x27: {  	s1 =	sld [smem:$0x3F9D]  }
0x28: {  	s2 =	sld [smem:$0x3F9E]  }
0x29: {  	s4 =	sld [smem:$0x3FA0]  }
0x2a: {  	p0 =	seq.s32 s5, $0x0;
	s5 =	sld [smem:$0x3FA1]  }
0x2b: {  	s6 =	sld [smem:$0x3FA2]  }
0x2c: {  	s7 =	sld [smem:$0x3FA3]  }
0x2d: {  	s3 =	simm.s32 $0x108;
	s8 =	sld [smem:$0x3FA4]  }
0x2e: {  	s3 =	simm.s32 @!p0 $0x1082;
	s9 =	sld [smem:$0x3FA5]  }
0x2f: {  	lr =	sadd.s32 s0, s3;
	s0 =	sld [smem:$0x3F9C]  }
0x30: {  	s3 =	sld [smem:$0x3F9F]  }
0x31: {  	[smem:$0x3FA8] =	sst s10  }
0x32: {  	s10 =	sld [smem:$0x3FA6];
	_ =	sdelay $0x3  }
0x33: {  	p0 =	seq.s32 s10, $0x1;
	s10 =	sld [smem:$0x3FA8];
	_ =	sdelay $0x3  }
0x34: {  	[smem:$0x3FA8] =	sst s10  }
0x35: {  	s10 =	sld [smem:$0x3FA7];
	_ =	sdelay $0x3  }
0x36: {  	p1 =	seq.s32 s10, $0x1;
	s10 =	sld [smem:$0x3FA8];
	_ =	sdelay $0x3  }
0x37: {  	[smem:$0x3FA8] =	sst s10  }
0x38: {  	s10 =	sld [smem:$0x3FA9]  }
0x39: {  	_ = 	snop;
	(pc) =	sbr.ind lr, $3  }
0x3a: {  	_ = 	snop  }
0x3b: {  	_ = 	snop  }
0x3c: {  	p2 =	seq.s32 s10, $0x1;
	s10 =	sld [smem:$0x3FA8]  }
0x3d: {  	_ =	shalt  }
0x3e: {  	_ =	shalt  }
0x3f: {  	_ =	shalt  }
0x40: {  	_ =	shalt  }
0x41: {  	_ =	shalt  }
0x42: {  	_ =	shalt  }
0x43: {  	_ =	shalt  }
0x44: {  	_ =	shalt  }
0x45: {  	_ =	shalt  }
0x46: {  	_ =	shalt  }
0x47: {  	_ =	shalt  }
0x48: {  	_ =	shalt  }
0x49: {  	_ =	shalt  }
0x4a: {  	_ =	shalt  }
0x4b: {  	_ =	shalt  }
0x4c: {  	_ =	shalt  }
0x4d: {  	_ =	shalt  }
0x4e: {  	_ =	shalt  }
0x4f: {  	_ =	shalt  }
0x50: {  	_ =	shalt  }
0x51: {  	_ =	shalt  }
0x52: {  	_ =	shalt  }
0x53: {  	_ =	shalt  }
0x54: {  	_ =	shalt  }
0x55: {  	_ =	shalt  }
0x56: {  	_ =	shalt  }
0x57: {  	_ =	shalt  }
0x58: {  	_ =	shalt  }
0x59: {  	_ =	shalt  }
0x5a: {  	_ =	shalt  }
0x5b: {  	_ =	shalt  }
0x5c: {  	_ =	shalt  }
0x5d: {  	_ =	shalt  }
0x5e: {  	_ =	shalt  }
0x5f: {  	_ =	shalt  }
0x60: {  	_ =	shalt  }
0x61: {  	_ =	shalt  }
0x62: {  	_ =	shalt  }
0x63: {  	_ =	shalt  }
0x64: {  	_ =	shalt  }
0x65: {  	_ =	shalt  }
0x66: {  	_ =	shalt  }
0x67: {  	_ =	shalt  }
0x68: {  	_ =	shalt  }
0x69: {  	_ =	shalt  }
0x6a: {  	_ =	shalt  }
0x6b: {  	_ =	shalt  }
0x6c: {  	_ =	shalt  }
0x6d: {  	_ =	shalt  }
0x6e: {  	_ =	shalt  }
0x6f: {  	_ =	shalt  }
0x70: {  	_ =	shalt  }
0x71: {  	_ =	shalt  }
0x72: {  	_ =	shalt  }
0x73: {  	_ =	shalt  }
0x74: {  	_ =	shalt  }
0x75: {  	_ =	shalt  }
0x76: {  	_ =	shalt  }
0x77: {  	_ =	shalt  }
0x78: {  	_ =	shalt  }
0x79: {  	_ =	shalt  }
0x7a: {  	_ =	shalt  }
0x7b: {  	_ =	shalt  }
0x7c: {  	_ =	shalt  }
0x7d: {  	_ =	shalt  }
0x7e: {  	_ =	shalt  }
0x7f: {  	_ =	shalt  }
0x80: {  	_ =	shalt  }
0x81: {  	_ =	shalt  }
0x82: {  	_ =	shalt  }
0x83: {  	_ =	shalt  }
0x84: {  	_ =	shalt  }
0x85: {  	_ =	shalt  }
0x86: {  	_ =	shalt  }
0x87: {  	_ =	shalt  }
.Lfunc_end0:
.L_simem_size_0:
called_computation.2_lowered:
.L_overlay_start_0:
0x88: {  	s2 =	sld [smem:$0x3FD9]  }
0x89: {  	s3 =	sld [smem:$0x3FFE];
	_ =	sdelay $0x1  }
0x8a: {  	s1 =	srdreg.scid  }
0x8b: {  	s0 =	sand.u32 $0x1, s1  }
0x8c: {  	s16 =	sshll.u32 s0, $0xA;
	s2 =	sadd.s32 s3, s2  }
0x8d: {  	s2 =	sadd.s32 s2, s16  }
0x8e: {  	[smem:$0x3FB4] =	sst s2  }
0x8f: {  	_ = 	snop  }
0x90: {  	(tm) =	ssettm $0x1  }
0x91: {  	s17 =	sld [smem:$0x3FFB];
	_ =	sdelay $0x3  }
0x92: {  	_ =	strace s17  }
0x93: {  	s2 =	sld [smem:$0x3FFC];
	_ =	sdelay $0x3  }
0x94: {  	_ =	strace s2  }
0x95: {  	s2 =	sld [smem:$0x3FFD];
	_ =	sdelay $0x3  }
0x96: {  	_ =	strace s2  }
0x97: {  	_ =	strace $0x8FFFFFFF  }
0x98: {  	s18 =	sld [smem:$0x3FDB];
	_ =	sdelay $0x1  }
0x99: {  	s19 =	simm.s32 $_scs_section_size  }
0x9a: {  	s4 =	simm.s32 $_size__tile_overlayer_lowered;
	s5 =	simm.s32 $_tile_overlayer_lowered  }
0x9b: {  	s22 =	simm.s32 $0x1BFF;
	s21 =	sshll.u32 s5, $0x1;
	s2 =	sadd.s32 s19, s18  }
0x9c: {  	s6 =	simm.s32 $0x0;
	s20 =	sshll.u32 s4, $0x1;
	s4 =	sadd.s32 s21, s2  }
0x9d: {  	[timem:s6], [sflag:s22] =	dma.local [hbm:s4], s20  }
0x9e: {  	_ =	swait.ge [sflag:s22], s20  }
0x9f: {  	s3 =	ssub.s32 $0x0, s20;
	[sflag:s22] =	ssyncset.done $0x0  }
0xa0: {  	[sflag:s22] =	ssyncadd.s32 s3;
	_ =	sdelay $0x1  }
0xa1: {  	s23 =	simm.s32 $0x1B8B  }
0xa2: {  	_ =	swait.ge [sflag:s23], $0x1  }
0xa3: {  	[sflag:s23] =	ssyncset.done $0x0  }
0xa4: {  	s25 =	simm.s32 $0x1B8E;
	s24 =	sld [smem:$0x3FFE];
	[sflag:s23] =	ssyncadd.s32 $0xFFFFFFFF  }
0xa5: {  	s26 =	simm.s32 $execute0_lowered;
	[smem:$0x3FD2] =	sst s25  }
0xa6: {  	s4 =	sshll.u32 s26, $0x1;
	_ =	strace $0x8000004C;
	[dreg:$0x1] =	wrdreg $0xFFFFFFFF  }
0xa7: {  	s28 =	simm.s32 $_size_execute0_lowered;
	s2 =	sadd.s32 s2, s4;
	[dreg:$0x0] =	wrdreg $0x0  }
0xa8: {  	s4 =	sshll.u32 s28, $0x1;
	[dreg:$0x2] =	wrdreg s2  }
0xa9: {  	[dreg:$0x3] =	wrdreg s4  }
0xaa: {  	[dreg:$0x4] =	wrdreg $0xC0  }
0xab: {  	_ =	task [dreg:s6], $0x5FFFF  }
0xac: {  	[dreg:$0x1] =	wrdreg $0xFFFFFFFF  }
0xad: {  	[dreg:$0x0] =	wrdreg $0x60  }
0xae: {  	[dreg:$0x2] =	wrdreg s24  }
0xaf: {  	[dreg:$0x3] =	wrdreg $0x0  }
0xb0: {  	[dreg:$0x4] =	wrdreg $0x9  }
0xb1: {  	_ =	task.clear_ibuf [dreg:s6], $0x5FFFF;
	_ =	strace $0x9000004C  }
0xb2: {  	s29 =	simm.s32 $0x9;
	_ =	strace $0x8000004E  }
0xb3: {  	_ =	swait.ge [sflag:s29], $0x1  }
0xb4: {  	[sflag:s29] =	ssyncadd.s32 $0xFFFFFFFF  }
0xb5: {  	_ =	strace $0x9000004E  }
0xb6: {  	_ =	sfence  }
0xb7: {  	s30 =	sld [smem:$0x0];
	_ =	sdelay $0x2  }
0xb8: {  	s31 =	sshll.u32 s1, $0xD;
	s1 =	sshrl.u32 s1, $0x2  }
0xb9: {  	s3 =	sand.u32 $0x4000, s31;
	s1 =	sadd.s32 s1, s30  }
0xba: {  	s0 =	sor.u32 s3, s0;
	s1 =	sshll.u32 s1, $0x11  }
0xbb: {  	s0 =	sor.u32 s1, s0  }
0xbc: {  	s0 =	sadd.s32 $0x8F2B, s0  }
0xbd: {  	[sflag:s0] =	ssyncadd.remote.s32 $0x1  }
0xbe: {  	_ =	sfence.sel $0xFFFF  }
0xbf: {  	[dreg:$0x0] =	wrdreg $0xFFFFFFFF;
	(pc) =	sbr.abs _section_cstart, $3  }
0xc0: {  	[dreg:$0x1] =	wrdreg $0xFFFFFFFF  }
0xc1: {  	_ =	task.clear_ibuf [dreg:s6], $0x2FFFF;
	_ =	strace $0x9FFFFFFF  }
0xc2: {  	(tm) =	ssettm $0x7FFFFFFF  }
0xc3: {  	_ =	shalt  }
tec
execute0_lowered:
.L_overlay_start_1:
0x0: {  	(tag) =	ssettag $0x1  }
0x1: {  	s5 =	rddreg [dreg:$0x0]  }
0x2: {  	s2 =	rddreg [dreg:$0x1]  }
0x3: {  	s0 =	rddreg [dreg:$0x2];
	s3 =	simm.s32 $0x0;
	s1 =	stileid.u32  }
0x4: {  	s4 =	srdreg.scid;
	s16 =	simm.s32 $0x1;
	s17 =	simm.s32 $0x15000  }
0x5: {  	s18 =	simm.s32 $0x2;
	s19 =	simm.s32 $0x80;
	s20 =	simm.s32 $0x16400  }
0x6: {  	s21 =	simm.s32 $0x13C80;
	s22 =	simm.s32 $0x1A400;
	[smem:$0x7FF] =	sst s3  }
0x7: {  	s6 =	smul.u32 $0x13C00, s1;
	s7 =	sand.u32 $0x1, s4;
	s4 =	sadd.s32 $0x18400, s5  }
0x8: {  	s9 =	sadd.s32 $0xE400, s5;
	s11 =	sadd.s32 $0x4400, s5;
	s12 =	smul.u32 $0x4F000, s1  }
0x9: {  	s30 =	sshll.u32 s1, $0x6;
	_ =	strace $0x8000004D;
	s8 =	smul.u32 $0x13C000, s7  }
0xa: {  	s23 =	sshll.u32 s7, $0x4;
	s24 =	ssub.s32 $0x2, s7;
	s10 =	sshrl.u32 s6, $0x3  }
0xb: {  	s25 =	sor.u32 s1, s23;
	s7 =	sshrl.u32 s24, $0x1;
	s26 =	sshrl.u32 s12, $0x2  }
0xc: {  	s23 =	simm.s32 $0x16300;
	s10 =	sadd.s32 s10, s5;
	s6 =	sadd.s32 s6, s8  }
0xd: {  	s28 =	smul.u32 $0x2800, s25;
	s14 =	ssub.s32 s24, s7;
	s15 =	sadd.s32 s26, s2  }
0xe: {  	s29 =	smul.u32 $0x500, s25;
	s24 =	simm.s32 $0x16380;
	s25 =	simm.s32 $0x0  }
0xf: {  	s6 =	sshrl.u32 s6, $0x3;
	s12 =	smax.u32 s14, $0x1;
	s14 =	simm.s32 $0x3  }
0x10: {  	s13 =	sadd.s32 s6, s5;
	s5 =	sadd.s32 $0x3F600, s10;
	s31 =	sshrl.u32 s28, $0x3  }
0x11: {  	s6 =	sor.u32 $0x1C03, s30;
	s7 =	sadd.s32 s9, s29;
	s10 =	sadd.s32 $0x280, s31  }
0x12: {  	s8 =	sadd.s32 s11, s29;
	s9 =	sadd.s32 s9, s10;
	s10 =	sadd.s32 s11, s10  }
0x13: {  	s11 =	sadd.s32 $0x109000, s13;
	s13 =	sshrl.u32 s15, $0x3;
	s15 =	simm.s32 $0x13C00  }
.LBB2_1:
0x14: {  	[spmem:s13], [sflag:s6] =	dma.local [hbm:s5], $0x2780  }
0x15: {  	_ =	swait.ge [sflag:s14], $0x2780  }
0x16: {  	[sflag:s14] =	ssyncset.done $0x0  }
0x17: {  	[sflag:s14] =	ssyncadd.s32 $0xFFFFD880  }
0x18: {  	[bflag:$0x0] =	sbarrier.arrive $0xFFFF  }
0x19: {  	[tilespmem:s15], [sflag:$0x1] =	stream.linear.gather [hbm4b:s7+s3], $0x1400, $0x38;
	[tilespmem:$0x1E400] =	vst v63  }
0x1a: {  	_ =	swait.ge [sflag:s16], $0x1400  }
0x1b: {  	[sflag:s16] =	ssyncset.done $0x0  }
0x1c: {  	[sflag:s16] =	ssyncadd.s32 $0xFFFFEC00  }
0x1d: {  	[tilespmem:s17], [sflag:$0x2] =	stream.linear.gather [hbm4b:s8+s3], $0x1400, $0x38;
	[tilespmem:$0x1E400] =	vst v63  }
0x1e: {  	_ =	swait.ge [sflag:s18], $0x1400  }
0x1f: {  	[sflag:s18] =	ssyncset.done $0x0  }
0x20: {  	[sflag:s18] =	ssyncadd.s32 $0xFFFFEC00  }
0x21: {  	[tilespmem:s20], [sflag:$0x1] =	stream.indirect.gather [hbm4b:s4+s19], $0x80, s15, s19, $0xb8;
	[tilespmem:$0x1E400] =	vst v63  }
0x22: {  	_ = 	snop  }
0x23: {  	[tilespmem:s22], [sflag:$0x2] =	stream.indirect.gather [hbm4b:s4+s19], $0x80, s21, s19, $0xb8;
	[tilespmem:$0x1E400] =	vst v63  }
0x24: {  	_ =	swait.ge [sflag:s16], $0x4000  }
0x25: {  	[sflag:s16] =	ssyncset.done $0x0  }
0x26: {  	s26 =	simm.s32 $0x15000;
	[sflag:s16] =	ssyncadd.s32 $0xFFFFC000  }
0x27: {  	[spmem:s2] =	stream.indirect.scatter.add.f32 [tilespmem:s20], [sflag:$0x3], $0x80, s26, s19, $0xb8;
	[tilespmem:$0x1E400] =	vst v63  }
0x28: {  	_ =	swait.ge [sflag:s14], $0x4000  }
0x29: {  	[sflag:s14] =	ssyncset.done $0x0  }
0x2a: {  	s30 =	simm.s32 $0x13D00;
	[sflag:s14] =	ssyncadd.s32 $0xFFFFC000  }
0x2b: {  	[tilespmem:s20], [sflag:$0x1] =	stream.indirect.gather [hbm4b:s4+s19], $0x80, s30, s19, $0xb8;
	[tilespmem:$0x1E400] =	vst v63  }
0x2c: {  	_ =	swait.ge [sflag:s18], $0x4000  }
0x2d: {  	[sflag:s18] =	ssyncset.done $0x0  }
0x2e: {  	s31 =	simm.s32 $0x15080;
	[sflag:s18] =	ssyncadd.s32 $0xFFFFC000  }
0x2f: {  	[spmem:s2] =	stream.indirect.scatter.add.f32 [tilespmem:s22], [sflag:$0x3], $0x80, s31, s19, $0xb8;
	[tilespmem:$0x1E400] =	vst v63  }
0x30: {  	_ =	swait.ge [sflag:s14], $0x4000  }
0x31: {  	[sflag:s14] =	ssyncset.done $0x0  }
0x32: {  	s28 =	simm.s32 $0x13D80;
	s26 =	simm.s32 $0x400;
	[sflag:s14] =	ssyncadd.s32 $0xFFFFC000  }
.LBB2_2:
0x33: {  	[tilespmem:s22], [sflag:$0x2] =	stream.indirect.gather [hbm4b:s4+s19], $0x80, s28, s19, $0xb8;
	[tilespmem:$0x1E400] =	vst v63  }
0x34: {  	s28 =	smov.u32 s26  }
0x35: {  	p0 =	sne.s32 s26, $0x4800;
	s26 =	sadd.s32 $0x400, s26;
	_ =	swait.ge [sflag:s16], $0x4000  }
0x36: {  	s28 =	sshra.s32 s28, $0x2;
	[sflag:s16] =	ssyncset.done $0x0  }
0x37: {  	s29 =	sadd.s32 $0x15000, s28;
	[sflag:s16] =	ssyncadd.s32 $0xFFFFC000  }
0x38: {  	[spmem:s2] =	stream.indirect.scatter.add.f32 [tilespmem:s20], [sflag:$0x3], $0x80, s29, s19, $0xb8;
	[tilespmem:$0x1E400] =	vst v63  }
0x39: {  	_ =	swait.ge [sflag:s14], $0x4000  }
0x3a: {  	[sflag:s14] =	ssyncset.done $0x0  }
0x3b: {  	s29 =	sadd.s32 $0x13D00, s28;
	[sflag:s14] =	ssyncadd.s32 $0xFFFFC000  }
0x3c: {  	[tilespmem:s20], [sflag:$0x1] =	stream.indirect.gather [hbm4b:s4+s19], $0x80, s29, s19, $0xb8;
	[tilespmem:$0x1E400] =	vst v63  }
0x3d: {  	_ =	swait.ge [sflag:s18], $0x4000  }
0x3e: {  	[sflag:s18] =	ssyncset.done $0x0  }
.Ltmp0:
0x3f: {  	s29 =	sadd.s32 $0x15080, s28;
	[sflag:s18] =	ssyncadd.s32 $0xFFFFC000;
	(pc) =	sbr.rel @p0 .LBB2_2-.Ltmp0, $4  }
0x40: {  	[spmem:s2] =	stream.indirect.scatter.add.f32 [tilespmem:s22], [sflag:$0x3], $0x80, s29, s19, $0xb8;
	[tilespmem:$0x1E400] =	vst v63  }
0x41: {  	_ =	swait.ge [sflag:s14], $0x4000  }
0x42: {  	[sflag:s14] =	ssyncset.done $0x0  }
0x43: {  	s28 =	sadd.s32 $0x13D80, s28;
	[sflag:s14] =	ssyncadd.s32 $0xFFFFC000  }
0x44: {  	[tilespmem:s22], [sflag:$0x2] =	stream.indirect.gather [hbm4b:s4+s19], $0x80, s28, s19, $0xb8;
	[tilespmem:$0x1E400] =	vst v63  }
0x45: {  	_ =	swait.ge [sflag:s16], $0x4000  }
0x46: {  	[sflag:s16] =	ssyncset.done $0x0  }
0x47: {  	[sflag:s16] =	ssyncadd.s32 $0xFFFFC000  }
0x48: {  	[spmem:s2] =	stream.indirect.scatter.add.f32 [tilespmem:s20], [sflag:$0x3], $0x80, s23, s19, $0xb8;
	[tilespmem:$0x1E400] =	vst v63  }
0x49: {  	_ =	swait.ge [sflag:s14], $0x4000  }
0x4a: {  	[sflag:s14] =	ssyncset.done $0x0  }
0x4b: {  	[sflag:s14] =	ssyncadd.s32 $0xFFFFC000  }
0x4c: {  	_ =	swait.ge [sflag:s18], $0x4000  }
0x4d: {  	[sflag:s18] =	ssyncset.done $0x0  }
0x4e: {  	[sflag:s18] =	ssyncadd.s32 $0xFFFFC000  }
0x4f: {  	[spmem:s2] =	stream.indirect.scatter.add.f32 [tilespmem:s22], [sflag:$0x3], $0x80, s24, s19, $0xb8;
	[tilespmem:$0x1E400] =	vst v63  }
0x50: {  	_ =	swait.ge [sflag:s14], $0x4000  }
0x51: {  	[sflag:s14] =	ssyncset.done $0x0  }
0x52: {  	s26 =	simm.s32 $0x0;
	[sflag:s14] =	ssyncadd.s32 $0xFFFFC000  }
0x53: {  	[tilespmem:s15], [sflag:$0x1] =	stream.linear.gather [hbm4b:s9+s26], $0x1400, $0x38;
	[tilespmem:$0x1E400] =	vst v63  }
0x54: {  	_ =	swait.ge [sflag:s16], $0x1400  }
0x55: {  	[sflag:s16] =	ssyncset.done $0x0  }
0x56: {  	[sflag:s16] =	ssyncadd.s32 $0xFFFFEC00  }
0x57: {  	[tilespmem:s17], [sflag:$0x2] =	stream.linear.gather [hbm4b:s10+s26], $0x1400, $0x38;
	[tilespmem:$0x1E400] =	vst v63  }
0x58: {  	_ =	swait.ge [sflag:s18], $0x1400  }
0x59: {  	[sflag:s18] =	ssyncset.done $0x0  }
0x5a: {  	[sflag:s18] =	ssyncadd.s32 $0xFFFFEC00  }
0x5b: {  	[tilespmem:s20], [sflag:$0x1] =	stream.indirect.gather [hbm4b:s4+s19], $0x80, s15, s19, $0xb8;
	[tilespmem:$0x1E400] =	vst v63  }
0x5c: {  	_ = 	snop  }
0x5d: {  	[tilespmem:s22], [sflag:$0x2] =	stream.indirect.gather [hbm4b:s4+s19], $0x80, s21, s19, $0xb8;
	[tilespmem:$0x1E400] =	vst v63  }
0x5e: {  	_ =	swait.ge [sflag:s16], $0x4000  }
0x5f: {  	[sflag:s16] =	ssyncset.done $0x0  }
0x60: {  	s29 =	simm.s32 $0x15000;
	[sflag:s16] =	ssyncadd.s32 $0xFFFFC000  }
0x61: {  	[spmem:s2] =	stream.indirect.scatter.add.f32 [tilespmem:s20], [sflag:$0x3], $0x80, s29, s19, $0xb8;
	[tilespmem:$0x1E400] =	vst v63  }
0x62: {  	_ =	swait.ge [sflag:s14], $0x4000  }
0x63: {  	[sflag:s14] =	ssyncset.done $0x0  }
0x64: {  	s30 =	simm.s32 $0x13D00;
	[sflag:s14] =	ssyncadd.s32 $0xFFFFC000  }
0x65: {  	[tilespmem:s20], [sflag:$0x1] =	stream.indirect.gather [hbm4b:s4+s19], $0x80, s30, s19, $0xb8;
	[tilespmem:$0x1E400] =	vst v63  }
0x66: {  	_ =	swait.ge [sflag:s18], $0x4000  }
0x67: {  	[sflag:s18] =	ssyncset.done $0x0  }
0x68: {  	s31 =	simm.s32 $0x15080;
	[sflag:s18] =	ssyncadd.s32 $0xFFFFC000  }
0x69: {  	[spmem:s2] =	stream.indirect.scatter.add.f32 [tilespmem:s22], [sflag:$0x3], $0x80, s31, s19, $0xb8;
	[tilespmem:$0x1E400] =	vst v63  }
0x6a: {  	_ =	swait.ge [sflag:s14], $0x4000  }
0x6b: {  	[sflag:s14] =	ssyncset.done $0x0  }
0x6c: {  	s28 =	simm.s32 $0x13D80;
	s26 =	simm.s32 $0x400;
	[sflag:s14] =	ssyncadd.s32 $0xFFFFC000  }
.LBB2_4:
0x6d: {  	[tilespmem:s22], [sflag:$0x2] =	stream.indirect.gather [hbm4b:s4+s19], $0x80, s28, s19, $0xb8;
	[tilespmem:$0x1E400] =	vst v63  }
0x6e: {  	s28 =	smov.u32 s26  }
0x6f: {  	p0 =	sne.s32 s26, $0x4800;
	s26 =	sadd.s32 $0x400, s26;
	_ =	swait.ge [sflag:s16], $0x4000  }
0x70: {  	s28 =	sshra.s32 s28, $0x2;
	[sflag:s16] =	ssyncset.done $0x0  }
0x71: {  	s29 =	sadd.s32 $0x15000, s28;
	[sflag:s16] =	ssyncadd.s32 $0xFFFFC000  }
0x72: {  	[spmem:s2] =	stream.indirect.scatter.add.f32 [tilespmem:s20], [sflag:$0x3], $0x80, s29, s19, $0xb8;
	[tilespmem:$0x1E400] =	vst v63  }
0x73: {  	_ =	swait.ge [sflag:s14], $0x4000  }
0x74: {  	[sflag:s14] =	ssyncset.done $0x0  }
0x75: {  	s29 =	sadd.s32 $0x13D00, s28;
	[sflag:s14] =	ssyncadd.s32 $0xFFFFC000  }
0x76: {  	[tilespmem:s20], [sflag:$0x1] =	stream.indirect.gather [hbm4b:s4+s19], $0x80, s29, s19, $0xb8;
	[tilespmem:$0x1E400] =	vst v63  }
0x77: {  	_ =	swait.ge [sflag:s18], $0x4000  }
0x78: {  	[sflag:s18] =	ssyncset.done $0x0  }
.Ltmp1:
0x79: {  	s29 =	sadd.s32 $0x15080, s28;
	[sflag:s18] =	ssyncadd.s32 $0xFFFFC000;
	(pc) =	sbr.rel @p0 .LBB2_4-.Ltmp1, $4  }
0x7a: {  	[spmem:s2] =	stream.indirect.scatter.add.f32 [tilespmem:s22], [sflag:$0x3], $0x80, s29, s19, $0xb8;
	[tilespmem:$0x1E400] =	vst v63  }
0x7b: {  	_ =	swait.ge [sflag:s14], $0x4000  }
0x7c: {  	[sflag:s14] =	ssyncset.done $0x0  }
0x7d: {  	s28 =	sadd.s32 $0x13D80, s28;
	[sflag:s14] =	ssyncadd.s32 $0xFFFFC000  }
0x7e: {  	[tilespmem:s22], [sflag:$0x2] =	stream.indirect.gather [hbm4b:s4+s19], $0x80, s28, s19, $0xb8;
	[tilespmem:$0x1E400] =	vst v63  }
0x7f: {  	_ =	swait.ge [sflag:s16], $0x4000  }
0x80: {  	[sflag:s16] =	ssyncset.done $0x0  }
0x81: {  	[sflag:s16] =	ssyncadd.s32 $0xFFFFC000  }
0x82: {  	[spmem:s2] =	stream.indirect.scatter.add.f32 [tilespmem:s20], [sflag:$0x3], $0x80, s23, s19, $0xb8;
	[tilespmem:$0x1E400] =	vst v63  }
0x83: {  	_ =	swait.ge [sflag:s14], $0x4000  }
0x84: {  	[sflag:s14] =	ssyncset.done $0x0  }
0x85: {  	[sflag:s14] =	ssyncadd.s32 $0xFFFFC000  }
0x86: {  	_ =	swait.ge [sflag:s18], $0x4000  }
0x87: {  	[sflag:s18] =	ssyncset.done $0x0  }
0x88: {  	[sflag:s18] =	ssyncadd.s32 $0xFFFFC000  }
0x89: {  	[spmem:s2] =	stream.indirect.scatter.add.f32 [tilespmem:s22], [sflag:$0x3], $0x80, s24, s19, $0xb8;
	[tilespmem:$0x1E400] =	vst v63  }
0x8a: {  	_ =	swait.ge [sflag:s14], $0x4000  }
0x8b: {  	s25 =	sadd.s32 $0x1, s25;
	[sflag:s14] =	ssyncset.done $0x0  }
0x8c: {  	p0 =	sne.s32 s25, s12;
	[sflag:s14] =	ssyncadd.s32 $0xFFFFC000  }
.Ltmp2:
0x8d: {  	[bflag:$0x0] =	sbarrier.arrive $0xFFFF;
	(pc) =	sbr.rel @p0 .LBB2_1-.Ltmp2, $4  }
0x8e: {  	[hbm:s11], [sflag:s6] =	dma.local [spmem:s13], $0x2780  }
0x8f: {  	_ =	swait.ge [sflag:s14], $0x2780  }
0x90: {  	[sflag:s14] =	ssyncset.done $0x0  }
0x91: {  	[sflag:s14] =	ssyncadd.s32 $0xFFFFD880  }
0x92: {  	_ =	sfence.sel $0x180000  }
0x93: {  	[bflag:$0x0] =	sbarrier.arrive $0xFFFF  }
0x94: {  	p0 =	sne.s32 s1, $0x0;
	_ =	strace $0x9000004D  }
0x95: {  	s0 =	sadd.s32 @!p0 $0x100000, s0;
	[bflag:$0x2] =	sbarrier.arrive $0xFFFF  }
0x96: {  	[sflag:s0] =	ssyncadd.tile.s32 @!p0 $0x1;
	_ =	shalt  }
.Lfunc_end2:
_tile_overlayer_lowered:
.L_overlay_start_2:
0x97: {  	(tag) =	ssettag $0x2  }
0x98: {  	s0 =	rddreg [dreg:$0x0];
	s2 =	stileid.u32  }
0x99: {  	s1 =	rddreg [dreg:$0x1];
	p0 =	sne.s32 s2, $0x0  }
0x9a: {  	s3 =	rddreg [dreg:$0x2];
	[bflag:$0x3] =	sbarrier.arrive $0xFFFF;
	s2 =	simm.s32 @!p0 $0x1C03  }
0x9b: {  	[timem:s3], [sflag:s2] =	dma.local @!p0 [hbm:s0], s1  }
0x9c: {  	s0 =	simm.s32 @!p0 $0x3  }
0x9d: {  	_ =	swait.ge @!p0 [sflag:s0], s1  }
0x9e: {  	s1 =	ssub.s32 @!p0 $0x0, s1;
	[sflag:s0] =	ssyncset.done @!p0 $0x0  }
0x9f: {  	[sflag:s0] =	ssyncadd.s32 @!p0 s1  }
0xa0: {  	[bflag:$0x3] =	sbarrier.arrive $0xFFFF  }
0xa1: {  	_ =	shalt  }

// kernel: kernel.21.cloned.1.call-start
scs
__scs_entry_jumppad:
0x0: {  	(pc) =	sbr.rel $0x88, $3  }
0x1: {  	(tag) =	ssettag $0x0;
	lr =	simm.s32 $0x1  }
0x2: {  	[smem:$0x3F8D] =	sst lr;
	_ =	strace $0xD0000000  }
0x3: {  	_ = 	snop  }
0x4: {  	_ = 	snop  }
0x5: {  	_ = 	snop  }
0x6: {  	_ = 	snop  }
0x7: {  	_ = 	snop  }
__scs_overlays_trampoline_lowered:
0x8: {  	[smem:$0x3F9C] =	sst s0  }
0x9: {  	[smem:$0x3F9D] =	sst s1  }
0xa: {  	[smem:$0x3F9E] =	sst s2  }
0xb: {  	[smem:$0x3F9F] =	sst s3  }
0xc: {  	[smem:$0x3FA0] =	sst s4  }
0xd: {  	[smem:$0x3FA1] =	sst s5  }
0xe: {  	[smem:$0x3FA2] =	sst s6  }
0xf: {  	[smem:$0x3FA3] =	sst s7  }
0x10: {  	[smem:$0x3FA4] =	sst s8  }
0x11: {  	[smem:$0x3FA5] =	sst s9;
	s0 =	simm.s32 @!p0 $0x0  }
0x12: {  	s1 =	sld [smem:$0x3F8B];
	s0 =	simm.s32 @p0 $0x1  }
0x13: {  	[smem:$0x3FA6] =	sst s0;
	s0 =	simm.s32 @!p1 $0x0  }
0x14: {  	s2 =	sld [smem:$0x3F8A];
	s0 =	simm.s32 @p1 $0x1  }
0x15: {  	[smem:$0x3FA7] =	sst s0;
	s0 =	simm.s32 @!p2 $0x0  }
0x16: {  	s3 =	sld [smem:$0x3FDB];
	s0 =	simm.s32 @p2 $0x1  }
0x17: {  	s4 =	simm.s32 $0x1BF5;
	[smem:$0x3FA9] =	sst s0  }
0x18: {  	s0 =	sld [smem:$0x3F8C];
	_ =	swait.ge [sflag:s4], $0x0  }
0x19: {  	s7 =	sld [smem:$0x3F8D]  }
0x1a: {  	s8 =	sadd.s32 $0xFFFFE003, lr  }
0x1b: {  	s9 =	sadd.s32 $0xFFFFFEF7, lr;
	s5 =	simm.s32 $0xFFFFFFFF;
	p2 =	slt.u32 s8, $0xFFFFF086  }
0x1c: {  	p1 =	slt.u32 s9, $0xF7A;
	s5 =	simm.s32 @!p2 $0x0  }
0x1d: {  	s5 =	simm.s32 @p1 $0x1;
	p0 =	seq.s32 s7, s2  }
0x1e: {  	s7 =	smul.u32 @!p0 $0xF7A, s2;
	p2 =	seq.s32 @!p0 s5, $0x0  }
0x1f: {  	s9 =	smul.u32 $0xF7A, s1;
	s8 =	simm.s32 @!p0 $0x1BF5;
	p2 =	por !p2, p0  }
0x20: {  	[sflag:s8] =	ssyncset.s32 @!p0 $0xFFFFF086;
	s6 =	sadd.s32 @!p0 s3, s7;
	s7 =	simm.s32 @!p0 $0x108  }
0x21: {  	s3 =	sadd.s32 s3, s9;
	s6 =	sadd.s32 @!p0 $0x88, s6;
	s7 =	simm.s32 @p2 $0x1082  }
0x22: {  	[simem:s7], [sflag:s8] =	dma.local @!p0 [hbm:s6], $0xF7A  }
0x23: {  	s9 =	sor.u32 $0xD0000000, s2;
	s6 =	simm.s32 $0x108;
	_ =	swait.ge @!p0 [sflag:s8], $0x0  }
0x24: {  	s3 =	sadd.s32 $0x88, s3;
	s6 =	simm.s32 @!p1 $0x1082;
	[sflag:s4] =	ssyncset.s32 $0xFFFFF086  }
0x25: {  	[simem:s6], [sflag:s4] =	dma.local [hbm:s3], $0xF7A  }
0x26: {  	[smem:$0x3F8D] =	sst s1;
	(tag) =	ssettag s2;
	_ =	strace s9  }
0x27: {  	s1 =	sld [smem:$0x3F9D]  }
0x28: {  	s2 =	sld [smem:$0x3F9E]  }
0x29: {  	s4 =	sld [smem:$0x3FA0]  }
0x2a: {  	p0 =	seq.s32 s5, $0x0;
	s5 =	sld [smem:$0x3FA1]  }
0x2b: {  	s6 =	sld [smem:$0x3FA2]  }
0x2c: {  	s7 =	sld [smem:$0x3FA3]  }
0x2d: {  	s3 =	simm.s32 $0x108;
	s8 =	sld [smem:$0x3FA4]  }
0x2e: {  	s3 =	simm.s32 @!p0 $0x1082;
	s9 =	sld [smem:$0x3FA5]  }
0x2f: {  	lr =	sadd.s32 s0, s3;
	s0 =	sld [smem:$0x3F9C]  }
0x30: {  	s3 =	sld [smem:$0x3F9F]  }
0x31: {  	[smem:$0x3FA8] =	sst s10  }
0x32: {  	s10 =	sld [smem:$0x3FA6];
	_ =	sdelay $0x3  }
0x33: {  	p0 =	seq.s32 s10, $0x1;
	s10 =	sld [smem:$0x3FA8];
	_ =	sdelay $0x3  }
0x34: {  	[smem:$0x3FA8] =	sst s10  }
0x35: {  	s10 =	sld [smem:$0x3FA7];
	_ =	sdelay $0x3  }
0x36: {  	p1 =	seq.s32 s10, $0x1;
	s10 =	sld [smem:$0x3FA8];
	_ =	sdelay $0x3  }
0x37: {  	[smem:$0x3FA8] =	sst s10  }
0x38: {  	s10 =	sld [smem:$0x3FA9]  }
0x39: {  	_ = 	snop;
	(pc) =	sbr.ind lr, $3  }
0x3a: {  	_ = 	snop  }
0x3b: {  	_ = 	snop  }
0x3c: {  	p2 =	seq.s32 s10, $0x1;
	s10 =	sld [smem:$0x3FA8]  }
0x3d: {  	_ =	shalt  }
0x3e: {  	_ =	shalt  }
0x3f: {  	_ =	shalt  }
0x40: {  	_ =	shalt  }
0x41: {  	_ =	shalt  }
0x42: {  	_ =	shalt  }
0x43: {  	_ =	shalt  }
0x44: {  	_ =	shalt  }
0x45: {  	_ =	shalt  }
0x46: {  	_ =	shalt  }
0x47: {  	_ =	shalt  }
0x48: {  	_ =	shalt  }
0x49: {  	_ =	shalt  }
0x4a: {  	_ =	shalt  }
0x4b: {  	_ =	shalt  }
0x4c: {  	_ =	shalt  }
0x4d: {  	_ =	shalt  }
0x4e: {  	_ =	shalt  }
0x4f: {  	_ =	shalt  }
0x50: {  	_ =	shalt  }
0x51: {  	_ =	shalt  }
0x52: {  	_ =	shalt  }
0x53: {  	_ =	shalt  }
0x54: {  	_ =	shalt  }
0x55: {  	_ =	shalt  }
0x56: {  	_ =	shalt  }
0x57: {  	_ =	shalt  }
0x58: {  	_ =	shalt  }
0x59: {  	_ =	shalt  }
0x5a: {  	_ =	shalt  }
0x5b: {  	_ =	shalt  }
0x5c: {  	_ =	shalt  }
0x5d: {  	_ =	shalt  }
0x5e: {  	_ =	shalt  }
0x5f: {  	_ =	shalt  }
0x60: {  	_ =	shalt  }
0x61: {  	_ =	shalt  }
0x62: {  	_ =	shalt  }
0x63: {  	_ =	shalt  }
0x64: {  	_ =	shalt  }
0x65: {  	_ =	shalt  }
0x66: {  	_ =	shalt  }
0x67: {  	_ =	shalt  }
0x68: {  	_ =	shalt  }
0x69: {  	_ =	shalt  }
0x6a: {  	_ =	shalt  }
0x6b: {  	_ =	shalt  }
0x6c: {  	_ =	shalt  }
0x6d: {  	_ =	shalt  }
0x6e: {  	_ =	shalt  }
0x6f: {  	_ =	shalt  }
0x70: {  	_ =	shalt  }
0x71: {  	_ =	shalt  }
0x72: {  	_ =	shalt  }
0x73: {  	_ =	shalt  }
0x74: {  	_ =	shalt  }
0x75: {  	_ =	shalt  }
0x76: {  	_ =	shalt  }
0x77: {  	_ =	shalt  }
0x78: {  	_ =	shalt  }
0x79: {  	_ =	shalt  }
0x7a: {  	_ =	shalt  }
0x7b: {  	_ =	shalt  }
0x7c: {  	_ =	shalt  }
0x7d: {  	_ =	shalt  }
0x7e: {  	_ =	shalt  }
0x7f: {  	_ =	shalt  }
0x80: {  	_ =	shalt  }
0x81: {  	_ =	shalt  }
0x82: {  	_ =	shalt  }
0x83: {  	_ =	shalt  }
0x84: {  	_ =	shalt  }
0x85: {  	_ =	shalt  }
0x86: {  	_ =	shalt  }
0x87: {  	_ =	shalt  }
.Lfunc_end0:
.L_simem_size_0:
called_computation.3_lowered:
.L_overlay_start_0:
0x88: {  	s2 =	sld [smem:$0x3FD9]  }
0x89: {  	s3 =	sld [smem:$0x3FFE];
	_ =	sdelay $0x1  }
0x8a: {  	s1 =	srdreg.scid  }
0x8b: {  	s0 =	sand.u32 $0x1, s1  }
0x8c: {  	s16 =	sshll.u32 s0, $0xA;
	s2 =	sadd.s32 s3, s2  }
0x8d: {  	s2 =	sadd.s32 s2, s16  }
0x8e: {  	[smem:$0x3FB4] =	sst s2  }
0x8f: {  	_ = 	snop  }
0x90: {  	(tm) =	ssettm $0x1  }
0x91: {  	s17 =	sld [smem:$0x3FFB];
	_ =	sdelay $0x3  }
0x92: {  	_ =	strace s17  }
0x93: {  	s2 =	sld [smem:$0x3FFC];
	_ =	sdelay $0x3  }
0x94: {  	_ =	strace s2  }
0x95: {  	s2 =	sld [smem:$0x3FFD];
	_ =	sdelay $0x3  }
0x96: {  	_ =	strace s2  }
0x97: {  	_ =	strace $0x8FFFFFFF  }
0x98: {  	s18 =	sld [smem:$0x3FDB];
	_ =	sdelay $0x1  }
0x99: {  	s19 =	simm.s32 $_scs_section_size  }
0x9a: {  	s4 =	simm.s32 $_size__tile_overlayer_lowered;
	s5 =	simm.s32 $_tile_overlayer_lowered  }
0x9b: {  	s22 =	simm.s32 $0x1BFF;
	s21 =	sshll.u32 s5, $0x1;
	s2 =	sadd.s32 s19, s18  }
0x9c: {  	s6 =	simm.s32 $0x0;
	s20 =	sshll.u32 s4, $0x1;
	s4 =	sadd.s32 s21, s2  }
0x9d: {  	[timem:s6], [sflag:s22] =	dma.local [hbm:s4], s20  }
0x9e: {  	_ =	swait.ge [sflag:s22], s20  }
0x9f: {  	s3 =	ssub.s32 $0x0, s20;
	[sflag:s22] =	ssyncset.done $0x0  }
0xa0: {  	[sflag:s22] =	ssyncadd.s32 s3;
	_ =	sdelay $0x1  }
0xa1: {  	s23 =	simm.s32 $0x1B8B  }
0xa2: {  	_ =	swait.ge [sflag:s23], $0x1  }
0xa3: {  	[sflag:s23] =	ssyncset.done $0x0  }
0xa4: {  	s25 =	simm.s32 $0x1B8E;
	s24 =	sld [smem:$0x3FFE];
	[sflag:s23] =	ssyncadd.s32 $0xFFFFFFFF  }
0xa5: {  	s26 =	simm.s32 $execute0_lowered;
	[smem:$0x3FD2] =	sst s25  }
0xa6: {  	s4 =	sshll.u32 s26, $0x1;
	_ =	strace $0x8000004F;
	[dreg:$0x1] =	wrdreg $0xFFFFFFFF  }
0xa7: {  	s28 =	simm.s32 $_size_execute0_lowered;
	s2 =	sadd.s32 s2, s4;
	[dreg:$0x0] =	wrdreg $0x0  }
0xa8: {  	s4 =	sshll.u32 s28, $0x1;
	[dreg:$0x2] =	wrdreg s2  }
0xa9: {  	[dreg:$0x3] =	wrdreg s4  }
0xaa: {  	[dreg:$0x4] =	wrdreg $0xC0  }
0xab: {  	_ =	task [dreg:s6], $0x5FFFF  }
0xac: {  	[dreg:$0x1] =	wrdreg $0xFFFFFFFF  }
0xad: {  	[dreg:$0x0] =	wrdreg $0x60  }
0xae: {  	[dreg:$0x2] =	wrdreg s24  }
0xaf: {  	[dreg:$0x3] =	wrdreg $0x0  }
0xb0: {  	[dreg:$0x4] =	wrdreg $0x9  }
0xb1: {  	_ =	task.clear_ibuf [dreg:s6], $0x5FFFF;
	_ =	strace $0x9000004F  }
0xb2: {  	s29 =	simm.s32 $0x9;
	_ =	strace $0x80000051  }
0xb3: {  	_ =	swait.ge [sflag:s29], $0x1  }
0xb4: {  	[sflag:s29] =	ssyncadd.s32 $0xFFFFFFFF  }
0xb5: {  	_ =	strace $0x90000051  }
0xb6: {  	_ =	sfence  }
0xb7: {  	s30 =	sld [smem:$0x0];
	_ =	sdelay $0x2  }
0xb8: {  	s31 =	sshll.u32 s1, $0xD;
	s1 =	sshrl.u32 s1, $0x2  }
0xb9: {  	s3 =	sand.u32 $0x4000, s31;
	s1 =	sadd.s32 s1, s30  }
0xba: {  	s0 =	sor.u32 s3, s0;
	s1 =	sshll.u32 s1, $0x11  }
0xbb: {  	s0 =	sor.u32 s1, s0  }
0xbc: {  	s0 =	sadd.s32 $0x8F2B, s0  }
0xbd: {  	[sflag:s0] =	ssyncadd.remote.s32 $0x1  }
0xbe: {  	_ =	sfence.sel $0xFFFF  }
0xbf: {  	[dreg:$0x0] =	wrdreg $0xFFFFFFFF;
	(pc) =	sbr.abs _section_cstart, $3  }
0xc0: {  	[dreg:$0x1] =	wrdreg $0xFFFFFFFF  }
0xc1: {  	_ =	task.clear_ibuf [dreg:s6], $0x2FFFF;
	_ =	strace $0x9FFFFFFF  }
0xc2: {  	(tm) =	ssettm $0x7FFFFFFF  }
0xc3: {  	_ =	shalt  }
tec
execute0_lowered:
.L_overlay_start_1:
0x0: {  	(tag) =	ssettag $0x1  }
0x1: {  	s5 =	rddreg [dreg:$0x0]  }
0x2: {  	s2 =	rddreg [dreg:$0x1]  }
0x3: {  	s0 =	rddreg [dreg:$0x2];
	s3 =	simm.s32 $0x0;
	s1 =	stileid.u32  }
0x4: {  	s4 =	srdreg.scid;
	s16 =	simm.s32 $0x1;
	s17 =	simm.s32 $0x15000  }
0x5: {  	s18 =	simm.s32 $0x2;
	s19 =	simm.s32 $0x80;
	s20 =	simm.s32 $0x16400  }
0x6: {  	s21 =	simm.s32 $0x13C80;
	s22 =	simm.s32 $0x1A400;
	[smem:$0x7FF] =	sst s3  }
0x7: {  	s6 =	smul.u32 $0x13C00, s1;
	s7 =	sand.u32 $0x1, s4;
	s4 =	sadd.s32 $0x18400, s5  }
0x8: {  	s9 =	sadd.s32 $0xE400, s5;
	s11 =	sadd.s32 $0x4400, s5;
	s12 =	smul.u32 $0x4F000, s1  }
0x9: {  	s30 =	sshll.u32 s1, $0x6;
	_ =	strace $0x80000050;
	s8 =	smul.u32 $0x13C000, s7  }
0xa: {  	s23 =	sshll.u32 s7, $0x4;
	s24 =	ssub.s32 $0x2, s7;
	s10 =	sshrl.u32 s6, $0x3  }
0xb: {  	s25 =	sor.u32 s1, s23;
	s7 =	sshrl.u32 s24, $0x1;
	s26 =	sshrl.u32 s12, $0x2  }
0xc: {  	s23 =	simm.s32 $0x16300;
	s10 =	sadd.s32 s10, s5;
	s6 =	sadd.s32 s6, s8  }
0xd: {  	s28 =	smul.u32 $0x2800, s25;
	s14 =	ssub.s32 s24, s7;
	s15 =	sadd.s32 s26, s2  }
0xe: {  	s29 =	smul.u32 $0x500, s25;
	s24 =	simm.s32 $0x16380;
	s25 =	simm.s32 $0x0  }
0xf: {  	s6 =	sshrl.u32 s6, $0x3;
	s12 =	smax.u32 s14, $0x1;
	s14 =	simm.s32 $0x3  }
0x10: {  	s13 =	sadd.s32 s6, s5;
	s5 =	sadd.s32 $0x3F600, s10;
	s31 =	sshrl.u32 s28, $0x3  }
0x11: {  	s6 =	sor.u32 $0x1C03, s30;
	s7 =	sadd.s32 s9, s29;
	s10 =	sadd.s32 $0x280, s31  }
0x12: {  	s8 =	sadd.s32 s11, s29;
	s9 =	sadd.s32 s9, s10;
	s10 =	sadd.s32 s11, s10  }
0x13: {  	s11 =	sadd.s32 $0x109000, s13;
	s13 =	sshrl.u32 s15, $0x3;
	s15 =	simm.s32 $0x13C00  }
.LBB2_1:
0x14: {  	[spmem:s13], [sflag:s6] =	dma.local [hbm:s5], $0x2780  }
0x15: {  	_ =	swait.ge [sflag:s14], $0x2780  }
0x16: {  	[sflag:s14] =	ssyncset.done $0x0  }
0x17: {  	[sflag:s14] =	ssyncadd.s32 $0xFFFFD880  }
0x18: {  	[bflag:$0x0] =	sbarrier.arrive $0xFFFF  }
0x19: {  	[tilespmem:s15], [sflag:$0x1] =	stream.linear.gather [hbm4b:s7+s3], $0x1400, $0x38;
	[tilespmem:$0x1E400] =	vst v63  }
0x1a: {  	_ =	swait.ge [sflag:s16], $0x1400  }
0x1b: {  	[sflag:s16] =	ssyncset.done $0x0  }
0x1c: {  	[sflag:s16] =	ssyncadd.s32 $0xFFFFEC00  }
0x1d: {  	[tilespmem:s17], [sflag:$0x2] =	stream.linear.gather [hbm4b:s8+s3], $0x1400, $0x38;
	[tilespmem:$0x1E400] =	vst v63  }
0x1e: {  	_ =	swait.ge [sflag:s18], $0x1400  }
0x1f: {  	[sflag:s18] =	ssyncset.done $0x0  }
0x20: {  	[sflag:s18] =	ssyncadd.s32 $0xFFFFEC00  }
0x21: {  	[tilespmem:s20], [sflag:$0x1] =	stream.indirect.gather [hbm4b:s4+s19], $0x80, s15, s19, $0xb8;
	[tilespmem:$0x1E400] =	vst v63  }
0x22: {  	_ = 	snop  }
0x23: {  	[tilespmem:s22], [sflag:$0x2] =	stream.indirect.gather [hbm4b:s4+s19], $0x80, s21, s19, $0xb8;
	[tilespmem:$0x1E400] =	vst v63  }
0x24: {  	_ =	swait.ge [sflag:s16], $0x4000  }
0x25: {  	[sflag:s16] =	ssyncset.done $0x0  }
0x26: {  	s26 =	simm.s32 $0x15000;
	[sflag:s16] =	ssyncadd.s32 $0xFFFFC000  }
0x27: {  	[spmem:s2] =	stream.indirect.scatter.add.f32 [tilespmem:s20], [sflag:$0x3], $0x80, s26, s19, $0xb8;
	[tilespmem:$0x1E400] =	vst v63  }
0x28: {  	_ =	swait.ge [sflag:s14], $0x4000  }
0x29: {  	[sflag:s14] =	ssyncset.done $0x0  }
0x2a: {  	s30 =	simm.s32 $0x13D00;
	[sflag:s14] =	ssyncadd.s32 $0xFFFFC000  }
0x2b: {  	[tilespmem:s20], [sflag:$0x1] =	stream.indirect.gather [hbm4b:s4+s19], $0x80, s30, s19, $0xb8;
	[tilespmem:$0x1E400] =	vst v63  }
0x2c: {  	_ =	swait.ge [sflag:s18], $0x4000  }
0x2d: {  	[sflag:s18] =	ssyncset.done $0x0  }
0x2e: {  	s31 =	simm.s32 $0x15080;
	[sflag:s18] =	ssyncadd.s32 $0xFFFFC000  }
0x2f: {  	[spmem:s2] =	stream.indirect.scatter.add.f32 [tilespmem:s22], [sflag:$0x3], $0x80, s31, s19, $0xb8;
	[tilespmem:$0x1E400] =	vst v63  }
0x30: {  	_ =	swait.ge [sflag:s14], $0x4000  }
0x31: {  	[sflag:s14] =	ssyncset.done $0x0  }
0x32: {  	s28 =	simm.s32 $0x13D80;
	s26 =	simm.s32 $0x400;
	[sflag:s14] =	ssyncadd.s32 $0xFFFFC000  }
.LBB2_2:
0x33: {  	[tilespmem:s22], [sflag:$0x2] =	stream.indirect.gather [hbm4b:s4+s19], $0x80, s28, s19, $0xb8;
	[tilespmem:$0x1E400] =	vst v63  }
0x34: {  	s28 =	smov.u32 s26  }
0x35: {  	p0 =	sne.s32 s26, $0x4800;
	s26 =	sadd.s32 $0x400, s26;
	_ =	swait.ge [sflag:s16], $0x4000  }
0x36: {  	s28 =	sshra.s32 s28, $0x2;
	[sflag:s16] =	ssyncset.done $0x0  }
0x37: {  	s29 =	sadd.s32 $0x15000, s28;
	[sflag:s16] =	ssyncadd.s32 $0xFFFFC000  }
0x38: {  	[spmem:s2] =	stream.indirect.scatter.add.f32 [tilespmem:s20], [sflag:$0x3], $0x80, s29, s19, $0xb8;
	[tilespmem:$0x1E400] =	vst v63  }
0x39: {  	_ =	swait.ge [sflag:s14], $0x4000  }
0x3a: {  	[sflag:s14] =	ssyncset.done $0x0  }
0x3b: {  	s29 =	sadd.s32 $0x13D00, s28;
	[sflag:s14] =	ssyncadd.s32 $0xFFFFC000  }
0x3c: {  	[tilespmem:s20], [sflag:$0x1] =	stream.indirect.gather [hbm4b:s4+s19], $0x80, s29, s19, $0xb8;
	[tilespmem:$0x1E400] =	vst v63  }
0x3d: {  	_ =	swait.ge [sflag:s18], $0x4000  }
0x3e: {  	[sflag:s18] =	ssyncset.done $0x0  }
.Ltmp0:
0x3f: {  	s29 =	sadd.s32 $0x15080, s28;
	[sflag:s18] =	ssyncadd.s32 $0xFFFFC000;
	(pc) =	sbr.rel @p0 .LBB2_2-.Ltmp0, $4  }
0x40: {  	[spmem:s2] =	stream.indirect.scatter.add.f32 [tilespmem:s22], [sflag:$0x3], $0x80, s29, s19, $0xb8;
	[tilespmem:$0x1E400] =	vst v63  }
0x41: {  	_ =	swait.ge [sflag:s14], $0x4000  }
0x42: {  	[sflag:s14] =	ssyncset.done $0x0  }
0x43: {  	s28 =	sadd.s32 $0x13D80, s28;
	[sflag:s14] =	ssyncadd.s32 $0xFFFFC000  }
0x44: {  	[tilespmem:s22], [sflag:$0x2] =	stream.indirect.gather [hbm4b:s4+s19], $0x80, s28, s19, $0xb8;
	[tilespmem:$0x1E400] =	vst v63  }
0x45: {  	_ =	swait.ge [sflag:s16], $0x4000  }
0x46: {  	[sflag:s16] =	ssyncset.done $0x0  }
0x47: {  	[sflag:s16] =	ssyncadd.s32 $0xFFFFC000  }
0x48: {  	[spmem:s2] =	stream.indirect.scatter.add.f32 [tilespmem:s20], [sflag:$0x3], $0x80, s23, s19, $0xb8;
	[tilespmem:$0x1E400] =	vst v63  }
0x49: {  	_ =	swait.ge [sflag:s14], $0x4000  }
0x4a: {  	[sflag:s14] =	ssyncset.done $0x0  }
0x4b: {  	[sflag:s14] =	ssyncadd.s32 $0xFFFFC000  }
0x4c: {  	_ =	swait.ge [sflag:s18], $0x4000  }
0x4d: {  	[sflag:s18] =	ssyncset.done $0x0  }
0x4e: {  	[sflag:s18] =	ssyncadd.s32 $0xFFFFC000  }
0x4f: {  	[spmem:s2] =	stream.indirect.scatter.add.f32 [tilespmem:s22], [sflag:$0x3], $0x80, s24, s19, $0xb8;
	[tilespmem:$0x1E400] =	vst v63  }
0x50: {  	_ =	swait.ge [sflag:s14], $0x4000  }
0x51: {  	[sflag:s14] =	ssyncset.done $0x0  }
0x52: {  	s26 =	simm.s32 $0x0;
	[sflag:s14] =	ssyncadd.s32 $0xFFFFC000  }
0x53: {  	[tilespmem:s15], [sflag:$0x1] =	stream.linear.gather [hbm4b:s9+s26], $0x1400, $0x38;
	[tilespmem:$0x1E400] =	vst v63  }
0x54: {  	_ =	swait.ge [sflag:s16], $0x1400  }
0x55: {  	[sflag:s16] =	ssyncset.done $0x0  }
0x56: {  	[sflag:s16] =	ssyncadd.s32 $0xFFFFEC00  }
0x57: {  	[tilespmem:s17], [sflag:$0x2] =	stream.linear.gather [hbm4b:s10+s26], $0x1400, $0x38;
	[tilespmem:$0x1E400] =	vst v63  }
0x58: {  	_ =	swait.ge [sflag:s18], $0x1400  }
0x59: {  	[sflag:s18] =	ssyncset.done $0x0  }
0x5a: {  	[sflag:s18] =	ssyncadd.s32 $0xFFFFEC00  }
0x5b: {  	[tilespmem:s20], [sflag:$0x1] =	stream.indirect.gather [hbm4b:s4+s19], $0x80, s15, s19, $0xb8;
	[tilespmem:$0x1E400] =	vst v63  }
0x5c: {  	_ = 	snop  }
0x5d: {  	[tilespmem:s22], [sflag:$0x2] =	stream.indirect.gather [hbm4b:s4+s19], $0x80, s21, s19, $0xb8;
	[tilespmem:$0x1E400] =	vst v63  }
0x5e: {  	_ =	swait.ge [sflag:s16], $0x4000  }
0x5f: {  	[sflag:s16] =	ssyncset.done $0x0  }
0x60: {  	s29 =	simm.s32 $0x15000;
	[sflag:s16] =	ssyncadd.s32 $0xFFFFC000  }
0x61: {  	[spmem:s2] =	stream.indirect.scatter.add.f32 [tilespmem:s20], [sflag:$0x3], $0x80, s29, s19, $0xb8;
	[tilespmem:$0x1E400] =	vst v63  }
0x62: {  	_ =	swait.ge [sflag:s14], $0x4000  }
0x63: {  	[sflag:s14] =	ssyncset.done $0x0  }
0x64: {  	s30 =	simm.s32 $0x13D00;
	[sflag:s14] =	ssyncadd.s32 $0xFFFFC000  }
0x65: {  	[tilespmem:s20], [sflag:$0x1] =	stream.indirect.gather [hbm4b:s4+s19], $0x80, s30, s19, $0xb8;
	[tilespmem:$0x1E400] =	vst v63  }
0x66: {  	_ =	swait.ge [sflag:s18], $0x4000  }
0x67: {  	[sflag:s18] =	ssyncset.done $0x0  }
0x68: {  	s31 =	simm.s32 $0x15080;
	[sflag:s18] =	ssyncadd.s32 $0xFFFFC000  }
0x69: {  	[spmem:s2] =	stream.indirect.scatter.add.f32 [tilespmem:s22], [sflag:$0x3], $0x80, s31, s19, $0xb8;
	[tilespmem:$0x1E400] =	vst v63  }
0x6a: {  	_ =	swait.ge [sflag:s14], $0x4000  }
0x6b: {  	[sflag:s14] =	ssyncset.done $0x0  }
0x6c: {  	s28 =	simm.s32 $0x13D80;
	s26 =	simm.s32 $0x400;
	[sflag:s14] =	ssyncadd.s32 $0xFFFFC000  }
.LBB2_4:
0x6d: {  	[tilespmem:s22], [sflag:$0x2] =	stream.indirect.gather [hbm4b:s4+s19], $0x80, s28, s19, $0xb8;
	[tilespmem:$0x1E400] =	vst v63  }
0x6e: {  	s28 =	smov.u32 s26  }
0x6f: {  	p0 =	sne.s32 s26, $0x4800;
	s26 =	sadd.s32 $0x400, s26;
	_ =	swait.ge [sflag:s16], $0x4000  }
0x70: {  	s28 =	sshra.s32 s28, $0x2;
	[sflag:s16] =	ssyncset.done $0x0  }
0x71: {  	s29 =	sadd.s32 $0x15000, s28;
	[sflag:s16] =	ssyncadd.s32 $0xFFFFC000  }
0x72: {  	[spmem:s2] =	stream.indirect.scatter.add.f32 [tilespmem:s20], [sflag:$0x3], $0x80, s29, s19, $0xb8;
	[tilespmem:$0x1E400] =	vst v63  }
0x73: {  	_ =	swait.ge [sflag:s14], $0x4000  }
0x74: {  	[sflag:s14] =	ssyncset.done $0x0  }
0x75: {  	s29 =	sadd.s32 $0x13D00, s28;
	[sflag:s14] =	ssyncadd.s32 $0xFFFFC000  }
0x76: {  	[tilespmem:s20], [sflag:$0x1] =	stream.indirect.gather [hbm4b:s4+s19], $0x80, s29, s19, $0xb8;
	[tilespmem:$0x1E400] =	vst v63  }
0x77: {  	_ =	swait.ge [sflag:s18], $0x4000  }
0x78: {  	[sflag:s18] =	ssyncset.done $0x0  }
.Ltmp1:
0x79: {  	s29 =	sadd.s32 $0x15080, s28;
	[sflag:s18] =	ssyncadd.s32 $0xFFFFC000;
	(pc) =	sbr.rel @p0 .LBB2_4-.Ltmp1, $4  }
0x7a: {  	[spmem:s2] =	stream.indirect.scatter.add.f32 [tilespmem:s22], [sflag:$0x3], $0x80, s29, s19, $0xb8;
	[tilespmem:$0x1E400] =	vst v63  }
0x7b: {  	_ =	swait.ge [sflag:s14], $0x4000  }
0x7c: {  	[sflag:s14] =	ssyncset.done $0x0  }
0x7d: {  	s28 =	sadd.s32 $0x13D80, s28;
	[sflag:s14] =	ssyncadd.s32 $0xFFFFC000  }
0x7e: {  	[tilespmem:s22], [sflag:$0x2] =	stream.indirect.gather [hbm4b:s4+s19], $0x80, s28, s19, $0xb8;
	[tilespmem:$0x1E400] =	vst v63  }
0x7f: {  	_ =	swait.ge [sflag:s16], $0x4000  }
0x80: {  	[sflag:s16] =	ssyncset.done $0x0  }
0x81: {  	[sflag:s16] =	ssyncadd.s32 $0xFFFFC000  }
0x82: {  	[spmem:s2] =	stream.indirect.scatter.add.f32 [tilespmem:s20], [sflag:$0x3], $0x80, s23, s19, $0xb8;
	[tilespmem:$0x1E400] =	vst v63  }
0x83: {  	_ =	swait.ge [sflag:s14], $0x4000  }
0x84: {  	[sflag:s14] =	ssyncset.done $0x0  }
0x85: {  	[sflag:s14] =	ssyncadd.s32 $0xFFFFC000  }
0x86: {  	_ =	swait.ge [sflag:s18], $0x4000  }
0x87: {  	[sflag:s18] =	ssyncset.done $0x0  }
0x88: {  	[sflag:s18] =	ssyncadd.s32 $0xFFFFC000  }
0x89: {  	[spmem:s2] =	stream.indirect.scatter.add.f32 [tilespmem:s22], [sflag:$0x3], $0x80, s24, s19, $0xb8;
	[tilespmem:$0x1E400] =	vst v63  }
0x8a: {  	_ =	swait.ge [sflag:s14], $0x4000  }
0x8b: {  	s25 =	sadd.s32 $0x1, s25;
	[sflag:s14] =	ssyncset.done $0x0  }
0x8c: {  	p0 =	sne.s32 s25, s12;
	[sflag:s14] =	ssyncadd.s32 $0xFFFFC000  }
.Ltmp2:
0x8d: {  	[bflag:$0x0] =	sbarrier.arrive $0xFFFF;
	(pc) =	sbr.rel @p0 .LBB2_1-.Ltmp2, $4  }
0x8e: {  	[hbm:s11], [sflag:s6] =	dma.local [spmem:s13], $0x2780  }
0x8f: {  	_ =	swait.ge [sflag:s14], $0x2780  }
0x90: {  	[sflag:s14] =	ssyncset.done $0x0  }
0x91: {  	[sflag:s14] =	ssyncadd.s32 $0xFFFFD880  }
0x92: {  	_ =	sfence.sel $0x180000  }
0x93: {  	[bflag:$0x0] =	sbarrier.arrive $0xFFFF  }
0x94: {  	p0 =	sne.s32 s1, $0x0;
	_ =	strace $0x90000050  }
0x95: {  	s0 =	sadd.s32 @!p0 $0x100000, s0;
	[bflag:$0x2] =	sbarrier.arrive $0xFFFF  }
0x96: {  	[sflag:s0] =	ssyncadd.tile.s32 @!p0 $0x1;
	_ =	shalt  }
.Lfunc_end2:
_tile_overlayer_lowered:
.L_overlay_start_2:
0x97: {  	(tag) =	ssettag $0x2  }
0x98: {  	s0 =	rddreg [dreg:$0x0];
	s2 =	stileid.u32  }
0x99: {  	s1 =	rddreg [dreg:$0x1];
	p0 =	sne.s32 s2, $0x0  }
0x9a: {  	s3 =	rddreg [dreg:$0x2];
	[bflag:$0x3] =	sbarrier.arrive $0xFFFF;
	s2 =	simm.s32 @!p0 $0x1C03  }
0x9b: {  	[timem:s3], [sflag:s2] =	dma.local @!p0 [hbm:s0], s1  }
0x9c: {  	s0 =	simm.s32 @!p0 $0x3  }
0x9d: {  	_ =	swait.ge @!p0 [sflag:s0], s1  }
0x9e: {  	s1 =	ssub.s32 @!p0 $0x0, s1;
	[sflag:s0] =	ssyncset.done @!p0 $0x0  }
0x9f: {  	[sflag:s0] =	ssyncadd.s32 @!p0 s1  }
0xa0: {  	[bflag:$0x3] =	sbarrier.arrive $0xFFFF  }
0xa1: {  	_ =	shalt  }

// kernel: kernel.24.cloned.1.call-start
scs
__scs_entry_jumppad:
0x0: {  	(pc) =	sbr.rel $0x88, $3  }
0x1: {  	(tag) =	ssettag $0x0;
	lr =	simm.s32 $0x1  }
0x2: {  	[smem:$0x3F8D] =	sst lr;
	_ =	strace $0xD0000000  }
0x3: {  	_ = 	snop  }
0x4: {  	_ = 	snop  }
0x5: {  	_ = 	snop  }
0x6: {  	_ = 	snop  }
0x7: {  	_ = 	snop  }
__scs_overlays_trampoline_lowered:
0x8: {  	[smem:$0x3F9C] =	sst s0  }
0x9: {  	[smem:$0x3F9D] =	sst s1  }
0xa: {  	[smem:$0x3F9E] =	sst s2  }
0xb: {  	[smem:$0x3F9F] =	sst s3  }
0xc: {  	[smem:$0x3FA0] =	sst s4  }
0xd: {  	[smem:$0x3FA1] =	sst s5  }
0xe: {  	[smem:$0x3FA2] =	sst s6  }
0xf: {  	[smem:$0x3FA3] =	sst s7  }
0x10: {  	[smem:$0x3FA4] =	sst s8  }
0x11: {  	[smem:$0x3FA5] =	sst s9;
	s0 =	simm.s32 @!p0 $0x0  }
0x12: {  	s1 =	sld [smem:$0x3F8B];
	s0 =	simm.s32 @p0 $0x1  }
0x13: {  	[smem:$0x3FA6] =	sst s0;
	s0 =	simm.s32 @!p1 $0x0  }
0x14: {  	s2 =	sld [smem:$0x3F8A];
	s0 =	simm.s32 @p1 $0x1  }
0x15: {  	[smem:$0x3FA7] =	sst s0;
	s0 =	simm.s32 @!p2 $0x0  }
0x16: {  	s3 =	sld [smem:$0x3FDB];
	s0 =	simm.s32 @p2 $0x1  }
0x17: {  	s4 =	simm.s32 $0x1BF5;
	[smem:$0x3FA9] =	sst s0  }
0x18: {  	s0 =	sld [smem:$0x3F8C];
	_ =	swait.ge [sflag:s4], $0x0  }
0x19: {  	s7 =	sld [smem:$0x3F8D]  }
0x1a: {  	s8 =	sadd.s32 $0xFFFFE003, lr  }
0x1b: {  	s9 =	sadd.s32 $0xFFFFFEF7, lr;
	s5 =	simm.s32 $0xFFFFFFFF;
	p2 =	slt.u32 s8, $0xFFFFF086  }
0x1c: {  	p1 =	slt.u32 s9, $0xF7A;
	s5 =	simm.s32 @!p2 $0x0  }
0x1d: {  	s5 =	simm.s32 @p1 $0x1;
	p0 =	seq.s32 s7, s2  }
0x1e: {  	s7 =	smul.u32 @!p0 $0xF7A, s2;
	p2 =	seq.s32 @!p0 s5, $0x0  }
0x1f: {  	s9 =	smul.u32 $0xF7A, s1;
	s8 =	simm.s32 @!p0 $0x1BF5;
	p2 =	por !p2, p0  }
0x20: {  	[sflag:s8] =	ssyncset.s32 @!p0 $0xFFFFF086;
	s6 =	sadd.s32 @!p0 s3, s7;
	s7 =	simm.s32 @!p0 $0x108  }
0x21: {  	s3 =	sadd.s32 s3, s9;
	s6 =	sadd.s32 @!p0 $0x88, s6;
	s7 =	simm.s32 @p2 $0x1082  }
0x22: {  	[simem:s7], [sflag:s8] =	dma.local @!p0 [hbm:s6], $0xF7A  }
0x23: {  	s9 =	sor.u32 $0xD0000000, s2;
	s6 =	simm.s32 $0x108;
	_ =	swait.ge @!p0 [sflag:s8], $0x0  }
0x24: {  	s3 =	sadd.s32 $0x88, s3;
	s6 =	simm.s32 @!p1 $0x1082;
	[sflag:s4] =	ssyncset.s32 $0xFFFFF086  }
0x25: {  	[simem:s6], [sflag:s4] =	dma.local [hbm:s3], $0xF7A  }
0x26: {  	[smem:$0x3F8D] =	sst s1;
	(tag) =	ssettag s2;
	_ =	strace s9  }
0x27: {  	s1 =	sld [smem:$0x3F9D]  }
0x28: {  	s2 =	sld [smem:$0x3F9E]  }
0x29: {  	s4 =	sld [smem:$0x3FA0]  }
0x2a: {  	p0 =	seq.s32 s5, $0x0;
	s5 =	sld [smem:$0x3FA1]  }
0x2b: {  	s6 =	sld [smem:$0x3FA2]  }
0x2c: {  	s7 =	sld [smem:$0x3FA3]  }
0x2d: {  	s3 =	simm.s32 $0x108;
	s8 =	sld [smem:$0x3FA4]  }
0x2e: {  	s3 =	simm.s32 @!p0 $0x1082;
	s9 =	sld [smem:$0x3FA5]  }
0x2f: {  	lr =	sadd.s32 s0, s3;
	s0 =	sld [smem:$0x3F9C]  }
0x30: {  	s3 =	sld [smem:$0x3F9F]  }
0x31: {  	[smem:$0x3FA8] =	sst s10  }
0x32: {  	s10 =	sld [smem:$0x3FA6];
	_ =	sdelay $0x3  }
0x33: {  	p0 =	seq.s32 s10, $0x1;
	s10 =	sld [smem:$0x3FA8];
	_ =	sdelay $0x3  }
0x34: {  	[smem:$0x3FA8] =	sst s10  }
0x35: {  	s10 =	sld [smem:$0x3FA7];
	_ =	sdelay $0x3  }
0x36: {  	p1 =	seq.s32 s10, $0x1;
	s10 =	sld [smem:$0x3FA8];
	_ =	sdelay $0x3  }
0x37: {  	[smem:$0x3FA8] =	sst s10  }
0x38: {  	s10 =	sld [smem:$0x3FA9]  }
0x39: {  	_ = 	snop;
	(pc) =	sbr.ind lr, $3  }
0x3a: {  	_ = 	snop  }
0x3b: {  	_ = 	snop  }
0x3c: {  	p2 =	seq.s32 s10, $0x1;
	s10 =	sld [smem:$0x3FA8]  }
0x3d: {  	_ =	shalt  }
0x3e: {  	_ =	shalt  }
0x3f: {  	_ =	shalt  }
0x40: {  	_ =	shalt  }
0x41: {  	_ =	shalt  }
0x42: {  	_ =	shalt  }
0x43: {  	_ =	shalt  }
0x44: {  	_ =	shalt  }
0x45: {  	_ =	shalt  }
0x46: {  	_ =	shalt  }
0x47: {  	_ =	shalt  }
0x48: {  	_ =	shalt  }
0x49: {  	_ =	shalt  }
0x4a: {  	_ =	shalt  }
0x4b: {  	_ =	shalt  }
0x4c: {  	_ =	shalt  }
0x4d: {  	_ =	shalt  }
0x4e: {  	_ =	shalt  }
0x4f: {  	_ =	shalt  }
0x50: {  	_ =	shalt  }
0x51: {  	_ =	shalt  }
0x52: {  	_ =	shalt  }
0x53: {  	_ =	shalt  }
0x54: {  	_ =	shalt  }
0x55: {  	_ =	shalt  }
0x56: {  	_ =	shalt  }
0x57: {  	_ =	shalt  }
0x58: {  	_ =	shalt  }
0x59: {  	_ =	shalt  }
0x5a: {  	_ =	shalt  }
0x5b: {  	_ =	shalt  }
0x5c: {  	_ =	shalt  }
0x5d: {  	_ =	shalt  }
0x5e: {  	_ =	shalt  }
0x5f: {  	_ =	shalt  }
0x60: {  	_ =	shalt  }
0x61: {  	_ =	shalt  }
0x62: {  	_ =	shalt  }
0x63: {  	_ =	shalt  }
0x64: {  	_ =	shalt  }
0x65: {  	_ =	shalt  }
0x66: {  	_ =	shalt  }
0x67: {  	_ =	shalt  }
0x68: {  	_ =	shalt  }
0x69: {  	_ =	shalt  }
0x6a: {  	_ =	shalt  }
0x6b: {  	_ =	shalt  }
0x6c: {  	_ =	shalt  }
0x6d: {  	_ =	shalt  }
0x6e: {  	_ =	shalt  }
0x6f: {  	_ =	shalt  }
0x70: {  	_ =	shalt  }
0x71: {  	_ =	shalt  }
0x72: {  	_ =	shalt  }
0x73: {  	_ =	shalt  }
0x74: {  	_ =	shalt  }
0x75: {  	_ =	shalt  }
0x76: {  	_ =	shalt  }
0x77: {  	_ =	shalt  }
0x78: {  	_ =	shalt  }
0x79: {  	_ =	shalt  }
0x7a: {  	_ =	shalt  }
0x7b: {  	_ =	shalt  }
0x7c: {  	_ =	shalt  }
0x7d: {  	_ =	shalt  }
0x7e: {  	_ =	shalt  }
0x7f: {  	_ =	shalt  }
0x80: {  	_ =	shalt  }
0x81: {  	_ =	shalt  }
0x82: {  	_ =	shalt  }
0x83: {  	_ =	shalt  }
0x84: {  	_ =	shalt  }
0x85: {  	_ =	shalt  }
0x86: {  	_ =	shalt  }
0x87: {  	_ =	shalt  }
.Lfunc_end0:
.L_simem_size_0:
called_computation.4_lowered:
.L_overlay_start_0:
0x88: {  	s2 =	sld [smem:$0x3FD9]  }
0x89: {  	s3 =	sld [smem:$0x3FFE];
	_ =	sdelay $0x1  }
0x8a: {  	s1 =	srdreg.scid  }
0x8b: {  	s0 =	sand.u32 $0x1, s1  }
0x8c: {  	s16 =	sshll.u32 s0, $0xA;
	s2 =	sadd.s32 s3, s2  }
0x8d: {  	s2 =	sadd.s32 s2, s16  }
0x8e: {  	[smem:$0x3FB4] =	sst s2  }
0x8f: {  	_ = 	snop  }
0x90: {  	(tm) =	ssettm $0x1  }
0x91: {  	s17 =	sld [smem:$0x3FFB];
	_ =	sdelay $0x3  }
0x92: {  	_ =	strace s17  }
0x93: {  	s2 =	sld [smem:$0x3FFC];
	_ =	sdelay $0x3  }
0x94: {  	_ =	strace s2  }
0x95: {  	s2 =	sld [smem:$0x3FFD];
	_ =	sdelay $0x3  }
0x96: {  	_ =	strace s2  }
0x97: {  	_ =	strace $0x8FFFFFFF  }
0x98: {  	s18 =	sld [smem:$0x3FDB];
	_ =	sdelay $0x1  }
0x99: {  	s19 =	simm.s32 $_scs_section_size  }
0x9a: {  	s4 =	simm.s32 $_size__tile_overlayer_lowered;
	s5 =	simm.s32 $_tile_overlayer_lowered  }
0x9b: {  	s22 =	simm.s32 $0x1BFF;
	s21 =	sshll.u32 s5, $0x1;
	s2 =	sadd.s32 s19, s18  }
0x9c: {  	s6 =	simm.s32 $0x0;
	s20 =	sshll.u32 s4, $0x1;
	s4 =	sadd.s32 s21, s2  }
0x9d: {  	[timem:s6], [sflag:s22] =	dma.local [hbm:s4], s20  }
0x9e: {  	_ =	swait.ge [sflag:s22], s20  }
0x9f: {  	s3 =	ssub.s32 $0x0, s20;
	[sflag:s22] =	ssyncset.done $0x0  }
0xa0: {  	[sflag:s22] =	ssyncadd.s32 s3;
	_ =	sdelay $0x1  }
0xa1: {  	s23 =	simm.s32 $0x1B8B  }
0xa2: {  	_ =	swait.ge [sflag:s23], $0x1  }
0xa3: {  	[sflag:s23] =	ssyncset.done $0x0  }
0xa4: {  	s25 =	simm.s32 $0x1B8E;
	s24 =	sld [smem:$0x3FFE];
	[sflag:s23] =	ssyncadd.s32 $0xFFFFFFFF  }
0xa5: {  	s26 =	simm.s32 $execute0_lowered;
	[smem:$0x3FD2] =	sst s25  }
0xa6: {  	s4 =	sshll.u32 s26, $0x1;
	_ =	strace $0x80000052;
	[dreg:$0x1] =	wrdreg $0xFFFFFFFF  }
0xa7: {  	s28 =	simm.s32 $_size_execute0_lowered;
	s2 =	sadd.s32 s2, s4;
	[dreg:$0x0] =	wrdreg $0x0  }
0xa8: {  	s4 =	sshll.u32 s28, $0x1;
	[dreg:$0x2] =	wrdreg s2  }
0xa9: {  	[dreg:$0x3] =	wrdreg s4  }
0xaa: {  	[dreg:$0x4] =	wrdreg $0xC0  }
0xab: {  	_ =	task [dreg:s6], $0x5FFFF  }
0xac: {  	[dreg:$0x1] =	wrdreg $0xFFFFFFFF  }
0xad: {  	[dreg:$0x0] =	wrdreg $0x60  }
0xae: {  	[dreg:$0x2] =	wrdreg s24  }
0xaf: {  	[dreg:$0x3] =	wrdreg $0x0  }
0xb0: {  	[dreg:$0x4] =	wrdreg $0x9  }
0xb1: {  	_ =	task.clear_ibuf [dreg:s6], $0x5FFFF;
	_ =	strace $0x90000052  }
0xb2: {  	s29 =	simm.s32 $0x9;
	_ =	strace $0x80000054  }
0xb3: {  	_ =	swait.ge [sflag:s29], $0x1  }
0xb4: {  	[sflag:s29] =	ssyncadd.s32 $0xFFFFFFFF  }
0xb5: {  	_ =	strace $0x90000054  }
0xb6: {  	_ =	sfence  }
0xb7: {  	s30 =	sld [smem:$0x0];
	_ =	sdelay $0x2  }
0xb8: {  	s31 =	sshll.u32 s1, $0xD;
	s1 =	sshrl.u32 s1, $0x2  }
0xb9: {  	s3 =	sand.u32 $0x4000, s31;
	s1 =	sadd.s32 s1, s30  }
0xba: {  	s0 =	sor.u32 s3, s0;
	s1 =	sshll.u32 s1, $0x11  }
0xbb: {  	s0 =	sor.u32 s1, s0  }
0xbc: {  	s0 =	sadd.s32 $0x8F2B, s0  }
0xbd: {  	[sflag:s0] =	ssyncadd.remote.s32 $0x1  }
0xbe: {  	_ =	sfence.sel $0xFFFF  }
0xbf: {  	[dreg:$0x0] =	wrdreg $0xFFFFFFFF;
	(pc) =	sbr.abs _section_cstart, $3  }
0xc0: {  	[dreg:$0x1] =	wrdreg $0xFFFFFFFF  }
0xc1: {  	_ =	task.clear_ibuf [dreg:s6], $0x2FFFF;
	_ =	strace $0x9FFFFFFF  }
0xc2: {  	(tm) =	ssettm $0x7FFFFFFF  }
0xc3: {  	_ =	shalt  }
tec
execute0_lowered:
.L_overlay_start_1:
0x0: {  	(tag) =	ssettag $0x1  }
0x1: {  	s5 =	rddreg [dreg:$0x0]  }
0x2: {  	s2 =	rddreg [dreg:$0x1]  }
0x3: {  	s0 =	rddreg [dreg:$0x2];
	s3 =	simm.s32 $0x0;
	s1 =	stileid.u32  }
0x4: {  	s4 =	srdreg.scid;
	s16 =	simm.s32 $0x1;
	s17 =	simm.s32 $0x15000  }
0x5: {  	s18 =	simm.s32 $0x2;
	s19 =	simm.s32 $0x80;
	s20 =	simm.s32 $0x16400  }
0x6: {  	s21 =	simm.s32 $0x13C80;
	s22 =	simm.s32 $0x1A400;
	[smem:$0x7FF] =	sst s3  }
0x7: {  	s6 =	smul.u32 $0x13C00, s1;
	s7 =	sand.u32 $0x1, s4;
	s4 =	sadd.s32 $0x18400, s5  }
0x8: {  	s9 =	sadd.s32 $0xE400, s5;
	s11 =	sadd.s32 $0x4400, s5;
	s12 =	smul.u32 $0x4F000, s1  }
0x9: {  	s30 =	sshll.u32 s1, $0x6;
	_ =	strace $0x80000053;
	s8 =	smul.u32 $0x13C000, s7  }
0xa: {  	s23 =	sshll.u32 s7, $0x4;
	s24 =	ssub.s32 $0x2, s7;
	s10 =	sshrl.u32 s6, $0x3  }
0xb: {  	s25 =	sor.u32 s1, s23;
	s7 =	sshrl.u32 s24, $0x1;
	s26 =	sshrl.u32 s12, $0x2  }
0xc: {  	s23 =	simm.s32 $0x16300;
	s10 =	sadd.s32 s10, s5;
	s6 =	sadd.s32 s6, s8  }
0xd: {  	s28 =	smul.u32 $0x2800, s25;
	s14 =	ssub.s32 s24, s7;
	s15 =	sadd.s32 s26, s2  }
0xe: {  	s29 =	smul.u32 $0x500, s25;
	s24 =	simm.s32 $0x16380;
	s25 =	simm.s32 $0x0  }
0xf: {  	s6 =	sshrl.u32 s6, $0x3;
	s12 =	smax.u32 s14, $0x1;
	s14 =	simm.s32 $0x3  }
0x10: {  	s13 =	sadd.s32 s6, s5;
	s5 =	sadd.s32 $0x3F600, s10;
	s31 =	sshrl.u32 s28, $0x3  }
0x11: {  	s6 =	sor.u32 $0x1C03, s30;
	s7 =	sadd.s32 s9, s29;
	s10 =	sadd.s32 $0x280, s31  }
0x12: {  	s8 =	sadd.s32 s11, s29;
	s9 =	sadd.s32 s9, s10;
	s10 =	sadd.s32 s11, s10  }
0x13: {  	s11 =	sadd.s32 $0x109000, s13;
	s13 =	sshrl.u32 s15, $0x3;
	s15 =	simm.s32 $0x13C00  }
.LBB2_1:
0x14: {  	[spmem:s13], [sflag:s6] =	dma.local [hbm:s5], $0x2780  }
0x15: {  	_ =	swait.ge [sflag:s14], $0x2780  }
0x16: {  	[sflag:s14] =	ssyncset.done $0x0  }
0x17: {  	[sflag:s14] =	ssyncadd.s32 $0xFFFFD880  }
0x18: {  	[bflag:$0x0] =	sbarrier.arrive $0xFFFF  }
0x19: {  	[tilespmem:s15], [sflag:$0x1] =	stream.linear.gather [hbm4b:s7+s3], $0x1400, $0x38;
	[tilespmem:$0x1E400] =	vst v63  }
0x1a: {  	_ =	swait.ge [sflag:s16], $0x1400  }
0x1b: {  	[sflag:s16] =	ssyncset.done $0x0  }
0x1c: {  	[sflag:s16] =	ssyncadd.s32 $0xFFFFEC00  }
0x1d: {  	[tilespmem:s17], [sflag:$0x2] =	stream.linear.gather [hbm4b:s8+s3], $0x1400, $0x38;
	[tilespmem:$0x1E400] =	vst v63  }
0x1e: {  	_ =	swait.ge [sflag:s18], $0x1400  }
0x1f: {  	[sflag:s18] =	ssyncset.done $0x0  }
0x20: {  	[sflag:s18] =	ssyncadd.s32 $0xFFFFEC00  }
0x21: {  	[tilespmem:s20], [sflag:$0x1] =	stream.indirect.gather [hbm4b:s4+s19], $0x80, s15, s19, $0xb8;
	[tilespmem:$0x1E400] =	vst v63  }
0x22: {  	_ = 	snop  }
0x23: {  	[tilespmem:s22], [sflag:$0x2] =	stream.indirect.gather [hbm4b:s4+s19], $0x80, s21, s19, $0xb8;
	[tilespmem:$0x1E400] =	vst v63  }
0x24: {  	_ =	swait.ge [sflag:s16], $0x4000  }
0x25: {  	[sflag:s16] =	ssyncset.done $0x0  }
0x26: {  	s26 =	simm.s32 $0x15000;
	[sflag:s16] =	ssyncadd.s32 $0xFFFFC000  }
0x27: {  	[spmem:s2] =	stream.indirect.scatter.add.f32 [tilespmem:s20], [sflag:$0x3], $0x80, s26, s19, $0xb8;
	[tilespmem:$0x1E400] =	vst v63  }
0x28: {  	_ =	swait.ge [sflag:s14], $0x4000  }
0x29: {  	[sflag:s14] =	ssyncset.done $0x0  }
0x2a: {  	s30 =	simm.s32 $0x13D00;
	[sflag:s14] =	ssyncadd.s32 $0xFFFFC000  }
0x2b: {  	[tilespmem:s20], [sflag:$0x1] =	stream.indirect.gather [hbm4b:s4+s19], $0x80, s30, s19, $0xb8;
	[tilespmem:$0x1E400] =	vst v63  }
0x2c: {  	_ =	swait.ge [sflag:s18], $0x4000  }
0x2d: {  	[sflag:s18] =	ssyncset.done $0x0  }
0x2e: {  	s31 =	simm.s32 $0x15080;
	[sflag:s18] =	ssyncadd.s32 $0xFFFFC000  }
0x2f: {  	[spmem:s2] =	stream.indirect.scatter.add.f32 [tilespmem:s22], [sflag:$0x3], $0x80, s31, s19, $0xb8;
	[tilespmem:$0x1E400] =	vst v63  }
0x30: {  	_ =	swait.ge [sflag:s14], $0x4000  }
0x31: {  	[sflag:s14] =	ssyncset.done $0x0  }
0x32: {  	s28 =	simm.s32 $0x13D80;
	s26 =	simm.s32 $0x400;
	[sflag:s14] =	ssyncadd.s32 $0xFFFFC000  }
.LBB2_2:
0x33: {  	[tilespmem:s22], [sflag:$0x2] =	stream.indirect.gather [hbm4b:s4+s19], $0x80, s28, s19, $0xb8;
	[tilespmem:$0x1E400] =	vst v63  }
0x34: {  	s28 =	smov.u32 s26  }
0x35: {  	p0 =	sne.s32 s26, $0x4800;
	s26 =	sadd.s32 $0x400, s26;
	_ =	swait.ge [sflag:s16], $0x4000  }
0x36: {  	s28 =	sshra.s32 s28, $0x2;
	[sflag:s16] =	ssyncset.done $0x0  }
0x37: {  	s29 =	sadd.s32 $0x15000, s28;
	[sflag:s16] =	ssyncadd.s32 $0xFFFFC000  }
0x38: {  	[spmem:s2] =	stream.indirect.scatter.add.f32 [tilespmem:s20], [sflag:$0x3], $0x80, s29, s19, $0xb8;
	[tilespmem:$0x1E400] =	vst v63  }
0x39: {  	_ =	swait.ge [sflag:s14], $0x4000  }
0x3a: {  	[sflag:s14] =	ssyncset.done $0x0  }
0x3b: {  	s29 =	sadd.s32 $0x13D00, s28;
	[sflag:s14] =	ssyncadd.s32 $0xFFFFC000  }
0x3c: {  	[tilespmem:s20], [sflag:$0x1] =	stream.indirect.gather [hbm4b:s4+s19], $0x80, s29, s19, $0xb8;
	[tilespmem:$0x1E400] =	vst v63  }
0x3d: {  	_ =	swait.ge [sflag:s18], $0x4000  }
0x3e: {  	[sflag:s18] =	ssyncset.done $0x0  }
.Ltmp0:
0x3f: {  	s29 =	sadd.s32 $0x15080, s28;
	[sflag:s18] =	ssyncadd.s32 $0xFFFFC000;
	(pc) =	sbr.rel @p0 .LBB2_2-.Ltmp0, $4  }
0x40: {  	[spmem:s2] =	stream.indirect.scatter.add.f32 [tilespmem:s22], [sflag:$0x3], $0x80, s29, s19, $0xb8;
	[tilespmem:$0x1E400] =	vst v63  }
0x41: {  	_ =	swait.ge [sflag:s14], $0x4000  }
0x42: {  	[sflag:s14] =	ssyncset.done $0x0  }
0x43: {  	s28 =	sadd.s32 $0x13D80, s28;
	[sflag:s14] =	ssyncadd.s32 $0xFFFFC000  }
0x44: {  	[tilespmem:s22], [sflag:$0x2] =	stream.indirect.gather [hbm4b:s4+s19], $0x80, s28, s19, $0xb8;
	[tilespmem:$0x1E400] =	vst v63  }
0x45: {  	_ =	swait.ge [sflag:s16], $0x4000  }
0x46: {  	[sflag:s16] =	ssyncset.done $0x0  }
0x47: {  	[sflag:s16] =	ssyncadd.s32 $0xFFFFC000  }
0x48: {  	[spmem:s2] =	stream.indirect.scatter.add.f32 [tilespmem:s20], [sflag:$0x3], $0x80, s23, s19, $0xb8;
	[tilespmem:$0x1E400] =	vst v63  }
0x49: {  	_ =	swait.ge [sflag:s14], $0x4000  }
0x4a: {  	[sflag:s14] =	ssyncset.done $0x0  }
0x4b: {  	[sflag:s14] =	ssyncadd.s32 $0xFFFFC000  }
0x4c: {  	_ =	swait.ge [sflag:s18], $0x4000  }
0x4d: {  	[sflag:s18] =	ssyncset.done $0x0  }
0x4e: {  	[sflag:s18] =	ssyncadd.s32 $0xFFFFC000  }
0x4f: {  	[spmem:s2] =	stream.indirect.scatter.add.f32 [tilespmem:s22], [sflag:$0x3], $0x80, s24, s19, $0xb8;
	[tilespmem:$0x1E400] =	vst v63  }
0x50: {  	_ =	swait.ge [sflag:s14], $0x4000  }
0x51: {  	[sflag:s14] =	ssyncset.done $0x0  }
0x52: {  	s26 =	simm.s32 $0x0;
	[sflag:s14] =	ssyncadd.s32 $0xFFFFC000  }
0x53: {  	[tilespmem:s15], [sflag:$0x1] =	stream.linear.gather [hbm4b:s9+s26], $0x1400, $0x38;
	[tilespmem:$0x1E400] =	vst v63  }
0x54: {  	_ =	swait.ge [sflag:s16], $0x1400  }
0x55: {  	[sflag:s16] =	ssyncset.done $0x0  }
0x56: {  	[sflag:s16] =	ssyncadd.s32 $0xFFFFEC00  }
0x57: {  	[tilespmem:s17], [sflag:$0x2] =	stream.linear.gather [hbm4b:s10+s26], $0x1400, $0x38;
	[tilespmem:$0x1E400] =	vst v63  }
0x58: {  	_ =	swait.ge [sflag:s18], $0x1400  }
0x59: {  	[sflag:s18] =	ssyncset.done $0x0  }
0x5a: {  	[sflag:s18] =	ssyncadd.s32 $0xFFFFEC00  }
0x5b: {  	[tilespmem:s20], [sflag:$0x1] =	stream.indirect.gather [hbm4b:s4+s19], $0x80, s15, s19, $0xb8;
	[tilespmem:$0x1E400] =	vst v63  }
0x5c: {  	_ = 	snop  }
0x5d: {  	[tilespmem:s22], [sflag:$0x2] =	stream.indirect.gather [hbm4b:s4+s19], $0x80, s21, s19, $0xb8;
	[tilespmem:$0x1E400] =	vst v63  }
0x5e: {  	_ =	swait.ge [sflag:s16], $0x4000  }
0x5f: {  	[sflag:s16] =	ssyncset.done $0x0  }
0x60: {  	s29 =	simm.s32 $0x15000;
	[sflag:s16] =	ssyncadd.s32 $0xFFFFC000  }
0x61: {  	[spmem:s2] =	stream.indirect.scatter.add.f32 [tilespmem:s20], [sflag:$0x3], $0x80, s29, s19, $0xb8;
	[tilespmem:$0x1E400] =	vst v63  }
0x62: {  	_ =	swait.ge [sflag:s14], $0x4000  }
0x63: {  	[sflag:s14] =	ssyncset.done $0x0  }
0x64: {  	s30 =	simm.s32 $0x13D00;
	[sflag:s14] =	ssyncadd.s32 $0xFFFFC000  }
0x65: {  	[tilespmem:s20], [sflag:$0x1] =	stream.indirect.gather [hbm4b:s4+s19], $0x80, s30, s19, $0xb8;
	[tilespmem:$0x1E400] =	vst v63  }
0x66: {  	_ =	swait.ge [sflag:s18], $0x4000  }
0x67: {  	[sflag:s18] =	ssyncset.done $0x0  }
0x68: {  	s31 =	simm.s32 $0x15080;
	[sflag:s18] =	ssyncadd.s32 $0xFFFFC000  }
0x69: {  	[spmem:s2] =	stream.indirect.scatter.add.f32 [tilespmem:s22], [sflag:$0x3], $0x80, s31, s19, $0xb8;
	[tilespmem:$0x1E400] =	vst v63  }
0x6a: {  	_ =	swait.ge [sflag:s14], $0x4000  }
0x6b: {  	[sflag:s14] =	ssyncset.done $0x0  }
0x6c: {  	s28 =	simm.s32 $0x13D80;
	s26 =	simm.s32 $0x400;
	[sflag:s14] =	ssyncadd.s32 $0xFFFFC000  }
.LBB2_4:
0x6d: {  	[tilespmem:s22], [sflag:$0x2] =	stream.indirect.gather [hbm4b:s4+s19], $0x80, s28, s19, $0xb8;
	[tilespmem:$0x1E400] =	vst v63  }
0x6e: {  	s28 =	smov.u32 s26  }
0x6f: {  	p0 =	sne.s32 s26, $0x4800;
	s26 =	sadd.s32 $0x400, s26;
	_ =	swait.ge [sflag:s16], $0x4000  }
0x70: {  	s28 =	sshra.s32 s28, $0x2;
	[sflag:s16] =	ssyncset.done $0x0  }
0x71: {  	s29 =	sadd.s32 $0x15000, s28;
	[sflag:s16] =	ssyncadd.s32 $0xFFFFC000  }
0x72: {  	[spmem:s2] =	stream.indirect.scatter.add.f32 [tilespmem:s20], [sflag:$0x3], $0x80, s29, s19, $0xb8;
	[tilespmem:$0x1E400] =	vst v63  }
0x73: {  	_ =	swait.ge [sflag:s14], $0x4000  }
0x74: {  	[sflag:s14] =	ssyncset.done $0x0  }
0x75: {  	s29 =	sadd.s32 $0x13D00, s28;
	[sflag:s14] =	ssyncadd.s32 $0xFFFFC000  }
0x76: {  	[tilespmem:s20], [sflag:$0x1] =	stream.indirect.gather [hbm4b:s4+s19], $0x80, s29, s19, $0xb8;
	[tilespmem:$0x1E400] =	vst v63  }
0x77: {  	_ =	swait.ge [sflag:s18], $0x4000  }
0x78: {  	[sflag:s18] =	ssyncset.done $0x0  }
.Ltmp1:
0x79: {  	s29 =	sadd.s32 $0x15080, s28;
	[sflag:s18] =	ssyncadd.s32 $0xFFFFC000;
	(pc) =	sbr.rel @p0 .LBB2_4-.Ltmp1, $4  }
0x7a: {  	[spmem:s2] =	stream.indirect.scatter.add.f32 [tilespmem:s22], [sflag:$0x3], $0x80, s29, s19, $0xb8;
	[tilespmem:$0x1E400] =	vst v63  }
0x7b: {  	_ =	swait.ge [sflag:s14], $0x4000  }
0x7c: {  	[sflag:s14] =	ssyncset.done $0x0  }
0x7d: {  	s28 =	sadd.s32 $0x13D80, s28;
	[sflag:s14] =	ssyncadd.s32 $0xFFFFC000  }
0x7e: {  	[tilespmem:s22], [sflag:$0x2] =	stream.indirect.gather [hbm4b:s4+s19], $0x80, s28, s19, $0xb8;
	[tilespmem:$0x1E400] =	vst v63  }
0x7f: {  	_ =	swait.ge [sflag:s16], $0x4000  }
0x80: {  	[sflag:s16] =	ssyncset.done $0x0  }
0x81: {  	[sflag:s16] =	ssyncadd.s32 $0xFFFFC000  }
0x82: {  	[spmem:s2] =	stream.indirect.scatter.add.f32 [tilespmem:s20], [sflag:$0x3], $0x80, s23, s19, $0xb8;
	[tilespmem:$0x1E400] =	vst v63  }
0x83: {  	_ =	swait.ge [sflag:s14], $0x4000  }
0x84: {  	[sflag:s14] =	ssyncset.done $0x0  }
0x85: {  	[sflag:s14] =	ssyncadd.s32 $0xFFFFC000  }
0x86: {  	_ =	swait.ge [sflag:s18], $0x4000  }
0x87: {  	[sflag:s18] =	ssyncset.done $0x0  }
0x88: {  	[sflag:s18] =	ssyncadd.s32 $0xFFFFC000  }
0x89: {  	[spmem:s2] =	stream.indirect.scatter.add.f32 [tilespmem:s22], [sflag:$0x3], $0x80, s24, s19, $0xb8;
	[tilespmem:$0x1E400] =	vst v63  }
0x8a: {  	_ =	swait.ge [sflag:s14], $0x4000  }
0x8b: {  	s25 =	sadd.s32 $0x1, s25;
	[sflag:s14] =	ssyncset.done $0x0  }
0x8c: {  	p0 =	sne.s32 s25, s12;
	[sflag:s14] =	ssyncadd.s32 $0xFFFFC000  }
.Ltmp2:
0x8d: {  	[bflag:$0x0] =	sbarrier.arrive $0xFFFF;
	(pc) =	sbr.rel @p0 .LBB2_1-.Ltmp2, $4  }
0x8e: {  	[hbm:s11], [sflag:s6] =	dma.local [spmem:s13], $0x2780  }
0x8f: {  	_ =	swait.ge [sflag:s14], $0x2780  }
0x90: {  	[sflag:s14] =	ssyncset.done $0x0  }
0x91: {  	[sflag:s14] =	ssyncadd.s32 $0xFFFFD880  }
0x92: {  	_ =	sfence.sel $0x180000  }
0x93: {  	[bflag:$0x0] =	sbarrier.arrive $0xFFFF  }
0x94: {  	p0 =	sne.s32 s1, $0x0;
	_ =	strace $0x90000053  }
0x95: {  	s0 =	sadd.s32 @!p0 $0x100000, s0;
	[bflag:$0x2] =	sbarrier.arrive $0xFFFF  }
0x96: {  	[sflag:s0] =	ssyncadd.tile.s32 @!p0 $0x1;
	_ =	shalt  }
.Lfunc_end2:
_tile_overlayer_lowered:
.L_overlay_start_2:
0x97: {  	(tag) =	ssettag $0x2  }
0x98: {  	s0 =	rddreg [dreg:$0x0];
	s2 =	stileid.u32  }
0x99: {  	s1 =	rddreg [dreg:$0x1];
	p0 =	sne.s32 s2, $0x0  }
0x9a: {  	s3 =	rddreg [dreg:$0x2];
	[bflag:$0x3] =	sbarrier.arrive $0xFFFF;
	s2 =	simm.s32 @!p0 $0x1C03  }
0x9b: {  	[timem:s3], [sflag:s2] =	dma.local @!p0 [hbm:s0], s1  }
0x9c: {  	s0 =	simm.s32 @!p0 $0x3  }
0x9d: {  	_ =	swait.ge @!p0 [sflag:s0], s1  }
0x9e: {  	s1 =	ssub.s32 @!p0 $0x0, s1;
	[sflag:s0] =	ssyncset.done @!p0 $0x0  }
0x9f: {  	[sflag:s0] =	ssyncadd.s32 @!p0 s1  }
0xa0: {  	[bflag:$0x3] =	sbarrier.arrive $0xFFFF  }
0xa1: {  	_ =	shalt  }

</sc_bundles>
